<compile_context>
chip_gen: v7x
topology: tpu7x:2x2x1
jax: 0.10.2.dev20260603
libtpu: 0.0.44.dev20260713+nightly
codegen_flags: <defaults>
</compile_context>

<pallas_src>
import functools

import jax
import jax.numpy as jnp
from jax import lax
from jax.experimental import pallas as pl
from jax.experimental.pallas import tpu as pltpu
from jax.experimental.pallas import tpu_sc as plsc

VOCAB = 1000000
HIDDEN = 64
B, T = 1024, 200
N = B * T
NW = 32
RPW = N // NW
CH = 400
NCH = RPW // CH
GPC = CH // 16
C4 = HIDDEN // 16


def _sc_embed(tokens2, segments2, token_table, pos_flat, seg_flat):
    mesh = plsc.VectorSubcoreMesh(core_axis_name="c", subcore_axis_name="s")

    @functools.partial(
        pl.kernel,
        mesh=mesh,
        out_type=jax.ShapeDtypeStruct((N, HIDDEN), jnp.float32),
        compiler_params=pltpu.CompilerParams(use_tc_tiling_on_sc=False),
        scratch_types=[
            pltpu.VMEM((RPW,), jnp.int32),
            pltpu.VMEM((RPW,), jnp.int32),
            pltpu.VMEM((CH * HIDDEN,), jnp.float32),
            pltpu.VMEM((2 * HIDDEN,), jnp.float32),
            pltpu.VMEM((HIDDEN,), jnp.float32),
            pltpu.VMEM((2, CH, HIDDEN), jnp.float32),
            pltpu.SemaphoreType.DMA,
            pltpu.SemaphoreType.DMA,
            pltpu.SemaphoreType.DMA,
        ],
    )
    def k(tok_hbm, seg_hbm, tt_hbm, pt_hbm, st_hbm, out_hbm,
          tokq, segq, ps0, seg_tab, dseg, tok_v, gsem0, gsem1, osem):
        w = lax.axis_index("s") * 2 + lax.axis_index("c")
        base = w * RPW
        gsems = (gsem0, gsem1)

        pltpu.sync_copy(tok_hbm.at[w], tokq)
        def fire_gathers(ch, b):
            sem = gsems[b]

            def fg(g, carry):
                idxv = tokq[pl.ds(ch * CH + g * 16, 16)]
                pltpu.async_copy(tt_hbm.at[idxv],
                                 tok_v.at[b, pl.ds(g * 16, 16)], sem)
                return carry

            lax.fori_loop(0, GPC, fg, 0)

        def wait_gathers(ch, b):
            pltpu.make_async_copy(
                tt_hbm.at[pl.ds(0, CH)], tok_v.at[b], gsems[b]).wait()

        def out_descr(ch, b):
            return pltpu.make_async_copy(
                tok_v.at[b], out_hbm.at[pl.ds(base + ch * CH, CH)], osem)

        fire_gathers(0, 0)
        pltpu.sync_copy(seg_hbm.at[w], segq)
        pltpu.sync_copy(pt_hbm.at[pl.ds(0, T * HIDDEN)], ps0.at[pl.ds(0, T * HIDDEN)])
        pltpu.sync_copy(pt_hbm.at[pl.ds(0, T * HIDDEN)],
                        ps0.at[pl.ds(T * HIDDEN, T * HIDDEN)])
        pltpu.sync_copy(st_hbm, seg_tab)

        for c in range(C4):
            s0 = seg_tab[pl.ds(c * 16, 16)]
            dseg[pl.ds(c * 16, 16)] = seg_tab[pl.ds(HIDDEN + c * 16, 16)] - s0

        def ps0_body(r, carry):
            for c in range(C4):
                sl = pl.ds(r * HIDDEN + c * 16, 16)
                ps0[sl] = ps0[sl] + seg_tab[pl.ds(c * 16, 16)]
            return carry

        lax.fori_loop(0, CH, ps0_body, 0)

        dnums = lax.GatherDimensionNumbers(
            offset_dims=(), collapsed_slice_dims=(0,), start_index_map=(0,))
        dsegv = [dseg[pl.ds(c * 16, 16)] for c in range(C4)]

        def step(ch, b):
            @pl.when(ch >= 1)
            def _():
                out_descr(ch - 1, 1 - b).wait()

            @pl.when(ch + 1 < NCH)
            def _():
                fire_gathers(ch + 1, 1 - b)

            wait_gathers(ch, b)

            def group_body(g, gc):
                segf = segq[pl.ds(ch * CH + g * 16, 16)].astype(jnp.float32)
                for j in range(16):
                    sf = lax.gather(
                        segf, jnp.full((16, 1), j, jnp.int32), dnums,
                        slice_sizes=(1,),
                        mode=lax.GatherScatterMode.PROMISE_IN_BOUNDS)
                    r = g * 16 + j
                    for c in range(C4):
                        sl = pl.ds(c * 16, 16)
                        psl = pl.ds(r * HIDDEN + c * 16, 16)
                        tok_v[b, r, sl] = (tok_v[b, r, sl] + ps0[psl]
                                           + sf * dsegv[c])
                return gc

            lax.fori_loop(0, GPC, group_body, 0)

            pltpu.async_copy(tok_v.at[b],
                             out_hbm.at[pl.ds(base + ch * CH, CH)], osem)

        def pair_body(i, carry):
            step(2 * i, 0)
            step(2 * i + 1, 1)
            return carry

        lax.fori_loop(0, NCH // 2, pair_body, 0)
        out_descr(NCH - 1, (NCH - 1) % 2).wait()

    return k(tokens2, segments2, token_table, pos_flat, seg_flat)


def kernel(tokens, segments, token_table, pos_table, seg_table):
    tokens2 = tokens.astype(jnp.int32).reshape(NW, RPW)
    segments2 = segments.astype(jnp.int32).reshape(NW, RPW)
    out = _sc_embed(tokens2, segments2, token_table,
                    pos_table.reshape(-1), seg_table.reshape(-1))
    return out.reshape(B, T, HIDDEN)

# --- scband reference (transcript-rebuilt; emitter-appended) ---
"""Pipeline reference for scband-bertembedding-56075093016745 (READ-ONLY COPY).

The authoritative reference and input builder live on the scoring server;
editing this copy changes nothing except your own understanding.
"""

import jax, jax.numpy as jnp
import numpy as np

VOCAB = 1000000
HIDDEN = 64
MAX_LEN = 512
B, T = 1024, 200


def setup_inputs(seed: int = 0) -> dict:
    key = jax.random.key(seed)
    k1, k2, k3, k4, k5 = jax.random.split(key, 5)
    tokens = jax.random.randint(k1, (B, T), 0, VOCAB, dtype=jnp.int64 if jax.config.read('jax_enable_x64') else jnp.int32)
    segments = jax.random.randint(k2, (B, T), 0, 2, dtype=jnp.int64 if jax.config.read('jax_enable_x64') else jnp.int32)
    token_table = jax.random.normal(k3, (VOCAB, HIDDEN), dtype=jnp.float32)
    pos_table = jax.random.normal(k4, (MAX_LEN, HIDDEN), dtype=jnp.float32)
    seg_table = jax.random.normal(k5, (2, HIDDEN), dtype=jnp.float32)
    return {
        'tokens': tokens,
        'segments': segments,
        'token_table': token_table,
        'pos_table': pos_table,
        'seg_table': seg_table,
    }


def reference(tokens, segments, token_table, pos_table, seg_table):
    b, t = tokens.shape
    pos = jnp.arange(t, dtype=tokens.dtype)[None, :]
    pos = jnp.broadcast_to(pos, (b, t))
    x = (jnp.take(token_table, tokens, axis=0)
         + jnp.take(pos_table, pos, axis=0)
         + jnp.take(seg_table, segments, axis=0))
    # dropout p=0.0 -> identity (eval / no-op)
    return x

if __name__ == "__main__":
    import jax
    _d = setup_inputs()
    print(jax.jit(kernel)(*tuple(_d.values())))

</pallas_src>

<mosaic_0001>
#map = affine_map<(d0, d1) -> (0, 0)>
#map1 = affine_map<(d0, d1) -> (0)>
module attributes {stable_mosaic.version = 14 : i64} {
  func.func @k(%arg0: i32, %arg1: i32, %arg2: memref<32x6400xi32, #tpu.memory_space<hbm>>, %arg3: memref<32x6400xi32, #tpu.memory_space<hbm>>, %arg4: memref<1000000x64xf32, #tpu.memory_space<hbm>>, %arg5: memref<32768xf32, #tpu.memory_space<hbm>>, %arg6: memref<128xf32, #tpu.memory_space<hbm>>, %arg7: memref<204800x64xf32, #tpu.memory_space<hbm>>, %arg8: memref<6400xi32, #tpu.memory_space<vmem>>, %arg9: memref<6400xi32, #tpu.memory_space<vmem>>, %arg10: memref<25600xf32, #tpu.memory_space<vmem>>, %arg11: memref<128xf32, #tpu.memory_space<vmem>>, %arg12: memref<64xf32, #tpu.memory_space<vmem>>, %arg13: memref<2x400x64xf32, #tpu.memory_space<vmem>>, %arg14: memref<!tpu.dma_semaphore, #tpu.memory_space<semaphore_mem>>, %arg15: memref<!tpu.dma_semaphore, #tpu.memory_space<semaphore_mem>>, %arg16: memref<!tpu.dma_semaphore, #tpu.memory_space<semaphore_mem>>) attributes {dimension_semantics = [#tpu.dimension_semantics<core_parallel>, #tpu.dimension_semantics<subcore_parallel>], iteration_bounds = array<i64: 2, 16>, scalar_prefetch = 0 : i64, scratch_operands = 9 : i64, tpu.core_type = #tpu.core_type<sc_vector_subcore>, window_params = [{transform_indices = #map}, {transform_indices = #map}, {transform_indices = #map}, {transform_indices = #map1}, {transform_indices = #map1}, {transform_indices = #map}]} {
    %mul3A = arith.constant 2 : i32
    %mul3A_0 = arith.muli %arg1, %mul3A : i32
    %add3A = arith.addi %mul3A_0, %arg0 : i32
    %mul3A_1 = arith.constant 6400 : i32
    %mul3A_2 = arith.muli %add3A, %mul3A_1 : i32
    "tpu.region"() ({
      %run_scoped3A = tpu.sem_alloc : memref<!tpu.dma_semaphore, #tpu.memory_space<semaphore_mem>>
      %dma_start3A = arith.constant 0 : i32
      %dma_start3A_87 = tpu.memref_slice %arg2[%add3A, %dma_start3A] : memref<32x6400xi32, #tpu.memory_space<hbm>> -> memref<1x6400xi32, #tpu.memory_space<hbm>>
      %dma_start3A_88 = tpu.memref_squeeze %dma_start3A_87 : memref<1x6400xi32, #tpu.memory_space<hbm>> -> memref<6400xi32, #tpu.memory_space<hbm>>
      %dma_start3A_89 = arith.constant 0 : i32
      %dma_start3A_90 = tpu.memref_slice %arg2[%add3A, %dma_start3A_89] : memref<32x6400xi32, #tpu.memory_space<hbm>> -> memref<1x6400xi32, #tpu.memory_space<hbm>>
      %dma_start3A_91 = tpu.memref_squeeze %dma_start3A_90 : memref<1x6400xi32, #tpu.memory_space<hbm>> -> memref<6400xi32, #tpu.memory_space<hbm>>
      tpu.enqueue_dma source(%dma_start3A_91 : memref<6400xi32, #tpu.memory_space<hbm>>) target(%arg8 : memref<6400xi32, #tpu.memory_space<vmem>>) target_semaphore(%run_scoped3A : memref<!tpu.dma_semaphore, #tpu.memory_space<semaphore_mem>>)
      %dma_wait3A_92 = arith.constant 0 : i32
      %dma_wait3A_93 = tpu.memref_slice %arg2[%add3A, %dma_wait3A_92] : memref<32x6400xi32, #tpu.memory_space<hbm>> -> memref<1x6400xi32, #tpu.memory_space<hbm>>
      %dma_wait3A_94 = tpu.memref_squeeze %dma_wait3A_93 : memref<1x6400xi32, #tpu.memory_space<hbm>> -> memref<6400xi32, #tpu.memory_space<hbm>>
      %dma_wait3A_95 = arith.constant 0 : i32
      %dma_wait3A_96 = tpu.memref_slice %arg2[%add3A, %dma_wait3A_95] : memref<32x6400xi32, #tpu.memory_space<hbm>> -> memref<1x6400xi32, #tpu.memory_space<hbm>>
      %dma_wait3A_97 = tpu.memref_squeeze %dma_wait3A_96 : memref<1x6400xi32, #tpu.memory_space<hbm>> -> memref<6400xi32, #tpu.memory_space<hbm>>
      tpu.wait_dma2 semaphore(%run_scoped3A : memref<!tpu.dma_semaphore, #tpu.memory_space<semaphore_mem>>) src(%dma_wait3A_97 : memref<6400xi32, #tpu.memory_space<hbm>>) dst(%arg8 : memref<6400xi32, #tpu.memory_space<vmem>>)
      tpu.yield
    }) : () -> ()
    %scan3A = arith.constant 0 : i32
    %scan3A_3 = arith.constant 0 : i32
    %scan3A_4 = arith.constant 25 : i32
    %scan3A_5 = arith.addi %scan3A_3, %scan3A_4 : i32
    %scan3A_6 = arith.constant 1 : i32
    scf.for %scan3A_87 = %scan3A_3 to %scan3A_5 step %scan3A_6  : i32 {
      %mul3A_88 = arith.constant 16 : i32
      %mul3A_89 = arith.muli %scan3A_87, %mul3A_88 : i32
      %add3A_90 = arith.constant 0 : i32
      %add3A_91 = arith.addi %add3A_90, %mul3A_89 : i32
      %get3A_92 = arith.index_cast %add3A_91 : i32 to index
      %get3A_93 = tpu.vector_load %arg8[%get3A_92] {strides = array<i32>} : memref<6400xi32, #tpu.memory_space<vmem>>, vector<16xi32>,
      %get3A_94 = vector.shape_cast %get3A_93 : vector<16xi32> to vector<16xi32>
      %mul3A_95 = arith.constant 16 : i32
      %mul3A_96 = arith.muli %scan3A_87, %mul3A_95 : i32
      %dma_start3A = arith.constant 0 : i32
      %dma_start3A_97 = arith.constant 0 : i32
      %dma_start3A_98 = tpu.memref_slice %arg13[%dma_start3A, %mul3A_96, %dma_start3A_97] : memref<2x400x64xf32, #tpu.memory_space<vmem>> -> memref<1x16x64xf32, #tpu.memory_space<vmem>>
      %dma_start3A_99 = tpu.memref_squeeze %dma_start3A_98 : memref<1x16x64xf32, #tpu.memory_space<vmem>> -> memref<16x64xf32, #tpu.memory_space<vmem>>
      %dma_start3A_100 = arith.constant 0 : i32
      %dma_start3A_101 = arith.constant 0 : i32
      %dma_start3A_102 = tpu.memref_slice %arg4[%dma_start3A_100, %dma_start3A_101] : memref<1000000x64xf32, #tpu.memory_space<hbm>> -> memref<1000000x64xf32, #tpu.memory_space<hbm>>
      tpu.enqueue_indirect_dma source(%dma_start3A_102 : memref<1000000x64xf32, #tpu.memory_space<hbm>>) target(%dma_start3A_99 : memref<16x64xf32, #tpu.memory_space<vmem>>) offsets(%get3A_94 : vector<16xi32>) semaphore(%arg14 : memref<!tpu.dma_semaphore, #tpu.memory_space<semaphore_mem>>)
    }
    %scan3A_7 = arith.constant 25 : i32
    "tpu.region"() ({
      %run_scoped3A = tpu.sem_alloc : memref<!tpu.dma_semaphore, #tpu.memory_space<semaphore_mem>>
      %dma_start3A = arith.constant 0 : i32
      %dma_start3A_87 = tpu.memref_slice %arg3[%add3A, %dma_start3A] : memref<32x6400xi32, #tpu.memory_space<hbm>> -> memref<1x6400xi32, #tpu.memory_space<hbm>>
      %dma_start3A_88 = tpu.memref_squeeze %dma_start3A_87 : memref<1x6400xi32, #tpu.memory_space<hbm>> -> memref<6400xi32, #tpu.memory_space<hbm>>
      %dma_start3A_89 = arith.constant 0 : i32
      %dma_start3A_90 = tpu.memref_slice %arg3[%add3A, %dma_start3A_89] : memref<32x6400xi32, #tpu.memory_space<hbm>> -> memref<1x6400xi32, #tpu.memory_space<hbm>>
      %dma_start3A_91 = tpu.memref_squeeze %dma_start3A_90 : memref<1x6400xi32, #tpu.memory_space<hbm>> -> memref<6400xi32, #tpu.memory_space<hbm>>
      tpu.enqueue_dma source(%dma_start3A_91 : memref<6400xi32, #tpu.memory_space<hbm>>) target(%arg9 : memref<6400xi32, #tpu.memory_space<vmem>>) target_semaphore(%run_scoped3A : memref<!tpu.dma_semaphore, #tpu.memory_space<semaphore_mem>>)
      %dma_wait3A_92 = arith.constant 0 : i32
      %dma_wait3A_93 = tpu.memref_slice %arg3[%add3A, %dma_wait3A_92] : memref<32x6400xi32, #tpu.memory_space<hbm>> -> memref<1x6400xi32, #tpu.memory_space<hbm>>
      %dma_wait3A_94 = tpu.memref_squeeze %dma_wait3A_93 : memref<1x6400xi32, #tpu.memory_space<hbm>> -> memref<6400xi32, #tpu.memory_space<hbm>>
      %dma_wait3A_95 = arith.constant 0 : i32
      %dma_wait3A_96 = tpu.memref_slice %arg3[%add3A, %dma_wait3A_95] : memref<32x6400xi32, #tpu.memory_space<hbm>> -> memref<1x6400xi32, #tpu.memory_space<hbm>>
      %dma_wait3A_97 = tpu.memref_squeeze %dma_wait3A_96 : memref<1x6400xi32, #tpu.memory_space<hbm>> -> memref<6400xi32, #tpu.memory_space<hbm>>
      tpu.wait_dma2 semaphore(%run_scoped3A : memref<!tpu.dma_semaphore, #tpu.memory_space<semaphore_mem>>) src(%dma_wait3A_97 : memref<6400xi32, #tpu.memory_space<hbm>>) dst(%arg9 : memref<6400xi32, #tpu.memory_space<vmem>>)
      tpu.yield
    }) : () -> ()
    "tpu.region"() ({
      %run_scoped3A = tpu.sem_alloc : memref<!tpu.dma_semaphore, #tpu.memory_space<semaphore_mem>>
      %dma_start3A = arith.constant 0 : i32
      %dma_start3A_87 = tpu.memref_slice %arg10[%dma_start3A] : memref<25600xf32, #tpu.memory_space<vmem>> -> memref<12800xf32, #tpu.memory_space<vmem>>
      %dma_start3A_88 = arith.constant 0 : i32
      %dma_start3A_89 = tpu.memref_slice %arg5[%dma_start3A_88] : memref<32768xf32, #tpu.memory_space<hbm>> -> memref<12800xf32, #tpu.memory_space<hbm>>
      %dma_start3A_90 = arith.constant 0 : i32
      %dma_start3A_91 = tpu.memref_slice %arg10[%dma_start3A_90] : memref<25600xf32, #tpu.memory_space<vmem>> -> memref<12800xf32, #tpu.memory_space<vmem>>
      %dma_start3A_92 = arith.constant 0 : i32
      %dma_start3A_93 = tpu.memref_slice %arg5[%dma_start3A_92] : memref<32768xf32, #tpu.memory_space<hbm>> -> memref<12800xf32, #tpu.memory_space<hbm>>
      tpu.enqueue_dma source(%dma_start3A_93 : memref<12800xf32, #tpu.memory_space<hbm>>) target(%dma_start3A_91 : memref<12800xf32, #tpu.memory_space<vmem>>) target_semaphore(%run_scoped3A : memref<!tpu.dma_semaphore, #tpu.memory_space<semaphore_mem>>)
      %dma_wait3A_94 = arith.constant 0 : i32
      %dma_wait3A_95 = tpu.memref_slice %arg10[%dma_wait3A_94] : memref<25600xf32, #tpu.memory_space<vmem>> -> memref<12800xf32, #tpu.memory_space<vmem>>
      %dma_wait3A_96 = arith.constant 0 : i32
      %dma_wait3A_97 = tpu.memref_slice %arg5[%dma_wait3A_96] : memref<32768xf32, #tpu.memory_space<hbm>> -> memref<12800xf32, #tpu.memory_space<hbm>>
      %dma_wait3A_98 = arith.constant 0 : i32
      %dma_wait3A_99 = tpu.memref_slice %arg10[%dma_wait3A_98] : memref<25600xf32, #tpu.memory_space<vmem>> -> memref<12800xf32, #tpu.memory_space<vmem>>
      %dma_wait3A_100 = arith.constant 0 : i32
      %dma_wait3A_101 = tpu.memref_slice %arg5[%dma_wait3A_100] : memref<32768xf32, #tpu.memory_space<hbm>> -> memref<12800xf32, #tpu.memory_space<hbm>>
      tpu.wait_dma2 semaphore(%run_scoped3A : memref<!tpu.dma_semaphore, #tpu.memory_space<semaphore_mem>>) src(%dma_wait3A_101 : memref<12800xf32, #tpu.memory_space<hbm>>) dst(%dma_wait3A_99 : memref<12800xf32, #tpu.memory_space<vmem>>)
      tpu.yield
    }) : () -> ()
    "tpu.region"() ({
      %run_scoped3A = tpu.sem_alloc : memref<!tpu.dma_semaphore, #tpu.memory_space<semaphore_mem>>
      %dma_start3A = arith.constant 12800 : i32
      %dma_start3A_87 = tpu.memref_slice %arg10[%dma_start3A] : memref<25600xf32, #tpu.memory_space<vmem>> -> memref<12800xf32, #tpu.memory_space<vmem>>
      %dma_start3A_88 = arith.constant 0 : i32
      %dma_start3A_89 = tpu.memref_slice %arg5[%dma_start3A_88] : memref<32768xf32, #tpu.memory_space<hbm>> -> memref<12800xf32, #tpu.memory_space<hbm>>
      %dma_start3A_90 = arith.constant 12800 : i32
      %dma_start3A_91 = tpu.memref_slice %arg10[%dma_start3A_90] : memref<25600xf32, #tpu.memory_space<vmem>> -> memref<12800xf32, #tpu.memory_space<vmem>>
      %dma_start3A_92 = arith.constant 0 : i32
      %dma_start3A_93 = tpu.memref_slice %arg5[%dma_start3A_92] : memref<32768xf32, #tpu.memory_space<hbm>> -> memref<12800xf32, #tpu.memory_space<hbm>>
      tpu.enqueue_dma source(%dma_start3A_93 : memref<12800xf32, #tpu.memory_space<hbm>>) target(%dma_start3A_91 : memref<12800xf32, #tpu.memory_space<vmem>>) target_semaphore(%run_scoped3A : memref<!tpu.dma_semaphore, #tpu.memory_space<semaphore_mem>>)
      %dma_wait3A_94 = arith.constant 12800 : i32
      %dma_wait3A_95 = tpu.memref_slice %arg10[%dma_wait3A_94] : memref<25600xf32, #tpu.memory_space<vmem>> -> memref<12800xf32, #tpu.memory_space<vmem>>
      %dma_wait3A_96 = arith.constant 0 : i32
      %dma_wait3A_97 = tpu.memref_slice %arg5[%dma_wait3A_96] : memref<32768xf32, #tpu.memory_space<hbm>> -> memref<12800xf32, #tpu.memory_space<hbm>>
      %dma_wait3A_98 = arith.constant 12800 : i32
      %dma_wait3A_99 = tpu.memref_slice %arg10[%dma_wait3A_98] : memref<25600xf32, #tpu.memory_space<vmem>> -> memref<12800xf32, #tpu.memory_space<vmem>>
      %dma_wait3A_100 = arith.constant 0 : i32
      %dma_wait3A_101 = tpu.memref_slice %arg5[%dma_wait3A_100] : memref<32768xf32, #tpu.memory_space<hbm>> -> memref<12800xf32, #tpu.memory_space<hbm>>
      tpu.wait_dma2 semaphore(%run_scoped3A : memref<!tpu.dma_semaphore, #tpu.memory_space<semaphore_mem>>) src(%dma_wait3A_101 : memref<12800xf32, #tpu.memory_space<hbm>>) dst(%dma_wait3A_99 : memref<12800xf32, #tpu.memory_space<vmem>>)
      tpu.yield
    }) : () -> ()
    "tpu.region"() ({
      %run_scoped3A = tpu.sem_alloc : memref<!tpu.dma_semaphore, #tpu.memory_space<semaphore_mem>>
      tpu.enqueue_dma source(%arg6 : memref<128xf32, #tpu.memory_space<hbm>>) target(%arg11 : memref<128xf32, #tpu.memory_space<vmem>>) target_semaphore(%run_scoped3A : memref<!tpu.dma_semaphore, #tpu.memory_space<semaphore_mem>>)
      tpu.wait_dma2 semaphore(%run_scoped3A : memref<!tpu.dma_semaphore, #tpu.memory_space<semaphore_mem>>) src(%arg6 : memref<128xf32, #tpu.memory_space<hbm>>) dst(%arg11 : memref<128xf32, #tpu.memory_space<vmem>>)
      tpu.yield
    }) : () -> ()
    %get3A = arith.constant 0 : index
    %get3A_8 = tpu.vector_load %arg11[%get3A] {strides = array<i32>} : memref<128xf32, #tpu.memory_space<vmem>>, vector<16xf32>,
    %get3A_9 = vector.shape_cast %get3A_8 : vector<16xf32> to vector<16xf32>
    %get3A_10 = arith.constant 64 : index
    %get3A_11 = tpu.vector_load %arg11[%get3A_10] {strides = array<i32>} : memref<128xf32, #tpu.memory_space<vmem>>, vector<16xf32>,
    %get3A_12 = vector.shape_cast %get3A_11 : vector<16xf32> to vector<16xf32>
    %sub3A = arith.subf %get3A_12, %get3A_9 : vector<16xf32>
    %swap3A = arith.constant 0 : index
    %swap3A_13 = tpu.vector_load %arg12[%swap3A] {strides = array<i32>} : memref<64xf32, #tpu.memory_space<vmem>>, vector<16xf32>,
    %swap3A_14 = vector.shape_cast %swap3A_13 : vector<16xf32> to vector<16xf32>
    %swap3A_15 = vector.shape_cast %sub3A : vector<16xf32> to vector<16xf32>
    tpu.vector_store %arg12[%swap3A], %swap3A_15 {strides = array<i32>} : memref<64xf32, #tpu.memory_space<vmem>>, vector<16xf32>,
    %get3A_16 = arith.constant 16 : index
    %get3A_17 = tpu.vector_load %arg11[%get3A_16] {strides = array<i32>} : memref<128xf32, #tpu.memory_space<vmem>>, vector<16xf32>,
    %get3A_18 = vector.shape_cast %get3A_17 : vector<16xf32> to vector<16xf32>
    %get3A_19 = arith.constant 80 : index
    %get3A_20 = tpu.vector_load %arg11[%get3A_19] {strides = array<i32>} : memref<128xf32, #tpu.memory_space<vmem>>, vector<16xf32>,
    %get3A_21 = vector.shape_cast %get3A_20 : vector<16xf32> to vector<16xf32>
    %sub3A_22 = arith.subf %get3A_21, %get3A_18 : vector<16xf32>
    %swap3A_23 = arith.constant 16 : index
    %swap3A_24 = tpu.vector_load %arg12[%swap3A_23] {strides = array<i32>} : memref<64xf32, #tpu.memory_space<vmem>>, vector<16xf32>,
    %swap3A_25 = vector.shape_cast %swap3A_24 : vector<16xf32> to vector<16xf32>
    %swap3A_26 = vector.shape_cast %sub3A_22 : vector<16xf32> to vector<16xf32>
    tpu.vector_store %arg12[%swap3A_23], %swap3A_26 {strides = array<i32>} : memref<64xf32, #tpu.memory_space<vmem>>, vector<16xf32>,
    %get3A_27 = arith.constant 32 : index
    %get3A_28 = tpu.vector_load %arg11[%get3A_27] {strides = array<i32>} : memref<128xf32, #tpu.memory_space<vmem>>, vector<16xf32>,
    %get3A_29 = vector.shape_cast %get3A_28 : vector<16xf32> to vector<16xf32>
    %get3A_30 = arith.constant 96 : index
    %get3A_31 = tpu.vector_load %arg11[%get3A_30] {strides = array<i32>} : memref<128xf32, #tpu.memory_space<vmem>>, vector<16xf32>,
    %get3A_32 = vector.shape_cast %get3A_31 : vector<16xf32> to vector<16xf32>
    %sub3A_33 = arith.subf %get3A_32, %get3A_29 : vector<16xf32>
    %swap3A_34 = arith.constant 32 : index
    %swap3A_35 = tpu.vector_load %arg12[%swap3A_34] {strides = array<i32>} : memref<64xf32, #tpu.memory_space<vmem>>, vector<16xf32>,
    %swap3A_36 = vector.shape_cast %swap3A_35 : vector<16xf32> to vector<16xf32>
    %swap3A_37 = vector.shape_cast %sub3A_33 : vector<16xf32> to vector<16xf32>
    tpu.vector_store %arg12[%swap3A_34], %swap3A_37 {strides = array<i32>} : memref<64xf32, #tpu.memory_space<vmem>>, vector<16xf32>,
    %get3A_38 = arith.constant 48 : index
    %get3A_39 = tpu.vector_load %arg11[%get3A_38] {strides = array<i32>} : memref<128xf32, #tpu.memory_space<vmem>>, vector<16xf32>,
    %get3A_40 = vector.shape_cast %get3A_39 : vector<16xf32> to vector<16xf32>
    %get3A_41 = arith.constant 112 : index
    %get3A_42 = tpu.vector_load %arg11[%get3A_41] {strides = array<i32>} : memref<128xf32, #tpu.memory_space<vmem>>, vector<16xf32>,
    %get3A_43 = vector.shape_cast %get3A_42 : vector<16xf32> to vector<16xf32>
    %sub3A_44 = arith.subf %get3A_43, %get3A_40 : vector<16xf32>
    %swap3A_45 = arith.constant 48 : index
    %swap3A_46 = tpu.vector_load %arg12[%swap3A_45] {strides = array<i32>} : memref<64xf32, #tpu.memory_space<vmem>>, vector<16xf32>,
    %swap3A_47 = vector.shape_cast %swap3A_46 : vector<16xf32> to vector<16xf32>
    %swap3A_48 = vector.shape_cast %sub3A_44 : vector<16xf32> to vector<16xf32>
    tpu.vector_store %arg12[%swap3A_45], %swap3A_48 {strides = array<i32>} : memref<64xf32, #tpu.memory_space<vmem>>, vector<16xf32>,
    %scan3A_49 = arith.constant 0 : i32
    %scan3A_50 = arith.constant 0 : i32
    %scan3A_51 = arith.constant 400 : i32
    %scan3A_52 = arith.addi %scan3A_50, %scan3A_51 : i32
    %scan3A_53 = arith.constant 1 : i32
    scf.for %scan3A_87 = %scan3A_50 to %scan3A_52 step %scan3A_53  : i32 {
      %mul3A_88 = arith.constant 64 : i32
      %mul3A_89 = arith.muli %scan3A_87, %mul3A_88 : i32
      %add3A_90 = arith.constant 0 : i32
      %add3A_91 = arith.addi %mul3A_89, %add3A_90 : i32
      %get3A_92 = arith.index_cast %add3A_91 : i32 to index
      %get3A_93 = tpu.vector_load %arg10[%get3A_92] {strides = array<i32>} : memref<25600xf32, #tpu.memory_space<vmem>>, vector<16xf32>,
      %get3A_94 = vector.shape_cast %get3A_93 : vector<16xf32> to vector<16xf32>
      %get3A_95 = arith.constant 0 : index
      %get3A_96 = tpu.vector_load %arg11[%get3A_95] {strides = array<i32>} : memref<128xf32, #tpu.memory_space<vmem>>, vector<16xf32>,
      %get3A_97 = vector.shape_cast %get3A_96 : vector<16xf32> to vector<16xf32>
      %add3A_98 = arith.addf %get3A_94, %get3A_97 : vector<16xf32>
      %swap3A_99 = arith.index_cast %add3A_91 : i32 to index
      %swap3A_100 = tpu.vector_load %arg10[%swap3A_99] {strides = array<i32>} : memref<25600xf32, #tpu.memory_space<vmem>>, vector<16xf32>,
      %swap3A_101 = vector.shape_cast %swap3A_100 : vector<16xf32> to vector<16xf32>
      %swap3A_102 = vector.shape_cast %add3A_98 : vector<16xf32> to vector<16xf32>
      tpu.vector_store %arg10[%swap3A_99], %swap3A_102 {strides = array<i32>} : memref<25600xf32, #tpu.memory_space<vmem>>, vector<16xf32>,
      %mul3A_103 = arith.constant 64 : i32
      %mul3A_104 = arith.muli %scan3A_87, %mul3A_103 : i32
      %add3A_105 = arith.constant 16 : i32
      %add3A_106 = arith.addi %mul3A_104, %add3A_105 : i32
      %get3A_107 = arith.index_cast %add3A_106 : i32 to index
      %get3A_108 = tpu.vector_load %arg10[%get3A_107] {strides = array<i32>} : memref<25600xf32, #tpu.memory_space<vmem>>, vector<16xf32>,
      %get3A_109 = vector.shape_cast %get3A_108 : vector<16xf32> to vector<16xf32>
      %get3A_110 = arith.constant 16 : index
      %get3A_111 = tpu.vector_load %arg11[%get3A_110] {strides = array<i32>} : memref<128xf32, #tpu.memory_space<vmem>>, vector<16xf32>,
      %get3A_112 = vector.shape_cast %get3A_111 : vector<16xf32> to vector<16xf32>
      %add3A_113 = arith.addf %get3A_109, %get3A_112 : vector<16xf32>
      %swap3A_114 = arith.index_cast %add3A_106 : i32 to index
      %swap3A_115 = tpu.vector_load %arg10[%swap3A_114] {strides = array<i32>} : memref<25600xf32, #tpu.memory_space<vmem>>, vector<16xf32>,
      %swap3A_116 = vector.shape_cast %swap3A_115 : vector<16xf32> to vector<16xf32>
      %swap3A_117 = vector.shape_cast %add3A_113 : vector<16xf32> to vector<16xf32>
      tpu.vector_store %arg10[%swap3A_114], %swap3A_117 {strides = array<i32>} : memref<25600xf32, #tpu.memory_space<vmem>>, vector<16xf32>,
      %mul3A_118 = arith.constant 64 : i32
      %mul3A_119 = arith.muli %scan3A_87, %mul3A_118 : i32
      %add3A_120 = arith.constant 32 : i32
      %add3A_121 = arith.addi %mul3A_119, %add3A_120 : i32
      %get3A_122 = arith.index_cast %add3A_121 : i32 to index
      %get3A_123 = tpu.vector_load %arg10[%get3A_122] {strides = array<i32>} : memref<25600xf32, #tpu.memory_space<vmem>>, vector<16xf32>,
      %get3A_124 = vector.shape_cast %get3A_123 : vector<16xf32> to vector<16xf32>
      %get3A_125 = arith.constant 32 : index
      %get3A_126 = tpu.vector_load %arg11[%get3A_125] {strides = array<i32>} : memref<128xf32, #tpu.memory_space<vmem>>, vector<16xf32>,
      %get3A_127 = vector.shape_cast %get3A_126 : vector<16xf32> to vector<16xf32>
      %add3A_128 = arith.addf %get3A_124, %get3A_127 : vector<16xf32>
      %swap3A_129 = arith.index_cast %add3A_121 : i32 to index
      %swap3A_130 = tpu.vector_load %arg10[%swap3A_129] {strides = array<i32>} : memref<25600xf32, #tpu.memory_space<vmem>>, vector<16xf32>,
      %swap3A_131 = vector.shape_cast %swap3A_130 : vector<16xf32> to vector<16xf32>
      %swap3A_132 = vector.shape_cast %add3A_128 : vector<16xf32> to vector<16xf32>
      tpu.vector_store %arg10[%swap3A_129], %swap3A_132 {strides = array<i32>} : memref<25600xf32, #tpu.memory_space<vmem>>, vector<16xf32>,
      %mul3A_133 = arith.constant 64 : i32
      %mul3A_134 = arith.muli %scan3A_87, %mul3A_133 : i32
      %add3A_135 = arith.constant 48 : i32
      %add3A_136 = arith.addi %mul3A_134, %add3A_135 : i32
      %get3A_137 = arith.index_cast %add3A_136 : i32 to index
      %get3A_138 = tpu.vector_load %arg10[%get3A_137] {strides = array<i32>} : memref<25600xf32, #tpu.memory_space<vmem>>, vector<16xf32>,
      %get3A_139 = vector.shape_cast %get3A_138 : vector<16xf32> to vector<16xf32>
      %get3A_140 = arith.constant 48 : index
      %get3A_141 = tpu.vector_load %arg11[%get3A_140] {strides = array<i32>} : memref<128xf32, #tpu.memory_space<vmem>>, vector<16xf32>,
      %get3A_142 = vector.shape_cast %get3A_141 : vector<16xf32> to vector<16xf32>
      %add3A_143 = arith.addf %get3A_139, %get3A_142 : vector<16xf32>
      %swap3A_144 = arith.index_cast %add3A_136 : i32 to index
      %swap3A_145 = tpu.vector_load %arg10[%swap3A_144] {strides = array<i32>} : memref<25600xf32, #tpu.memory_space<vmem>>, vector<16xf32>,
      %swap3A_146 = vector.shape_cast %swap3A_145 : vector<16xf32> to vector<16xf32>
      %swap3A_147 = vector.shape_cast %add3A_143 : vector<16xf32> to vector<16xf32>
      tpu.vector_store %arg10[%swap3A_144], %swap3A_147 {strides = array<i32>} : memref<25600xf32, #tpu.memory_space<vmem>>, vector<16xf32>,
    }
    %scan3A_54 = arith.constant 400 : i32
    %get3A_55 = arith.constant 0 : index
    %get3A_56 = tpu.vector_load %arg12[%get3A_55] {strides = array<i32>} : memref<64xf32, #tpu.memory_space<vmem>>, vector<16xf32>,
    %get3A_57 = vector.shape_cast %get3A_56 : vector<16xf32> to vector<16xf32>
    %get3A_58 = arith.constant 16 : index
    %get3A_59 = tpu.vector_load %arg12[%get3A_58] {strides = array<i32>} : memref<64xf32, #tpu.memory_space<vmem>>, vector<16xf32>,
    %get3A_60 = vector.shape_cast %get3A_59 : vector<16xf32> to vector<16xf32>
    %get3A_61 = arith.constant 32 : index
    %get3A_62 = tpu.vector_load %arg12[%get3A_61] {strides = array<i32>} : memref<64xf32, #tpu.memory_space<vmem>>, vector<16xf32>,
    %get3A_63 = vector.shape_cast %get3A_62 : vector<16xf32> to vector<16xf32>
    %get3A_64 = arith.constant 48 : index
    %get3A_65 = tpu.vector_load %arg12[%get3A_64] {strides = array<i32>} : memref<64xf32, #tpu.memory_space<vmem>>, vector<16xf32>,
    %get3A_66 = vector.shape_cast %get3A_65 : vector<16xf32> to vector<16xf32>
    %scan3A_67 = arith.constant 0 : i32
    %scan3A_68 = arith.constant 0 : i32
    %scan3A_69 = arith.constant 8 : i32
    %scan3A_70 = arith.addi %scan3A_68, %scan3A_69 : i32
    %scan3A_71 = arith.constant 1 : i32
    scf.for %scan3A_87 = %scan3A_68 to %scan3A_70 step %scan3A_71  : i32 {
      %mul3A_88 = arith.constant 2 : i32
      %mul3A_89 = arith.muli %mul3A_88, %scan3A_87 : i32
      %ge3A = arith.constant 1 : i32
      %ge3A_90 = arith.cmpi sge, %mul3A_89, %ge3A : i32
      %convert_element_type3A = arith.extui %ge3A_90 : i1 to i32
      %cond3A = arith.constant 0 : i32
      %cond3A_91 = arith.cmpi ne, %convert_element_type3A, %cond3A : i32
      scf.if %cond3A_91 {
        %sub3A_187 = arith.constant 1 : i32
        %sub3A_188 = arith.subi %mul3A_89, %sub3A_187 : i32
        %mul3A_189 = arith.constant 400 : i32
        %mul3A_190 = arith.muli %sub3A_188, %mul3A_189 : i32
        %add3A_191 = arith.addi %mul3A_2, %mul3A_190 : i32
        %dma_wait3A_192 = arith.constant 1 : i32
        %dma_wait3A_193 = arith.constant 0 : i32
        %dma_wait3A_194 = arith.constant 0 : i32
        %dma_wait3A_195 = tpu.memref_slice %arg13[%dma_wait3A_192, %dma_wait3A_193, %dma_wait3A_194] : memref<2x400x64xf32, #tpu.memory_space<vmem>> -> memref<1x400x64xf32, #tpu.memory_space<vmem>>
        %dma_wait3A_196 = tpu.memref_squeeze %dma_wait3A_195 : memref<1x400x64xf32, #tpu.memory_space<vmem>> -> memref<400x64xf32, #tpu.memory_space<vmem>>
        %dma_wait3A_197 = arith.constant 0 : i32
        %dma_wait3A_198 = tpu.memref_slice %arg7[%add3A_191, %dma_wait3A_197] : memref<204800x64xf32, #tpu.memory_space<hbm>> -> memref<400x64xf32, #tpu.memory_space<hbm>>
        %dma_wait3A_199 = arith.constant 0 : i32
        %dma_wait3A_200 = tpu.memref_slice %arg7[%add3A_191, %dma_wait3A_199] : memref<204800x64xf32, #tpu.memory_space<hbm>> -> memref<400x64xf32, #tpu.memory_space<hbm>>
        %dma_wait3A_201 = arith.constant 0 : i32
        %dma_wait3A_202 = arith.constant 0 : i32
        %dma_wait3A_203 = tpu.memref_slice %arg13[%dma_wait3A_192, %dma_wait3A_201, %dma_wait3A_202] : memref<2x400x64xf32, #tpu.memory_space<vmem>> -> memref<1x400x64xf32, #tpu.memory_space<vmem>>
        %dma_wait3A_204 = tpu.memref_squeeze %dma_wait3A_203 : memref<1x400x64xf32, #tpu.memory_space<vmem>> -> memref<400x64xf32, #tpu.memory_space<vmem>>
        tpu.wait_dma2 semaphore(%arg16 : memref<!tpu.dma_semaphore, #tpu.memory_space<semaphore_mem>>) src(%dma_wait3A_204 : memref<400x64xf32, #tpu.memory_space<vmem>>) dst(%dma_wait3A_200 : memref<400x64xf32, #tpu.memory_space<hbm>>)
      } else {
      }
      %add3A_92 = arith.constant 1 : i32
      %add3A_93 = arith.addi %mul3A_89, %add3A_92 : i32
      %lt3A = arith.constant 16 : i32
      %lt3A_94 = arith.cmpi slt, %add3A_93, %lt3A : i32
      %convert_element_type3A_95 = arith.extui %lt3A_94 : i1 to i32
      %cond3A_96 = arith.constant 0 : i32
      %cond3A_97 = arith.cmpi ne, %convert_element_type3A_95, %cond3A_96 : i32
      scf.if %cond3A_97 {
        %add3A_187 = arith.constant 1 : i32
        %add3A_188 = arith.addi %mul3A_89, %add3A_187 : i32
        %scan3A_189 = arith.constant 0 : i32
        %scan3A_190 = arith.constant 0 : i32
        %scan3A_191 = arith.constant 25 : i32
        %scan3A_192 = arith.addi %scan3A_190, %scan3A_191 : i32
        %scan3A_193 = arith.constant 1 : i32
        scf.for %scan3A_195 = %scan3A_190 to %scan3A_192 step %scan3A_193  : i32 {
          %mul3A_196 = arith.constant 400 : i32
          %mul3A_197 = arith.muli %add3A_188, %mul3A_196 : i32
          %mul3A_198 = arith.constant 16 : i32
          %mul3A_199 = arith.muli %scan3A_195, %mul3A_198 : i32
          %add3A_200 = arith.addi %mul3A_197, %mul3A_199 : i32
          %get3A_201 = arith.index_cast %add3A_200 : i32 to index
          %get3A_202 = tpu.vector_load %arg8[%get3A_201] {strides = array<i32>} : memref<6400xi32, #tpu.memory_space<vmem>>, vector<16xi32>,
          %get3A_203 = vector.shape_cast %get3A_202 : vector<16xi32> to vector<16xi32>
          %mul3A_204 = arith.constant 16 : i32
          %mul3A_205 = arith.muli %scan3A_195, %mul3A_204 : i32
          %dma_start3A_206 = arith.constant 1 : i32
          %dma_start3A_207 = arith.constant 0 : i32
          %dma_start3A_208 = tpu.memref_slice %arg13[%dma_start3A_206, %mul3A_205, %dma_start3A_207] : memref<2x400x64xf32, #tpu.memory_space<vmem>> -> memref<1x16x64xf32, #tpu.memory_space<vmem>>
          %dma_start3A_209 = tpu.memref_squeeze %dma_start3A_208 : memref<1x16x64xf32, #tpu.memory_space<vmem>> -> memref<16x64xf32, #tpu.memory_space<vmem>>
          %dma_start3A_210 = arith.constant 0 : i32
          %dma_start3A_211 = arith.constant 0 : i32
          %dma_start3A_212 = tpu.memref_slice %arg4[%dma_start3A_210, %dma_start3A_211] : memref<1000000x64xf32, #tpu.memory_space<hbm>> -> memref<1000000x64xf32, #tpu.memory_space<hbm>>
          tpu.enqueue_indirect_dma source(%dma_start3A_212 : memref<1000000x64xf32, #tpu.memory_space<hbm>>) target(%dma_start3A_209 : memref<16x64xf32, #tpu.memory_space<vmem>>) offsets(%get3A_203 : vector<16xi32>) semaphore(%arg15 : memref<!tpu.dma_semaphore, #tpu.memory_space<semaphore_mem>>)
        }
        %scan3A_194 = arith.constant 25 : i32
      } else {
      }
      %dma_wait3A_98 = arith.constant 0 : i32
      %dma_wait3A_99 = arith.constant 0 : i32
      %dma_wait3A_100 = arith.constant 0 : i32
      %dma_wait3A_101 = tpu.memref_slice %arg13[%dma_wait3A_98, %dma_wait3A_99, %dma_wait3A_100] : memref<2x400x64xf32, #tpu.memory_space<vmem>> -> memref<1x400x64xf32, #tpu.memory_space<vmem>>
      %dma_wait3A_102 = tpu.memref_squeeze %dma_wait3A_101 : memref<1x400x64xf32, #tpu.memory_space<vmem>> -> memref<400x64xf32, #tpu.memory_space<vmem>>
      %dma_wait3A_103 = arith.constant 0 : i32
      %dma_wait3A_104 = arith.constant 0 : i32
      %dma_wait3A_105 = tpu.memref_slice %arg4[%dma_wait3A_103, %dma_wait3A_104] : memref<1000000x64xf32, #tpu.memory_space<hbm>> -> memref<400x64xf32, #tpu.memory_space<hbm>>
      %dma_wait3A_106 = arith.constant 0 : i32
      %dma_wait3A_107 = arith.constant 0 : i32
      %dma_wait3A_108 = tpu.memref_slice %arg13[%dma_wait3A_98, %dma_wait3A_106, %dma_wait3A_107] : memref<2x400x64xf32, #tpu.memory_space<vmem>> -> memref<1x400x64xf32, #tpu.memory_space<vmem>>
      %dma_wait3A_109 = tpu.memref_squeeze %dma_wait3A_108 : memref<1x400x64xf32, #tpu.memory_space<vmem>> -> memref<400x64xf32, #tpu.memory_space<vmem>>
      %dma_wait3A_110 = arith.constant 0 : i32
      %dma_wait3A_111 = arith.constant 0 : i32
      %dma_wait3A_112 = tpu.memref_slice %arg4[%dma_wait3A_110, %dma_wait3A_111] : memref<1000000x64xf32, #tpu.memory_space<hbm>> -> memref<400x64xf32, #tpu.memory_space<hbm>>
      tpu.wait_dma2 semaphore(%arg14 : memref<!tpu.dma_semaphore, #tpu.memory_space<semaphore_mem>>) src(%dma_wait3A_112 : memref<400x64xf32, #tpu.memory_space<hbm>>) dst(%dma_wait3A_109 : memref<400x64xf32, #tpu.memory_space<vmem>>)
      %scan3A_113 = arith.constant 0 : i32
      %scan3A_114 = arith.constant 0 : i32
      %scan3A_115 = arith.constant 25 : i32
      %scan3A_116 = arith.addi %scan3A_114, %scan3A_115 : i32
      %scan3A_117 = arith.constant 1 : i32
      scf.for %scan3A_187 = %scan3A_114 to %scan3A_116 step %scan3A_117  : i32 {
        %mul3A_188 = arith.constant 400 : i32
        %mul3A_189 = arith.muli %mul3A_89, %mul3A_188 : i32
        %mul3A_190 = arith.constant 16 : i32
        %mul3A_191 = arith.muli %scan3A_187, %mul3A_190 : i32
        %add3A_192 = arith.addi %mul3A_189, %mul3A_191 : i32
        %get3A_193 = arith.index_cast %add3A_192 : i32 to index
        %get3A_194 = tpu.vector_load %arg9[%get3A_193] {strides = array<i32>} : memref<6400xi32, #tpu.memory_space<vmem>>, vector<16xi32>,
        %get3A_195 = vector.shape_cast %get3A_194 : vector<16xi32> to vector<16xi32>
        %convert_element_type3A_196 = arith.sitofp %get3A_195 : vector<16xi32> to vector<16xf32>
        %broadcast_in_dim3A = arith.constant 0 : i32
        %broadcast_in_dim3A_197 = vector.broadcast %broadcast_in_dim3A : i32 to vector<16x1xi32>
        %gather3A = vector.shape_cast %broadcast_in_dim3A_197 : vector<16x1xi32> to vector<16xi32>
        %gather3A_198 = tpu.dynamic_gather %convert_element_type3A_196[%gather3A] in [0] : vector<16xf32>, vector<16xi32> -> vector<16xf32>
        %mul3A_199 = arith.constant 16 : i32
        %mul3A_200 = arith.muli %scan3A_187, %mul3A_199 : i32
        %add3A_201 = arith.constant 0 : i32
        %add3A_202 = arith.addi %mul3A_200, %add3A_201 : i32
        %mul3A_203 = arith.constant 64 : i32
        %mul3A_204 = arith.muli %add3A_202, %mul3A_203 : i32
        %add3A_205 = arith.constant 0 : i32
        %add3A_206 = arith.addi %mul3A_204, %add3A_205 : i32
        %get3A_207 = arith.constant 0 : i32
        %get3A_208 = arith.index_cast %get3A_207 : i32 to index
        %get3A_209 = arith.index_cast %add3A_202 : i32 to index
        %get3A_210 = arith.constant 0 : index
        %get3A_211 = tpu.vector_load %arg13[%get3A_208, %get3A_209, %get3A_210] {strides = array<i32>} : memref<2x400x64xf32, #tpu.memory_space<vmem>>, vector<1x1x16xf32>,
        %get3A_212 = vector.shape_cast %get3A_211 : vector<1x1x16xf32> to vector<16xf32>
        %get3A_213 = arith.index_cast %add3A_206 : i32 to index
        %get3A_214 = tpu.vector_load %arg10[%get3A_213] {strides = array<i32>} : memref<25600xf32, #tpu.memory_space<vmem>>, vector<16xf32>,
        %get3A_215 = vector.shape_cast %get3A_214 : vector<16xf32> to vector<16xf32>
        %add3A_216 = arith.addf %get3A_212, %get3A_215 : vector<16xf32>
        %mul3A_217 = arith.mulf %gather3A_198, %get3A_57 : vector<16xf32>
        %add3A_218 = arith.addf %add3A_216, %mul3A_217 : vector<16xf32>
        %swap3A_219 = arith.constant 0 : i32
        %swap3A_220 = arith.index_cast %swap3A_219 : i32 to index
        %swap3A_221 = arith.index_cast %add3A_202 : i32 to index
        %swap3A_222 = arith.constant 0 : index
        %swap3A_223 = tpu.vector_load %arg13[%swap3A_220, %swap3A_221, %swap3A_222] {strides = array<i32>} : memref<2x400x64xf32, #tpu.memory_space<vmem>>, vector<1x1x16xf32>,
        %swap3A_224 = vector.shape_cast %swap3A_223 : vector<1x1x16xf32> to vector<16xf32>
        %swap3A_225 = vector.shape_cast %add3A_218 : vector<16xf32> to vector<1x1x16xf32>
        tpu.vector_store %arg13[%swap3A_220, %swap3A_221, %swap3A_222], %swap3A_225 {strides = array<i32>} : memref<2x400x64xf32, #tpu.memory_space<vmem>>, vector<1x1x16xf32>,
        %mul3A_226 = arith.constant 64 : i32
        %mul3A_227 = arith.muli %add3A_202, %mul3A_226 : i32
        %add3A_228 = arith.constant 16 : i32
        %add3A_229 = arith.addi %mul3A_227, %add3A_228 : i32
        %get3A_230 = arith.constant 0 : i32
        %get3A_231 = arith.index_cast %get3A_230 : i32 to index
        %get3A_232 = arith.index_cast %add3A_202 : i32 to index
        %get3A_233 = arith.constant 16 : index
        %get3A_234 = tpu.vector_load %arg13[%get3A_231, %get3A_232, %get3A_233] {strides = array<i32>} : memref<2x400x64xf32, #tpu.memory_space<vmem>>, vector<1x1x16xf32>,
        %get3A_235 = vector.shape_cast %get3A_234 : vector<1x1x16xf32> to vector<16xf32>
        %get3A_236 = arith.index_cast %add3A_229 : i32 to index
        %get3A_237 = tpu.vector_load %arg10[%get3A_236] {strides = array<i32>} : memref<25600xf32, #tpu.memory_space<vmem>>, vector<16xf32>,
        %get3A_238 = vector.shape_cast %get3A_237 : vector<16xf32> to vector<16xf32>
        %add3A_239 = arith.addf %get3A_235, %get3A_238 : vector<16xf32>
        %mul3A_240 = arith.mulf %gather3A_198, %get3A_60 : vector<16xf32>
        %add3A_241 = arith.addf %add3A_239, %mul3A_240 : vector<16xf32>
        %swap3A_242 = arith.constant 0 : i32
        %swap3A_243 = arith.index_cast %swap3A_242 : i32 to index
        %swap3A_244 = arith.index_cast %add3A_202 : i32 to index
        %swap3A_245 = arith.constant 16 : index
        %swap3A_246 = tpu.vector_load %arg13[%swap3A_243, %swap3A_244, %swap3A_245] {strides = array<i32>} : memref<2x400x64xf32, #tpu.memory_space<vmem>>, vector<1x1x16xf32>,
        %swap3A_247 = vector.shape_cast %swap3A_246 : vector<1x1x16xf32> to vector<16xf32>
        %swap3A_248 = vector.shape_cast %add3A_241 : vector<16xf32> to vector<1x1x16xf32>
        tpu.vector_store %arg13[%swap3A_243, %swap3A_244, %swap3A_245], %swap3A_248 {strides = array<i32>} : memref<2x400x64xf32, #tpu.memory_space<vmem>>, vector<1x1x16xf32>,
        %mul3A_249 = arith.constant 64 : i32
        %mul3A_250 = arith.muli %add3A_202, %mul3A_249 : i32
        %add3A_251 = arith.constant 32 : i32
        %add3A_252 = arith.addi %mul3A_250, %add3A_251 : i32
        %get3A_253 = arith.constant 0 : i32
        %get3A_254 = arith.index_cast %get3A_253 : i32 to index
        %get3A_255 = arith.index_cast %add3A_202 : i32 to index
        %get3A_256 = arith.constant 32 : index
        %get3A_257 = tpu.vector_load %arg13[%get3A_254, %get3A_255, %get3A_256] {strides = array<i32>} : memref<2x400x64xf32, #tpu.memory_space<vmem>>, vector<1x1x16xf32>,
        %get3A_258 = vector.shape_cast %get3A_257 : vector<1x1x16xf32> to vector<16xf32>
        %get3A_259 = arith.index_cast %add3A_252 : i32 to index
        %get3A_260 = tpu.vector_load %arg10[%get3A_259] {strides = array<i32>} : memref<25600xf32, #tpu.memory_space<vmem>>, vector<16xf32>,
        %get3A_261 = vector.shape_cast %get3A_260 : vector<16xf32> to vector<16xf32>
        %add3A_262 = arith.addf %get3A_258, %get3A_261 : vector<16xf32>
        %mul3A_263 = arith.mulf %gather3A_198, %get3A_63 : vector<16xf32>
        %add3A_264 = arith.addf %add3A_262, %mul3A_263 : vector<16xf32>
        %swap3A_265 = arith.constant 0 : i32
        %swap3A_266 = arith.index_cast %swap3A_265 : i32 to index
        %swap3A_267 = arith.index_cast %add3A_202 : i32 to index
        %swap3A_268 = arith.constant 32 : index
        %swap3A_269 = tpu.vector_load %arg13[%swap3A_266, %swap3A_267, %swap3A_268] {strides = array<i32>} : memref<2x400x64xf32, #tpu.memory_space<vmem>>, vector<1x1x16xf32>,
        %swap3A_270 = vector.shape_cast %swap3A_269 : vector<1x1x16xf32> to vector<16xf32>
        %swap3A_271 = vector.shape_cast %add3A_264 : vector<16xf32> to vector<1x1x16xf32>
        tpu.vector_store %arg13[%swap3A_266, %swap3A_267, %swap3A_268], %swap3A_271 {strides = array<i32>} : memref<2x400x64xf32, #tpu.memory_space<vmem>>, vector<1x1x16xf32>,
        %mul3A_272 = arith.constant 64 : i32
        %mul3A_273 = arith.muli %add3A_202, %mul3A_272 : i32
        %add3A_274 = arith.constant 48 : i32
        %add3A_275 = arith.addi %mul3A_273, %add3A_274 : i32
        %get3A_276 = arith.constant 0 : i32
        %get3A_277 = arith.index_cast %get3A_276 : i32 to index
        %get3A_278 = arith.index_cast %add3A_202 : i32 to index
        %get3A_279 = arith.constant 48 : index
        %get3A_280 = tpu.vector_load %arg13[%get3A_277, %get3A_278, %get3A_279] {strides = array<i32>} : memref<2x400x64xf32, #tpu.memory_space<vmem>>, vector<1x1x16xf32>,
        %get3A_281 = vector.shape_cast %get3A_280 : vector<1x1x16xf32> to vector<16xf32>
        %get3A_282 = arith.index_cast %add3A_275 : i32 to index
        %get3A_283 = tpu.vector_load %arg10[%get3A_282] {strides = array<i32>} : memref<25600xf32, #tpu.memory_space<vmem>>, vector<16xf32>,
        %get3A_284 = vector.shape_cast %get3A_283 : vector<16xf32> to vector<16xf32>
        %add3A_285 = arith.addf %get3A_281, %get3A_284 : vector<16xf32>
        %mul3A_286 = arith.mulf %gather3A_198, %get3A_66 : vector<16xf32>
        %add3A_287 = arith.addf %add3A_285, %mul3A_286 : vector<16xf32>
        %swap3A_288 = arith.constant 0 : i32
        %swap3A_289 = arith.index_cast %swap3A_288 : i32 to index
        %swap3A_290 = arith.index_cast %add3A_202 : i32 to index
        %swap3A_291 = arith.constant 48 : index
        %swap3A_292 = tpu.vector_load %arg13[%swap3A_289, %swap3A_290, %swap3A_291] {strides = array<i32>} : memref<2x400x64xf32, #tpu.memory_space<vmem>>, vector<1x1x16xf32>,
        %swap3A_293 = vector.shape_cast %swap3A_292 : vector<1x1x16xf32> to vector<16xf32>
        %swap3A_294 = vector.shape_cast %add3A_287 : vector<16xf32> to vector<1x1x16xf32>
        tpu.vector_store %arg13[%swap3A_289, %swap3A_290, %swap3A_291], %swap3A_294 {strides = array<i32>} : memref<2x400x64xf32, #tpu.memory_space<vmem>>, vector<1x1x16xf32>,
        %broadcast_in_dim3A_295 = arith.constant 1 : i32
        %broadcast_in_dim3A_296 = vector.broadcast %broadcast_in_dim3A_295 : i32 to vector<16x1xi32>
        %gather3A_297 = vector.shape_cast %broadcast_in_dim3A_296 : vector<16x1xi32> to vector<16xi32>
        %gather3A_298 = tpu.dynamic_gather %convert_element_type3A_196[%gather3A_297] in [0] : vector<16xf32>, vector<16xi32> -> vector<16xf32>
        %mul3A_299 = arith.constant 16 : i32
        %mul3A_300 = arith.muli %scan3A_187, %mul3A_299 : i32
        %add3A_301 = arith.constant 1 : i32
        %add3A_302 = arith.addi %mul3A_300, %add3A_301 : i32
        %mul3A_303 = arith.constant 64 : i32
        %mul3A_304 = arith.muli %add3A_302, %mul3A_303 : i32
        %add3A_305 = arith.constant 0 : i32
        %add3A_306 = arith.addi %mul3A_304, %add3A_305 : i32
        %get3A_307 = arith.constant 0 : i32
        %get3A_308 = arith.index_cast %get3A_307 : i32 to index
        %get3A_309 = arith.index_cast %add3A_302 : i32 to index
        %get3A_310 = arith.constant 0 : index
        %get3A_311 = tpu.vector_load %arg13[%get3A_308, %get3A_309, %get3A_310] {strides = array<i32>} : memref<2x400x64xf32, #tpu.memory_space<vmem>>, vector<1x1x16xf32>,
        %get3A_312 = vector.shape_cast %get3A_311 : vector<1x1x16xf32> to vector<16xf32>
        %get3A_313 = arith.index_cast %add3A_306 : i32 to index
        %get3A_314 = tpu.vector_load %arg10[%get3A_313] {strides = array<i32>} : memref<25600xf32, #tpu.memory_space<vmem>>, vector<16xf32>,
        %get3A_315 = vector.shape_cast %get3A_314 : vector<16xf32> to vector<16xf32>
        %add3A_316 = arith.addf %get3A_312, %get3A_315 : vector<16xf32>
        %mul3A_317 = arith.mulf %gather3A_298, %get3A_57 : vector<16xf32>
        %add3A_318 = arith.addf %add3A_316, %mul3A_317 : vector<16xf32>
        %swap3A_319 = arith.constant 0 : i32
        %swap3A_320 = arith.index_cast %swap3A_319 : i32 to index
        %swap3A_321 = arith.index_cast %add3A_302 : i32 to index
        %swap3A_322 = arith.constant 0 : index
        %swap3A_323 = tpu.vector_load %arg13[%swap3A_320, %swap3A_321, %swap3A_322] {strides = array<i32>} : memref<2x400x64xf32, #tpu.memory_space<vmem>>, vector<1x1x16xf32>,
        %swap3A_324 = vector.shape_cast %swap3A_323 : vector<1x1x16xf32> to vector<16xf32>
        %swap3A_325 = vector.shape_cast %add3A_318 : vector<16xf32> to vector<1x1x16xf32>
        tpu.vector_store %arg13[%swap3A_320, %swap3A_321, %swap3A_322], %swap3A_325 {strides = array<i32>} : memref<2x400x64xf32, #tpu.memory_space<vmem>>, vector<1x1x16xf32>,
        %mul3A_326 = arith.constant 64 : i32
        %mul3A_327 = arith.muli %add3A_302, %mul3A_326 : i32
        %add3A_328 = arith.constant 16 : i32
        %add3A_329 = arith.addi %mul3A_327, %add3A_328 : i32
        %get3A_330 = arith.constant 0 : i32
        %get3A_331 = arith.index_cast %get3A_330 : i32 to index
        %get3A_332 = arith.index_cast %add3A_302 : i32 to index
        %get3A_333 = arith.constant 16 : index
        %get3A_334 = tpu.vector_load %arg13[%get3A_331, %get3A_332, %get3A_333] {strides = array<i32>} : memref<2x400x64xf32, #tpu.memory_space<vmem>>, vector<1x1x16xf32>,
        %get3A_335 = vector.shape_cast %get3A_334 : vector<1x1x16xf32> to vector<16xf32>
        %get3A_336 = arith.index_cast %add3A_329 : i32 to index
        %get3A_337 = tpu.vector_load %arg10[%get3A_336] {strides = array<i32>} : memref<25600xf32, #tpu.memory_space<vmem>>, vector<16xf32>,
        %get3A_338 = vector.shape_cast %get3A_337 : vector<16xf32> to vector<16xf32>
        %add3A_339 = arith.addf %get3A_335, %get3A_338 : vector<16xf32>
        %mul3A_340 = arith.mulf %gather3A_298, %get3A_60 : vector<16xf32>
        %add3A_341 = arith.addf %add3A_339, %mul3A_340 : vector<16xf32>
        %swap3A_342 = arith.constant 0 : i32
        %swap3A_343 = arith.index_cast %swap3A_342 : i32 to index
        %swap3A_344 = arith.index_cast %add3A_302 : i32 to index
        %swap3A_345 = arith.constant 16 : index
        %swap3A_346 = tpu.vector_load %arg13[%swap3A_343, %swap3A_344, %swap3A_345] {strides = array<i32>} : memref<2x400x64xf32, #tpu.memory_space<vmem>>, vector<1x1x16xf32>,
        %swap3A_347 = vector.shape_cast %swap3A_346 : vector<1x1x16xf32> to vector<16xf32>
        %swap3A_348 = vector.shape_cast %add3A_341 : vector<16xf32> to vector<1x1x16xf32>
        tpu.vector_store %arg13[%swap3A_343, %swap3A_344, %swap3A_345], %swap3A_348 {strides = array<i32>} : memref<2x400x64xf32, #tpu.memory_space<vmem>>, vector<1x1x16xf32>,
        %mul3A_349 = arith.constant 64 : i32
        %mul3A_350 = arith.muli %add3A_302, %mul3A_349 : i32
        %add3A_351 = arith.constant 32 : i32
        %add3A_352 = arith.addi %mul3A_350, %add3A_351 : i32
        %get3A_353 = arith.constant 0 : i32
        %get3A_354 = arith.index_cast %get3A_353 : i32 to index
        %get3A_355 = arith.index_cast %add3A_302 : i32 to index
        %get3A_356 = arith.constant 32 : index
        %get3A_357 = tpu.vector_load %arg13[%get3A_354, %get3A_355, %get3A_356] {strides = array<i32>} : memref<2x400x64xf32, #tpu.memory_space<vmem>>, vector<1x1x16xf32>,
        %get3A_358 = vector.shape_cast %get3A_357 : vector<1x1x16xf32> to vector<16xf32>
        %get3A_359 = arith.index_cast %add3A_352 : i32 to index
        %get3A_360 = tpu.vector_load %arg10[%get3A_359] {strides = array<i32>} : memref<25600xf32, #tpu.memory_space<vmem>>, vector<16xf32>,
        %get3A_361 = vector.shape_cast %get3A_360 : vector<16xf32> to vector<16xf32>
        %add3A_362 = arith.addf %get3A_358, %get3A_361 : vector<16xf32>
        %mul3A_363 = arith.mulf %gather3A_298, %get3A_63 : vector<16xf32>
        %add3A_364 = arith.addf %add3A_362, %mul3A_363 : vector<16xf32>
        %swap3A_365 = arith.constant 0 : i32
        %swap3A_366 = arith.index_cast %swap3A_365 : i32 to index
        %swap3A_367 = arith.index_cast %add3A_302 : i32 to index
        %swap3A_368 = arith.constant 32 : index
        %swap3A_369 = tpu.vector_load %arg13[%swap3A_366, %swap3A_367, %swap3A_368] {strides = array<i32>} : memref<2x400x64xf32, #tpu.memory_space<vmem>>, vector<1x1x16xf32>,
        %swap3A_370 = vector.shape_cast %swap3A_369 : vector<1x1x16xf32> to vector<16xf32>
        %swap3A_371 = vector.shape_cast %add3A_364 : vector<16xf32> to vector<1x1x16xf32>
        tpu.vector_store %arg13[%swap3A_366, %swap3A_367, %swap3A_368], %swap3A_371 {strides = array<i32>} : memref<2x400x64xf32, #tpu.memory_space<vmem>>, vector<1x1x16xf32>,
        %mul3A_372 = arith.constant 64 : i32
        %mul3A_373 = arith.muli %add3A_302, %mul3A_372 : i32
        %add3A_374 = arith.constant 48 : i32
        %add3A_375 = arith.addi %mul3A_373, %add3A_374 : i32
        %get3A_376 = arith.constant 0 : i32
        %get3A_377 = arith.index_cast %get3A_376 : i32 to index
        %get3A_378 = arith.index_cast %add3A_302 : i32 to index
        %get3A_379 = arith.constant 48 : index
        %get3A_380 = tpu.vector_load %arg13[%get3A_377, %get3A_378, %get3A_379] {strides = array<i32>} : memref<2x400x64xf32, #tpu.memory_space<vmem>>, vector<1x1x16xf32>,
        %get3A_381 = vector.shape_cast %get3A_380 : vector<1x1x16xf32> to vector<16xf32>
        %get3A_382 = arith.index_cast %add3A_375 : i32 to index
        %get3A_383 = tpu.vector_load %arg10[%get3A_382] {strides = array<i32>} : memref<25600xf32, #tpu.memory_space<vmem>>, vector<16xf32>,
        %get3A_384 = vector.shape_cast %get3A_383 : vector<16xf32> to vector<16xf32>
        %add3A_385 = arith.addf %get3A_381, %get3A_384 : vector<16xf32>
        %mul3A_386 = arith.mulf %gather3A_298, %get3A_66 : vector<16xf32>
        %add3A_387 = arith.addf %add3A_385, %mul3A_386 : vector<16xf32>
        %swap3A_388 = arith.constant 0 : i32
        %swap3A_389 = arith.index_cast %swap3A_388 : i32 to index
        %swap3A_390 = arith.index_cast %add3A_302 : i32 to index
        %swap3A_391 = arith.constant 48 : index
        %swap3A_392 = tpu.vector_load %arg13[%swap3A_389, %swap3A_390, %swap3A_391] {strides = array<i32>} : memref<2x400x64xf32, #tpu.memory_space<vmem>>, vector<1x1x16xf32>,
        %swap3A_393 = vector.shape_cast %swap3A_392 : vector<1x1x16xf32> to vector<16xf32>
        %swap3A_394 = vector.shape_cast %add3A_387 : vector<16xf32> to vector<1x1x16xf32>
        tpu.vector_store %arg13[%swap3A_389, %swap3A_390, %swap3A_391], %swap3A_394 {strides = array<i32>} : memref<2x400x64xf32, #tpu.memory_space<vmem>>, vector<1x1x16xf32>,
        %broadcast_in_dim3A_395 = arith.constant 2 : i32
        %broadcast_in_dim3A_396 = vector.broadcast %broadcast_in_dim3A_395 : i32 to vector<16x1xi32>
        %gather3A_397 = vector.shape_cast %broadcast_in_dim3A_396 : vector<16x1xi32> to vector<16xi32>
        %gather3A_398 = tpu.dynamic_gather %convert_element_type3A_196[%gather3A_397] in [0] : vector<16xf32>, vector<16xi32> -> vector<16xf32>
        %mul3A_399 = arith.constant 16 : i32
        %mul3A_400 = arith.muli %scan3A_187, %mul3A_399 : i32
        %add3A_401 = arith.constant 2 : i32
        %add3A_402 = arith.addi %mul3A_400, %add3A_401 : i32
        %mul3A_403 = arith.constant 64 : i32
        %mul3A_404 = arith.muli %add3A_402, %mul3A_403 : i32
        %add3A_405 = arith.constant 0 : i32
        %add3A_406 = arith.addi %mul3A_404, %add3A_405 : i32
        %get3A_407 = arith.constant 0 : i32
        %get3A_408 = arith.index_cast %get3A_407 : i32 to index
        %get3A_409 = arith.index_cast %add3A_402 : i32 to index
        %get3A_410 = arith.constant 0 : index
        %get3A_411 = tpu.vector_load %arg13[%get3A_408, %get3A_409, %get3A_410] {strides = array<i32>} : memref<2x400x64xf32, #tpu.memory_space<vmem>>, vector<1x1x16xf32>,
        %get3A_412 = vector.shape_cast %get3A_411 : vector<1x1x16xf32> to vector<16xf32>
        %get3A_413 = arith.index_cast %add3A_406 : i32 to index
        %get3A_414 = tpu.vector_load %arg10[%get3A_413] {strides = array<i32>} : memref<25600xf32, #tpu.memory_space<vmem>>, vector<16xf32>,
        %get3A_415 = vector.shape_cast %get3A_414 : vector<16xf32> to vector<16xf32>
        %add3A_416 = arith.addf %get3A_412, %get3A_415 : vector<16xf32>
        %mul3A_417 = arith.mulf %gather3A_398, %get3A_57 : vector<16xf32>
        %add3A_418 = arith.addf %add3A_416, %mul3A_417 : vector<16xf32>
        %swap3A_419 = arith.constant 0 : i32
        %swap3A_420 = arith.index_cast %swap3A_419 : i32 to index
        %swap3A_421 = arith.index_cast %add3A_402 : i32 to index
        %swap3A_422 = arith.constant 0 : index
        %swap3A_423 = tpu.vector_load %arg13[%swap3A_420, %swap3A_421, %swap3A_422] {strides = array<i32>} : memref<2x400x64xf32, #tpu.memory_space<vmem>>, vector<1x1x16xf32>,
        %swap3A_424 = vector.shape_cast %swap3A_423 : vector<1x1x16xf32> to vector<16xf32>
        %swap3A_425 = vector.shape_cast %add3A_418 : vector<16xf32> to vector<1x1x16xf32>
        tpu.vector_store %arg13[%swap3A_420, %swap3A_421, %swap3A_422], %swap3A_425 {strides = array<i32>} : memref<2x400x64xf32, #tpu.memory_space<vmem>>, vector<1x1x16xf32>,
        %mul3A_426 = arith.constant 64 : i32
        %mul3A_427 = arith.muli %add3A_402, %mul3A_426 : i32
        %add3A_428 = arith.constant 16 : i32
        %add3A_429 = arith.addi %mul3A_427, %add3A_428 : i32
        %get3A_430 = arith.constant 0 : i32
        %get3A_431 = arith.index_cast %get3A_430 : i32 to index
        %get3A_432 = arith.index_cast %add3A_402 : i32 to index
        %get3A_433 = arith.constant 16 : index
        %get3A_434 = tpu.vector_load %arg13[%get3A_431, %get3A_432, %get3A_433] {strides = array<i32>} : memref<2x400x64xf32, #tpu.memory_space<vmem>>, vector<1x1x16xf32>,
        %get3A_435 = vector.shape_cast %get3A_434 : vector<1x1x16xf32> to vector<16xf32>
        %get3A_436 = arith.index_cast %add3A_429 : i32 to index
        %get3A_437 = tpu.vector_load %arg10[%get3A_436] {strides = array<i32>} : memref<25600xf32, #tpu.memory_space<vmem>>, vector<16xf32>,
        %get3A_438 = vector.shape_cast %get3A_437 : vector<16xf32> to vector<16xf32>
        %add3A_439 = arith.addf %get3A_435, %get3A_438 : vector<16xf32>
        %mul3A_440 = arith.mulf %gather3A_398, %get3A_60 : vector<16xf32>
        %add3A_441 = arith.addf %add3A_439, %mul3A_440 : vector<16xf32>
        %swap3A_442 = arith.constant 0 : i32
        %swap3A_443 = arith.index_cast %swap3A_442 : i32 to index
        %swap3A_444 = arith.index_cast %add3A_402 : i32 to index
        %swap3A_445 = arith.constant 16 : index
        %swap3A_446 = tpu.vector_load %arg13[%swap3A_443, %swap3A_444, %swap3A_445] {strides = array<i32>} : memref<2x400x64xf32, #tpu.memory_space<vmem>>, vector<1x1x16xf32>,
        %swap3A_447 = vector.shape_cast %swap3A_446 : vector<1x1x16xf32> to vector<16xf32>
        %swap3A_448 = vector.shape_cast %add3A_441 : vector<16xf32> to vector<1x1x16xf32>
        tpu.vector_store %arg13[%swap3A_443, %swap3A_444, %swap3A_445], %swap3A_448 {strides = array<i32>} : memref<2x400x64xf32, #tpu.memory_space<vmem>>, vector<1x1x16xf32>,
        %mul3A_449 = arith.constant 64 : i32
        %mul3A_450 = arith.muli %add3A_402, %mul3A_449 : i32
        %add3A_451 = arith.constant 32 : i32
        %add3A_452 = arith.addi %mul3A_450, %add3A_451 : i32
        %get3A_453 = arith.constant 0 : i32
        %get3A_454 = arith.index_cast %get3A_453 : i32 to index
        %get3A_455 = arith.index_cast %add3A_402 : i32 to index
        %get3A_456 = arith.constant 32 : index
        %get3A_457 = tpu.vector_load %arg13[%get3A_454, %get3A_455, %get3A_456] {strides = array<i32>} : memref<2x400x64xf32, #tpu.memory_space<vmem>>, vector<1x1x16xf32>,
        %get3A_458 = vector.shape_cast %get3A_457 : vector<1x1x16xf32> to vector<16xf32>
        %get3A_459 = arith.index_cast %add3A_452 : i32 to index
        %get3A_460 = tpu.vector_load %arg10[%get3A_459] {strides = array<i32>} : memref<25600xf32, #tpu.memory_space<vmem>>, vector<16xf32>,
        %get3A_461 = vector.shape_cast %get3A_460 : vector<16xf32> to vector<16xf32>
        %add3A_462 = arith.addf %get3A_458, %get3A_461 : vector<16xf32>
        %mul3A_463 = arith.mulf %gather3A_398, %get3A_63 : vector<16xf32>
        %add3A_464 = arith.addf %add3A_462, %mul3A_463 : vector<16xf32>
        %swap3A_465 = arith.constant 0 : i32
        %swap3A_466 = arith.index_cast %swap3A_465 : i32 to index
        %swap3A_467 = arith.index_cast %add3A_402 : i32 to index
        %swap3A_468 = arith.constant 32 : index
        %swap3A_469 = tpu.vector_load %arg13[%swap3A_466, %swap3A_467, %swap3A_468] {strides = array<i32>} : memref<2x400x64xf32, #tpu.memory_space<vmem>>, vector<1x1x16xf32>,
        %swap3A_470 = vector.shape_cast %swap3A_469 : vector<1x1x16xf32> to vector<16xf32>
        %swap3A_471 = vector.shape_cast %add3A_464 : vector<16xf32> to vector<1x1x16xf32>
        tpu.vector_store %arg13[%swap3A_466, %swap3A_467, %swap3A_468], %swap3A_471 {strides = array<i32>} : memref<2x400x64xf32, #tpu.memory_space<vmem>>, vector<1x1x16xf32>,
        %mul3A_472 = arith.constant 64 : i32
        %mul3A_473 = arith.muli %add3A_402, %mul3A_472 : i32
        %add3A_474 = arith.constant 48 : i32
        %add3A_475 = arith.addi %mul3A_473, %add3A_474 : i32
        %get3A_476 = arith.constant 0 : i32
        %get3A_477 = arith.index_cast %get3A_476 : i32 to index
        %get3A_478 = arith.index_cast %add3A_402 : i32 to index
        %get3A_479 = arith.constant 48 : index
        %get3A_480 = tpu.vector_load %arg13[%get3A_477, %get3A_478, %get3A_479] {strides = array<i32>} : memref<2x400x64xf32, #tpu.memory_space<vmem>>, vector<1x1x16xf32>,
        %get3A_481 = vector.shape_cast %get3A_480 : vector<1x1x16xf32> to vector<16xf32>
        %get3A_482 = arith.index_cast %add3A_475 : i32 to index
        %get3A_483 = tpu.vector_load %arg10[%get3A_482] {strides = array<i32>} : memref<25600xf32, #tpu.memory_space<vmem>>, vector<16xf32>,
        %get3A_484 = vector.shape_cast %get3A_483 : vector<16xf32> to vector<16xf32>
        %add3A_485 = arith.addf %get3A_481, %get3A_484 : vector<16xf32>
        %mul3A_486 = arith.mulf %gather3A_398, %get3A_66 : vector<16xf32>
        %add3A_487 = arith.addf %add3A_485, %mul3A_486 : vector<16xf32>
        %swap3A_488 = arith.constant 0 : i32
        %swap3A_489 = arith.index_cast %swap3A_488 : i32 to index
        %swap3A_490 = arith.index_cast %add3A_402 : i32 to index
        %swap3A_491 = arith.constant 48 : index
        %swap3A_492 = tpu.vector_load %arg13[%swap3A_489, %swap3A_490, %swap3A_491] {strides = array<i32>} : memref<2x400x64xf32, #tpu.memory_space<vmem>>, vector<1x1x16xf32>,
        %swap3A_493 = vector.shape_cast %swap3A_492 : vector<1x1x16xf32> to vector<16xf32>
        %swap3A_494 = vector.shape_cast %add3A_487 : vector<16xf32> to vector<1x1x16xf32>
        tpu.vector_store %arg13[%swap3A_489, %swap3A_490, %swap3A_491], %swap3A_494 {strides = array<i32>} : memref<2x400x64xf32, #tpu.memory_space<vmem>>, vector<1x1x16xf32>,
        %broadcast_in_dim3A_495 = arith.constant 3 : i32
        %broadcast_in_dim3A_496 = vector.broadcast %broadcast_in_dim3A_495 : i32 to vector<16x1xi32>
        %gather3A_497 = vector.shape_cast %broadcast_in_dim3A_496 : vector<16x1xi32> to vector<16xi32>
        %gather3A_498 = tpu.dynamic_gather %convert_element_type3A_196[%gather3A_497] in [0] : vector<16xf32>, vector<16xi32> -> vector<16xf32>
        %mul3A_499 = arith.constant 16 : i32
        %mul3A_500 = arith.muli %scan3A_187, %mul3A_499 : i32
        %add3A_501 = arith.constant 3 : i32
        %add3A_502 = arith.addi %mul3A_500, %add3A_501 : i32
        %mul3A_503 = arith.constant 64 : i32
        %mul3A_504 = arith.muli %add3A_502, %mul3A_503 : i32
        %add3A_505 = arith.constant 0 : i32
        %add3A_506 = arith.addi %mul3A_504, %add3A_505 : i32
        %get3A_507 = arith.constant 0 : i32
        %get3A_508 = arith.index_cast %get3A_507 : i32 to index
        %get3A_509 = arith.index_cast %add3A_502 : i32 to index
        %get3A_510 = arith.constant 0 : index
        %get3A_511 = tpu.vector_load %arg13[%get3A_508, %get3A_509, %get3A_510] {strides = array<i32>} : memref<2x400x64xf32, #tpu.memory_space<vmem>>, vector<1x1x16xf32>,
        %get3A_512 = vector.shape_cast %get3A_511 : vector<1x1x16xf32> to vector<16xf32>
        %get3A_513 = arith.index_cast %add3A_506 : i32 to index
        %get3A_514 = tpu.vector_load %arg10[%get3A_513] {strides = array<i32>} : memref<25600xf32, #tpu.memory_space<vmem>>, vector<16xf32>,
        %get3A_515 = vector.shape_cast %get3A_514 : vector<16xf32> to vector<16xf32>
        %add3A_516 = arith.addf %get3A_512, %get3A_515 : vector<16xf32>
        %mul3A_517 = arith.mulf %gather3A_498, %get3A_57 : vector<16xf32>
        %add3A_518 = arith.addf %add3A_516, %mul3A_517 : vector<16xf32>
        %swap3A_519 = arith.constant 0 : i32
        %swap3A_520 = arith.index_cast %swap3A_519 : i32 to index
        %swap3A_521 = arith.index_cast %add3A_502 : i32 to index
        %swap3A_522 = arith.constant 0 : index
        %swap3A_523 = tpu.vector_load %arg13[%swap3A_520, %swap3A_521, %swap3A_522] {strides = array<i32>} : memref<2x400x64xf32, #tpu.memory_space<vmem>>, vector<1x1x16xf32>,
        %swap3A_524 = vector.shape_cast %swap3A_523 : vector<1x1x16xf32> to vector<16xf32>
        %swap3A_525 = vector.shape_cast %add3A_518 : vector<16xf32> to vector<1x1x16xf32>
        tpu.vector_store %arg13[%swap3A_520, %swap3A_521, %swap3A_522], %swap3A_525 {strides = array<i32>} : memref<2x400x64xf32, #tpu.memory_space<vmem>>, vector<1x1x16xf32>,
        %mul3A_526 = arith.constant 64 : i32
        %mul3A_527 = arith.muli %add3A_502, %mul3A_526 : i32
        %add3A_528 = arith.constant 16 : i32
        %add3A_529 = arith.addi %mul3A_527, %add3A_528 : i32
        %get3A_530 = arith.constant 0 : i32
        %get3A_531 = arith.index_cast %get3A_530 : i32 to index
        %get3A_532 = arith.index_cast %add3A_502 : i32 to index
        %get3A_533 = arith.constant 16 : index
        %get3A_534 = tpu.vector_load %arg13[%get3A_531, %get3A_532, %get3A_533] {strides = array<i32>} : memref<2x400x64xf32, #tpu.memory_space<vmem>>, vector<1x1x16xf32>,
        %get3A_535 = vector.shape_cast %get3A_534 : vector<1x1x16xf32> to vector<16xf32>
        %get3A_536 = arith.index_cast %add3A_529 : i32 to index
        %get3A_537 = tpu.vector_load %arg10[%get3A_536] {strides = array<i32>} : memref<25600xf32, #tpu.memory_space<vmem>>, vector<16xf32>,
        %get3A_538 = vector.shape_cast %get3A_537 : vector<16xf32> to vector<16xf32>
        %add3A_539 = arith.addf %get3A_535, %get3A_538 : vector<16xf32>
        %mul3A_540 = arith.mulf %gather3A_498, %get3A_60 : vector<16xf32>
        %add3A_541 = arith.addf %add3A_539, %mul3A_540 : vector<16xf32>
        %swap3A_542 = arith.constant 0 : i32
        %swap3A_543 = arith.index_cast %swap3A_542 : i32 to index
        %swap3A_544 = arith.index_cast %add3A_502 : i32 to index
        %swap3A_545 = arith.constant 16 : index
        %swap3A_546 = tpu.vector_load %arg13[%swap3A_543, %swap3A_544, %swap3A_545] {strides = array<i32>} : memref<2x400x64xf32, #tpu.memory_space<vmem>>, vector<1x1x16xf32>,
        %swap3A_547 = vector.shape_cast %swap3A_546 : vector<1x1x16xf32> to vector<16xf32>
        %swap3A_548 = vector.shape_cast %add3A_541 : vector<16xf32> to vector<1x1x16xf32>
        tpu.vector_store %arg13[%swap3A_543, %swap3A_544, %swap3A_545], %swap3A_548 {strides = array<i32>} : memref<2x400x64xf32, #tpu.memory_space<vmem>>, vector<1x1x16xf32>,
        %mul3A_549 = arith.constant 64 : i32
        %mul3A_550 = arith.muli %add3A_502, %mul3A_549 : i32
        %add3A_551 = arith.constant 32 : i32
        %add3A_552 = arith.addi %mul3A_550, %add3A_551 : i32
        %get3A_553 = arith.constant 0 : i32
        %get3A_554 = arith.index_cast %get3A_553 : i32 to index
        %get3A_555 = arith.index_cast %add3A_502 : i32 to index
        %get3A_556 = arith.constant 32 : index
        %get3A_557 = tpu.vector_load %arg13[%get3A_554, %get3A_555, %get3A_556] {strides = array<i32>} : memref<2x400x64xf32, #tpu.memory_space<vmem>>, vector<1x1x16xf32>,
        %get3A_558 = vector.shape_cast %get3A_557 : vector<1x1x16xf32> to vector<16xf32>
        %get3A_559 = arith.index_cast %add3A_552 : i32 to index
        %get3A_560 = tpu.vector_load %arg10[%get3A_559] {strides = array<i32>} : memref<25600xf32, #tpu.memory_space<vmem>>, vector<16xf32>,
        %get3A_561 = vector.shape_cast %get3A_560 : vector<16xf32> to vector<16xf32>
        %add3A_562 = arith.addf %get3A_558, %get3A_561 : vector<16xf32>
        %mul3A_563 = arith.mulf %gather3A_498, %get3A_63 : vector<16xf32>
        %add3A_564 = arith.addf %add3A_562, %mul3A_563 : vector<16xf32>
        %swap3A_565 = arith.constant 0 : i32
        %swap3A_566 = arith.index_cast %swap3A_565 : i32 to index
        %swap3A_567 = arith.index_cast %add3A_502 : i32 to index
        %swap3A_568 = arith.constant 32 : index
        %swap3A_569 = tpu.vector_load %arg13[%swap3A_566, %swap3A_567, %swap3A_568] {strides = array<i32>} : memref<2x400x64xf32, #tpu.memory_space<vmem>>, vector<1x1x16xf32>,
        %swap3A_570 = vector.shape_cast %swap3A_569 : vector<1x1x16xf32> to vector<16xf32>
        %swap3A_571 = vector.shape_cast %add3A_564 : vector<16xf32> to vector<1x1x16xf32>
        tpu.vector_store %arg13[%swap3A_566, %swap3A_567, %swap3A_568], %swap3A_571 {strides = array<i32>} : memref<2x400x64xf32, #tpu.memory_space<vmem>>, vector<1x1x16xf32>,
        %mul3A_572 = arith.constant 64 : i32
        %mul3A_573 = arith.muli %add3A_502, %mul3A_572 : i32
        %add3A_574 = arith.constant 48 : i32
        %add3A_575 = arith.addi %mul3A_573, %add3A_574 : i32
        %get3A_576 = arith.constant 0 : i32
        %get3A_577 = arith.index_cast %get3A_576 : i32 to index
        %get3A_578 = arith.index_cast %add3A_502 : i32 to index
        %get3A_579 = arith.constant 48 : index
        %get3A_580 = tpu.vector_load %arg13[%get3A_577, %get3A_578, %get3A_579] {strides = array<i32>} : memref<2x400x64xf32, #tpu.memory_space<vmem>>, vector<1x1x16xf32>,
        %get3A_581 = vector.shape_cast %get3A_580 : vector<1x1x16xf32> to vector<16xf32>
        %get3A_582 = arith.index_cast %add3A_575 : i32 to index
        %get3A_583 = tpu.vector_load %arg10[%get3A_582] {strides = array<i32>} : memref<25600xf32, #tpu.memory_space<vmem>>, vector<16xf32>,
        %get3A_584 = vector.shape_cast %get3A_583 : vector<16xf32> to vector<16xf32>
        %add3A_585 = arith.addf %get3A_581, %get3A_584 : vector<16xf32>
        %mul3A_586 = arith.mulf %gather3A_498, %get3A_66 : vector<16xf32>
        %add3A_587 = arith.addf %add3A_585, %mul3A_586 : vector<16xf32>
        %swap3A_588 = arith.constant 0 : i32
        %swap3A_589 = arith.index_cast %swap3A_588 : i32 to index
        %swap3A_590 = arith.index_cast %add3A_502 : i32 to index
        %swap3A_591 = arith.constant 48 : index
        %swap3A_592 = tpu.vector_load %arg13[%swap3A_589, %swap3A_590, %swap3A_591] {strides = array<i32>} : memref<2x400x64xf32, #tpu.memory_space<vmem>>, vector<1x1x16xf32>,
        %swap3A_593 = vector.shape_cast %swap3A_592 : vector<1x1x16xf32> to vector<16xf32>
        %swap3A_594 = vector.shape_cast %add3A_587 : vector<16xf32> to vector<1x1x16xf32>
        tpu.vector_store %arg13[%swap3A_589, %swap3A_590, %swap3A_591], %swap3A_594 {strides = array<i32>} : memref<2x400x64xf32, #tpu.memory_space<vmem>>, vector<1x1x16xf32>,
        %broadcast_in_dim3A_595 = arith.constant 4 : i32
        %broadcast_in_dim3A_596 = vector.broadcast %broadcast_in_dim3A_595 : i32 to vector<16x1xi32>
        %gather3A_597 = vector.shape_cast %broadcast_in_dim3A_596 : vector<16x1xi32> to vector<16xi32>
        %gather3A_598 = tpu.dynamic_gather %convert_element_type3A_196[%gather3A_597] in [0] : vector<16xf32>, vector<16xi32> -> vector<16xf32>
        %mul3A_599 = arith.constant 16 : i32
        %mul3A_600 = arith.muli %scan3A_187, %mul3A_599 : i32
        %add3A_601 = arith.constant 4 : i32
        %add3A_602 = arith.addi %mul3A_600, %add3A_601 : i32
        %mul3A_603 = arith.constant 64 : i32
        %mul3A_604 = arith.muli %add3A_602, %mul3A_603 : i32
        %add3A_605 = arith.constant 0 : i32
        %add3A_606 = arith.addi %mul3A_604, %add3A_605 : i32
        %get3A_607 = arith.constant 0 : i32
        %get3A_608 = arith.index_cast %get3A_607 : i32 to index
        %get3A_609 = arith.index_cast %add3A_602 : i32 to index
        %get3A_610 = arith.constant 0 : index
        %get3A_611 = tpu.vector_load %arg13[%get3A_608, %get3A_609, %get3A_610] {strides = array<i32>} : memref<2x400x64xf32, #tpu.memory_space<vmem>>, vector<1x1x16xf32>,
        %get3A_612 = vector.shape_cast %get3A_611 : vector<1x1x16xf32> to vector<16xf32>
        %get3A_613 = arith.index_cast %add3A_606 : i32 to index
        %get3A_614 = tpu.vector_load %arg10[%get3A_613] {strides = array<i32>} : memref<25600xf32, #tpu.memory_space<vmem>>, vector<16xf32>,
        %get3A_615 = vector.shape_cast %get3A_614 : vector<16xf32> to vector<16xf32>
        %add3A_616 = arith.addf %get3A_612, %get3A_615 : vector<16xf32>
        %mul3A_617 = arith.mulf %gather3A_598, %get3A_57 : vector<16xf32>
        %add3A_618 = arith.addf %add3A_616, %mul3A_617 : vector<16xf32>
        %swap3A_619 = arith.constant 0 : i32
        %swap3A_620 = arith.index_cast %swap3A_619 : i32 to index
        %swap3A_621 = arith.index_cast %add3A_602 : i32 to index
        %swap3A_622 = arith.constant 0 : index
        %swap3A_623 = tpu.vector_load %arg13[%swap3A_620, %swap3A_621, %swap3A_622] {strides = array<i32>} : memref<2x400x64xf32, #tpu.memory_space<vmem>>, vector<1x1x16xf32>,
        %swap3A_624 = vector.shape_cast %swap3A_623 : vector<1x1x16xf32> to vector<16xf32>
        %swap3A_625 = vector.shape_cast %add3A_618 : vector<16xf32> to vector<1x1x16xf32>
        tpu.vector_store %arg13[%swap3A_620, %swap3A_621, %swap3A_622], %swap3A_625 {strides = array<i32>} : memref<2x400x64xf32, #tpu.memory_space<vmem>>, vector<1x1x16xf32>,
        %mul3A_626 = arith.constant 64 : i32
        %mul3A_627 = arith.muli %add3A_602, %mul3A_626 : i32
        %add3A_628 = arith.constant 16 : i32
        %add3A_629 = arith.addi %mul3A_627, %add3A_628 : i32
        %get3A_630 = arith.constant 0 : i32
        %get3A_631 = arith.index_cast %get3A_630 : i32 to index
        %get3A_632 = arith.index_cast %add3A_602 : i32 to index
        %get3A_633 = arith.constant 16 : index
        %get3A_634 = tpu.vector_load %arg13[%get3A_631, %get3A_632, %get3A_633] {strides = array<i32>} : memref<2x400x64xf32, #tpu.memory_space<vmem>>, vector<1x1x16xf32>,
        %get3A_635 = vector.shape_cast %get3A_634 : vector<1x1x16xf32> to vector<16xf32>
        %get3A_636 = arith.index_cast %add3A_629 : i32 to index
        %get3A_637 = tpu.vector_load %arg10[%get3A_636] {strides = array<i32>} : memref<25600xf32, #tpu.memory_space<vmem>>, vector<16xf32>,
        %get3A_638 = vector.shape_cast %get3A_637 : vector<16xf32> to vector<16xf32>
        %add3A_639 = arith.addf %get3A_635, %get3A_638 : vector<16xf32>
        %mul3A_640 = arith.mulf %gather3A_598, %get3A_60 : vector<16xf32>
        %add3A_641 = arith.addf %add3A_639, %mul3A_640 : vector<16xf32>
        %swap3A_642 = arith.constant 0 : i32
        %swap3A_643 = arith.index_cast %swap3A_642 : i32 to index
        %swap3A_644 = arith.index_cast %add3A_602 : i32 to index
        %swap3A_645 = arith.constant 16 : index
        %swap3A_646 = tpu.vector_load %arg13[%swap3A_643, %swap3A_644, %swap3A_645] {strides = array<i32>} : memref<2x400x64xf32, #tpu.memory_space<vmem>>, vector<1x1x16xf32>,
        %swap3A_647 = vector.shape_cast %swap3A_646 : vector<1x1x16xf32> to vector<16xf32>
        %swap3A_648 = vector.shape_cast %add3A_641 : vector<16xf32> to vector<1x1x16xf32>
        tpu.vector_store %arg13[%swap3A_643, %swap3A_644, %swap3A_645], %swap3A_648 {strides = array<i32>} : memref<2x400x64xf32, #tpu.memory_space<vmem>>, vector<1x1x16xf32>,
        %mul3A_649 = arith.constant 64 : i32
        %mul3A_650 = arith.muli %add3A_602, %mul3A_649 : i32
        %add3A_651 = arith.constant 32 : i32
        %add3A_652 = arith.addi %mul3A_650, %add3A_651 : i32
        %get3A_653 = arith.constant 0 : i32
        %get3A_654 = arith.index_cast %get3A_653 : i32 to index
        %get3A_655 = arith.index_cast %add3A_602 : i32 to index
        %get3A_656 = arith.constant 32 : index
        %get3A_657 = tpu.vector_load %arg13[%get3A_654, %get3A_655, %get3A_656] {strides = array<i32>} : memref<2x400x64xf32, #tpu.memory_space<vmem>>, vector<1x1x16xf32>,
        %get3A_658 = vector.shape_cast %get3A_657 : vector<1x1x16xf32> to vector<16xf32>
        %get3A_659 = arith.index_cast %add3A_652 : i32 to index
        %get3A_660 = tpu.vector_load %arg10[%get3A_659] {strides = array<i32>} : memref<25600xf32, #tpu.memory_space<vmem>>, vector<16xf32>,
        %get3A_661 = vector.shape_cast %get3A_660 : vector<16xf32> to vector<16xf32>
        %add3A_662 = arith.addf %get3A_658, %get3A_661 : vector<16xf32>
        %mul3A_663 = arith.mulf %gather3A_598, %get3A_63 : vector<16xf32>
        %add3A_664 = arith.addf %add3A_662, %mul3A_663 : vector<16xf32>
        %swap3A_665 = arith.constant 0 : i32
        %swap3A_666 = arith.index_cast %swap3A_665 : i32 to index
        %swap3A_667 = arith.index_cast %add3A_602 : i32 to index
        %swap3A_668 = arith.constant 32 : index
        %swap3A_669 = tpu.vector_load %arg13[%swap3A_666, %swap3A_667, %swap3A_668] {strides = array<i32>} : memref<2x400x64xf32, #tpu.memory_space<vmem>>, vector<1x1x16xf32>,
        %swap3A_670 = vector.shape_cast %swap3A_669 : vector<1x1x16xf32> to vector<16xf32>
        %swap3A_671 = vector.shape_cast %add3A_664 : vector<16xf32> to vector<1x1x16xf32>
        tpu.vector_store %arg13[%swap3A_666, %swap3A_667, %swap3A_668], %swap3A_671 {strides = array<i32>} : memref<2x400x64xf32, #tpu.memory_space<vmem>>, vector<1x1x16xf32>,
        %mul3A_672 = arith.constant 64 : i32
        %mul3A_673 = arith.muli %add3A_602, %mul3A_672 : i32
        %add3A_674 = arith.constant 48 : i32
        %add3A_675 = arith.addi %mul3A_673, %add3A_674 : i32
        %get3A_676 = arith.constant 0 : i32
        %get3A_677 = arith.index_cast %get3A_676 : i32 to index
        %get3A_678 = arith.index_cast %add3A_602 : i32 to index
        %get3A_679 = arith.constant 48 : index
        %get3A_680 = tpu.vector_load %arg13[%get3A_677, %get3A_678, %get3A_679] {strides = array<i32>} : memref<2x400x64xf32, #tpu.memory_space<vmem>>, vector<1x1x16xf32>,
        %get3A_681 = vector.shape_cast %get3A_680 : vector<1x1x16xf32> to vector<16xf32>
        %get3A_682 = arith.index_cast %add3A_675 : i32 to index
        %get3A_683 = tpu.vector_load %arg10[%get3A_682] {strides = array<i32>} : memref<25600xf32, #tpu.memory_space<vmem>>, vector<16xf32>,
        %get3A_684 = vector.shape_cast %get3A_683 : vector<16xf32> to vector<16xf32>
        %add3A_685 = arith.addf %get3A_681, %get3A_684 : vector<16xf32>
        %mul3A_686 = arith.mulf %gather3A_598, %get3A_66 : vector<16xf32>
        %add3A_687 = arith.addf %add3A_685, %mul3A_686 : vector<16xf32>
        %swap3A_688 = arith.constant 0 : i32
        %swap3A_689 = arith.index_cast %swap3A_688 : i32 to index
        %swap3A_690 = arith.index_cast %add3A_602 : i32 to index
        %swap3A_691 = arith.constant 48 : index
        %swap3A_692 = tpu.vector_load %arg13[%swap3A_689, %swap3A_690, %swap3A_691] {strides = array<i32>} : memref<2x400x64xf32, #tpu.memory_space<vmem>>, vector<1x1x16xf32>,
        %swap3A_693 = vector.shape_cast %swap3A_692 : vector<1x1x16xf32> to vector<16xf32>
        %swap3A_694 = vector.shape_cast %add3A_687 : vector<16xf32> to vector<1x1x16xf32>
        tpu.vector_store %arg13[%swap3A_689, %swap3A_690, %swap3A_691], %swap3A_694 {strides = array<i32>} : memref<2x400x64xf32, #tpu.memory_space<vmem>>, vector<1x1x16xf32>,
        %broadcast_in_dim3A_695 = arith.constant 5 : i32
        %broadcast_in_dim3A_696 = vector.broadcast %broadcast_in_dim3A_695 : i32 to vector<16x1xi32>
        %gather3A_697 = vector.shape_cast %broadcast_in_dim3A_696 : vector<16x1xi32> to vector<16xi32>
        %gather3A_698 = tpu.dynamic_gather %convert_element_type3A_196[%gather3A_697] in [0] : vector<16xf32>, vector<16xi32> -> vector<16xf32>
        %mul3A_699 = arith.constant 16 : i32
        %mul3A_700 = arith.muli %scan3A_187, %mul3A_699 : i32
        %add3A_701 = arith.constant 5 : i32
        %add3A_702 = arith.addi %mul3A_700, %add3A_701 : i32
        %mul3A_703 = arith.constant 64 : i32
        %mul3A_704 = arith.muli %add3A_702, %mul3A_703 : i32
        %add3A_705 = arith.constant 0 : i32
        %add3A_706 = arith.addi %mul3A_704, %add3A_705 : i32
        %get3A_707 = arith.constant 0 : i32
        %get3A_708 = arith.index_cast %get3A_707 : i32 to index
        %get3A_709 = arith.index_cast %add3A_702 : i32 to index
        %get3A_710 = arith.constant 0 : index
        %get3A_711 = tpu.vector_load %arg13[%get3A_708, %get3A_709, %get3A_710] {strides = array<i32>} : memref<2x400x64xf32, #tpu.memory_space<vmem>>, vector<1x1x16xf32>,
        %get3A_712 = vector.shape_cast %get3A_711 : vector<1x1x16xf32> to vector<16xf32>
        %get3A_713 = arith.index_cast %add3A_706 : i32 to index
        %get3A_714 = tpu.vector_load %arg10[%get3A_713] {strides = array<i32>} : memref<25600xf32, #tpu.memory_space<vmem>>, vector<16xf32>,
        %get3A_715 = vector.shape_cast %get3A_714 : vector<16xf32> to vector<16xf32>
        %add3A_716 = arith.addf %get3A_712, %get3A_715 : vector<16xf32>
        %mul3A_717 = arith.mulf %gather3A_698, %get3A_57 : vector<16xf32>
        %add3A_718 = arith.addf %add3A_716, %mul3A_717 : vector<16xf32>
        %swap3A_719 = arith.constant 0 : i32
        %swap3A_720 = arith.index_cast %swap3A_719 : i32 to index
        %swap3A_721 = arith.index_cast %add3A_702 : i32 to index
        %swap3A_722 = arith.constant 0 : index
        %swap3A_723 = tpu.vector_load %arg13[%swap3A_720, %swap3A_721, %swap3A_722] {strides = array<i32>} : memref<2x400x64xf32, #tpu.memory_space<vmem>>, vector<1x1x16xf32>,
        %swap3A_724 = vector.shape_cast %swap3A_723 : vector<1x1x16xf32> to vector<16xf32>
        %swap3A_725 = vector.shape_cast %add3A_718 : vector<16xf32> to vector<1x1x16xf32>
        tpu.vector_store %arg13[%swap3A_720, %swap3A_721, %swap3A_722], %swap3A_725 {strides = array<i32>} : memref<2x400x64xf32, #tpu.memory_space<vmem>>, vector<1x1x16xf32>,
        %mul3A_726 = arith.constant 64 : i32
        %mul3A_727 = arith.muli %add3A_702, %mul3A_726 : i32
        %add3A_728 = arith.constant 16 : i32
        %add3A_729 = arith.addi %mul3A_727, %add3A_728 : i32
        %get3A_730 = arith.constant 0 : i32
        %get3A_731 = arith.index_cast %get3A_730 : i32 to index
        %get3A_732 = arith.index_cast %add3A_702 : i32 to index
        %get3A_733 = arith.constant 16 : index
        %get3A_734 = tpu.vector_load %arg13[%get3A_731, %get3A_732, %get3A_733] {strides = array<i32>} : memref<2x400x64xf32, #tpu.memory_space<vmem>>, vector<1x1x16xf32>,
        %get3A_735 = vector.shape_cast %get3A_734 : vector<1x1x16xf32> to vector<16xf32>
        %get3A_736 = arith.index_cast %add3A_729 : i32 to index
        %get3A_737 = tpu.vector_load %arg10[%get3A_736] {strides = array<i32>} : memref<25600xf32, #tpu.memory_space<vmem>>, vector<16xf32>,
        %get3A_738 = vector.shape_cast %get3A_737 : vector<16xf32> to vector<16xf32>
        %add3A_739 = arith.addf %get3A_735, %get3A_738 : vector<16xf32>
        %mul3A_740 = arith.mulf %gather3A_698, %get3A_60 : vector<16xf32>
        %add3A_741 = arith.addf %add3A_739, %mul3A_740 : vector<16xf32>
        %swap3A_742 = arith.constant 0 : i32
        %swap3A_743 = arith.index_cast %swap3A_742 : i32 to index
        %swap3A_744 = arith.index_cast %add3A_702 : i32 to index
        %swap3A_745 = arith.constant 16 : index
        %swap3A_746 = tpu.vector_load %arg13[%swap3A_743, %swap3A_744, %swap3A_745] {strides = array<i32>} : memref<2x400x64xf32, #tpu.memory_space<vmem>>, vector<1x1x16xf32>,
        %swap3A_747 = vector.shape_cast %swap3A_746 : vector<1x1x16xf32> to vector<16xf32>
        %swap3A_748 = vector.shape_cast %add3A_741 : vector<16xf32> to vector<1x1x16xf32>
        tpu.vector_store %arg13[%swap3A_743, %swap3A_744, %swap3A_745], %swap3A_748 {strides = array<i32>} : memref<2x400x64xf32, #tpu.memory_space<vmem>>, vector<1x1x16xf32>,
        %mul3A_749 = arith.constant 64 : i32
        %mul3A_750 = arith.muli %add3A_702, %mul3A_749 : i32
        %add3A_751 = arith.constant 32 : i32
        %add3A_752 = arith.addi %mul3A_750, %add3A_751 : i32
        %get3A_753 = arith.constant 0 : i32
        %get3A_754 = arith.index_cast %get3A_753 : i32 to index
        %get3A_755 = arith.index_cast %add3A_702 : i32 to index
        %get3A_756 = arith.constant 32 : index
        %get3A_757 = tpu.vector_load %arg13[%get3A_754, %get3A_755, %get3A_756] {strides = array<i32>} : memref<2x400x64xf32, #tpu.memory_space<vmem>>, vector<1x1x16xf32>,
        %get3A_758 = vector.shape_cast %get3A_757 : vector<1x1x16xf32> to vector<16xf32>
        %get3A_759 = arith.index_cast %add3A_752 : i32 to index
        %get3A_760 = tpu.vector_load %arg10[%get3A_759] {strides = array<i32>} : memref<25600xf32, #tpu.memory_space<vmem>>, vector<16xf32>,
        %get3A_761 = vector.shape_cast %get3A_760 : vector<16xf32> to vector<16xf32>
        %add3A_762 = arith.addf %get3A_758, %get3A_761 : vector<16xf32>
        %mul3A_763 = arith.mulf %gather3A_698, %get3A_63 : vector<16xf32>
        %add3A_764 = arith.addf %add3A_762, %mul3A_763 : vector<16xf32>
        %swap3A_765 = arith.constant 0 : i32
        %swap3A_766 = arith.index_cast %swap3A_765 : i32 to index
        %swap3A_767 = arith.index_cast %add3A_702 : i32 to index
        %swap3A_768 = arith.constant 32 : index
        %swap3A_769 = tpu.vector_load %arg13[%swap3A_766, %swap3A_767, %swap3A_768] {strides = array<i32>} : memref<2x400x64xf32, #tpu.memory_space<vmem>>, vector<1x1x16xf32>,
        %swap3A_770 = vector.shape_cast %swap3A_769 : vector<1x1x16xf32> to vector<16xf32>
        %swap3A_771 = vector.shape_cast %add3A_764 : vector<16xf32> to vector<1x1x16xf32>
        tpu.vector_store %arg13[%swap3A_766, %swap3A_767, %swap3A_768], %swap3A_771 {strides = array<i32>} : memref<2x400x64xf32, #tpu.memory_space<vmem>>, vector<1x1x16xf32>,
        %mul3A_772 = arith.constant 64 : i32
        %mul3A_773 = arith.muli %add3A_702, %mul3A_772 : i32
        %add3A_774 = arith.constant 48 : i32
        %add3A_775 = arith.addi %mul3A_773, %add3A_774 : i32
        %get3A_776 = arith.constant 0 : i32
        %get3A_777 = arith.index_cast %get3A_776 : i32 to index
        %get3A_778 = arith.index_cast %add3A_702 : i32 to index
        %get3A_779 = arith.constant 48 : index
        %get3A_780 = tpu.vector_load %arg13[%get3A_777, %get3A_778, %get3A_779] {strides = array<i32>} : memref<2x400x64xf32, #tpu.memory_space<vmem>>, vector<1x1x16xf32>,
        %get3A_781 = vector.shape_cast %get3A_780 : vector<1x1x16xf32> to vector<16xf32>
        %get3A_782 = arith.index_cast %add3A_775 : i32 to index
        %get3A_783 = tpu.vector_load %arg10[%get3A_782] {strides = array<i32>} : memref<25600xf32, #tpu.memory_space<vmem>>, vector<16xf32>,
        %get3A_784 = vector.shape_cast %get3A_783 : vector<16xf32> to vector<16xf32>
        %add3A_785 = arith.addf %get3A_781, %get3A_784 : vector<16xf32>
        %mul3A_786 = arith.mulf %gather3A_698, %get3A_66 : vector<16xf32>
        %add3A_787 = arith.addf %add3A_785, %mul3A_786 : vector<16xf32>
        %swap3A_788 = arith.constant 0 : i32
        %swap3A_789 = arith.index_cast %swap3A_788 : i32 to index
        %swap3A_790 = arith.index_cast %add3A_702 : i32 to index
        %swap3A_791 = arith.constant 48 : index
        %swap3A_792 = tpu.vector_load %arg13[%swap3A_789, %swap3A_790, %swap3A_791] {strides = array<i32>} : memref<2x400x64xf32, #tpu.memory_space<vmem>>, vector<1x1x16xf32>,
        %swap3A_793 = vector.shape_cast %swap3A_792 : vector<1x1x16xf32> to vector<16xf32>
        %swap3A_794 = vector.shape_cast %add3A_787 : vector<16xf32> to vector<1x1x16xf32>
        tpu.vector_store %arg13[%swap3A_789, %swap3A_790, %swap3A_791], %swap3A_794 {strides = array<i32>} : memref<2x400x64xf32, #tpu.memory_space<vmem>>, vector<1x1x16xf32>,
        %broadcast_in_dim3A_795 = arith.constant 6 : i32
        %broadcast_in_dim3A_796 = vector.broadcast %broadcast_in_dim3A_795 : i32 to vector<16x1xi32>
        %gather3A_797 = vector.shape_cast %broadcast_in_dim3A_796 : vector<16x1xi32> to vector<16xi32>
        %gather3A_798 = tpu.dynamic_gather %convert_element_type3A_196[%gather3A_797] in [0] : vector<16xf32>, vector<16xi32> -> vector<16xf32>
        %mul3A_799 = arith.constant 16 : i32
        %mul3A_800 = arith.muli %scan3A_187, %mul3A_799 : i32
        %add3A_801 = arith.constant 6 : i32
        %add3A_802 = arith.addi %mul3A_800, %add3A_801 : i32
        %mul3A_803 = arith.constant 64 : i32
        %mul3A_804 = arith.muli %add3A_802, %mul3A_803 : i32
        %add3A_805 = arith.constant 0 : i32
        %add3A_806 = arith.addi %mul3A_804, %add3A_805 : i32
        %get3A_807 = arith.constant 0 : i32
        %get3A_808 = arith.index_cast %get3A_807 : i32 to index
        %get3A_809 = arith.index_cast %add3A_802 : i32 to index
        %get3A_810 = arith.constant 0 : index
        %get3A_811 = tpu.vector_load %arg13[%get3A_808, %get3A_809, %get3A_810] {strides = array<i32>} : memref<2x400x64xf32, #tpu.memory_space<vmem>>, vector<1x1x16xf32>,
        %get3A_812 = vector.shape_cast %get3A_811 : vector<1x1x16xf32> to vector<16xf32>
        %get3A_813 = arith.index_cast %add3A_806 : i32 to index
        %get3A_814 = tpu.vector_load %arg10[%get3A_813] {strides = array<i32>} : memref<25600xf32, #tpu.memory_space<vmem>>, vector<16xf32>,
        %get3A_815 = vector.shape_cast %get3A_814 : vector<16xf32> to vector<16xf32>
        %add3A_816 = arith.addf %get3A_812, %get3A_815 : vector<16xf32>
        %mul3A_817 = arith.mulf %gather3A_798, %get3A_57 : vector<16xf32>
        %add3A_818 = arith.addf %add3A_816, %mul3A_817 : vector<16xf32>
        %swap3A_819 = arith.constant 0 : i32
        %swap3A_820 = arith.index_cast %swap3A_819 : i32 to index
        %swap3A_821 = arith.index_cast %add3A_802 : i32 to index
        %swap3A_822 = arith.constant 0 : index
        %swap3A_823 = tpu.vector_load %arg13[%swap3A_820, %swap3A_821, %swap3A_822] {strides = array<i32>} : memref<2x400x64xf32, #tpu.memory_space<vmem>>, vector<1x1x16xf32>,
        %swap3A_824 = vector.shape_cast %swap3A_823 : vector<1x1x16xf32> to vector<16xf32>
        %swap3A_825 = vector.shape_cast %add3A_818 : vector<16xf32> to vector<1x1x16xf32>
        tpu.vector_store %arg13[%swap3A_820, %swap3A_821, %swap3A_822], %swap3A_825 {strides = array<i32>} : memref<2x400x64xf32, #tpu.memory_space<vmem>>, vector<1x1x16xf32>,
        %mul3A_826 = arith.constant 64 : i32
        %mul3A_827 = arith.muli %add3A_802, %mul3A_826 : i32
        %add3A_828 = arith.constant 16 : i32
        %add3A_829 = arith.addi %mul3A_827, %add3A_828 : i32
        %get3A_830 = arith.constant 0 : i32
        %get3A_831 = arith.index_cast %get3A_830 : i32 to index
        %get3A_832 = arith.index_cast %add3A_802 : i32 to index
        %get3A_833 = arith.constant 16 : index
        %get3A_834 = tpu.vector_load %arg13[%get3A_831, %get3A_832, %get3A_833] {strides = array<i32>} : memref<2x400x64xf32, #tpu.memory_space<vmem>>, vector<1x1x16xf32>,
        %get3A_835 = vector.shape_cast %get3A_834 : vector<1x1x16xf32> to vector<16xf32>
        %get3A_836 = arith.index_cast %add3A_829 : i32 to index
        %get3A_837 = tpu.vector_load %arg10[%get3A_836] {strides = array<i32>} : memref<25600xf32, #tpu.memory_space<vmem>>, vector<16xf32>,
        %get3A_838 = vector.shape_cast %get3A_837 : vector<16xf32> to vector<16xf32>
        %add3A_839 = arith.addf %get3A_835, %get3A_838 : vector<16xf32>
        %mul3A_840 = arith.mulf %gather3A_798, %get3A_60 : vector<16xf32>
        %add3A_841 = arith.addf %add3A_839, %mul3A_840 : vector<16xf32>
        %swap3A_842 = arith.constant 0 : i32
        %swap3A_843 = arith.index_cast %swap3A_842 : i32 to index
        %swap3A_844 = arith.index_cast %add3A_802 : i32 to index
        %swap3A_845 = arith.constant 16 : index
        %swap3A_846 = tpu.vector_load %arg13[%swap3A_843, %swap3A_844, %swap3A_845] {strides = array<i32>} : memref<2x400x64xf32, #tpu.memory_space<vmem>>, vector<1x1x16xf32>,
        %swap3A_847 = vector.shape_cast %swap3A_846 : vector<1x1x16xf32> to vector<16xf32>
        %swap3A_848 = vector.shape_cast %add3A_841 : vector<16xf32> to vector<1x1x16xf32>
        tpu.vector_store %arg13[%swap3A_843, %swap3A_844, %swap3A_845], %swap3A_848 {strides = array<i32>} : memref<2x400x64xf32, #tpu.memory_space<vmem>>, vector<1x1x16xf32>,
        %mul3A_849 = arith.constant 64 : i32
        %mul3A_850 = arith.muli %add3A_802, %mul3A_849 : i32
        %add3A_851 = arith.constant 32 : i32
        %add3A_852 = arith.addi %mul3A_850, %add3A_851 : i32
        %get3A_853 = arith.constant 0 : i32
        %get3A_854 = arith.index_cast %get3A_853 : i32 to index
        %get3A_855 = arith.index_cast %add3A_802 : i32 to index
        %get3A_856 = arith.constant 32 : index
        %get3A_857 = tpu.vector_load %arg13[%get3A_854, %get3A_855, %get3A_856] {strides = array<i32>} : memref<2x400x64xf32, #tpu.memory_space<vmem>>, vector<1x1x16xf32>,
        %get3A_858 = vector.shape_cast %get3A_857 : vector<1x1x16xf32> to vector<16xf32>
        %get3A_859 = arith.index_cast %add3A_852 : i32 to index
        %get3A_860 = tpu.vector_load %arg10[%get3A_859] {strides = array<i32>} : memref<25600xf32, #tpu.memory_space<vmem>>, vector<16xf32>,
        %get3A_861 = vector.shape_cast %get3A_860 : vector<16xf32> to vector<16xf32>
        %add3A_862 = arith.addf %get3A_858, %get3A_861 : vector<16xf32>
        %mul3A_863 = arith.mulf %gather3A_798, %get3A_63 : vector<16xf32>
        %add3A_864 = arith.addf %add3A_862, %mul3A_863 : vector<16xf32>
        %swap3A_865 = arith.constant 0 : i32
        %swap3A_866 = arith.index_cast %swap3A_865 : i32 to index
        %swap3A_867 = arith.index_cast %add3A_802 : i32 to index
        %swap3A_868 = arith.constant 32 : index
        %swap3A_869 = tpu.vector_load %arg13[%swap3A_866, %swap3A_867, %swap3A_868] {strides = array<i32>} : memref<2x400x64xf32, #tpu.memory_space<vmem>>, vector<1x1x16xf32>,
        %swap3A_870 = vector.shape_cast %swap3A_869 : vector<1x1x16xf32> to vector<16xf32>
        %swap3A_871 = vector.shape_cast %add3A_864 : vector<16xf32> to vector<1x1x16xf32>
        tpu.vector_store %arg13[%swap3A_866, %swap3A_867, %swap3A_868], %swap3A_871 {strides = array<i32>} : memref<2x400x64xf32, #tpu.memory_space<vmem>>, vector<1x1x16xf32>,
        %mul3A_872 = arith.constant 64 : i32
        %mul3A_873 = arith.muli %add3A_802, %mul3A_872 : i32
        %add3A_874 = arith.constant 48 : i32
        %add3A_875 = arith.addi %mul3A_873, %add3A_874 : i32
        %get3A_876 = arith.constant 0 : i32
        %get3A_877 = arith.index_cast %get3A_876 : i32 to index
        %get3A_878 = arith.index_cast %add3A_802 : i32 to index
        %get3A_879 = arith.constant 48 : index
        %get3A_880 = tpu.vector_load %arg13[%get3A_877, %get3A_878, %get3A_879] {strides = array<i32>} : memref<2x400x64xf32, #tpu.memory_space<vmem>>, vector<1x1x16xf32>,
        %get3A_881 = vector.shape_cast %get3A_880 : vector<1x1x16xf32> to vector<16xf32>
        %get3A_882 = arith.index_cast %add3A_875 : i32 to index
        %get3A_883 = tpu.vector_load %arg10[%get3A_882] {strides = array<i32>} : memref<25600xf32, #tpu.memory_space<vmem>>, vector<16xf32>,
        %get3A_884 = vector.shape_cast %get3A_883 : vector<16xf32> to vector<16xf32>
        %add3A_885 = arith.addf %get3A_881, %get3A_884 : vector<16xf32>
        %mul3A_886 = arith.mulf %gather3A_798, %get3A_66 : vector<16xf32>
        %add3A_887 = arith.addf %add3A_885, %mul3A_886 : vector<16xf32>
        %swap3A_888 = arith.constant 0 : i32
        %swap3A_889 = arith.index_cast %swap3A_888 : i32 to index
        %swap3A_890 = arith.index_cast %add3A_802 : i32 to index
        %swap3A_891 = arith.constant 48 : index
        %swap3A_892 = tpu.vector_load %arg13[%swap3A_889, %swap3A_890, %swap3A_891] {strides = array<i32>} : memref<2x400x64xf32, #tpu.memory_space<vmem>>, vector<1x1x16xf32>,
        %swap3A_893 = vector.shape_cast %swap3A_892 : vector<1x1x16xf32> to vector<16xf32>
        %swap3A_894 = vector.shape_cast %add3A_887 : vector<16xf32> to vector<1x1x16xf32>
        tpu.vector_store %arg13[%swap3A_889, %swap3A_890, %swap3A_891], %swap3A_894 {strides = array<i32>} : memref<2x400x64xf32, #tpu.memory_space<vmem>>, vector<1x1x16xf32>,
        %broadcast_in_dim3A_895 = arith.constant 7 : i32
        %broadcast_in_dim3A_896 = vector.broadcast %broadcast_in_dim3A_895 : i32 to vector<16x1xi32>
        %gather3A_897 = vector.shape_cast %broadcast_in_dim3A_896 : vector<16x1xi32> to vector<16xi32>
        %gather3A_898 = tpu.dynamic_gather %convert_element_type3A_196[%gather3A_897] in [0] : vector<16xf32>, vector<16xi32> -> vector<16xf32>
        %mul3A_899 = arith.constant 16 : i32
        %mul3A_900 = arith.muli %scan3A_187, %mul3A_899 : i32
        %add3A_901 = arith.constant 7 : i32
        %add3A_902 = arith.addi %mul3A_900, %add3A_901 : i32
        %mul3A_903 = arith.constant 64 : i32
        %mul3A_904 = arith.muli %add3A_902, %mul3A_903 : i32
        %add3A_905 = arith.constant 0 : i32
        %add3A_906 = arith.addi %mul3A_904, %add3A_905 : i32
        %get3A_907 = arith.constant 0 : i32
        %get3A_908 = arith.index_cast %get3A_907 : i32 to index
        %get3A_909 = arith.index_cast %add3A_902 : i32 to index
        %get3A_910 = arith.constant 0 : index
        %get3A_911 = tpu.vector_load %arg13[%get3A_908, %get3A_909, %get3A_910] {strides = array<i32>} : memref<2x400x64xf32, #tpu.memory_space<vmem>>, vector<1x1x16xf32>,
        %get3A_912 = vector.shape_cast %get3A_911 : vector<1x1x16xf32> to vector<16xf32>
        %get3A_913 = arith.index_cast %add3A_906 : i32 to index
        %get3A_914 = tpu.vector_load %arg10[%get3A_913] {strides = array<i32>} : memref<25600xf32, #tpu.memory_space<vmem>>, vector<16xf32>,
        %get3A_915 = vector.shape_cast %get3A_914 : vector<16xf32> to vector<16xf32>
        %add3A_916 = arith.addf %get3A_912, %get3A_915 : vector<16xf32>
        %mul3A_917 = arith.mulf %gather3A_898, %get3A_57 : vector<16xf32>
        %add3A_918 = arith.addf %add3A_916, %mul3A_917 : vector<16xf32>
        %swap3A_919 = arith.constant 0 : i32
        %swap3A_920 = arith.index_cast %swap3A_919 : i32 to index
        %swap3A_921 = arith.index_cast %add3A_902 : i32 to index
        %swap3A_922 = arith.constant 0 : index
        %swap3A_923 = tpu.vector_load %arg13[%swap3A_920, %swap3A_921, %swap3A_922] {strides = array<i32>} : memref<2x400x64xf32, #tpu.memory_space<vmem>>, vector<1x1x16xf32>,
        %swap3A_924 = vector.shape_cast %swap3A_923 : vector<1x1x16xf32> to vector<16xf32>
        %swap3A_925 = vector.shape_cast %add3A_918 : vector<16xf32> to vector<1x1x16xf32>
        tpu.vector_store %arg13[%swap3A_920, %swap3A_921, %swap3A_922], %swap3A_925 {strides = array<i32>} : memref<2x400x64xf32, #tpu.memory_space<vmem>>, vector<1x1x16xf32>,
        %mul3A_926 = arith.constant 64 : i32
        %mul3A_927 = arith.muli %add3A_902, %mul3A_926 : i32
        %add3A_928 = arith.constant 16 : i32
        %add3A_929 = arith.addi %mul3A_927, %add3A_928 : i32
        %get3A_930 = arith.constant 0 : i32
        %get3A_931 = arith.index_cast %get3A_930 : i32 to index
        %get3A_932 = arith.index_cast %add3A_902 : i32 to index
        %get3A_933 = arith.constant 16 : index
        %get3A_934 = tpu.vector_load %arg13[%get3A_931, %get3A_932, %get3A_933] {strides = array<i32>} : memref<2x400x64xf32, #tpu.memory_space<vmem>>, vector<1x1x16xf32>,
        %get3A_935 = vector.shape_cast %get3A_934 : vector<1x1x16xf32> to vector<16xf32>
        %get3A_936 = arith.index_cast %add3A_929 : i32 to index
        %get3A_937 = tpu.vector_load %arg10[%get3A_936] {strides = array<i32>} : memref<25600xf32, #tpu.memory_space<vmem>>, vector<16xf32>,
        %get3A_938 = vector.shape_cast %get3A_937 : vector<16xf32> to vector<16xf32>
        %add3A_939 = arith.addf %get3A_935, %get3A_938 : vector<16xf32>
        %mul3A_940 = arith.mulf %gather3A_898, %get3A_60 : vector<16xf32>
        %add3A_941 = arith.addf %add3A_939, %mul3A_940 : vector<16xf32>
        %swap3A_942 = arith.constant 0 : i32
        %swap3A_943 = arith.index_cast %swap3A_942 : i32 to index
        %swap3A_944 = arith.index_cast %add3A_902 : i32 to index
        %swap3A_945 = arith.constant 16 : index
        %swap3A_946 = tpu.vector_load %arg13[%swap3A_943, %swap3A_944, %swap3A_945] {strides = array<i32>} : memref<2x400x64xf32, #tpu.memory_space<vmem>>, vector<1x1x16xf32>,
        %swap3A_947 = vector.shape_cast %swap3A_946 : vector<1x1x16xf32> to vector<16xf32>
        %swap3A_948 = vector.shape_cast %add3A_941 : vector<16xf32> to vector<1x1x16xf32>
        tpu.vector_store %arg13[%swap3A_943, %swap3A_944, %swap3A_945], %swap3A_948 {strides = array<i32>} : memref<2x400x64xf32, #tpu.memory_space<vmem>>, vector<1x1x16xf32>,
        %mul3A_949 = arith.constant 64 : i32
        %mul3A_950 = arith.muli %add3A_902, %mul3A_949 : i32
        %add3A_951 = arith.constant 32 : i32
        %add3A_952 = arith.addi %mul3A_950, %add3A_951 : i32
        %get3A_953 = arith.constant 0 : i32
        %get3A_954 = arith.index_cast %get3A_953 : i32 to index
        %get3A_955 = arith.index_cast %add3A_902 : i32 to index
        %get3A_956 = arith.constant 32 : index
        %get3A_957 = tpu.vector_load %arg13[%get3A_954, %get3A_955, %get3A_956] {strides = array<i32>} : memref<2x400x64xf32, #tpu.memory_space<vmem>>, vector<1x1x16xf32>,
        %get3A_958 = vector.shape_cast %get3A_957 : vector<1x1x16xf32> to vector<16xf32>
        %get3A_959 = arith.index_cast %add3A_952 : i32 to index
        %get3A_960 = tpu.vector_load %arg10[%get3A_959] {strides = array<i32>} : memref<25600xf32, #tpu.memory_space<vmem>>, vector<16xf32>,
        %get3A_961 = vector.shape_cast %get3A_960 : vector<16xf32> to vector<16xf32>
        %add3A_962 = arith.addf %get3A_958, %get3A_961 : vector<16xf32>
        %mul3A_963 = arith.mulf %gather3A_898, %get3A_63 : vector<16xf32>
        %add3A_964 = arith.addf %add3A_962, %mul3A_963 : vector<16xf32>
        %swap3A_965 = arith.constant 0 : i32
        %swap3A_966 = arith.index_cast %swap3A_965 : i32 to index
        %swap3A_967 = arith.index_cast %add3A_902 : i32 to index
        %swap3A_968 = arith.constant 32 : index
        %swap3A_969 = tpu.vector_load %arg13[%swap3A_966, %swap3A_967, %swap3A_968] {strides = array<i32>} : memref<2x400x64xf32, #tpu.memory_space<vmem>>, vector<1x1x16xf32>,
        %swap3A_970 = vector.shape_cast %swap3A_969 : vector<1x1x16xf32> to vector<16xf32>
        %swap3A_971 = vector.shape_cast %add3A_964 : vector<16xf32> to vector<1x1x16xf32>
        tpu.vector_store %arg13[%swap3A_966, %swap3A_967, %swap3A_968], %swap3A_971 {strides = array<i32>} : memref<2x400x64xf32, #tpu.memory_space<vmem>>, vector<1x1x16xf32>,
        %mul3A_972 = arith.constant 64 : i32
        %mul3A_973 = arith.muli %add3A_902, %mul3A_972 : i32
        %add3A_974 = arith.constant 48 : i32
        %add3A_975 = arith.addi %mul3A_973, %add3A_974 : i32
        %get3A_976 = arith.constant 0 : i32
        %get3A_977 = arith.index_cast %get3A_976 : i32 to index
        %get3A_978 = arith.index_cast %add3A_902 : i32 to index
        %get3A_979 = arith.constant 48 : index
        %get3A_980 = tpu.vector_load %arg13[%get3A_977, %get3A_978, %get3A_979] {strides = array<i32>} : memref<2x400x64xf32, #tpu.memory_space<vmem>>, vector<1x1x16xf32>,
        %get3A_981 = vector.shape_cast %get3A_980 : vector<1x1x16xf32> to vector<16xf32>
        %get3A_982 = arith.index_cast %add3A_975 : i32 to index
        %get3A_983 = tpu.vector_load %arg10[%get3A_982] {strides = array<i32>} : memref<25600xf32, #tpu.memory_space<vmem>>, vector<16xf32>,
        %get3A_984 = vector.shape_cast %get3A_983 : vector<16xf32> to vector<16xf32>
        %add3A_985 = arith.addf %get3A_981, %get3A_984 : vector<16xf32>
        %mul3A_986 = arith.mulf %gather3A_898, %get3A_66 : vector<16xf32>
        %add3A_987 = arith.addf %add3A_985, %mul3A_986 : vector<16xf32>
        %swap3A_988 = arith.constant 0 : i32
        %swap3A_989 = arith.index_cast %swap3A_988 : i32 to index
        %swap3A_990 = arith.index_cast %add3A_902 : i32 to index
        %swap3A_991 = arith.constant 48 : index
        %swap3A_992 = tpu.vector_load %arg13[%swap3A_989, %swap3A_990, %swap3A_991] {strides = array<i32>} : memref<2x400x64xf32, #tpu.memory_space<vmem>>, vector<1x1x16xf32>,
        %swap3A_993 = vector.shape_cast %swap3A_992 : vector<1x1x16xf32> to vector<16xf32>
        %swap3A_994 = vector.shape_cast %add3A_987 : vector<16xf32> to vector<1x1x16xf32>
        tpu.vector_store %arg13[%swap3A_989, %swap3A_990, %swap3A_991], %swap3A_994 {strides = array<i32>} : memref<2x400x64xf32, #tpu.memory_space<vmem>>, vector<1x1x16xf32>,
        %broadcast_in_dim3A_995 = arith.constant 8 : i32
        %broadcast_in_dim3A_996 = vector.broadcast %broadcast_in_dim3A_995 : i32 to vector<16x1xi32>
        %gather3A_997 = vector.shape_cast %broadcast_in_dim3A_996 : vector<16x1xi32> to vector<16xi32>
        %gather3A_998 = tpu.dynamic_gather %convert_element_type3A_196[%gather3A_997] in [0] : vector<16xf32>, vector<16xi32> -> vector<16xf32>
        %mul3A_999 = arith.constant 16 : i32
        %mul3A_1000 = arith.muli %scan3A_187, %mul3A_999 : i32
        %add3A_1001 = arith.constant 8 : i32
        %add3A_1002 = arith.addi %mul3A_1000, %add3A_1001 : i32
        %mul3A_1003 = arith.constant 64 : i32
        %mul3A_1004 = arith.muli %add3A_1002, %mul3A_1003 : i32
        %add3A_1005 = arith.constant 0 : i32
        %add3A_1006 = arith.addi %mul3A_1004, %add3A_1005 : i32
        %get3A_1007 = arith.constant 0 : i32
        %get3A_1008 = arith.index_cast %get3A_1007 : i32 to index
        %get3A_1009 = arith.index_cast %add3A_1002 : i32 to index
        %get3A_1010 = arith.constant 0 : index
        %get3A_1011 = tpu.vector_load %arg13[%get3A_1008, %get3A_1009, %get3A_1010] {strides = array<i32>} : memref<2x400x64xf32, #tpu.memory_space<vmem>>, vector<1x1x16xf32>,
        %get3A_1012 = vector.shape_cast %get3A_1011 : vector<1x1x16xf32> to vector<16xf32>
        %get3A_1013 = arith.index_cast %add3A_1006 : i32 to index
        %get3A_1014 = tpu.vector_load %arg10[%get3A_1013] {strides = array<i32>} : memref<25600xf32, #tpu.memory_space<vmem>>, vector<16xf32>,
        %get3A_1015 = vector.shape_cast %get3A_1014 : vector<16xf32> to vector<16xf32>
        %add3A_1016 = arith.addf %get3A_1012, %get3A_1015 : vector<16xf32>
        %mul3A_1017 = arith.mulf %gather3A_998, %get3A_57 : vector<16xf32>
        %add3A_1018 = arith.addf %add3A_1016, %mul3A_1017 : vector<16xf32>
        %swap3A_1019 = arith.constant 0 : i32
        %swap3A_1020 = arith.index_cast %swap3A_1019 : i32 to index
        %swap3A_1021 = arith.index_cast %add3A_1002 : i32 to index
        %swap3A_1022 = arith.constant 0 : index
        %swap3A_1023 = tpu.vector_load %arg13[%swap3A_1020, %swap3A_1021, %swap3A_1022] {strides = array<i32>} : memref<2x400x64xf32, #tpu.memory_space<vmem>>, vector<1x1x16xf32>,
        %swap3A_1024 = vector.shape_cast %swap3A_1023 : vector<1x1x16xf32> to vector<16xf32>
        %swap3A_1025 = vector.shape_cast %add3A_1018 : vector<16xf32> to vector<1x1x16xf32>
        tpu.vector_store %arg13[%swap3A_1020, %swap3A_1021, %swap3A_1022], %swap3A_1025 {strides = array<i32>} : memref<2x400x64xf32, #tpu.memory_space<vmem>>, vector<1x1x16xf32>,
        %mul3A_1026 = arith.constant 64 : i32
        %mul3A_1027 = arith.muli %add3A_1002, %mul3A_1026 : i32
        %add3A_1028 = arith.constant 16 : i32
        %add3A_1029 = arith.addi %mul3A_1027, %add3A_1028 : i32
        %get3A_1030 = arith.constant 0 : i32
        %get3A_1031 = arith.index_cast %get3A_1030 : i32 to index
        %get3A_1032 = arith.index_cast %add3A_1002 : i32 to index
        %get3A_1033 = arith.constant 16 : index
        %get3A_1034 = tpu.vector_load %arg13[%get3A_1031, %get3A_1032, %get3A_1033] {strides = array<i32>} : memref<2x400x64xf32, #tpu.memory_space<vmem>>, vector<1x1x16xf32>,
        %get3A_1035 = vector.shape_cast %get3A_1034 : vector<1x1x16xf32> to vector<16xf32>
        %get3A_1036 = arith.index_cast %add3A_1029 : i32 to index
        %get3A_1037 = tpu.vector_load %arg10[%get3A_1036] {strides = array<i32>} : memref<25600xf32, #tpu.memory_space<vmem>>, vector<16xf32>,
        %get3A_1038 = vector.shape_cast %get3A_1037 : vector<16xf32> to vector<16xf32>
        %add3A_1039 = arith.addf %get3A_1035, %get3A_1038 : vector<16xf32>
        %mul3A_1040 = arith.mulf %gather3A_998, %get3A_60 : vector<16xf32>
        %add3A_1041 = arith.addf %add3A_1039, %mul3A_1040 : vector<16xf32>
        %swap3A_1042 = arith.constant 0 : i32
        %swap3A_1043 = arith.index_cast %swap3A_1042 : i32 to index
        %swap3A_1044 = arith.index_cast %add3A_1002 : i32 to index
        %swap3A_1045 = arith.constant 16 : index
        %swap3A_1046 = tpu.vector_load %arg13[%swap3A_1043, %swap3A_1044, %swap3A_1045] {strides = array<i32>} : memref<2x400x64xf32, #tpu.memory_space<vmem>>, vector<1x1x16xf32>,
        %swap3A_1047 = vector.shape_cast %swap3A_1046 : vector<1x1x16xf32> to vector<16xf32>
        %swap3A_1048 = vector.shape_cast %add3A_1041 : vector<16xf32> to vector<1x1x16xf32>
        tpu.vector_store %arg13[%swap3A_1043, %swap3A_1044, %swap3A_1045], %swap3A_1048 {strides = array<i32>} : memref<2x400x64xf32, #tpu.memory_space<vmem>>, vector<1x1x16xf32>,
        %mul3A_1049 = arith.constant 64 : i32
        %mul3A_1050 = arith.muli %add3A_1002, %mul3A_1049 : i32
        %add3A_1051 = arith.constant 32 : i32
        %add3A_1052 = arith.addi %mul3A_1050, %add3A_1051 : i32
        %get3A_1053 = arith.constant 0 : i32
        %get3A_1054 = arith.index_cast %get3A_1053 : i32 to index
        %get3A_1055 = arith.index_cast %add3A_1002 : i32 to index
        %get3A_1056 = arith.constant 32 : index
        %get3A_1057 = tpu.vector_load %arg13[%get3A_1054, %get3A_1055, %get3A_1056] {strides = array<i32>} : memref<2x400x64xf32, #tpu.memory_space<vmem>>, vector<1x1x16xf32>,
        %get3A_1058 = vector.shape_cast %get3A_1057 : vector<1x1x16xf32> to vector<16xf32>
        %get3A_1059 = arith.index_cast %add3A_1052 : i32 to index
        %get3A_1060 = tpu.vector_load %arg10[%get3A_1059] {strides = array<i32>} : memref<25600xf32, #tpu.memory_space<vmem>>, vector<16xf32>,
        %get3A_1061 = vector.shape_cast %get3A_1060 : vector<16xf32> to vector<16xf32>
        %add3A_1062 = arith.addf %get3A_1058, %get3A_1061 : vector<16xf32>
        %mul3A_1063 = arith.mulf %gather3A_998, %get3A_63 : vector<16xf32>
        %add3A_1064 = arith.addf %add3A_1062, %mul3A_1063 : vector<16xf32>
        %swap3A_1065 = arith.constant 0 : i32
        %swap3A_1066 = arith.index_cast %swap3A_1065 : i32 to index
        %swap3A_1067 = arith.index_cast %add3A_1002 : i32 to index
        %swap3A_1068 = arith.constant 32 : index
        %swap3A_1069 = tpu.vector_load %arg13[%swap3A_1066, %swap3A_1067, %swap3A_1068] {strides = array<i32>} : memref<2x400x64xf32, #tpu.memory_space<vmem>>, vector<1x1x16xf32>,
        %swap3A_1070 = vector.shape_cast %swap3A_1069 : vector<1x1x16xf32> to vector<16xf32>
        %swap3A_1071 = vector.shape_cast %add3A_1064 : vector<16xf32> to vector<1x1x16xf32>
        tpu.vector_store %arg13[%swap3A_1066, %swap3A_1067, %swap3A_1068], %swap3A_1071 {strides = array<i32>} : memref<2x400x64xf32, #tpu.memory_space<vmem>>, vector<1x1x16xf32>,
        %mul3A_1072 = arith.constant 64 : i32
        %mul3A_1073 = arith.muli %add3A_1002, %mul3A_1072 : i32
        %add3A_1074 = arith.constant 48 : i32
        %add3A_1075 = arith.addi %mul3A_1073, %add3A_1074 : i32
        %get3A_1076 = arith.constant 0 : i32
        %get3A_1077 = arith.index_cast %get3A_1076 : i32 to index
        %get3A_1078 = arith.index_cast %add3A_1002 : i32 to index
        %get3A_1079 = arith.constant 48 : index
        %get3A_1080 = tpu.vector_load %arg13[%get3A_1077, %get3A_1078, %get3A_1079] {strides = array<i32>} : memref<2x400x64xf32, #tpu.memory_space<vmem>>, vector<1x1x16xf32>,
        %get3A_1081 = vector.shape_cast %get3A_1080 : vector<1x1x16xf32> to vector<16xf32>
        %get3A_1082 = arith.index_cast %add3A_1075 : i32 to index
        %get3A_1083 = tpu.vector_load %arg10[%get3A_1082] {strides = array<i32>} : memref<25600xf32, #tpu.memory_space<vmem>>, vector<16xf32>,
        %get3A_1084 = vector.shape_cast %get3A_1083 : vector<16xf32> to vector<16xf32>
        %add3A_1085 = arith.addf %get3A_1081, %get3A_1084 : vector<16xf32>
        %mul3A_1086 = arith.mulf %gather3A_998, %get3A_66 : vector<16xf32>
        %add3A_1087 = arith.addf %add3A_1085, %mul3A_1086 : vector<16xf32>
        %swap3A_1088 = arith.constant 0 : i32
        %swap3A_1089 = arith.index_cast %swap3A_1088 : i32 to index
        %swap3A_1090 = arith.index_cast %add3A_1002 : i32 to index
        %swap3A_1091 = arith.constant 48 : index
        %swap3A_1092 = tpu.vector_load %arg13[%swap3A_1089, %swap3A_1090, %swap3A_1091] {strides = array<i32>} : memref<2x400x64xf32, #tpu.memory_space<vmem>>, vector<1x1x16xf32>,
        %swap3A_1093 = vector.shape_cast %swap3A_1092 : vector<1x1x16xf32> to vector<16xf32>
        %swap3A_1094 = vector.shape_cast %add3A_1087 : vector<16xf32> to vector<1x1x16xf32>
        tpu.vector_store %arg13[%swap3A_1089, %swap3A_1090, %swap3A_1091], %swap3A_1094 {strides = array<i32>} : memref<2x400x64xf32, #tpu.memory_space<vmem>>, vector<1x1x16xf32>,
        %broadcast_in_dim3A_1095 = arith.constant 9 : i32
        %broadcast_in_dim3A_1096 = vector.broadcast %broadcast_in_dim3A_1095 : i32 to vector<16x1xi32>
        %gather3A_1097 = vector.shape_cast %broadcast_in_dim3A_1096 : vector<16x1xi32> to vector<16xi32>
        %gather3A_1098 = tpu.dynamic_gather %convert_element_type3A_196[%gather3A_1097] in [0] : vector<16xf32>, vector<16xi32> -> vector<16xf32>
        %mul3A_1099 = arith.constant 16 : i32
        %mul3A_1100 = arith.muli %scan3A_187, %mul3A_1099 : i32
        %add3A_1101 = arith.constant 9 : i32
        %add3A_1102 = arith.addi %mul3A_1100, %add3A_1101 : i32
        %mul3A_1103 = arith.constant 64 : i32
        %mul3A_1104 = arith.muli %add3A_1102, %mul3A_1103 : i32
        %add3A_1105 = arith.constant 0 : i32
        %add3A_1106 = arith.addi %mul3A_1104, %add3A_1105 : i32
        %get3A_1107 = arith.constant 0 : i32
        %get3A_1108 = arith.index_cast %get3A_1107 : i32 to index
        %get3A_1109 = arith.index_cast %add3A_1102 : i32 to index
        %get3A_1110 = arith.constant 0 : index
        %get3A_1111 = tpu.vector_load %arg13[%get3A_1108, %get3A_1109, %get3A_1110] {strides = array<i32>} : memref<2x400x64xf32, #tpu.memory_space<vmem>>, vector<1x1x16xf32>,
        %get3A_1112 = vector.shape_cast %get3A_1111 : vector<1x1x16xf32> to vector<16xf32>
        %get3A_1113 = arith.index_cast %add3A_1106 : i32 to index
        %get3A_1114 = tpu.vector_load %arg10[%get3A_1113] {strides = array<i32>} : memref<25600xf32, #tpu.memory_space<vmem>>, vector<16xf32>,
        %get3A_1115 = vector.shape_cast %get3A_1114 : vector<16xf32> to vector<16xf32>
        %add3A_1116 = arith.addf %get3A_1112, %get3A_1115 : vector<16xf32>
        %mul3A_1117 = arith.mulf %gather3A_1098, %get3A_57 : vector<16xf32>
        %add3A_1118 = arith.addf %add3A_1116, %mul3A_1117 : vector<16xf32>
        %swap3A_1119 = arith.constant 0 : i32
        %swap3A_1120 = arith.index_cast %swap3A_1119 : i32 to index
        %swap3A_1121 = arith.index_cast %add3A_1102 : i32 to index
        %swap3A_1122 = arith.constant 0 : index
        %swap3A_1123 = tpu.vector_load %arg13[%swap3A_1120, %swap3A_1121, %swap3A_1122] {strides = array<i32>} : memref<2x400x64xf32, #tpu.memory_space<vmem>>, vector<1x1x16xf32>,
        %swap3A_1124 = vector.shape_cast %swap3A_1123 : vector<1x1x16xf32> to vector<16xf32>
        %swap3A_1125 = vector.shape_cast %add3A_1118 : vector<16xf32> to vector<1x1x16xf32>
        tpu.vector_store %arg13[%swap3A_1120, %swap3A_1121, %swap3A_1122], %swap3A_1125 {strides = array<i32>} : memref<2x400x64xf32, #tpu.memory_space<vmem>>, vector<1x1x16xf32>,
        %mul3A_1126 = arith.constant 64 : i32
        %mul3A_1127 = arith.muli %add3A_1102, %mul3A_1126 : i32
        %add3A_1128 = arith.constant 16 : i32
        %add3A_1129 = arith.addi %mul3A_1127, %add3A_1128 : i32
        %get3A_1130 = arith.constant 0 : i32
        %get3A_1131 = arith.index_cast %get3A_1130 : i32 to index
        %get3A_1132 = arith.index_cast %add3A_1102 : i32 to index
        %get3A_1133 = arith.constant 16 : index
        %get3A_1134 = tpu.vector_load %arg13[%get3A_1131, %get3A_1132, %get3A_1133] {strides = array<i32>} : memref<2x400x64xf32, #tpu.memory_space<vmem>>, vector<1x1x16xf32>,
        %get3A_1135 = vector.shape_cast %get3A_1134 : vector<1x1x16xf32> to vector<16xf32>
        %get3A_1136 = arith.index_cast %add3A_1129 : i32 to index
        %get3A_1137 = tpu.vector_load %arg10[%get3A_1136] {strides = array<i32>} : memref<25600xf32, #tpu.memory_space<vmem>>, vector<16xf32>,
        %get3A_1138 = vector.shape_cast %get3A_1137 : vector<16xf32> to vector<16xf32>
        %add3A_1139 = arith.addf %get3A_1135, %get3A_1138 : vector<16xf32>
        %mul3A_1140 = arith.mulf %gather3A_1098, %get3A_60 : vector<16xf32>
        %add3A_1141 = arith.addf %add3A_1139, %mul3A_1140 : vector<16xf32>
        %swap3A_1142 = arith.constant 0 : i32
        %swap3A_1143 = arith.index_cast %swap3A_1142 : i32 to index
        %swap3A_1144 = arith.index_cast %add3A_1102 : i32 to index
        %swap3A_1145 = arith.constant 16 : index
        %swap3A_1146 = tpu.vector_load %arg13[%swap3A_1143, %swap3A_1144, %swap3A_1145] {strides = array<i32>} : memref<2x400x64xf32, #tpu.memory_space<vmem>>, vector<1x1x16xf32>,
        %swap3A_1147 = vector.shape_cast %swap3A_1146 : vector<1x1x16xf32> to vector<16xf32>
        %swap3A_1148 = vector.shape_cast %add3A_1141 : vector<16xf32> to vector<1x1x16xf32>
        tpu.vector_store %arg13[%swap3A_1143, %swap3A_1144, %swap3A_1145], %swap3A_1148 {strides = array<i32>} : memref<2x400x64xf32, #tpu.memory_space<vmem>>, vector<1x1x16xf32>,
        %mul3A_1149 = arith.constant 64 : i32
        %mul3A_1150 = arith.muli %add3A_1102, %mul3A_1149 : i32
        %add3A_1151 = arith.constant 32 : i32
        %add3A_1152 = arith.addi %mul3A_1150, %add3A_1151 : i32
        %get3A_1153 = arith.constant 0 : i32
        %get3A_1154 = arith.index_cast %get3A_1153 : i32 to index
        %get3A_1155 = arith.index_cast %add3A_1102 : i32 to index
        %get3A_1156 = arith.constant 32 : index
        %get3A_1157 = tpu.vector_load %arg13[%get3A_1154, %get3A_1155, %get3A_1156] {strides = array<i32>} : memref<2x400x64xf32, #tpu.memory_space<vmem>>, vector<1x1x16xf32>,
        %get3A_1158 = vector.shape_cast %get3A_1157 : vector<1x1x16xf32> to vector<16xf32>
        %get3A_1159 = arith.index_cast %add3A_1152 : i32 to index
        %get3A_1160 = tpu.vector_load %arg10[%get3A_1159] {strides = array<i32>} : memref<25600xf32, #tpu.memory_space<vmem>>, vector<16xf32>,
        %get3A_1161 = vector.shape_cast %get3A_1160 : vector<16xf32> to vector<16xf32>
        %add3A_1162 = arith.addf %get3A_1158, %get3A_1161 : vector<16xf32>
        %mul3A_1163 = arith.mulf %gather3A_1098, %get3A_63 : vector<16xf32>
        %add3A_1164 = arith.addf %add3A_1162, %mul3A_1163 : vector<16xf32>
        %swap3A_1165 = arith.constant 0 : i32
        %swap3A_1166 = arith.index_cast %swap3A_1165 : i32 to index
        %swap3A_1167 = arith.index_cast %add3A_1102 : i32 to index
        %swap3A_1168 = arith.constant 32 : index
        %swap3A_1169 = tpu.vector_load %arg13[%swap3A_1166, %swap3A_1167, %swap3A_1168] {strides = array<i32>} : memref<2x400x64xf32, #tpu.memory_space<vmem>>, vector<1x1x16xf32>,
        %swap3A_1170 = vector.shape_cast %swap3A_1169 : vector<1x1x16xf32> to vector<16xf32>
        %swap3A_1171 = vector.shape_cast %add3A_1164 : vector<16xf32> to vector<1x1x16xf32>
        tpu.vector_store %arg13[%swap3A_1166, %swap3A_1167, %swap3A_1168], %swap3A_1171 {strides = array<i32>} : memref<2x400x64xf32, #tpu.memory_space<vmem>>, vector<1x1x16xf32>,
        %mul3A_1172 = arith.constant 64 : i32
        %mul3A_1173 = arith.muli %add3A_1102, %mul3A_1172 : i32
        %add3A_1174 = arith.constant 48 : i32
        %add3A_1175 = arith.addi %mul3A_1173, %add3A_1174 : i32
        %get3A_1176 = arith.constant 0 : i32
        %get3A_1177 = arith.index_cast %get3A_1176 : i32 to index
        %get3A_1178 = arith.index_cast %add3A_1102 : i32 to index
        %get3A_1179 = arith.constant 48 : index
        %get3A_1180 = tpu.vector_load %arg13[%get3A_1177, %get3A_1178, %get3A_1179] {strides = array<i32>} : memref<2x400x64xf32, #tpu.memory_space<vmem>>, vector<1x1x16xf32>,
        %get3A_1181 = vector.shape_cast %get3A_1180 : vector<1x1x16xf32> to vector<16xf32>
        %get3A_1182 = arith.index_cast %add3A_1175 : i32 to index
        %get3A_1183 = tpu.vector_load %arg10[%get3A_1182] {strides = array<i32>} : memref<25600xf32, #tpu.memory_space<vmem>>, vector<16xf32>,
        %get3A_1184 = vector.shape_cast %get3A_1183 : vector<16xf32> to vector<16xf32>
        %add3A_1185 = arith.addf %get3A_1181, %get3A_1184 : vector<16xf32>
        %mul3A_1186 = arith.mulf %gather3A_1098, %get3A_66 : vector<16xf32>
        %add3A_1187 = arith.addf %add3A_1185, %mul3A_1186 : vector<16xf32>
        %swap3A_1188 = arith.constant 0 : i32
        %swap3A_1189 = arith.index_cast %swap3A_1188 : i32 to index
        %swap3A_1190 = arith.index_cast %add3A_1102 : i32 to index
        %swap3A_1191 = arith.constant 48 : index
        %swap3A_1192 = tpu.vector_load %arg13[%swap3A_1189, %swap3A_1190, %swap3A_1191] {strides = array<i32>} : memref<2x400x64xf32, #tpu.memory_space<vmem>>, vector<1x1x16xf32>,
        %swap3A_1193 = vector.shape_cast %swap3A_1192 : vector<1x1x16xf32> to vector<16xf32>
        %swap3A_1194 = vector.shape_cast %add3A_1187 : vector<16xf32> to vector<1x1x16xf32>
        tpu.vector_store %arg13[%swap3A_1189, %swap3A_1190, %swap3A_1191], %swap3A_1194 {strides = array<i32>} : memref<2x400x64xf32, #tpu.memory_space<vmem>>, vector<1x1x16xf32>,
        %broadcast_in_dim3A_1195 = arith.constant 10 : i32
        %broadcast_in_dim3A_1196 = vector.broadcast %broadcast_in_dim3A_1195 : i32 to vector<16x1xi32>
        %gather3A_1197 = vector.shape_cast %broadcast_in_dim3A_1196 : vector<16x1xi32> to vector<16xi32>
        %gather3A_1198 = tpu.dynamic_gather %convert_element_type3A_196[%gather3A_1197] in [0] : vector<16xf32>, vector<16xi32> -> vector<16xf32>
        %mul3A_1199 = arith.constant 16 : i32
        %mul3A_1200 = arith.muli %scan3A_187, %mul3A_1199 : i32
        %add3A_1201 = arith.constant 10 : i32
        %add3A_1202 = arith.addi %mul3A_1200, %add3A_1201 : i32
        %mul3A_1203 = arith.constant 64 : i32
        %mul3A_1204 = arith.muli %add3A_1202, %mul3A_1203 : i32
        %add3A_1205 = arith.constant 0 : i32
        %add3A_1206 = arith.addi %mul3A_1204, %add3A_1205 : i32
        %get3A_1207 = arith.constant 0 : i32
        %get3A_1208 = arith.index_cast %get3A_1207 : i32 to index
        %get3A_1209 = arith.index_cast %add3A_1202 : i32 to index
        %get3A_1210 = arith.constant 0 : index
        %get3A_1211 = tpu.vector_load %arg13[%get3A_1208, %get3A_1209, %get3A_1210] {strides = array<i32>} : memref<2x400x64xf32, #tpu.memory_space<vmem>>, vector<1x1x16xf32>,
        %get3A_1212 = vector.shape_cast %get3A_1211 : vector<1x1x16xf32> to vector<16xf32>
        %get3A_1213 = arith.index_cast %add3A_1206 : i32 to index
        %get3A_1214 = tpu.vector_load %arg10[%get3A_1213] {strides = array<i32>} : memref<25600xf32, #tpu.memory_space<vmem>>, vector<16xf32>,
        %get3A_1215 = vector.shape_cast %get3A_1214 : vector<16xf32> to vector<16xf32>
        %add3A_1216 = arith.addf %get3A_1212, %get3A_1215 : vector<16xf32>
        %mul3A_1217 = arith.mulf %gather3A_1198, %get3A_57 : vector<16xf32>
        %add3A_1218 = arith.addf %add3A_1216, %mul3A_1217 : vector<16xf32>
        %swap3A_1219 = arith.constant 0 : i32
        %swap3A_1220 = arith.index_cast %swap3A_1219 : i32 to index
        %swap3A_1221 = arith.index_cast %add3A_1202 : i32 to index
        %swap3A_1222 = arith.constant 0 : index
        %swap3A_1223 = tpu.vector_load %arg13[%swap3A_1220, %swap3A_1221, %swap3A_1222] {strides = array<i32>} : memref<2x400x64xf32, #tpu.memory_space<vmem>>, vector<1x1x16xf32>,
        %swap3A_1224 = vector.shape_cast %swap3A_1223 : vector<1x1x16xf32> to vector<16xf32>
        %swap3A_1225 = vector.shape_cast %add3A_1218 : vector<16xf32> to vector<1x1x16xf32>
        tpu.vector_store %arg13[%swap3A_1220, %swap3A_1221, %swap3A_1222], %swap3A_1225 {strides = array<i32>} : memref<2x400x64xf32, #tpu.memory_space<vmem>>, vector<1x1x16xf32>,
        %mul3A_1226 = arith.constant 64 : i32
        %mul3A_1227 = arith.muli %add3A_1202, %mul3A_1226 : i32
        %add3A_1228 = arith.constant 16 : i32
        %add3A_1229 = arith.addi %mul3A_1227, %add3A_1228 : i32
        %get3A_1230 = arith.constant 0 : i32
        %get3A_1231 = arith.index_cast %get3A_1230 : i32 to index
        %get3A_1232 = arith.index_cast %add3A_1202 : i32 to index
        %get3A_1233 = arith.constant 16 : index
        %get3A_1234 = tpu.vector_load %arg13[%get3A_1231, %get3A_1232, %get3A_1233] {strides = array<i32>} : memref<2x400x64xf32, #tpu.memory_space<vmem>>, vector<1x1x16xf32>,
        %get3A_1235 = vector.shape_cast %get3A_1234 : vector<1x1x16xf32> to vector<16xf32>
        %get3A_1236 = arith.index_cast %add3A_1229 : i32 to index
        %get3A_1237 = tpu.vector_load %arg10[%get3A_1236] {strides = array<i32>} : memref<25600xf32, #tpu.memory_space<vmem>>, vector<16xf32>,
        %get3A_1238 = vector.shape_cast %get3A_1237 : vector<16xf32> to vector<16xf32>
        %add3A_1239 = arith.addf %get3A_1235, %get3A_1238 : vector<16xf32>
        %mul3A_1240 = arith.mulf %gather3A_1198, %get3A_60 : vector<16xf32>
        %add3A_1241 = arith.addf %add3A_1239, %mul3A_1240 : vector<16xf32>
        %swap3A_1242 = arith.constant 0 : i32
        %swap3A_1243 = arith.index_cast %swap3A_1242 : i32 to index
        %swap3A_1244 = arith.index_cast %add3A_1202 : i32 to index
        %swap3A_1245 = arith.constant 16 : index
        %swap3A_1246 = tpu.vector_load %arg13[%swap3A_1243, %swap3A_1244, %swap3A_1245] {strides = array<i32>} : memref<2x400x64xf32, #tpu.memory_space<vmem>>, vector<1x1x16xf32>,
        %swap3A_1247 = vector.shape_cast %swap3A_1246 : vector<1x1x16xf32> to vector<16xf32>
        %swap3A_1248 = vector.shape_cast %add3A_1241 : vector<16xf32> to vector<1x1x16xf32>
        tpu.vector_store %arg13[%swap3A_1243, %swap3A_1244, %swap3A_1245], %swap3A_1248 {strides = array<i32>} : memref<2x400x64xf32, #tpu.memory_space<vmem>>, vector<1x1x16xf32>,
        %mul3A_1249 = arith.constant 64 : i32
        %mul3A_1250 = arith.muli %add3A_1202, %mul3A_1249 : i32
        %add3A_1251 = arith.constant 32 : i32
        %add3A_1252 = arith.addi %mul3A_1250, %add3A_1251 : i32
        %get3A_1253 = arith.constant 0 : i32
        %get3A_1254 = arith.index_cast %get3A_1253 : i32 to index
        %get3A_1255 = arith.index_cast %add3A_1202 : i32 to index
        %get3A_1256 = arith.constant 32 : index
        %get3A_1257 = tpu.vector_load %arg13[%get3A_1254, %get3A_1255, %get3A_1256] {strides = array<i32>} : memref<2x400x64xf32, #tpu.memory_space<vmem>>, vector<1x1x16xf32>,
        %get3A_1258 = vector.shape_cast %get3A_1257 : vector<1x1x16xf32> to vector<16xf32>
        %get3A_1259 = arith.index_cast %add3A_1252 : i32 to index
        %get3A_1260 = tpu.vector_load %arg10[%get3A_1259] {strides = array<i32>} : memref<25600xf32, #tpu.memory_space<vmem>>, vector<16xf32>,
        %get3A_1261 = vector.shape_cast %get3A_1260 : vector<16xf32> to vector<16xf32>
        %add3A_1262 = arith.addf %get3A_1258, %get3A_1261 : vector<16xf32>
        %mul3A_1263 = arith.mulf %gather3A_1198, %get3A_63 : vector<16xf32>
        %add3A_1264 = arith.addf %add3A_1262, %mul3A_1263 : vector<16xf32>
        %swap3A_1265 = arith.constant 0 : i32
        %swap3A_1266 = arith.index_cast %swap3A_1265 : i32 to index
        %swap3A_1267 = arith.index_cast %add3A_1202 : i32 to index
        %swap3A_1268 = arith.constant 32 : index
        %swap3A_1269 = tpu.vector_load %arg13[%swap3A_1266, %swap3A_1267, %swap3A_1268] {strides = array<i32>} : memref<2x400x64xf32, #tpu.memory_space<vmem>>, vector<1x1x16xf32>,
        %swap3A_1270 = vector.shape_cast %swap3A_1269 : vector<1x1x16xf32> to vector<16xf32>
        %swap3A_1271 = vector.shape_cast %add3A_1264 : vector<16xf32> to vector<1x1x16xf32>
        tpu.vector_store %arg13[%swap3A_1266, %swap3A_1267, %swap3A_1268], %swap3A_1271 {strides = array<i32>} : memref<2x400x64xf32, #tpu.memory_space<vmem>>, vector<1x1x16xf32>,
        %mul3A_1272 = arith.constant 64 : i32
        %mul3A_1273 = arith.muli %add3A_1202, %mul3A_1272 : i32
        %add3A_1274 = arith.constant 48 : i32
        %add3A_1275 = arith.addi %mul3A_1273, %add3A_1274 : i32
        %get3A_1276 = arith.constant 0 : i32
        %get3A_1277 = arith.index_cast %get3A_1276 : i32 to index
        %get3A_1278 = arith.index_cast %add3A_1202 : i32 to index
        %get3A_1279 = arith.constant 48 : index
        %get3A_1280 = tpu.vector_load %arg13[%get3A_1277, %get3A_1278, %get3A_1279] {strides = array<i32>} : memref<2x400x64xf32, #tpu.memory_space<vmem>>, vector<1x1x16xf32>,
        %get3A_1281 = vector.shape_cast %get3A_1280 : vector<1x1x16xf32> to vector<16xf32>
        %get3A_1282 = arith.index_cast %add3A_1275 : i32 to index
        %get3A_1283 = tpu.vector_load %arg10[%get3A_1282] {strides = array<i32>} : memref<25600xf32, #tpu.memory_space<vmem>>, vector<16xf32>,
        %get3A_1284 = vector.shape_cast %get3A_1283 : vector<16xf32> to vector<16xf32>
        %add3A_1285 = arith.addf %get3A_1281, %get3A_1284 : vector<16xf32>
        %mul3A_1286 = arith.mulf %gather3A_1198, %get3A_66 : vector<16xf32>
        %add3A_1287 = arith.addf %add3A_1285, %mul3A_1286 : vector<16xf32>
        %swap3A_1288 = arith.constant 0 : i32
        %swap3A_1289 = arith.index_cast %swap3A_1288 : i32 to index
        %swap3A_1290 = arith.index_cast %add3A_1202 : i32 to index
        %swap3A_1291 = arith.constant 48 : index
        %swap3A_1292 = tpu.vector_load %arg13[%swap3A_1289, %swap3A_1290, %swap3A_1291] {strides = array<i32>} : memref<2x400x64xf32, #tpu.memory_space<vmem>>, vector<1x1x16xf32>,
        %swap3A_1293 = vector.shape_cast %swap3A_1292 : vector<1x1x16xf32> to vector<16xf32>
        %swap3A_1294 = vector.shape_cast %add3A_1287 : vector<16xf32> to vector<1x1x16xf32>
        tpu.vector_store %arg13[%swap3A_1289, %swap3A_1290, %swap3A_1291], %swap3A_1294 {strides = array<i32>} : memref<2x400x64xf32, #tpu.memory_space<vmem>>, vector<1x1x16xf32>,
        %broadcast_in_dim3A_1295 = arith.constant 11 : i32
        %broadcast_in_dim3A_1296 = vector.broadcast %broadcast_in_dim3A_1295 : i32 to vector<16x1xi32>
        %gather3A_1297 = vector.shape_cast %broadcast_in_dim3A_1296 : vector<16x1xi32> to vector<16xi32>
        %gather3A_1298 = tpu.dynamic_gather %convert_element_type3A_196[%gather3A_1297] in [0] : vector<16xf32>, vector<16xi32> -> vector<16xf32>
        %mul3A_1299 = arith.constant 16 : i32
        %mul3A_1300 = arith.muli %scan3A_187, %mul3A_1299 : i32
        %add3A_1301 = arith.constant 11 : i32
        %add3A_1302 = arith.addi %mul3A_1300, %add3A_1301 : i32
        %mul3A_1303 = arith.constant 64 : i32
        %mul3A_1304 = arith.muli %add3A_1302, %mul3A_1303 : i32
        %add3A_1305 = arith.constant 0 : i32
        %add3A_1306 = arith.addi %mul3A_1304, %add3A_1305 : i32
        %get3A_1307 = arith.constant 0 : i32
        %get3A_1308 = arith.index_cast %get3A_1307 : i32 to index
        %get3A_1309 = arith.index_cast %add3A_1302 : i32 to index
        %get3A_1310 = arith.constant 0 : index
        %get3A_1311 = tpu.vector_load %arg13[%get3A_1308, %get3A_1309, %get3A_1310] {strides = array<i32>} : memref<2x400x64xf32, #tpu.memory_space<vmem>>, vector<1x1x16xf32>,
        %get3A_1312 = vector.shape_cast %get3A_1311 : vector<1x1x16xf32> to vector<16xf32>
        %get3A_1313 = arith.index_cast %add3A_1306 : i32 to index
        %get3A_1314 = tpu.vector_load %arg10[%get3A_1313] {strides = array<i32>} : memref<25600xf32, #tpu.memory_space<vmem>>, vector<16xf32>,
        %get3A_1315 = vector.shape_cast %get3A_1314 : vector<16xf32> to vector<16xf32>
        %add3A_1316 = arith.addf %get3A_1312, %get3A_1315 : vector<16xf32>
        %mul3A_1317 = arith.mulf %gather3A_1298, %get3A_57 : vector<16xf32>
        %add3A_1318 = arith.addf %add3A_1316, %mul3A_1317 : vector<16xf32>
        %swap3A_1319 = arith.constant 0 : i32
        %swap3A_1320 = arith.index_cast %swap3A_1319 : i32 to index
        %swap3A_1321 = arith.index_cast %add3A_1302 : i32 to index
        %swap3A_1322 = arith.constant 0 : index
        %swap3A_1323 = tpu.vector_load %arg13[%swap3A_1320, %swap3A_1321, %swap3A_1322] {strides = array<i32>} : memref<2x400x64xf32, #tpu.memory_space<vmem>>, vector<1x1x16xf32>,
        %swap3A_1324 = vector.shape_cast %swap3A_1323 : vector<1x1x16xf32> to vector<16xf32>
        %swap3A_1325 = vector.shape_cast %add3A_1318 : vector<16xf32> to vector<1x1x16xf32>
        tpu.vector_store %arg13[%swap3A_1320, %swap3A_1321, %swap3A_1322], %swap3A_1325 {strides = array<i32>} : memref<2x400x64xf32, #tpu.memory_space<vmem>>, vector<1x1x16xf32>,
        %mul3A_1326 = arith.constant 64 : i32
        %mul3A_1327 = arith.muli %add3A_1302, %mul3A_1326 : i32
        %add3A_1328 = arith.constant 16 : i32
        %add3A_1329 = arith.addi %mul3A_1327, %add3A_1328 : i32
        %get3A_1330 = arith.constant 0 : i32
        %get3A_1331 = arith.index_cast %get3A_1330 : i32 to index
        %get3A_1332 = arith.index_cast %add3A_1302 : i32 to index
        %get3A_1333 = arith.constant 16 : index
        %get3A_1334 = tpu.vector_load %arg13[%get3A_1331, %get3A_1332, %get3A_1333] {strides = array<i32>} : memref<2x400x64xf32, #tpu.memory_space<vmem>>, vector<1x1x16xf32>,
        %get3A_1335 = vector.shape_cast %get3A_1334 : vector<1x1x16xf32> to vector<16xf32>
        %get3A_1336 = arith.index_cast %add3A_1329 : i32 to index
        %get3A_1337 = tpu.vector_load %arg10[%get3A_1336] {strides = array<i32>} : memref<25600xf32, #tpu.memory_space<vmem>>, vector<16xf32>,
        %get3A_1338 = vector.shape_cast %get3A_1337 : vector<16xf32> to vector<16xf32>
        %add3A_1339 = arith.addf %get3A_1335, %get3A_1338 : vector<16xf32>
        %mul3A_1340 = arith.mulf %gather3A_1298, %get3A_60 : vector<16xf32>
        %add3A_1341 = arith.addf %add3A_1339, %mul3A_1340 : vector<16xf32>
        %swap3A_1342 = arith.constant 0 : i32
        %swap3A_1343 = arith.index_cast %swap3A_1342 : i32 to index
        %swap3A_1344 = arith.index_cast %add3A_1302 : i32 to index
        %swap3A_1345 = arith.constant 16 : index
        %swap3A_1346 = tpu.vector_load %arg13[%swap3A_1343, %swap3A_1344, %swap3A_1345] {strides = array<i32>} : memref<2x400x64xf32, #tpu.memory_space<vmem>>, vector<1x1x16xf32>,
        %swap3A_1347 = vector.shape_cast %swap3A_1346 : vector<1x1x16xf32> to vector<16xf32>
        %swap3A_1348 = vector.shape_cast %add3A_1341 : vector<16xf32> to vector<1x1x16xf32>
        tpu.vector_store %arg13[%swap3A_1343, %swap3A_1344, %swap3A_1345], %swap3A_1348 {strides = array<i32>} : memref<2x400x64xf32, #tpu.memory_space<vmem>>, vector<1x1x16xf32>,
        %mul3A_1349 = arith.constant 64 : i32
        %mul3A_1350 = arith.muli %add3A_1302, %mul3A_1349 : i32
        %add3A_1351 = arith.constant 32 : i32
        %add3A_1352 = arith.addi %mul3A_1350, %add3A_1351 : i32
        %get3A_1353 = arith.constant 0 : i32
        %get3A_1354 = arith.index_cast %get3A_1353 : i32 to index
        %get3A_1355 = arith.index_cast %add3A_1302 : i32 to index
        %get3A_1356 = arith.constant 32 : index
        %get3A_1357 = tpu.vector_load %arg13[%get3A_1354, %get3A_1355, %get3A_1356] {strides = array<i32>} : memref<2x400x64xf32, #tpu.memory_space<vmem>>, vector<1x1x16xf32>,
        %get3A_1358 = vector.shape_cast %get3A_1357 : vector<1x1x16xf32> to vector<16xf32>
        %get3A_1359 = arith.index_cast %add3A_1352 : i32 to index
        %get3A_1360 = tpu.vector_load %arg10[%get3A_1359] {strides = array<i32>} : memref<25600xf32, #tpu.memory_space<vmem>>, vector<16xf32>,
        %get3A_1361 = vector.shape_cast %get3A_1360 : vector<16xf32> to vector<16xf32>
        %add3A_1362 = arith.addf %get3A_1358, %get3A_1361 : vector<16xf32>
        %mul3A_1363 = arith.mulf %gather3A_1298, %get3A_63 : vector<16xf32>
        %add3A_1364 = arith.addf %add3A_1362, %mul3A_1363 : vector<16xf32>
        %swap3A_1365 = arith.constant 0 : i32
        %swap3A_1366 = arith.index_cast %swap3A_1365 : i32 to index
        %swap3A_1367 = arith.index_cast %add3A_1302 : i32 to index
        %swap3A_1368 = arith.constant 32 : index
        %swap3A_1369 = tpu.vector_load %arg13[%swap3A_1366, %swap3A_1367, %swap3A_1368] {strides = array<i32>} : memref<2x400x64xf32, #tpu.memory_space<vmem>>, vector<1x1x16xf32>,
        %swap3A_1370 = vector.shape_cast %swap3A_1369 : vector<1x1x16xf32> to vector<16xf32>
        %swap3A_1371 = vector.shape_cast %add3A_1364 : vector<16xf32> to vector<1x1x16xf32>
        tpu.vector_store %arg13[%swap3A_1366, %swap3A_1367, %swap3A_1368], %swap3A_1371 {strides = array<i32>} : memref<2x400x64xf32, #tpu.memory_space<vmem>>, vector<1x1x16xf32>,
        %mul3A_1372 = arith.constant 64 : i32
        %mul3A_1373 = arith.muli %add3A_1302, %mul3A_1372 : i32
        %add3A_1374 = arith.constant 48 : i32
        %add3A_1375 = arith.addi %mul3A_1373, %add3A_1374 : i32
        %get3A_1376 = arith.constant 0 : i32
        %get3A_1377 = arith.index_cast %get3A_1376 : i32 to index
        %get3A_1378 = arith.index_cast %add3A_1302 : i32 to index
        %get3A_1379 = arith.constant 48 : index
        %get3A_1380 = tpu.vector_load %arg13[%get3A_1377, %get3A_1378, %get3A_1379] {strides = array<i32>} : memref<2x400x64xf32, #tpu.memory_space<vmem>>, vector<1x1x16xf32>,
        %get3A_1381 = vector.shape_cast %get3A_1380 : vector<1x1x16xf32> to vector<16xf32>
        %get3A_1382 = arith.index_cast %add3A_1375 : i32 to index
        %get3A_1383 = tpu.vector_load %arg10[%get3A_1382] {strides = array<i32>} : memref<25600xf32, #tpu.memory_space<vmem>>, vector<16xf32>,
        %get3A_1384 = vector.shape_cast %get3A_1383 : vector<16xf32> to vector<16xf32>
        %add3A_1385 = arith.addf %get3A_1381, %get3A_1384 : vector<16xf32>
        %mul3A_1386 = arith.mulf %gather3A_1298, %get3A_66 : vector<16xf32>
        %add3A_1387 = arith.addf %add3A_1385, %mul3A_1386 : vector<16xf32>
        %swap3A_1388 = arith.constant 0 : i32
        %swap3A_1389 = arith.index_cast %swap3A_1388 : i32 to index
        %swap3A_1390 = arith.index_cast %add3A_1302 : i32 to index
        %swap3A_1391 = arith.constant 48 : index
        %swap3A_1392 = tpu.vector_load %arg13[%swap3A_1389, %swap3A_1390, %swap3A_1391] {strides = array<i32>} : memref<2x400x64xf32, #tpu.memory_space<vmem>>, vector<1x1x16xf32>,
        %swap3A_1393 = vector.shape_cast %swap3A_1392 : vector<1x1x16xf32> to vector<16xf32>
        %swap3A_1394 = vector.shape_cast %add3A_1387 : vector<16xf32> to vector<1x1x16xf32>
        tpu.vector_store %arg13[%swap3A_1389, %swap3A_1390, %swap3A_1391], %swap3A_1394 {strides = array<i32>} : memref<2x400x64xf32, #tpu.memory_space<vmem>>, vector<1x1x16xf32>,
        %broadcast_in_dim3A_1395 = arith.constant 12 : i32
        %broadcast_in_dim3A_1396 = vector.broadcast %broadcast_in_dim3A_1395 : i32 to vector<16x1xi32>
        %gather3A_1397 = vector.shape_cast %broadcast_in_dim3A_1396 : vector<16x1xi32> to vector<16xi32>
        %gather3A_1398 = tpu.dynamic_gather %convert_element_type3A_196[%gather3A_1397] in [0] : vector<16xf32>, vector<16xi32> -> vector<16xf32>
        %mul3A_1399 = arith.constant 16 : i32
        %mul3A_1400 = arith.muli %scan3A_187, %mul3A_1399 : i32
        %add3A_1401 = arith.constant 12 : i32
        %add3A_1402 = arith.addi %mul3A_1400, %add3A_1401 : i32
        %mul3A_1403 = arith.constant 64 : i32
        %mul3A_1404 = arith.muli %add3A_1402, %mul3A_1403 : i32
        %add3A_1405 = arith.constant 0 : i32
        %add3A_1406 = arith.addi %mul3A_1404, %add3A_1405 : i32
        %get3A_1407 = arith.constant 0 : i32
        %get3A_1408 = arith.index_cast %get3A_1407 : i32 to index
        %get3A_1409 = arith.index_cast %add3A_1402 : i32 to index
        %get3A_1410 = arith.constant 0 : index
        %get3A_1411 = tpu.vector_load %arg13[%get3A_1408, %get3A_1409, %get3A_1410] {strides = array<i32>} : memref<2x400x64xf32, #tpu.memory_space<vmem>>, vector<1x1x16xf32>,
        %get3A_1412 = vector.shape_cast %get3A_1411 : vector<1x1x16xf32> to vector<16xf32>
        %get3A_1413 = arith.index_cast %add3A_1406 : i32 to index
        %get3A_1414 = tpu.vector_load %arg10[%get3A_1413] {strides = array<i32>} : memref<25600xf32, #tpu.memory_space<vmem>>, vector<16xf32>,
        %get3A_1415 = vector.shape_cast %get3A_1414 : vector<16xf32> to vector<16xf32>
        %add3A_1416 = arith.addf %get3A_1412, %get3A_1415 : vector<16xf32>
        %mul3A_1417 = arith.mulf %gather3A_1398, %get3A_57 : vector<16xf32>
        %add3A_1418 = arith.addf %add3A_1416, %mul3A_1417 : vector<16xf32>
        %swap3A_1419 = arith.constant 0 : i32
        %swap3A_1420 = arith.index_cast %swap3A_1419 : i32 to index
        %swap3A_1421 = arith.index_cast %add3A_1402 : i32 to index
        %swap3A_1422 = arith.constant 0 : index
        %swap3A_1423 = tpu.vector_load %arg13[%swap3A_1420, %swap3A_1421, %swap3A_1422] {strides = array<i32>} : memref<2x400x64xf32, #tpu.memory_space<vmem>>, vector<1x1x16xf32>,
        %swap3A_1424 = vector.shape_cast %swap3A_1423 : vector<1x1x16xf32> to vector<16xf32>
        %swap3A_1425 = vector.shape_cast %add3A_1418 : vector<16xf32> to vector<1x1x16xf32>
        tpu.vector_store %arg13[%swap3A_1420, %swap3A_1421, %swap3A_1422], %swap3A_1425 {strides = array<i32>} : memref<2x400x64xf32, #tpu.memory_space<vmem>>, vector<1x1x16xf32>,
        %mul3A_1426 = arith.constant 64 : i32
        %mul3A_1427 = arith.muli %add3A_1402, %mul3A_1426 : i32
        %add3A_1428 = arith.constant 16 : i32
        %add3A_1429 = arith.addi %mul3A_1427, %add3A_1428 : i32
        %get3A_1430 = arith.constant 0 : i32
        %get3A_1431 = arith.index_cast %get3A_1430 : i32 to index
        %get3A_1432 = arith.index_cast %add3A_1402 : i32 to index
        %get3A_1433 = arith.constant 16 : index
        %get3A_1434 = tpu.vector_load %arg13[%get3A_1431, %get3A_1432, %get3A_1433] {strides = array<i32>} : memref<2x400x64xf32, #tpu.memory_space<vmem>>, vector<1x1x16xf32>,
        %get3A_1435 = vector.shape_cast %get3A_1434 : vector<1x1x16xf32> to vector<16xf32>
        %get3A_1436 = arith.index_cast %add3A_1429 : i32 to index
        %get3A_1437 = tpu.vector_load %arg10[%get3A_1436] {strides = array<i32>} : memref<25600xf32, #tpu.memory_space<vmem>>, vector<16xf32>,
        %get3A_1438 = vector.shape_cast %get3A_1437 : vector<16xf32> to vector<16xf32>
        %add3A_1439 = arith.addf %get3A_1435, %get3A_1438 : vector<16xf32>
        %mul3A_1440 = arith.mulf %gather3A_1398, %get3A_60 : vector<16xf32>
        %add3A_1441 = arith.addf %add3A_1439, %mul3A_1440 : vector<16xf32>
        %swap3A_1442 = arith.constant 0 : i32
        %swap3A_1443 = arith.index_cast %swap3A_1442 : i32 to index
        %swap3A_1444 = arith.index_cast %add3A_1402 : i32 to index
        %swap3A_1445 = arith.constant 16 : index
        %swap3A_1446 = tpu.vector_load %arg13[%swap3A_1443, %swap3A_1444, %swap3A_1445] {strides = array<i32>} : memref<2x400x64xf32, #tpu.memory_space<vmem>>, vector<1x1x16xf32>,
        %swap3A_1447 = vector.shape_cast %swap3A_1446 : vector<1x1x16xf32> to vector<16xf32>
        %swap3A_1448 = vector.shape_cast %add3A_1441 : vector<16xf32> to vector<1x1x16xf32>
        tpu.vector_store %arg13[%swap3A_1443, %swap3A_1444, %swap3A_1445], %swap3A_1448 {strides = array<i32>} : memref<2x400x64xf32, #tpu.memory_space<vmem>>, vector<1x1x16xf32>,
        %mul3A_1449 = arith.constant 64 : i32
        %mul3A_1450 = arith.muli %add3A_1402, %mul3A_1449 : i32
        %add3A_1451 = arith.constant 32 : i32
        %add3A_1452 = arith.addi %mul3A_1450, %add3A_1451 : i32
        %get3A_1453 = arith.constant 0 : i32
        %get3A_1454 = arith.index_cast %get3A_1453 : i32 to index
        %get3A_1455 = arith.index_cast %add3A_1402 : i32 to index
        %get3A_1456 = arith.constant 32 : index
        %get3A_1457 = tpu.vector_load %arg13[%get3A_1454, %get3A_1455, %get3A_1456] {strides = array<i32>} : memref<2x400x64xf32, #tpu.memory_space<vmem>>, vector<1x1x16xf32>,
        %get3A_1458 = vector.shape_cast %get3A_1457 : vector<1x1x16xf32> to vector<16xf32>
        %get3A_1459 = arith.index_cast %add3A_1452 : i32 to index
        %get3A_1460 = tpu.vector_load %arg10[%get3A_1459] {strides = array<i32>} : memref<25600xf32, #tpu.memory_space<vmem>>, vector<16xf32>,
        %get3A_1461 = vector.shape_cast %get3A_1460 : vector<16xf32> to vector<16xf32>
        %add3A_1462 = arith.addf %get3A_1458, %get3A_1461 : vector<16xf32>
        %mul3A_1463 = arith.mulf %gather3A_1398, %get3A_63 : vector<16xf32>
        %add3A_1464 = arith.addf %add3A_1462, %mul3A_1463 : vector<16xf32>
        %swap3A_1465 = arith.constant 0 : i32
        %swap3A_1466 = arith.index_cast %swap3A_1465 : i32 to index
        %swap3A_1467 = arith.index_cast %add3A_1402 : i32 to index
        %swap3A_1468 = arith.constant 32 : index
        %swap3A_1469 = tpu.vector_load %arg13[%swap3A_1466, %swap3A_1467, %swap3A_1468] {strides = array<i32>} : memref<2x400x64xf32, #tpu.memory_space<vmem>>, vector<1x1x16xf32>,
        %swap3A_1470 = vector.shape_cast %swap3A_1469 : vector<1x1x16xf32> to vector<16xf32>
        %swap3A_1471 = vector.shape_cast %add3A_1464 : vector<16xf32> to vector<1x1x16xf32>
        tpu.vector_store %arg13[%swap3A_1466, %swap3A_1467, %swap3A_1468], %swap3A_1471 {strides = array<i32>} : memref<2x400x64xf32, #tpu.memory_space<vmem>>, vector<1x1x16xf32>,
        %mul3A_1472 = arith.constant 64 : i32
        %mul3A_1473 = arith.muli %add3A_1402, %mul3A_1472 : i32
        %add3A_1474 = arith.constant 48 : i32
        %add3A_1475 = arith.addi %mul3A_1473, %add3A_1474 : i32
        %get3A_1476 = arith.constant 0 : i32
        %get3A_1477 = arith.index_cast %get3A_1476 : i32 to index
        %get3A_1478 = arith.index_cast %add3A_1402 : i32 to index
        %get3A_1479 = arith.constant 48 : index
        %get3A_1480 = tpu.vector_load %arg13[%get3A_1477, %get3A_1478, %get3A_1479] {strides = array<i32>} : memref<2x400x64xf32, #tpu.memory_space<vmem>>, vector<1x1x16xf32>,
        %get3A_1481 = vector.shape_cast %get3A_1480 : vector<1x1x16xf32> to vector<16xf32>
        %get3A_1482 = arith.index_cast %add3A_1475 : i32 to index
        %get3A_1483 = tpu.vector_load %arg10[%get3A_1482] {strides = array<i32>} : memref<25600xf32, #tpu.memory_space<vmem>>, vector<16xf32>,
        %get3A_1484 = vector.shape_cast %get3A_1483 : vector<16xf32> to vector<16xf32>
        %add3A_1485 = arith.addf %get3A_1481, %get3A_1484 : vector<16xf32>
        %mul3A_1486 = arith.mulf %gather3A_1398, %get3A_66 : vector<16xf32>
        %add3A_1487 = arith.addf %add3A_1485, %mul3A_1486 : vector<16xf32>
        %swap3A_1488 = arith.constant 0 : i32
        %swap3A_1489 = arith.index_cast %swap3A_1488 : i32 to index
        %swap3A_1490 = arith.index_cast %add3A_1402 : i32 to index
        %swap3A_1491 = arith.constant 48 : index
        %swap3A_1492 = tpu.vector_load %arg13[%swap3A_1489, %swap3A_1490, %swap3A_1491] {strides = array<i32>} : memref<2x400x64xf32, #tpu.memory_space<vmem>>, vector<1x1x16xf32>,
        %swap3A_1493 = vector.shape_cast %swap3A_1492 : vector<1x1x16xf32> to vector<16xf32>
        %swap3A_1494 = vector.shape_cast %add3A_1487 : vector<16xf32> to vector<1x1x16xf32>
        tpu.vector_store %arg13[%swap3A_1489, %swap3A_1490, %swap3A_1491], %swap3A_1494 {strides = array<i32>} : memref<2x400x64xf32, #tpu.memory_space<vmem>>, vector<1x1x16xf32>,
        %broadcast_in_dim3A_1495 = arith.constant 13 : i32
        %broadcast_in_dim3A_1496 = vector.broadcast %broadcast_in_dim3A_1495 : i32 to vector<16x1xi32>
        %gather3A_1497 = vector.shape_cast %broadcast_in_dim3A_1496 : vector<16x1xi32> to vector<16xi32>
        %gather3A_1498 = tpu.dynamic_gather %convert_element_type3A_196[%gather3A_1497] in [0] : vector<16xf32>, vector<16xi32> -> vector<16xf32>
        %mul3A_1499 = arith.constant 16 : i32
        %mul3A_1500 = arith.muli %scan3A_187, %mul3A_1499 : i32
        %add3A_1501 = arith.constant 13 : i32
        %add3A_1502 = arith.addi %mul3A_1500, %add3A_1501 : i32
        %mul3A_1503 = arith.constant 64 : i32
        %mul3A_1504 = arith.muli %add3A_1502, %mul3A_1503 : i32
        %add3A_1505 = arith.constant 0 : i32
        %add3A_1506 = arith.addi %mul3A_1504, %add3A_1505 : i32
        %get3A_1507 = arith.constant 0 : i32
        %get3A_1508 = arith.index_cast %get3A_1507 : i32 to index
        %get3A_1509 = arith.index_cast %add3A_1502 : i32 to index
        %get3A_1510 = arith.constant 0 : index
        %get3A_1511 = tpu.vector_load %arg13[%get3A_1508, %get3A_1509, %get3A_1510] {strides = array<i32>} : memref<2x400x64xf32, #tpu.memory_space<vmem>>, vector<1x1x16xf32>,
        %get3A_1512 = vector.shape_cast %get3A_1511 : vector<1x1x16xf32> to vector<16xf32>
        %get3A_1513 = arith.index_cast %add3A_1506 : i32 to index
        %get3A_1514 = tpu.vector_load %arg10[%get3A_1513] {strides = array<i32>} : memref<25600xf32, #tpu.memory_space<vmem>>, vector<16xf32>,
        %get3A_1515 = vector.shape_cast %get3A_1514 : vector<16xf32> to vector<16xf32>
        %add3A_1516 = arith.addf %get3A_1512, %get3A_1515 : vector<16xf32>
        %mul3A_1517 = arith.mulf %gather3A_1498, %get3A_57 : vector<16xf32>
        %add3A_1518 = arith.addf %add3A_1516, %mul3A_1517 : vector<16xf32>
        %swap3A_1519 = arith.constant 0 : i32
        %swap3A_1520 = arith.index_cast %swap3A_1519 : i32 to index
        %swap3A_1521 = arith.index_cast %add3A_1502 : i32 to index
        %swap3A_1522 = arith.constant 0 : index
        %swap3A_1523 = tpu.vector_load %arg13[%swap3A_1520, %swap3A_1521, %swap3A_1522] {strides = array<i32>} : memref<2x400x64xf32, #tpu.memory_space<vmem>>, vector<1x1x16xf32>,
        %swap3A_1524 = vector.shape_cast %swap3A_1523 : vector<1x1x16xf32> to vector<16xf32>
        %swap3A_1525 = vector.shape_cast %add3A_1518 : vector<16xf32> to vector<1x1x16xf32>
        tpu.vector_store %arg13[%swap3A_1520, %swap3A_1521, %swap3A_1522], %swap3A_1525 {strides = array<i32>} : memref<2x400x64xf32, #tpu.memory_space<vmem>>, vector<1x1x16xf32>,
        %mul3A_1526 = arith.constant 64 : i32
        %mul3A_1527 = arith.muli %add3A_1502, %mul3A_1526 : i32
        %add3A_1528 = arith.constant 16 : i32
        %add3A_1529 = arith.addi %mul3A_1527, %add3A_1528 : i32
        %get3A_1530 = arith.constant 0 : i32
        %get3A_1531 = arith.index_cast %get3A_1530 : i32 to index
        %get3A_1532 = arith.index_cast %add3A_1502 : i32 to index
        %get3A_1533 = arith.constant 16 : index
        %get3A_1534 = tpu.vector_load %arg13[%get3A_1531, %get3A_1532, %get3A_1533] {strides = array<i32>} : memref<2x400x64xf32, #tpu.memory_space<vmem>>, vector<1x1x16xf32>,
        %get3A_1535 = vector.shape_cast %get3A_1534 : vector<1x1x16xf32> to vector<16xf32>
        %get3A_1536 = arith.index_cast %add3A_1529 : i32 to index
        %get3A_1537 = tpu.vector_load %arg10[%get3A_1536] {strides = array<i32>} : memref<25600xf32, #tpu.memory_space<vmem>>, vector<16xf32>,
        %get3A_1538 = vector.shape_cast %get3A_1537 : vector<16xf32> to vector<16xf32>
        %add3A_1539 = arith.addf %get3A_1535, %get3A_1538 : vector<16xf32>
        %mul3A_1540 = arith.mulf %gather3A_1498, %get3A_60 : vector<16xf32>
        %add3A_1541 = arith.addf %add3A_1539, %mul3A_1540 : vector<16xf32>
        %swap3A_1542 = arith.constant 0 : i32
        %swap3A_1543 = arith.index_cast %swap3A_1542 : i32 to index
        %swap3A_1544 = arith.index_cast %add3A_1502 : i32 to index
        %swap3A_1545 = arith.constant 16 : index
        %swap3A_1546 = tpu.vector_load %arg13[%swap3A_1543, %swap3A_1544, %swap3A_1545] {strides = array<i32>} : memref<2x400x64xf32, #tpu.memory_space<vmem>>, vector<1x1x16xf32>,
        %swap3A_1547 = vector.shape_cast %swap3A_1546 : vector<1x1x16xf32> to vector<16xf32>
        %swap3A_1548 = vector.shape_cast %add3A_1541 : vector<16xf32> to vector<1x1x16xf32>
        tpu.vector_store %arg13[%swap3A_1543, %swap3A_1544, %swap3A_1545], %swap3A_1548 {strides = array<i32>} : memref<2x400x64xf32, #tpu.memory_space<vmem>>, vector<1x1x16xf32>,
        %mul3A_1549 = arith.constant 64 : i32
        %mul3A_1550 = arith.muli %add3A_1502, %mul3A_1549 : i32
        %add3A_1551 = arith.constant 32 : i32
        %add3A_1552 = arith.addi %mul3A_1550, %add3A_1551 : i32
        %get3A_1553 = arith.constant 0 : i32
        %get3A_1554 = arith.index_cast %get3A_1553 : i32 to index
        %get3A_1555 = arith.index_cast %add3A_1502 : i32 to index
        %get3A_1556 = arith.constant 32 : index
        %get3A_1557 = tpu.vector_load %arg13[%get3A_1554, %get3A_1555, %get3A_1556] {strides = array<i32>} : memref<2x400x64xf32, #tpu.memory_space<vmem>>, vector<1x1x16xf32>,
        %get3A_1558 = vector.shape_cast %get3A_1557 : vector<1x1x16xf32> to vector<16xf32>
        %get3A_1559 = arith.index_cast %add3A_1552 : i32 to index
        %get3A_1560 = tpu.vector_load %arg10[%get3A_1559] {strides = array<i32>} : memref<25600xf32, #tpu.memory_space<vmem>>, vector<16xf32>,
        %get3A_1561 = vector.shape_cast %get3A_1560 : vector<16xf32> to vector<16xf32>
        %add3A_1562 = arith.addf %get3A_1558, %get3A_1561 : vector<16xf32>
        %mul3A_1563 = arith.mulf %gather3A_1498, %get3A_63 : vector<16xf32>
        %add3A_1564 = arith.addf %add3A_1562, %mul3A_1563 : vector<16xf32>
        %swap3A_1565 = arith.constant 0 : i32
        %swap3A_1566 = arith.index_cast %swap3A_1565 : i32 to index
        %swap3A_1567 = arith.index_cast %add3A_1502 : i32 to index
        %swap3A_1568 = arith.constant 32 : index
        %swap3A_1569 = tpu.vector_load %arg13[%swap3A_1566, %swap3A_1567, %swap3A_1568] {strides = array<i32>} : memref<2x400x64xf32, #tpu.memory_space<vmem>>, vector<1x1x16xf32>,
        %swap3A_1570 = vector.shape_cast %swap3A_1569 : vector<1x1x16xf32> to vector<16xf32>
        %swap3A_1571 = vector.shape_cast %add3A_1564 : vector<16xf32> to vector<1x1x16xf32>
        tpu.vector_store %arg13[%swap3A_1566, %swap3A_1567, %swap3A_1568], %swap3A_1571 {strides = array<i32>} : memref<2x400x64xf32, #tpu.memory_space<vmem>>, vector<1x1x16xf32>,
        %mul3A_1572 = arith.constant 64 : i32
        %mul3A_1573 = arith.muli %add3A_1502, %mul3A_1572 : i32
        %add3A_1574 = arith.constant 48 : i32
        %add3A_1575 = arith.addi %mul3A_1573, %add3A_1574 : i32
        %get3A_1576 = arith.constant 0 : i32
        %get3A_1577 = arith.index_cast %get3A_1576 : i32 to index
        %get3A_1578 = arith.index_cast %add3A_1502 : i32 to index
        %get3A_1579 = arith.constant 48 : index
        %get3A_1580 = tpu.vector_load %arg13[%get3A_1577, %get3A_1578, %get3A_1579] {strides = array<i32>} : memref<2x400x64xf32, #tpu.memory_space<vmem>>, vector<1x1x16xf32>,
        %get3A_1581 = vector.shape_cast %get3A_1580 : vector<1x1x16xf32> to vector<16xf32>
        %get3A_1582 = arith.index_cast %add3A_1575 : i32 to index
        %get3A_1583 = tpu.vector_load %arg10[%get3A_1582] {strides = array<i32>} : memref<25600xf32, #tpu.memory_space<vmem>>, vector<16xf32>,
        %get3A_1584 = vector.shape_cast %get3A_1583 : vector<16xf32> to vector<16xf32>
        %add3A_1585 = arith.addf %get3A_1581, %get3A_1584 : vector<16xf32>
        %mul3A_1586 = arith.mulf %gather3A_1498, %get3A_66 : vector<16xf32>
        %add3A_1587 = arith.addf %add3A_1585, %mul3A_1586 : vector<16xf32>
        %swap3A_1588 = arith.constant 0 : i32
        %swap3A_1589 = arith.index_cast %swap3A_1588 : i32 to index
        %swap3A_1590 = arith.index_cast %add3A_1502 : i32 to index
        %swap3A_1591 = arith.constant 48 : index
        %swap3A_1592 = tpu.vector_load %arg13[%swap3A_1589, %swap3A_1590, %swap3A_1591] {strides = array<i32>} : memref<2x400x64xf32, #tpu.memory_space<vmem>>, vector<1x1x16xf32>,
        %swap3A_1593 = vector.shape_cast %swap3A_1592 : vector<1x1x16xf32> to vector<16xf32>
        %swap3A_1594 = vector.shape_cast %add3A_1587 : vector<16xf32> to vector<1x1x16xf32>
        tpu.vector_store %arg13[%swap3A_1589, %swap3A_1590, %swap3A_1591], %swap3A_1594 {strides = array<i32>} : memref<2x400x64xf32, #tpu.memory_space<vmem>>, vector<1x1x16xf32>,
        %broadcast_in_dim3A_1595 = arith.constant 14 : i32
        %broadcast_in_dim3A_1596 = vector.broadcast %broadcast_in_dim3A_1595 : i32 to vector<16x1xi32>
        %gather3A_1597 = vector.shape_cast %broadcast_in_dim3A_1596 : vector<16x1xi32> to vector<16xi32>
        %gather3A_1598 = tpu.dynamic_gather %convert_element_type3A_196[%gather3A_1597] in [0] : vector<16xf32>, vector<16xi32> -> vector<16xf32>
        %mul3A_1599 = arith.constant 16 : i32
        %mul3A_1600 = arith.muli %scan3A_187, %mul3A_1599 : i32
        %add3A_1601 = arith.constant 14 : i32
        %add3A_1602 = arith.addi %mul3A_1600, %add3A_1601 : i32
        %mul3A_1603 = arith.constant 64 : i32
        %mul3A_1604 = arith.muli %add3A_1602, %mul3A_1603 : i32
        %add3A_1605 = arith.constant 0 : i32
        %add3A_1606 = arith.addi %mul3A_1604, %add3A_1605 : i32
        %get3A_1607 = arith.constant 0 : i32
        %get3A_1608 = arith.index_cast %get3A_1607 : i32 to index
        %get3A_1609 = arith.index_cast %add3A_1602 : i32 to index
        %get3A_1610 = arith.constant 0 : index
        %get3A_1611 = tpu.vector_load %arg13[%get3A_1608, %get3A_1609, %get3A_1610] {strides = array<i32>} : memref<2x400x64xf32, #tpu.memory_space<vmem>>, vector<1x1x16xf32>,
        %get3A_1612 = vector.shape_cast %get3A_1611 : vector<1x1x16xf32> to vector<16xf32>
        %get3A_1613 = arith.index_cast %add3A_1606 : i32 to index
        %get3A_1614 = tpu.vector_load %arg10[%get3A_1613] {strides = array<i32>} : memref<25600xf32, #tpu.memory_space<vmem>>, vector<16xf32>,
        %get3A_1615 = vector.shape_cast %get3A_1614 : vector<16xf32> to vector<16xf32>
        %add3A_1616 = arith.addf %get3A_1612, %get3A_1615 : vector<16xf32>
        %mul3A_1617 = arith.mulf %gather3A_1598, %get3A_57 : vector<16xf32>
        %add3A_1618 = arith.addf %add3A_1616, %mul3A_1617 : vector<16xf32>
        %swap3A_1619 = arith.constant 0 : i32
        %swap3A_1620 = arith.index_cast %swap3A_1619 : i32 to index
        %swap3A_1621 = arith.index_cast %add3A_1602 : i32 to index
        %swap3A_1622 = arith.constant 0 : index
        %swap3A_1623 = tpu.vector_load %arg13[%swap3A_1620, %swap3A_1621, %swap3A_1622] {strides = array<i32>} : memref<2x400x64xf32, #tpu.memory_space<vmem>>, vector<1x1x16xf32>,
        %swap3A_1624 = vector.shape_cast %swap3A_1623 : vector<1x1x16xf32> to vector<16xf32>
        %swap3A_1625 = vector.shape_cast %add3A_1618 : vector<16xf32> to vector<1x1x16xf32>
        tpu.vector_store %arg13[%swap3A_1620, %swap3A_1621, %swap3A_1622], %swap3A_1625 {strides = array<i32>} : memref<2x400x64xf32, #tpu.memory_space<vmem>>, vector<1x1x16xf32>,
        %mul3A_1626 = arith.constant 64 : i32
        %mul3A_1627 = arith.muli %add3A_1602, %mul3A_1626 : i32
        %add3A_1628 = arith.constant 16 : i32
        %add3A_1629 = arith.addi %mul3A_1627, %add3A_1628 : i32
        %get3A_1630 = arith.constant 0 : i32
        %get3A_1631 = arith.index_cast %get3A_1630 : i32 to index
        %get3A_1632 = arith.index_cast %add3A_1602 : i32 to index
        %get3A_1633 = arith.constant 16 : index
        %get3A_1634 = tpu.vector_load %arg13[%get3A_1631, %get3A_1632, %get3A_1633] {strides = array<i32>} : memref<2x400x64xf32, #tpu.memory_space<vmem>>, vector<1x1x16xf32>,
        %get3A_1635 = vector.shape_cast %get3A_1634 : vector<1x1x16xf32> to vector<16xf32>
        %get3A_1636 = arith.index_cast %add3A_1629 : i32 to index
        %get3A_1637 = tpu.vector_load %arg10[%get3A_1636] {strides = array<i32>} : memref<25600xf32, #tpu.memory_space<vmem>>, vector<16xf32>,
        %get3A_1638 = vector.shape_cast %get3A_1637 : vector<16xf32> to vector<16xf32>
        %add3A_1639 = arith.addf %get3A_1635, %get3A_1638 : vector<16xf32>
        %mul3A_1640 = arith.mulf %gather3A_1598, %get3A_60 : vector<16xf32>
        %add3A_1641 = arith.addf %add3A_1639, %mul3A_1640 : vector<16xf32>
        %swap3A_1642 = arith.constant 0 : i32
        %swap3A_1643 = arith.index_cast %swap3A_1642 : i32 to index
        %swap3A_1644 = arith.index_cast %add3A_1602 : i32 to index
        %swap3A_1645 = arith.constant 16 : index
        %swap3A_1646 = tpu.vector_load %arg13[%swap3A_1643, %swap3A_1644, %swap3A_1645] {strides = array<i32>} : memref<2x400x64xf32, #tpu.memory_space<vmem>>, vector<1x1x16xf32>,
        %swap3A_1647 = vector.shape_cast %swap3A_1646 : vector<1x1x16xf32> to vector<16xf32>
        %swap3A_1648 = vector.shape_cast %add3A_1641 : vector<16xf32> to vector<1x1x16xf32>
        tpu.vector_store %arg13[%swap3A_1643, %swap3A_1644, %swap3A_1645], %swap3A_1648 {strides = array<i32>} : memref<2x400x64xf32, #tpu.memory_space<vmem>>, vector<1x1x16xf32>,
        %mul3A_1649 = arith.constant 64 : i32
        %mul3A_1650 = arith.muli %add3A_1602, %mul3A_1649 : i32
        %add3A_1651 = arith.constant 32 : i32
        %add3A_1652 = arith.addi %mul3A_1650, %add3A_1651 : i32
        %get3A_1653 = arith.constant 0 : i32
        %get3A_1654 = arith.index_cast %get3A_1653 : i32 to index
        %get3A_1655 = arith.index_cast %add3A_1602 : i32 to index
        %get3A_1656 = arith.constant 32 : index
        %get3A_1657 = tpu.vector_load %arg13[%get3A_1654, %get3A_1655, %get3A_1656] {strides = array<i32>} : memref<2x400x64xf32, #tpu.memory_space<vmem>>, vector<1x1x16xf32>,
        %get3A_1658 = vector.shape_cast %get3A_1657 : vector<1x1x16xf32> to vector<16xf32>
        %get3A_1659 = arith.index_cast %add3A_1652 : i32 to index
        %get3A_1660 = tpu.vector_load %arg10[%get3A_1659] {strides = array<i32>} : memref<25600xf32, #tpu.memory_space<vmem>>, vector<16xf32>,
        %get3A_1661 = vector.shape_cast %get3A_1660 : vector<16xf32> to vector<16xf32>
        %add3A_1662 = arith.addf %get3A_1658, %get3A_1661 : vector<16xf32>
        %mul3A_1663 = arith.mulf %gather3A_1598, %get3A_63 : vector<16xf32>
        %add3A_1664 = arith.addf %add3A_1662, %mul3A_1663 : vector<16xf32>
        %swap3A_1665 = arith.constant 0 : i32
        %swap3A_1666 = arith.index_cast %swap3A_1665 : i32 to index
        %swap3A_1667 = arith.index_cast %add3A_1602 : i32 to index
        %swap3A_1668 = arith.constant 32 : index
        %swap3A_1669 = tpu.vector_load %arg13[%swap3A_1666, %swap3A_1667, %swap3A_1668] {strides = array<i32>} : memref<2x400x64xf32, #tpu.memory_space<vmem>>, vector<1x1x16xf32>,
        %swap3A_1670 = vector.shape_cast %swap3A_1669 : vector<1x1x16xf32> to vector<16xf32>
        %swap3A_1671 = vector.shape_cast %add3A_1664 : vector<16xf32> to vector<1x1x16xf32>
        tpu.vector_store %arg13[%swap3A_1666, %swap3A_1667, %swap3A_1668], %swap3A_1671 {strides = array<i32>} : memref<2x400x64xf32, #tpu.memory_space<vmem>>, vector<1x1x16xf32>,
        %mul3A_1672 = arith.constant 64 : i32
        %mul3A_1673 = arith.muli %add3A_1602, %mul3A_1672 : i32
        %add3A_1674 = arith.constant 48 : i32
        %add3A_1675 = arith.addi %mul3A_1673, %add3A_1674 : i32
        %get3A_1676 = arith.constant 0 : i32
        %get3A_1677 = arith.index_cast %get3A_1676 : i32 to index
        %get3A_1678 = arith.index_cast %add3A_1602 : i32 to index
        %get3A_1679 = arith.constant 48 : index
        %get3A_1680 = tpu.vector_load %arg13[%get3A_1677, %get3A_1678, %get3A_1679] {strides = array<i32>} : memref<2x400x64xf32, #tpu.memory_space<vmem>>, vector<1x1x16xf32>,
        %get3A_1681 = vector.shape_cast %get3A_1680 : vector<1x1x16xf32> to vector<16xf32>
        %get3A_1682 = arith.index_cast %add3A_1675 : i32 to index
        %get3A_1683 = tpu.vector_load %arg10[%get3A_1682] {strides = array<i32>} : memref<25600xf32, #tpu.memory_space<vmem>>, vector<16xf32>,
        %get3A_1684 = vector.shape_cast %get3A_1683 : vector<16xf32> to vector<16xf32>
        %add3A_1685 = arith.addf %get3A_1681, %get3A_1684 : vector<16xf32>
        %mul3A_1686 = arith.mulf %gather3A_1598, %get3A_66 : vector<16xf32>
        %add3A_1687 = arith.addf %add3A_1685, %mul3A_1686 : vector<16xf32>
        %swap3A_1688 = arith.constant 0 : i32
        %swap3A_1689 = arith.index_cast %swap3A_1688 : i32 to index
        %swap3A_1690 = arith.index_cast %add3A_1602 : i32 to index
        %swap3A_1691 = arith.constant 48 : index
        %swap3A_1692 = tpu.vector_load %arg13[%swap3A_1689, %swap3A_1690, %swap3A_1691] {strides = array<i32>} : memref<2x400x64xf32, #tpu.memory_space<vmem>>, vector<1x1x16xf32>,
        %swap3A_1693 = vector.shape_cast %swap3A_1692 : vector<1x1x16xf32> to vector<16xf32>
        %swap3A_1694 = vector.shape_cast %add3A_1687 : vector<16xf32> to vector<1x1x16xf32>
        tpu.vector_store %arg13[%swap3A_1689, %swap3A_1690, %swap3A_1691], %swap3A_1694 {strides = array<i32>} : memref<2x400x64xf32, #tpu.memory_space<vmem>>, vector<1x1x16xf32>,
        %broadcast_in_dim3A_1695 = arith.constant 15 : i32
        %broadcast_in_dim3A_1696 = vector.broadcast %broadcast_in_dim3A_1695 : i32 to vector<16x1xi32>
        %gather3A_1697 = vector.shape_cast %broadcast_in_dim3A_1696 : vector<16x1xi32> to vector<16xi32>
        %gather3A_1698 = tpu.dynamic_gather %convert_element_type3A_196[%gather3A_1697] in [0] : vector<16xf32>, vector<16xi32> -> vector<16xf32>
        %mul3A_1699 = arith.constant 16 : i32
        %mul3A_1700 = arith.muli %scan3A_187, %mul3A_1699 : i32
        %add3A_1701 = arith.constant 15 : i32
        %add3A_1702 = arith.addi %mul3A_1700, %add3A_1701 : i32
        %mul3A_1703 = arith.constant 64 : i32
        %mul3A_1704 = arith.muli %add3A_1702, %mul3A_1703 : i32
        %add3A_1705 = arith.constant 0 : i32
        %add3A_1706 = arith.addi %mul3A_1704, %add3A_1705 : i32
        %get3A_1707 = arith.constant 0 : i32
        %get3A_1708 = arith.index_cast %get3A_1707 : i32 to index
        %get3A_1709 = arith.index_cast %add3A_1702 : i32 to index
        %get3A_1710 = arith.constant 0 : index
        %get3A_1711 = tpu.vector_load %arg13[%get3A_1708, %get3A_1709, %get3A_1710] {strides = array<i32>} : memref<2x400x64xf32, #tpu.memory_space<vmem>>, vector<1x1x16xf32>,
        %get3A_1712 = vector.shape_cast %get3A_1711 : vector<1x1x16xf32> to vector<16xf32>
        %get3A_1713 = arith.index_cast %add3A_1706 : i32 to index
        %get3A_1714 = tpu.vector_load %arg10[%get3A_1713] {strides = array<i32>} : memref<25600xf32, #tpu.memory_space<vmem>>, vector<16xf32>,
        %get3A_1715 = vector.shape_cast %get3A_1714 : vector<16xf32> to vector<16xf32>
        %add3A_1716 = arith.addf %get3A_1712, %get3A_1715 : vector<16xf32>
        %mul3A_1717 = arith.mulf %gather3A_1698, %get3A_57 : vector<16xf32>
        %add3A_1718 = arith.addf %add3A_1716, %mul3A_1717 : vector<16xf32>
        %swap3A_1719 = arith.constant 0 : i32
        %swap3A_1720 = arith.index_cast %swap3A_1719 : i32 to index
        %swap3A_1721 = arith.index_cast %add3A_1702 : i32 to index
        %swap3A_1722 = arith.constant 0 : index
        %swap3A_1723 = tpu.vector_load %arg13[%swap3A_1720, %swap3A_1721, %swap3A_1722] {strides = array<i32>} : memref<2x400x64xf32, #tpu.memory_space<vmem>>, vector<1x1x16xf32>,
        %swap3A_1724 = vector.shape_cast %swap3A_1723 : vector<1x1x16xf32> to vector<16xf32>
        %swap3A_1725 = vector.shape_cast %add3A_1718 : vector<16xf32> to vector<1x1x16xf32>
        tpu.vector_store %arg13[%swap3A_1720, %swap3A_1721, %swap3A_1722], %swap3A_1725 {strides = array<i32>} : memref<2x400x64xf32, #tpu.memory_space<vmem>>, vector<1x1x16xf32>,
        %mul3A_1726 = arith.constant 64 : i32
        %mul3A_1727 = arith.muli %add3A_1702, %mul3A_1726 : i32
        %add3A_1728 = arith.constant 16 : i32
        %add3A_1729 = arith.addi %mul3A_1727, %add3A_1728 : i32
        %get3A_1730 = arith.constant 0 : i32
        %get3A_1731 = arith.index_cast %get3A_1730 : i32 to index
        %get3A_1732 = arith.index_cast %add3A_1702 : i32 to index
        %get3A_1733 = arith.constant 16 : index
        %get3A_1734 = tpu.vector_load %arg13[%get3A_1731, %get3A_1732, %get3A_1733] {strides = array<i32>} : memref<2x400x64xf32, #tpu.memory_space<vmem>>, vector<1x1x16xf32>,
        %get3A_1735 = vector.shape_cast %get3A_1734 : vector<1x1x16xf32> to vector<16xf32>
        %get3A_1736 = arith.index_cast %add3A_1729 : i32 to index
        %get3A_1737 = tpu.vector_load %arg10[%get3A_1736] {strides = array<i32>} : memref<25600xf32, #tpu.memory_space<vmem>>, vector<16xf32>,
        %get3A_1738 = vector.shape_cast %get3A_1737 : vector<16xf32> to vector<16xf32>
        %add3A_1739 = arith.addf %get3A_1735, %get3A_1738 : vector<16xf32>
        %mul3A_1740 = arith.mulf %gather3A_1698, %get3A_60 : vector<16xf32>
        %add3A_1741 = arith.addf %add3A_1739, %mul3A_1740 : vector<16xf32>
        %swap3A_1742 = arith.constant 0 : i32
        %swap3A_1743 = arith.index_cast %swap3A_1742 : i32 to index
        %swap3A_1744 = arith.index_cast %add3A_1702 : i32 to index
        %swap3A_1745 = arith.constant 16 : index
        %swap3A_1746 = tpu.vector_load %arg13[%swap3A_1743, %swap3A_1744, %swap3A_1745] {strides = array<i32>} : memref<2x400x64xf32, #tpu.memory_space<vmem>>, vector<1x1x16xf32>,
        %swap3A_1747 = vector.shape_cast %swap3A_1746 : vector<1x1x16xf32> to vector<16xf32>
        %swap3A_1748 = vector.shape_cast %add3A_1741 : vector<16xf32> to vector<1x1x16xf32>
        tpu.vector_store %arg13[%swap3A_1743, %swap3A_1744, %swap3A_1745], %swap3A_1748 {strides = array<i32>} : memref<2x400x64xf32, #tpu.memory_space<vmem>>, vector<1x1x16xf32>,
        %mul3A_1749 = arith.constant 64 : i32
        %mul3A_1750 = arith.muli %add3A_1702, %mul3A_1749 : i32
        %add3A_1751 = arith.constant 32 : i32
        %add3A_1752 = arith.addi %mul3A_1750, %add3A_1751 : i32
        %get3A_1753 = arith.constant 0 : i32
        %get3A_1754 = arith.index_cast %get3A_1753 : i32 to index
        %get3A_1755 = arith.index_cast %add3A_1702 : i32 to index
        %get3A_1756 = arith.constant 32 : index
        %get3A_1757 = tpu.vector_load %arg13[%get3A_1754, %get3A_1755, %get3A_1756] {strides = array<i32>} : memref<2x400x64xf32, #tpu.memory_space<vmem>>, vector<1x1x16xf32>,
        %get3A_1758 = vector.shape_cast %get3A_1757 : vector<1x1x16xf32> to vector<16xf32>
        %get3A_1759 = arith.index_cast %add3A_1752 : i32 to index
        %get3A_1760 = tpu.vector_load %arg10[%get3A_1759] {strides = array<i32>} : memref<25600xf32, #tpu.memory_space<vmem>>, vector<16xf32>,
        %get3A_1761 = vector.shape_cast %get3A_1760 : vector<16xf32> to vector<16xf32>
        %add3A_1762 = arith.addf %get3A_1758, %get3A_1761 : vector<16xf32>
        %mul3A_1763 = arith.mulf %gather3A_1698, %get3A_63 : vector<16xf32>
        %add3A_1764 = arith.addf %add3A_1762, %mul3A_1763 : vector<16xf32>
        %swap3A_1765 = arith.constant 0 : i32
        %swap3A_1766 = arith.index_cast %swap3A_1765 : i32 to index
        %swap3A_1767 = arith.index_cast %add3A_1702 : i32 to index
        %swap3A_1768 = arith.constant 32 : index
        %swap3A_1769 = tpu.vector_load %arg13[%swap3A_1766, %swap3A_1767, %swap3A_1768] {strides = array<i32>} : memref<2x400x64xf32, #tpu.memory_space<vmem>>, vector<1x1x16xf32>,
        %swap3A_1770 = vector.shape_cast %swap3A_1769 : vector<1x1x16xf32> to vector<16xf32>
        %swap3A_1771 = vector.shape_cast %add3A_1764 : vector<16xf32> to vector<1x1x16xf32>
        tpu.vector_store %arg13[%swap3A_1766, %swap3A_1767, %swap3A_1768], %swap3A_1771 {strides = array<i32>} : memref<2x400x64xf32, #tpu.memory_space<vmem>>, vector<1x1x16xf32>,
        %mul3A_1772 = arith.constant 64 : i32
        %mul3A_1773 = arith.muli %add3A_1702, %mul3A_1772 : i32
        %add3A_1774 = arith.constant 48 : i32
        %add3A_1775 = arith.addi %mul3A_1773, %add3A_1774 : i32
        %get3A_1776 = arith.constant 0 : i32
        %get3A_1777 = arith.index_cast %get3A_1776 : i32 to index
        %get3A_1778 = arith.index_cast %add3A_1702 : i32 to index
        %get3A_1779 = arith.constant 48 : index
        %get3A_1780 = tpu.vector_load %arg13[%get3A_1777, %get3A_1778, %get3A_1779] {strides = array<i32>} : memref<2x400x64xf32, #tpu.memory_space<vmem>>, vector<1x1x16xf32>,
        %get3A_1781 = vector.shape_cast %get3A_1780 : vector<1x1x16xf32> to vector<16xf32>
        %get3A_1782 = arith.index_cast %add3A_1775 : i32 to index
        %get3A_1783 = tpu.vector_load %arg10[%get3A_1782] {strides = array<i32>} : memref<25600xf32, #tpu.memory_space<vmem>>, vector<16xf32>,
        %get3A_1784 = vector.shape_cast %get3A_1783 : vector<16xf32> to vector<16xf32>
        %add3A_1785 = arith.addf %get3A_1781, %get3A_1784 : vector<16xf32>
        %mul3A_1786 = arith.mulf %gather3A_1698, %get3A_66 : vector<16xf32>
        %add3A_1787 = arith.addf %add3A_1785, %mul3A_1786 : vector<16xf32>
        %swap3A_1788 = arith.constant 0 : i32
        %swap3A_1789 = arith.index_cast %swap3A_1788 : i32 to index
        %swap3A_1790 = arith.index_cast %add3A_1702 : i32 to index
        %swap3A_1791 = arith.constant 48 : index
        %swap3A_1792 = tpu.vector_load %arg13[%swap3A_1789, %swap3A_1790, %swap3A_1791] {strides = array<i32>} : memref<2x400x64xf32, #tpu.memory_space<vmem>>, vector<1x1x16xf32>,
        %swap3A_1793 = vector.shape_cast %swap3A_1792 : vector<1x1x16xf32> to vector<16xf32>
        %swap3A_1794 = vector.shape_cast %add3A_1787 : vector<16xf32> to vector<1x1x16xf32>
        tpu.vector_store %arg13[%swap3A_1789, %swap3A_1790, %swap3A_1791], %swap3A_1794 {strides = array<i32>} : memref<2x400x64xf32, #tpu.memory_space<vmem>>, vector<1x1x16xf32>,
      }
      %scan3A_118 = arith.constant 25 : i32
      %mul3A_119 = arith.constant 400 : i32
      %mul3A_120 = arith.muli %mul3A_89, %mul3A_119 : i32
      %add3A_121 = arith.addi %mul3A_2, %mul3A_120 : i32
      %dma_start3A = arith.constant 0 : i32
      %dma_start3A_122 = arith.constant 0 : i32
      %dma_start3A_123 = arith.constant 0 : i32
      %dma_start3A_124 = tpu.memref_slice %arg13[%dma_start3A, %dma_start3A_122, %dma_start3A_123] : memref<2x400x64xf32, #tpu.memory_space<vmem>> -> memref<1x400x64xf32, #tpu.memory_space<vmem>>
      %dma_start3A_125 = tpu.memref_squeeze %dma_start3A_124 : memref<1x400x64xf32, #tpu.memory_space<vmem>> -> memref<400x64xf32, #tpu.memory_space<vmem>>
      %dma_start3A_126 = arith.constant 0 : i32
      %dma_start3A_127 = tpu.memref_slice %arg7[%add3A_121, %dma_start3A_126] : memref<204800x64xf32, #tpu.memory_space<hbm>> -> memref<400x64xf32, #tpu.memory_space<hbm>>
      %dma_start3A_128 = arith.constant 0 : i32
      %dma_start3A_129 = tpu.memref_slice %arg7[%add3A_121, %dma_start3A_128] : memref<204800x64xf32, #tpu.memory_space<hbm>> -> memref<400x64xf32, #tpu.memory_space<hbm>>
      %dma_start3A_130 = arith.constant 0 : i32
      %dma_start3A_131 = arith.constant 0 : i32
      %dma_start3A_132 = tpu.memref_slice %arg13[%dma_start3A, %dma_start3A_130, %dma_start3A_131] : memref<2x400x64xf32, #tpu.memory_space<vmem>> -> memref<1x400x64xf32, #tpu.memory_space<vmem>>
      %dma_start3A_133 = tpu.memref_squeeze %dma_start3A_132 : memref<1x400x64xf32, #tpu.memory_space<vmem>> -> memref<400x64xf32, #tpu.memory_space<vmem>>
      tpu.enqueue_dma source(%dma_start3A_133 : memref<400x64xf32, #tpu.memory_space<vmem>>) target(%dma_start3A_129 : memref<400x64xf32, #tpu.memory_space<hbm>>) target_semaphore(%arg16 : memref<!tpu.dma_semaphore, #tpu.memory_space<semaphore_mem>>)
      %mul3A_134 = arith.constant 2 : i32
      %mul3A_135 = arith.muli %mul3A_134, %scan3A_87 : i32
      %add3A_136 = arith.constant 1 : i32
      %add3A_137 = arith.addi %mul3A_135, %add3A_136 : i32
      %ge3A_138 = arith.constant 1 : i32
      %ge3A_139 = arith.cmpi sge, %add3A_137, %ge3A_138 : i32
      %convert_element_type3A_140 = arith.extui %ge3A_139 : i1 to i32
      %cond3A_141 = arith.constant 0 : i32
      %cond3A_142 = arith.cmpi ne, %convert_element_type3A_140, %cond3A_141 : i32
      scf.if %cond3A_142 {
        %sub3A_187 = arith.constant 1 : i32
        %sub3A_188 = arith.subi %add3A_137, %sub3A_187 : i32
        %mul3A_189 = arith.constant 400 : i32
        %mul3A_190 = arith.muli %sub3A_188, %mul3A_189 : i32
        %add3A_191 = arith.addi %mul3A_2, %mul3A_190 : i32
        %dma_wait3A_192 = arith.constant 0 : i32
        %dma_wait3A_193 = arith.constant 0 : i32
        %dma_wait3A_194 = arith.constant 0 : i32
        %dma_wait3A_195 = tpu.memref_slice %arg13[%dma_wait3A_192, %dma_wait3A_193, %dma_wait3A_194] : memref<2x400x64xf32, #tpu.memory_space<vmem>> -> memref<1x400x64xf32, #tpu.memory_space<vmem>>
        %dma_wait3A_196 = tpu.memref_squeeze %dma_wait3A_195 : memref<1x400x64xf32, #tpu.memory_space<vmem>> -> memref<400x64xf32, #tpu.memory_space<vmem>>
        %dma_wait3A_197 = arith.constant 0 : i32
        %dma_wait3A_198 = tpu.memref_slice %arg7[%add3A_191, %dma_wait3A_197] : memref<204800x64xf32, #tpu.memory_space<hbm>> -> memref<400x64xf32, #tpu.memory_space<hbm>>
        %dma_wait3A_199 = arith.constant 0 : i32
        %dma_wait3A_200 = tpu.memref_slice %arg7[%add3A_191, %dma_wait3A_199] : memref<204800x64xf32, #tpu.memory_space<hbm>> -> memref<400x64xf32, #tpu.memory_space<hbm>>
        %dma_wait3A_201 = arith.constant 0 : i32
        %dma_wait3A_202 = arith.constant 0 : i32
        %dma_wait3A_203 = tpu.memref_slice %arg13[%dma_wait3A_192, %dma_wait3A_201, %dma_wait3A_202] : memref<2x400x64xf32, #tpu.memory_space<vmem>> -> memref<1x400x64xf32, #tpu.memory_space<vmem>>
        %dma_wait3A_204 = tpu.memref_squeeze %dma_wait3A_203 : memref<1x400x64xf32, #tpu.memory_space<vmem>> -> memref<400x64xf32, #tpu.memory_space<vmem>>
        tpu.wait_dma2 semaphore(%arg16 : memref<!tpu.dma_semaphore, #tpu.memory_space<semaphore_mem>>) src(%dma_wait3A_204 : memref<400x64xf32, #tpu.memory_space<vmem>>) dst(%dma_wait3A_200 : memref<400x64xf32, #tpu.memory_space<hbm>>)
      } else {
      }
      %add3A_143 = arith.constant 1 : i32
      %add3A_144 = arith.addi %add3A_137, %add3A_143 : i32
      %lt3A_145 = arith.constant 16 : i32
      %lt3A_146 = arith.cmpi slt, %add3A_144, %lt3A_145 : i32
      %convert_element_type3A_147 = arith.extui %lt3A_146 : i1 to i32
      %cond3A_148 = arith.constant 0 : i32
      %cond3A_149 = arith.cmpi ne, %convert_element_type3A_147, %cond3A_148 : i32
      scf.if %cond3A_149 {
        %add3A_187 = arith.constant 1 : i32
        %add3A_188 = arith.addi %add3A_137, %add3A_187 : i32
        %scan3A_189 = arith.constant 0 : i32
        %scan3A_190 = arith.constant 0 : i32
        %scan3A_191 = arith.constant 25 : i32
        %scan3A_192 = arith.addi %scan3A_190, %scan3A_191 : i32
        %scan3A_193 = arith.constant 1 : i32
        scf.for %scan3A_195 = %scan3A_190 to %scan3A_192 step %scan3A_193  : i32 {
          %mul3A_196 = arith.constant 400 : i32
          %mul3A_197 = arith.muli %add3A_188, %mul3A_196 : i32
          %mul3A_198 = arith.constant 16 : i32
          %mul3A_199 = arith.muli %scan3A_195, %mul3A_198 : i32
          %add3A_200 = arith.addi %mul3A_197, %mul3A_199 : i32
          %get3A_201 = arith.index_cast %add3A_200 : i32 to index
          %get3A_202 = tpu.vector_load %arg8[%get3A_201] {strides = array<i32>} : memref<6400xi32, #tpu.memory_space<vmem>>, vector<16xi32>,
          %get3A_203 = vector.shape_cast %get3A_202 : vector<16xi32> to vector<16xi32>
          %mul3A_204 = arith.constant 16 : i32
          %mul3A_205 = arith.muli %scan3A_195, %mul3A_204 : i32
          %dma_start3A_206 = arith.constant 0 : i32
          %dma_start3A_207 = arith.constant 0 : i32
          %dma_start3A_208 = tpu.memref_slice %arg13[%dma_start3A_206, %mul3A_205, %dma_start3A_207] : memref<2x400x64xf32, #tpu.memory_space<vmem>> -> memref<1x16x64xf32, #tpu.memory_space<vmem>>
          %dma_start3A_209 = tpu.memref_squeeze %dma_start3A_208 : memref<1x16x64xf32, #tpu.memory_space<vmem>> -> memref<16x64xf32, #tpu.memory_space<vmem>>
          %dma_start3A_210 = arith.constant 0 : i32
          %dma_start3A_211 = arith.constant 0 : i32
          %dma_start3A_212 = tpu.memref_slice %arg4[%dma_start3A_210, %dma_start3A_211] : memref<1000000x64xf32, #tpu.memory_space<hbm>> -> memref<1000000x64xf32, #tpu.memory_space<hbm>>
          tpu.enqueue_indirect_dma source(%dma_start3A_212 : memref<1000000x64xf32, #tpu.memory_space<hbm>>) target(%dma_start3A_209 : memref<16x64xf32, #tpu.memory_space<vmem>>) offsets(%get3A_203 : vector<16xi32>) semaphore(%arg14 : memref<!tpu.dma_semaphore, #tpu.memory_space<semaphore_mem>>)
        }
        %scan3A_194 = arith.constant 25 : i32
      } else {
      }
      %dma_wait3A_150 = arith.constant 1 : i32
      %dma_wait3A_151 = arith.constant 0 : i32
      %dma_wait3A_152 = arith.constant 0 : i32
      %dma_wait3A_153 = tpu.memref_slice %arg13[%dma_wait3A_150, %dma_wait3A_151, %dma_wait3A_152] : memref<2x400x64xf32, #tpu.memory_space<vmem>> -> memref<1x400x64xf32, #tpu.memory_space<vmem>>
      %dma_wait3A_154 = tpu.memref_squeeze %dma_wait3A_153 : memref<1x400x64xf32, #tpu.memory_space<vmem>> -> memref<400x64xf32, #tpu.memory_space<vmem>>
      %dma_wait3A_155 = arith.constant 0 : i32
      %dma_wait3A_156 = arith.constant 0 : i32
      %dma_wait3A_157 = tpu.memref_slice %arg4[%dma_wait3A_155, %dma_wait3A_156] : memref<1000000x64xf32, #tpu.memory_space<hbm>> -> memref<400x64xf32, #tpu.memory_space<hbm>>
      %dma_wait3A_158 = arith.constant 0 : i32
      %dma_wait3A_159 = arith.constant 0 : i32
      %dma_wait3A_160 = tpu.memref_slice %arg13[%dma_wait3A_150, %dma_wait3A_158, %dma_wait3A_159] : memref<2x400x64xf32, #tpu.memory_space<vmem>> -> memref<1x400x64xf32, #tpu.memory_space<vmem>>
      %dma_wait3A_161 = tpu.memref_squeeze %dma_wait3A_160 : memref<1x400x64xf32, #tpu.memory_space<vmem>> -> memref<400x64xf32, #tpu.memory_space<vmem>>
      %dma_wait3A_162 = arith.constant 0 : i32
      %dma_wait3A_163 = arith.constant 0 : i32
      %dma_wait3A_164 = tpu.memref_slice %arg4[%dma_wait3A_162, %dma_wait3A_163] : memref<1000000x64xf32, #tpu.memory_space<hbm>> -> memref<400x64xf32, #tpu.memory_space<hbm>>
      tpu.wait_dma2 semaphore(%arg15 : memref<!tpu.dma_semaphore, #tpu.memory_space<semaphore_mem>>) src(%dma_wait3A_164 : memref<400x64xf32, #tpu.memory_space<hbm>>) dst(%dma_wait3A_161 : memref<400x64xf32, #tpu.memory_space<vmem>>)
      %scan3A_165 = arith.constant 0 : i32
      %scan3A_166 = arith.constant 0 : i32
      %scan3A_167 = arith.constant 25 : i32
      %scan3A_168 = arith.addi %scan3A_166, %scan3A_167 : i32
      %scan3A_169 = arith.constant 1 : i32
      scf.for %scan3A_187 = %scan3A_166 to %scan3A_168 step %scan3A_169  : i32 {
        %mul3A_188 = arith.constant 400 : i32
        %mul3A_189 = arith.muli %add3A_137, %mul3A_188 : i32
        %mul3A_190 = arith.constant 16 : i32
        %mul3A_191 = arith.muli %scan3A_187, %mul3A_190 : i32
        %add3A_192 = arith.addi %mul3A_189, %mul3A_191 : i32
        %get3A_193 = arith.index_cast %add3A_192 : i32 to index
        %get3A_194 = tpu.vector_load %arg9[%get3A_193] {strides = array<i32>} : memref<6400xi32, #tpu.memory_space<vmem>>, vector<16xi32>,
        %get3A_195 = vector.shape_cast %get3A_194 : vector<16xi32> to vector<16xi32>
        %convert_element_type3A_196 = arith.sitofp %get3A_195 : vector<16xi32> to vector<16xf32>
        %broadcast_in_dim3A = arith.constant 0 : i32
        %broadcast_in_dim3A_197 = vector.broadcast %broadcast_in_dim3A : i32 to vector<16x1xi32>
        %gather3A = vector.shape_cast %broadcast_in_dim3A_197 : vector<16x1xi32> to vector<16xi32>
        %gather3A_198 = tpu.dynamic_gather %convert_element_type3A_196[%gather3A] in [0] : vector<16xf32>, vector<16xi32> -> vector<16xf32>
        %mul3A_199 = arith.constant 16 : i32
        %mul3A_200 = arith.muli %scan3A_187, %mul3A_199 : i32
        %add3A_201 = arith.constant 0 : i32
        %add3A_202 = arith.addi %mul3A_200, %add3A_201 : i32
        %mul3A_203 = arith.constant 64 : i32
        %mul3A_204 = arith.muli %add3A_202, %mul3A_203 : i32
        %add3A_205 = arith.constant 0 : i32
        %add3A_206 = arith.addi %mul3A_204, %add3A_205 : i32
        %get3A_207 = arith.constant 1 : i32
        %get3A_208 = arith.index_cast %get3A_207 : i32 to index
        %get3A_209 = arith.index_cast %add3A_202 : i32 to index
        %get3A_210 = arith.constant 0 : index
        %get3A_211 = tpu.vector_load %arg13[%get3A_208, %get3A_209, %get3A_210] {strides = array<i32>} : memref<2x400x64xf32, #tpu.memory_space<vmem>>, vector<1x1x16xf32>,
        %get3A_212 = vector.shape_cast %get3A_211 : vector<1x1x16xf32> to vector<16xf32>
        %get3A_213 = arith.index_cast %add3A_206 : i32 to index
        %get3A_214 = tpu.vector_load %arg10[%get3A_213] {strides = array<i32>} : memref<25600xf32, #tpu.memory_space<vmem>>, vector<16xf32>,
        %get3A_215 = vector.shape_cast %get3A_214 : vector<16xf32> to vector<16xf32>
        %add3A_216 = arith.addf %get3A_212, %get3A_215 : vector<16xf32>
        %mul3A_217 = arith.mulf %gather3A_198, %get3A_57 : vector<16xf32>
        %add3A_218 = arith.addf %add3A_216, %mul3A_217 : vector<16xf32>
        %swap3A_219 = arith.constant 1 : i32
        %swap3A_220 = arith.index_cast %swap3A_219 : i32 to index
        %swap3A_221 = arith.index_cast %add3A_202 : i32 to index
        %swap3A_222 = arith.constant 0 : index
        %swap3A_223 = tpu.vector_load %arg13[%swap3A_220, %swap3A_221, %swap3A_222] {strides = array<i32>} : memref<2x400x64xf32, #tpu.memory_space<vmem>>, vector<1x1x16xf32>,
        %swap3A_224 = vector.shape_cast %swap3A_223 : vector<1x1x16xf32> to vector<16xf32>
        %swap3A_225 = vector.shape_cast %add3A_218 : vector<16xf32> to vector<1x1x16xf32>
        tpu.vector_store %arg13[%swap3A_220, %swap3A_221, %swap3A_222], %swap3A_225 {strides = array<i32>} : memref<2x400x64xf32, #tpu.memory_space<vmem>>, vector<1x1x16xf32>,
        %mul3A_226 = arith.constant 64 : i32
        %mul3A_227 = arith.muli %add3A_202, %mul3A_226 : i32
        %add3A_228 = arith.constant 16 : i32
        %add3A_229 = arith.addi %mul3A_227, %add3A_228 : i32
        %get3A_230 = arith.constant 1 : i32
        %get3A_231 = arith.index_cast %get3A_230 : i32 to index
        %get3A_232 = arith.index_cast %add3A_202 : i32 to index
        %get3A_233 = arith.constant 16 : index
        %get3A_234 = tpu.vector_load %arg13[%get3A_231, %get3A_232, %get3A_233] {strides = array<i32>} : memref<2x400x64xf32, #tpu.memory_space<vmem>>, vector<1x1x16xf32>,
        %get3A_235 = vector.shape_cast %get3A_234 : vector<1x1x16xf32> to vector<16xf32>
        %get3A_236 = arith.index_cast %add3A_229 : i32 to index
        %get3A_237 = tpu.vector_load %arg10[%get3A_236] {strides = array<i32>} : memref<25600xf32, #tpu.memory_space<vmem>>, vector<16xf32>,
        %get3A_238 = vector.shape_cast %get3A_237 : vector<16xf32> to vector<16xf32>
        %add3A_239 = arith.addf %get3A_235, %get3A_238 : vector<16xf32>
        %mul3A_240 = arith.mulf %gather3A_198, %get3A_60 : vector<16xf32>
        %add3A_241 = arith.addf %add3A_239, %mul3A_240 : vector<16xf32>
        %swap3A_242 = arith.constant 1 : i32
        %swap3A_243 = arith.index_cast %swap3A_242 : i32 to index
        %swap3A_244 = arith.index_cast %add3A_202 : i32 to index
        %swap3A_245 = arith.constant 16 : index
        %swap3A_246 = tpu.vector_load %arg13[%swap3A_243, %swap3A_244, %swap3A_245] {strides = array<i32>} : memref<2x400x64xf32, #tpu.memory_space<vmem>>, vector<1x1x16xf32>,
        %swap3A_247 = vector.shape_cast %swap3A_246 : vector<1x1x16xf32> to vector<16xf32>
        %swap3A_248 = vector.shape_cast %add3A_241 : vector<16xf32> to vector<1x1x16xf32>
        tpu.vector_store %arg13[%swap3A_243, %swap3A_244, %swap3A_245], %swap3A_248 {strides = array<i32>} : memref<2x400x64xf32, #tpu.memory_space<vmem>>, vector<1x1x16xf32>,
        %mul3A_249 = arith.constant 64 : i32
        %mul3A_250 = arith.muli %add3A_202, %mul3A_249 : i32
        %add3A_251 = arith.constant 32 : i32
        %add3A_252 = arith.addi %mul3A_250, %add3A_251 : i32
        %get3A_253 = arith.constant 1 : i32
        %get3A_254 = arith.index_cast %get3A_253 : i32 to index
        %get3A_255 = arith.index_cast %add3A_202 : i32 to index
        %get3A_256 = arith.constant 32 : index
        %get3A_257 = tpu.vector_load %arg13[%get3A_254, %get3A_255, %get3A_256] {strides = array<i32>} : memref<2x400x64xf32, #tpu.memory_space<vmem>>, vector<1x1x16xf32>,
        %get3A_258 = vector.shape_cast %get3A_257 : vector<1x1x16xf32> to vector<16xf32>
        %get3A_259 = arith.index_cast %add3A_252 : i32 to index
        %get3A_260 = tpu.vector_load %arg10[%get3A_259] {strides = array<i32>} : memref<25600xf32, #tpu.memory_space<vmem>>, vector<16xf32>,
        %get3A_261 = vector.shape_cast %get3A_260 : vector<16xf32> to vector<16xf32>
        %add3A_262 = arith.addf %get3A_258, %get3A_261 : vector<16xf32>
        %mul3A_263 = arith.mulf %gather3A_198, %get3A_63 : vector<16xf32>
        %add3A_264 = arith.addf %add3A_262, %mul3A_263 : vector<16xf32>
        %swap3A_265 = arith.constant 1 : i32
        %swap3A_266 = arith.index_cast %swap3A_265 : i32 to index
        %swap3A_267 = arith.index_cast %add3A_202 : i32 to index
        %swap3A_268 = arith.constant 32 : index
        %swap3A_269 = tpu.vector_load %arg13[%swap3A_266, %swap3A_267, %swap3A_268] {strides = array<i32>} : memref<2x400x64xf32, #tpu.memory_space<vmem>>, vector<1x1x16xf32>,
        %swap3A_270 = vector.shape_cast %swap3A_269 : vector<1x1x16xf32> to vector<16xf32>
        %swap3A_271 = vector.shape_cast %add3A_264 : vector<16xf32> to vector<1x1x16xf32>
        tpu.vector_store %arg13[%swap3A_266, %swap3A_267, %swap3A_268], %swap3A_271 {strides = array<i32>} : memref<2x400x64xf32, #tpu.memory_space<vmem>>, vector<1x1x16xf32>,
        %mul3A_272 = arith.constant 64 : i32
        %mul3A_273 = arith.muli %add3A_202, %mul3A_272 : i32
        %add3A_274 = arith.constant 48 : i32
        %add3A_275 = arith.addi %mul3A_273, %add3A_274 : i32
        %get3A_276 = arith.constant 1 : i32
        %get3A_277 = arith.index_cast %get3A_276 : i32 to index
        %get3A_278 = arith.index_cast %add3A_202 : i32 to index
        %get3A_279 = arith.constant 48 : index
        %get3A_280 = tpu.vector_load %arg13[%get3A_277, %get3A_278, %get3A_279] {strides = array<i32>} : memref<2x400x64xf32, #tpu.memory_space<vmem>>, vector<1x1x16xf32>,
        %get3A_281 = vector.shape_cast %get3A_280 : vector<1x1x16xf32> to vector<16xf32>
        %get3A_282 = arith.index_cast %add3A_275 : i32 to index
        %get3A_283 = tpu.vector_load %arg10[%get3A_282] {strides = array<i32>} : memref<25600xf32, #tpu.memory_space<vmem>>, vector<16xf32>,
        %get3A_284 = vector.shape_cast %get3A_283 : vector<16xf32> to vector<16xf32>
        %add3A_285 = arith.addf %get3A_281, %get3A_284 : vector<16xf32>
        %mul3A_286 = arith.mulf %gather3A_198, %get3A_66 : vector<16xf32>
        %add3A_287 = arith.addf %add3A_285, %mul3A_286 : vector<16xf32>
        %swap3A_288 = arith.constant 1 : i32
        %swap3A_289 = arith.index_cast %swap3A_288 : i32 to index
        %swap3A_290 = arith.index_cast %add3A_202 : i32 to index
        %swap3A_291 = arith.constant 48 : index
        %swap3A_292 = tpu.vector_load %arg13[%swap3A_289, %swap3A_290, %swap3A_291] {strides = array<i32>} : memref<2x400x64xf32, #tpu.memory_space<vmem>>, vector<1x1x16xf32>,
        %swap3A_293 = vector.shape_cast %swap3A_292 : vector<1x1x16xf32> to vector<16xf32>
        %swap3A_294 = vector.shape_cast %add3A_287 : vector<16xf32> to vector<1x1x16xf32>
        tpu.vector_store %arg13[%swap3A_289, %swap3A_290, %swap3A_291], %swap3A_294 {strides = array<i32>} : memref<2x400x64xf32, #tpu.memory_space<vmem>>, vector<1x1x16xf32>,
        %broadcast_in_dim3A_295 = arith.constant 1 : i32
        %broadcast_in_dim3A_296 = vector.broadcast %broadcast_in_dim3A_295 : i32 to vector<16x1xi32>
        %gather3A_297 = vector.shape_cast %broadcast_in_dim3A_296 : vector<16x1xi32> to vector<16xi32>
        %gather3A_298 = tpu.dynamic_gather %convert_element_type3A_196[%gather3A_297] in [0] : vector<16xf32>, vector<16xi32> -> vector<16xf32>
        %mul3A_299 = arith.constant 16 : i32
        %mul3A_300 = arith.muli %scan3A_187, %mul3A_299 : i32
        %add3A_301 = arith.constant 1 : i32
        %add3A_302 = arith.addi %mul3A_300, %add3A_301 : i32
        %mul3A_303 = arith.constant 64 : i32
        %mul3A_304 = arith.muli %add3A_302, %mul3A_303 : i32
        %add3A_305 = arith.constant 0 : i32
        %add3A_306 = arith.addi %mul3A_304, %add3A_305 : i32
        %get3A_307 = arith.constant 1 : i32
        %get3A_308 = arith.index_cast %get3A_307 : i32 to index
        %get3A_309 = arith.index_cast %add3A_302 : i32 to index
        %get3A_310 = arith.constant 0 : index
        %get3A_311 = tpu.vector_load %arg13[%get3A_308, %get3A_309, %get3A_310] {strides = array<i32>} : memref<2x400x64xf32, #tpu.memory_space<vmem>>, vector<1x1x16xf32>,
        %get3A_312 = vector.shape_cast %get3A_311 : vector<1x1x16xf32> to vector<16xf32>
        %get3A_313 = arith.index_cast %add3A_306 : i32 to index
        %get3A_314 = tpu.vector_load %arg10[%get3A_313] {strides = array<i32>} : memref<25600xf32, #tpu.memory_space<vmem>>, vector<16xf32>,
        %get3A_315 = vector.shape_cast %get3A_314 : vector<16xf32> to vector<16xf32>
        %add3A_316 = arith.addf %get3A_312, %get3A_315 : vector<16xf32>
        %mul3A_317 = arith.mulf %gather3A_298, %get3A_57 : vector<16xf32>
        %add3A_318 = arith.addf %add3A_316, %mul3A_317 : vector<16xf32>
        %swap3A_319 = arith.constant 1 : i32
        %swap3A_320 = arith.index_cast %swap3A_319 : i32 to index
        %swap3A_321 = arith.index_cast %add3A_302 : i32 to index
        %swap3A_322 = arith.constant 0 : index
        %swap3A_323 = tpu.vector_load %arg13[%swap3A_320, %swap3A_321, %swap3A_322] {strides = array<i32>} : memref<2x400x64xf32, #tpu.memory_space<vmem>>, vector<1x1x16xf32>,
        %swap3A_324 = vector.shape_cast %swap3A_323 : vector<1x1x16xf32> to vector<16xf32>
        %swap3A_325 = vector.shape_cast %add3A_318 : vector<16xf32> to vector<1x1x16xf32>
        tpu.vector_store %arg13[%swap3A_320, %swap3A_321, %swap3A_322], %swap3A_325 {strides = array<i32>} : memref<2x400x64xf32, #tpu.memory_space<vmem>>, vector<1x1x16xf32>,
        %mul3A_326 = arith.constant 64 : i32
        %mul3A_327 = arith.muli %add3A_302, %mul3A_326 : i32
        %add3A_328 = arith.constant 16 : i32
        %add3A_329 = arith.addi %mul3A_327, %add3A_328 : i32
        %get3A_330 = arith.constant 1 : i32
        %get3A_331 = arith.index_cast %get3A_330 : i32 to index
        %get3A_332 = arith.index_cast %add3A_302 : i32 to index
        %get3A_333 = arith.constant 16 : index
        %get3A_334 = tpu.vector_load %arg13[%get3A_331, %get3A_332, %get3A_333] {strides = array<i32>} : memref<2x400x64xf32, #tpu.memory_space<vmem>>, vector<1x1x16xf32>,
        %get3A_335 = vector.shape_cast %get3A_334 : vector<1x1x16xf32> to vector<16xf32>
        %get3A_336 = arith.index_cast %add3A_329 : i32 to index
        %get3A_337 = tpu.vector_load %arg10[%get3A_336] {strides = array<i32>} : memref<25600xf32, #tpu.memory_space<vmem>>, vector<16xf32>,
        %get3A_338 = vector.shape_cast %get3A_337 : vector<16xf32> to vector<16xf32>
        %add3A_339 = arith.addf %get3A_335, %get3A_338 : vector<16xf32>
        %mul3A_340 = arith.mulf %gather3A_298, %get3A_60 : vector<16xf32>
        %add3A_341 = arith.addf %add3A_339, %mul3A_340 : vector<16xf32>
        %swap3A_342 = arith.constant 1 : i32
        %swap3A_343 = arith.index_cast %swap3A_342 : i32 to index
        %swap3A_344 = arith.index_cast %add3A_302 : i32 to index
        %swap3A_345 = arith.constant 16 : index
        %swap3A_346 = tpu.vector_load %arg13[%swap3A_343, %swap3A_344, %swap3A_345] {strides = array<i32>} : memref<2x400x64xf32, #tpu.memory_space<vmem>>, vector<1x1x16xf32>,
        %swap3A_347 = vector.shape_cast %swap3A_346 : vector<1x1x16xf32> to vector<16xf32>
        %swap3A_348 = vector.shape_cast %add3A_341 : vector<16xf32> to vector<1x1x16xf32>
        tpu.vector_store %arg13[%swap3A_343, %swap3A_344, %swap3A_345], %swap3A_348 {strides = array<i32>} : memref<2x400x64xf32, #tpu.memory_space<vmem>>, vector<1x1x16xf32>,
        %mul3A_349 = arith.constant 64 : i32
        %mul3A_350 = arith.muli %add3A_302, %mul3A_349 : i32
        %add3A_351 = arith.constant 32 : i32
        %add3A_352 = arith.addi %mul3A_350, %add3A_351 : i32
        %get3A_353 = arith.constant 1 : i32
        %get3A_354 = arith.index_cast %get3A_353 : i32 to index
        %get3A_355 = arith.index_cast %add3A_302 : i32 to index
        %get3A_356 = arith.constant 32 : index
        %get3A_357 = tpu.vector_load %arg13[%get3A_354, %get3A_355, %get3A_356] {strides = array<i32>} : memref<2x400x64xf32, #tpu.memory_space<vmem>>, vector<1x1x16xf32>,
        %get3A_358 = vector.shape_cast %get3A_357 : vector<1x1x16xf32> to vector<16xf32>
        %get3A_359 = arith.index_cast %add3A_352 : i32 to index
        %get3A_360 = tpu.vector_load %arg10[%get3A_359] {strides = array<i32>} : memref<25600xf32, #tpu.memory_space<vmem>>, vector<16xf32>,
        %get3A_361 = vector.shape_cast %get3A_360 : vector<16xf32> to vector<16xf32>
        %add3A_362 = arith.addf %get3A_358, %get3A_361 : vector<16xf32>
        %mul3A_363 = arith.mulf %gather3A_298, %get3A_63 : vector<16xf32>
        %add3A_364 = arith.addf %add3A_362, %mul3A_363 : vector<16xf32>
        %swap3A_365 = arith.constant 1 : i32
        %swap3A_366 = arith.index_cast %swap3A_365 : i32 to index
        %swap3A_367 = arith.index_cast %add3A_302 : i32 to index
        %swap3A_368 = arith.constant 32 : index
        %swap3A_369 = tpu.vector_load %arg13[%swap3A_366, %swap3A_367, %swap3A_368] {strides = array<i32>} : memref<2x400x64xf32, #tpu.memory_space<vmem>>, vector<1x1x16xf32>,
        %swap3A_370 = vector.shape_cast %swap3A_369 : vector<1x1x16xf32> to vector<16xf32>
        %swap3A_371 = vector.shape_cast %add3A_364 : vector<16xf32> to vector<1x1x16xf32>
        tpu.vector_store %arg13[%swap3A_366, %swap3A_367, %swap3A_368], %swap3A_371 {strides = array<i32>} : memref<2x400x64xf32, #tpu.memory_space<vmem>>, vector<1x1x16xf32>,
        %mul3A_372 = arith.constant 64 : i32
        %mul3A_373 = arith.muli %add3A_302, %mul3A_372 : i32
        %add3A_374 = arith.constant 48 : i32
        %add3A_375 = arith.addi %mul3A_373, %add3A_374 : i32
        %get3A_376 = arith.constant 1 : i32
        %get3A_377 = arith.index_cast %get3A_376 : i32 to index
        %get3A_378 = arith.index_cast %add3A_302 : i32 to index
        %get3A_379 = arith.constant 48 : index
        %get3A_380 = tpu.vector_load %arg13[%get3A_377, %get3A_378, %get3A_379] {strides = array<i32>} : memref<2x400x64xf32, #tpu.memory_space<vmem>>, vector<1x1x16xf32>,
        %get3A_381 = vector.shape_cast %get3A_380 : vector<1x1x16xf32> to vector<16xf32>
        %get3A_382 = arith.index_cast %add3A_375 : i32 to index
        %get3A_383 = tpu.vector_load %arg10[%get3A_382] {strides = array<i32>} : memref<25600xf32, #tpu.memory_space<vmem>>, vector<16xf32>,
        %get3A_384 = vector.shape_cast %get3A_383 : vector<16xf32> to vector<16xf32>
        %add3A_385 = arith.addf %get3A_381, %get3A_384 : vector<16xf32>
        %mul3A_386 = arith.mulf %gather3A_298, %get3A_66 : vector<16xf32>
        %add3A_387 = arith.addf %add3A_385, %mul3A_386 : vector<16xf32>
        %swap3A_388 = arith.constant 1 : i32
        %swap3A_389 = arith.index_cast %swap3A_388 : i32 to index
        %swap3A_390 = arith.index_cast %add3A_302 : i32 to index
        %swap3A_391 = arith.constant 48 : index
        %swap3A_392 = tpu.vector_load %arg13[%swap3A_389, %swap3A_390, %swap3A_391] {strides = array<i32>} : memref<2x400x64xf32, #tpu.memory_space<vmem>>, vector<1x1x16xf32>,
        %swap3A_393 = vector.shape_cast %swap3A_392 : vector<1x1x16xf32> to vector<16xf32>
        %swap3A_394 = vector.shape_cast %add3A_387 : vector<16xf32> to vector<1x1x16xf32>
        tpu.vector_store %arg13[%swap3A_389, %swap3A_390, %swap3A_391], %swap3A_394 {strides = array<i32>} : memref<2x400x64xf32, #tpu.memory_space<vmem>>, vector<1x1x16xf32>,
        %broadcast_in_dim3A_395 = arith.constant 2 : i32
        %broadcast_in_dim3A_396 = vector.broadcast %broadcast_in_dim3A_395 : i32 to vector<16x1xi32>
        %gather3A_397 = vector.shape_cast %broadcast_in_dim3A_396 : vector<16x1xi32> to vector<16xi32>
        %gather3A_398 = tpu.dynamic_gather %convert_element_type3A_196[%gather3A_397] in [0] : vector<16xf32>, vector<16xi32> -> vector<16xf32>
        %mul3A_399 = arith.constant 16 : i32
        %mul3A_400 = arith.muli %scan3A_187, %mul3A_399 : i32
        %add3A_401 = arith.constant 2 : i32
        %add3A_402 = arith.addi %mul3A_400, %add3A_401 : i32
        %mul3A_403 = arith.constant 64 : i32
        %mul3A_404 = arith.muli %add3A_402, %mul3A_403 : i32
        %add3A_405 = arith.constant 0 : i32
        %add3A_406 = arith.addi %mul3A_404, %add3A_405 : i32
        %get3A_407 = arith.constant 1 : i32
        %get3A_408 = arith.index_cast %get3A_407 : i32 to index
        %get3A_409 = arith.index_cast %add3A_402 : i32 to index
        %get3A_410 = arith.constant 0 : index
        %get3A_411 = tpu.vector_load %arg13[%get3A_408, %get3A_409, %get3A_410] {strides = array<i32>} : memref<2x400x64xf32, #tpu.memory_space<vmem>>, vector<1x1x16xf32>,
        %get3A_412 = vector.shape_cast %get3A_411 : vector<1x1x16xf32> to vector<16xf32>
        %get3A_413 = arith.index_cast %add3A_406 : i32 to index
        %get3A_414 = tpu.vector_load %arg10[%get3A_413] {strides = array<i32>} : memref<25600xf32, #tpu.memory_space<vmem>>, vector<16xf32>,
        %get3A_415 = vector.shape_cast %get3A_414 : vector<16xf32> to vector<16xf32>
        %add3A_416 = arith.addf %get3A_412, %get3A_415 : vector<16xf32>
        %mul3A_417 = arith.mulf %gather3A_398, %get3A_57 : vector<16xf32>
        %add3A_418 = arith.addf %add3A_416, %mul3A_417 : vector<16xf32>
        %swap3A_419 = arith.constant 1 : i32
        %swap3A_420 = arith.index_cast %swap3A_419 : i32 to index
        %swap3A_421 = arith.index_cast %add3A_402 : i32 to index
        %swap3A_422 = arith.constant 0 : index
        %swap3A_423 = tpu.vector_load %arg13[%swap3A_420, %swap3A_421, %swap3A_422] {strides = array<i32>} : memref<2x400x64xf32, #tpu.memory_space<vmem>>, vector<1x1x16xf32>,
        %swap3A_424 = vector.shape_cast %swap3A_423 : vector<1x1x16xf32> to vector<16xf32>
        %swap3A_425 = vector.shape_cast %add3A_418 : vector<16xf32> to vector<1x1x16xf32>
        tpu.vector_store %arg13[%swap3A_420, %swap3A_421, %swap3A_422], %swap3A_425 {strides = array<i32>} : memref<2x400x64xf32, #tpu.memory_space<vmem>>, vector<1x1x16xf32>,
        %mul3A_426 = arith.constant 64 : i32
        %mul3A_427 = arith.muli %add3A_402, %mul3A_426 : i32
        %add3A_428 = arith.constant 16 : i32
        %add3A_429 = arith.addi %mul3A_427, %add3A_428 : i32
        %get3A_430 = arith.constant 1 : i32
        %get3A_431 = arith.index_cast %get3A_430 : i32 to index
        %get3A_432 = arith.index_cast %add3A_402 : i32 to index
        %get3A_433 = arith.constant 16 : index
        %get3A_434 = tpu.vector_load %arg13[%get3A_431, %get3A_432, %get3A_433] {strides = array<i32>} : memref<2x400x64xf32, #tpu.memory_space<vmem>>, vector<1x1x16xf32>,
        %get3A_435 = vector.shape_cast %get3A_434 : vector<1x1x16xf32> to vector<16xf32>
        %get3A_436 = arith.index_cast %add3A_429 : i32 to index
        %get3A_437 = tpu.vector_load %arg10[%get3A_436] {strides = array<i32>} : memref<25600xf32, #tpu.memory_space<vmem>>, vector<16xf32>,
        %get3A_438 = vector.shape_cast %get3A_437 : vector<16xf32> to vector<16xf32>
        %add3A_439 = arith.addf %get3A_435, %get3A_438 : vector<16xf32>
        %mul3A_440 = arith.mulf %gather3A_398, %get3A_60 : vector<16xf32>
        %add3A_441 = arith.addf %add3A_439, %mul3A_440 : vector<16xf32>
        %swap3A_442 = arith.constant 1 : i32
        %swap3A_443 = arith.index_cast %swap3A_442 : i32 to index
        %swap3A_444 = arith.index_cast %add3A_402 : i32 to index
        %swap3A_445 = arith.constant 16 : index
        %swap3A_446 = tpu.vector_load %arg13[%swap3A_443, %swap3A_444, %swap3A_445] {strides = array<i32>} : memref<2x400x64xf32, #tpu.memory_space<vmem>>, vector<1x1x16xf32>,
        %swap3A_447 = vector.shape_cast %swap3A_446 : vector<1x1x16xf32> to vector<16xf32>
        %swap3A_448 = vector.shape_cast %add3A_441 : vector<16xf32> to vector<1x1x16xf32>
        tpu.vector_store %arg13[%swap3A_443, %swap3A_444, %swap3A_445], %swap3A_448 {strides = array<i32>} : memref<2x400x64xf32, #tpu.memory_space<vmem>>, vector<1x1x16xf32>,
        %mul3A_449 = arith.constant 64 : i32
        %mul3A_450 = arith.muli %add3A_402, %mul3A_449 : i32
        %add3A_451 = arith.constant 32 : i32
        %add3A_452 = arith.addi %mul3A_450, %add3A_451 : i32
        %get3A_453 = arith.constant 1 : i32
        %get3A_454 = arith.index_cast %get3A_453 : i32 to index
        %get3A_455 = arith.index_cast %add3A_402 : i32 to index
        %get3A_456 = arith.constant 32 : index
        %get3A_457 = tpu.vector_load %arg13[%get3A_454, %get3A_455, %get3A_456] {strides = array<i32>} : memref<2x400x64xf32, #tpu.memory_space<vmem>>, vector<1x1x16xf32>,
        %get3A_458 = vector.shape_cast %get3A_457 : vector<1x1x16xf32> to vector<16xf32>
        %get3A_459 = arith.index_cast %add3A_452 : i32 to index
        %get3A_460 = tpu.vector_load %arg10[%get3A_459] {strides = array<i32>} : memref<25600xf32, #tpu.memory_space<vmem>>, vector<16xf32>,
        %get3A_461 = vector.shape_cast %get3A_460 : vector<16xf32> to vector<16xf32>
        %add3A_462 = arith.addf %get3A_458, %get3A_461 : vector<16xf32>
        %mul3A_463 = arith.mulf %gather3A_398, %get3A_63 : vector<16xf32>
        %add3A_464 = arith.addf %add3A_462, %mul3A_463 : vector<16xf32>
        %swap3A_465 = arith.constant 1 : i32
        %swap3A_466 = arith.index_cast %swap3A_465 : i32 to index
        %swap3A_467 = arith.index_cast %add3A_402 : i32 to index
        %swap3A_468 = arith.constant 32 : index
        %swap3A_469 = tpu.vector_load %arg13[%swap3A_466, %swap3A_467, %swap3A_468] {strides = array<i32>} : memref<2x400x64xf32, #tpu.memory_space<vmem>>, vector<1x1x16xf32>,
        %swap3A_470 = vector.shape_cast %swap3A_469 : vector<1x1x16xf32> to vector<16xf32>
        %swap3A_471 = vector.shape_cast %add3A_464 : vector<16xf32> to vector<1x1x16xf32>
        tpu.vector_store %arg13[%swap3A_466, %swap3A_467, %swap3A_468], %swap3A_471 {strides = array<i32>} : memref<2x400x64xf32, #tpu.memory_space<vmem>>, vector<1x1x16xf32>,
        %mul3A_472 = arith.constant 64 : i32
        %mul3A_473 = arith.muli %add3A_402, %mul3A_472 : i32
        %add3A_474 = arith.constant 48 : i32
        %add3A_475 = arith.addi %mul3A_473, %add3A_474 : i32
        %get3A_476 = arith.constant 1 : i32
        %get3A_477 = arith.index_cast %get3A_476 : i32 to index
        %get3A_478 = arith.index_cast %add3A_402 : i32 to index
        %get3A_479 = arith.constant 48 : index
        %get3A_480 = tpu.vector_load %arg13[%get3A_477, %get3A_478, %get3A_479] {strides = array<i32>} : memref<2x400x64xf32, #tpu.memory_space<vmem>>, vector<1x1x16xf32>,
        %get3A_481 = vector.shape_cast %get3A_480 : vector<1x1x16xf32> to vector<16xf32>
        %get3A_482 = arith.index_cast %add3A_475 : i32 to index
        %get3A_483 = tpu.vector_load %arg10[%get3A_482] {strides = array<i32>} : memref<25600xf32, #tpu.memory_space<vmem>>, vector<16xf32>,
        %get3A_484 = vector.shape_cast %get3A_483 : vector<16xf32> to vector<16xf32>
        %add3A_485 = arith.addf %get3A_481, %get3A_484 : vector<16xf32>
        %mul3A_486 = arith.mulf %gather3A_398, %get3A_66 : vector<16xf32>
        %add3A_487 = arith.addf %add3A_485, %mul3A_486 : vector<16xf32>
        %swap3A_488 = arith.constant 1 : i32
        %swap3A_489 = arith.index_cast %swap3A_488 : i32 to index
        %swap3A_490 = arith.index_cast %add3A_402 : i32 to index
        %swap3A_491 = arith.constant 48 : index
        %swap3A_492 = tpu.vector_load %arg13[%swap3A_489, %swap3A_490, %swap3A_491] {strides = array<i32>} : memref<2x400x64xf32, #tpu.memory_space<vmem>>, vector<1x1x16xf32>,
        %swap3A_493 = vector.shape_cast %swap3A_492 : vector<1x1x16xf32> to vector<16xf32>
        %swap3A_494 = vector.shape_cast %add3A_487 : vector<16xf32> to vector<1x1x16xf32>
        tpu.vector_store %arg13[%swap3A_489, %swap3A_490, %swap3A_491], %swap3A_494 {strides = array<i32>} : memref<2x400x64xf32, #tpu.memory_space<vmem>>, vector<1x1x16xf32>,
        %broadcast_in_dim3A_495 = arith.constant 3 : i32
        %broadcast_in_dim3A_496 = vector.broadcast %broadcast_in_dim3A_495 : i32 to vector<16x1xi32>
        %gather3A_497 = vector.shape_cast %broadcast_in_dim3A_496 : vector<16x1xi32> to vector<16xi32>
        %gather3A_498 = tpu.dynamic_gather %convert_element_type3A_196[%gather3A_497] in [0] : vector<16xf32>, vector<16xi32> -> vector<16xf32>
        %mul3A_499 = arith.constant 16 : i32
        %mul3A_500 = arith.muli %scan3A_187, %mul3A_499 : i32
        %add3A_501 = arith.constant 3 : i32
        %add3A_502 = arith.addi %mul3A_500, %add3A_501 : i32
        %mul3A_503 = arith.constant 64 : i32
        %mul3A_504 = arith.muli %add3A_502, %mul3A_503 : i32
        %add3A_505 = arith.constant 0 : i32
        %add3A_506 = arith.addi %mul3A_504, %add3A_505 : i32
        %get3A_507 = arith.constant 1 : i32
        %get3A_508 = arith.index_cast %get3A_507 : i32 to index
        %get3A_509 = arith.index_cast %add3A_502 : i32 to index
        %get3A_510 = arith.constant 0 : index
        %get3A_511 = tpu.vector_load %arg13[%get3A_508, %get3A_509, %get3A_510] {strides = array<i32>} : memref<2x400x64xf32, #tpu.memory_space<vmem>>, vector<1x1x16xf32>,
        %get3A_512 = vector.shape_cast %get3A_511 : vector<1x1x16xf32> to vector<16xf32>
        %get3A_513 = arith.index_cast %add3A_506 : i32 to index
        %get3A_514 = tpu.vector_load %arg10[%get3A_513] {strides = array<i32>} : memref<25600xf32, #tpu.memory_space<vmem>>, vector<16xf32>,
        %get3A_515 = vector.shape_cast %get3A_514 : vector<16xf32> to vector<16xf32>
        %add3A_516 = arith.addf %get3A_512, %get3A_515 : vector<16xf32>
        %mul3A_517 = arith.mulf %gather3A_498, %get3A_57 : vector<16xf32>
        %add3A_518 = arith.addf %add3A_516, %mul3A_517 : vector<16xf32>
        %swap3A_519 = arith.constant 1 : i32
        %swap3A_520 = arith.index_cast %swap3A_519 : i32 to index
        %swap3A_521 = arith.index_cast %add3A_502 : i32 to index
        %swap3A_522 = arith.constant 0 : index
        %swap3A_523 = tpu.vector_load %arg13[%swap3A_520, %swap3A_521, %swap3A_522] {strides = array<i32>} : memref<2x400x64xf32, #tpu.memory_space<vmem>>, vector<1x1x16xf32>,
        %swap3A_524 = vector.shape_cast %swap3A_523 : vector<1x1x16xf32> to vector<16xf32>
        %swap3A_525 = vector.shape_cast %add3A_518 : vector<16xf32> to vector<1x1x16xf32>
        tpu.vector_store %arg13[%swap3A_520, %swap3A_521, %swap3A_522], %swap3A_525 {strides = array<i32>} : memref<2x400x64xf32, #tpu.memory_space<vmem>>, vector<1x1x16xf32>,
        %mul3A_526 = arith.constant 64 : i32
        %mul3A_527 = arith.muli %add3A_502, %mul3A_526 : i32
        %add3A_528 = arith.constant 16 : i32
        %add3A_529 = arith.addi %mul3A_527, %add3A_528 : i32
        %get3A_530 = arith.constant 1 : i32
        %get3A_531 = arith.index_cast %get3A_530 : i32 to index
        %get3A_532 = arith.index_cast %add3A_502 : i32 to index
        %get3A_533 = arith.constant 16 : index
        %get3A_534 = tpu.vector_load %arg13[%get3A_531, %get3A_532, %get3A_533] {strides = array<i32>} : memref<2x400x64xf32, #tpu.memory_space<vmem>>, vector<1x1x16xf32>,
        %get3A_535 = vector.shape_cast %get3A_534 : vector<1x1x16xf32> to vector<16xf32>
        %get3A_536 = arith.index_cast %add3A_529 : i32 to index
        %get3A_537 = tpu.vector_load %arg10[%get3A_536] {strides = array<i32>} : memref<25600xf32, #tpu.memory_space<vmem>>, vector<16xf32>,
        %get3A_538 = vector.shape_cast %get3A_537 : vector<16xf32> to vector<16xf32>
        %add3A_539 = arith.addf %get3A_535, %get3A_538 : vector<16xf32>
        %mul3A_540 = arith.mulf %gather3A_498, %get3A_60 : vector<16xf32>
        %add3A_541 = arith.addf %add3A_539, %mul3A_540 : vector<16xf32>
        %swap3A_542 = arith.constant 1 : i32
        %swap3A_543 = arith.index_cast %swap3A_542 : i32 to index
        %swap3A_544 = arith.index_cast %add3A_502 : i32 to index
        %swap3A_545 = arith.constant 16 : index
        %swap3A_546 = tpu.vector_load %arg13[%swap3A_543, %swap3A_544, %swap3A_545] {strides = array<i32>} : memref<2x400x64xf32, #tpu.memory_space<vmem>>, vector<1x1x16xf32>,
        %swap3A_547 = vector.shape_cast %swap3A_546 : vector<1x1x16xf32> to vector<16xf32>
        %swap3A_548 = vector.shape_cast %add3A_541 : vector<16xf32> to vector<1x1x16xf32>
        tpu.vector_store %arg13[%swap3A_543, %swap3A_544, %swap3A_545], %swap3A_548 {strides = array<i32>} : memref<2x400x64xf32, #tpu.memory_space<vmem>>, vector<1x1x16xf32>,
        %mul3A_549 = arith.constant 64 : i32
        %mul3A_550 = arith.muli %add3A_502, %mul3A_549 : i32
        %add3A_551 = arith.constant 32 : i32
        %add3A_552 = arith.addi %mul3A_550, %add3A_551 : i32
        %get3A_553 = arith.constant 1 : i32
        %get3A_554 = arith.index_cast %get3A_553 : i32 to index
        %get3A_555 = arith.index_cast %add3A_502 : i32 to index
        %get3A_556 = arith.constant 32 : index
        %get3A_557 = tpu.vector_load %arg13[%get3A_554, %get3A_555, %get3A_556] {strides = array<i32>} : memref<2x400x64xf32, #tpu.memory_space<vmem>>, vector<1x1x16xf32>,
        %get3A_558 = vector.shape_cast %get3A_557 : vector<1x1x16xf32> to vector<16xf32>
        %get3A_559 = arith.index_cast %add3A_552 : i32 to index
        %get3A_560 = tpu.vector_load %arg10[%get3A_559] {strides = array<i32>} : memref<25600xf32, #tpu.memory_space<vmem>>, vector<16xf32>,
        %get3A_561 = vector.shape_cast %get3A_560 : vector<16xf32> to vector<16xf32>
        %add3A_562 = arith.addf %get3A_558, %get3A_561 : vector<16xf32>
        %mul3A_563 = arith.mulf %gather3A_498, %get3A_63 : vector<16xf32>
        %add3A_564 = arith.addf %add3A_562, %mul3A_563 : vector<16xf32>
        %swap3A_565 = arith.constant 1 : i32
        %swap3A_566 = arith.index_cast %swap3A_565 : i32 to index
        %swap3A_567 = arith.index_cast %add3A_502 : i32 to index
        %swap3A_568 = arith.constant 32 : index
        %swap3A_569 = tpu.vector_load %arg13[%swap3A_566, %swap3A_567, %swap3A_568] {strides = array<i32>} : memref<2x400x64xf32, #tpu.memory_space<vmem>>, vector<1x1x16xf32>,
        %swap3A_570 = vector.shape_cast %swap3A_569 : vector<1x1x16xf32> to vector<16xf32>
        %swap3A_571 = vector.shape_cast %add3A_564 : vector<16xf32> to vector<1x1x16xf32>
        tpu.vector_store %arg13[%swap3A_566, %swap3A_567, %swap3A_568], %swap3A_571 {strides = array<i32>} : memref<2x400x64xf32, #tpu.memory_space<vmem>>, vector<1x1x16xf32>,
        %mul3A_572 = arith.constant 64 : i32
        %mul3A_573 = arith.muli %add3A_502, %mul3A_572 : i32
        %add3A_574 = arith.constant 48 : i32
        %add3A_575 = arith.addi %mul3A_573, %add3A_574 : i32
        %get3A_576 = arith.constant 1 : i32
        %get3A_577 = arith.index_cast %get3A_576 : i32 to index
        %get3A_578 = arith.index_cast %add3A_502 : i32 to index
        %get3A_579 = arith.constant 48 : index
        %get3A_580 = tpu.vector_load %arg13[%get3A_577, %get3A_578, %get3A_579] {strides = array<i32>} : memref<2x400x64xf32, #tpu.memory_space<vmem>>, vector<1x1x16xf32>,
        %get3A_581 = vector.shape_cast %get3A_580 : vector<1x1x16xf32> to vector<16xf32>
        %get3A_582 = arith.index_cast %add3A_575 : i32 to index
        %get3A_583 = tpu.vector_load %arg10[%get3A_582] {strides = array<i32>} : memref<25600xf32, #tpu.memory_space<vmem>>, vector<16xf32>,
        %get3A_584 = vector.shape_cast %get3A_583 : vector<16xf32> to vector<16xf32>
        %add3A_585 = arith.addf %get3A_581, %get3A_584 : vector<16xf32>
        %mul3A_586 = arith.mulf %gather3A_498, %get3A_66 : vector<16xf32>
        %add3A_587 = arith.addf %add3A_585, %mul3A_586 : vector<16xf32>
        %swap3A_588 = arith.constant 1 : i32
        %swap3A_589 = arith.index_cast %swap3A_588 : i32 to index
        %swap3A_590 = arith.index_cast %add3A_502 : i32 to index
        %swap3A_591 = arith.constant 48 : index
        %swap3A_592 = tpu.vector_load %arg13[%swap3A_589, %swap3A_590, %swap3A_591] {strides = array<i32>} : memref<2x400x64xf32, #tpu.memory_space<vmem>>, vector<1x1x16xf32>,
        %swap3A_593 = vector.shape_cast %swap3A_592 : vector<1x1x16xf32> to vector<16xf32>
        %swap3A_594 = vector.shape_cast %add3A_587 : vector<16xf32> to vector<1x1x16xf32>
        tpu.vector_store %arg13[%swap3A_589, %swap3A_590, %swap3A_591], %swap3A_594 {strides = array<i32>} : memref<2x400x64xf32, #tpu.memory_space<vmem>>, vector<1x1x16xf32>,
        %broadcast_in_dim3A_595 = arith.constant 4 : i32
        %broadcast_in_dim3A_596 = vector.broadcast %broadcast_in_dim3A_595 : i32 to vector<16x1xi32>
        %gather3A_597 = vector.shape_cast %broadcast_in_dim3A_596 : vector<16x1xi32> to vector<16xi32>
        %gather3A_598 = tpu.dynamic_gather %convert_element_type3A_196[%gather3A_597] in [0] : vector<16xf32>, vector<16xi32> -> vector<16xf32>
        %mul3A_599 = arith.constant 16 : i32
        %mul3A_600 = arith.muli %scan3A_187, %mul3A_599 : i32
        %add3A_601 = arith.constant 4 : i32
        %add3A_602 = arith.addi %mul3A_600, %add3A_601 : i32
        %mul3A_603 = arith.constant 64 : i32
        %mul3A_604 = arith.muli %add3A_602, %mul3A_603 : i32
        %add3A_605 = arith.constant 0 : i32
        %add3A_606 = arith.addi %mul3A_604, %add3A_605 : i32
        %get3A_607 = arith.constant 1 : i32
        %get3A_608 = arith.index_cast %get3A_607 : i32 to index
        %get3A_609 = arith.index_cast %add3A_602 : i32 to index
        %get3A_610 = arith.constant 0 : index
        %get3A_611 = tpu.vector_load %arg13[%get3A_608, %get3A_609, %get3A_610] {strides = array<i32>} : memref<2x400x64xf32, #tpu.memory_space<vmem>>, vector<1x1x16xf32>,
        %get3A_612 = vector.shape_cast %get3A_611 : vector<1x1x16xf32> to vector<16xf32>
        %get3A_613 = arith.index_cast %add3A_606 : i32 to index
        %get3A_614 = tpu.vector_load %arg10[%get3A_613] {strides = array<i32>} : memref<25600xf32, #tpu.memory_space<vmem>>, vector<16xf32>,
        %get3A_615 = vector.shape_cast %get3A_614 : vector<16xf32> to vector<16xf32>
        %add3A_616 = arith.addf %get3A_612, %get3A_615 : vector<16xf32>
        %mul3A_617 = arith.mulf %gather3A_598, %get3A_57 : vector<16xf32>
        %add3A_618 = arith.addf %add3A_616, %mul3A_617 : vector<16xf32>
        %swap3A_619 = arith.constant 1 : i32
        %swap3A_620 = arith.index_cast %swap3A_619 : i32 to index
        %swap3A_621 = arith.index_cast %add3A_602 : i32 to index
        %swap3A_622 = arith.constant 0 : index
        %swap3A_623 = tpu.vector_load %arg13[%swap3A_620, %swap3A_621, %swap3A_622] {strides = array<i32>} : memref<2x400x64xf32, #tpu.memory_space<vmem>>, vector<1x1x16xf32>,
        %swap3A_624 = vector.shape_cast %swap3A_623 : vector<1x1x16xf32> to vector<16xf32>
        %swap3A_625 = vector.shape_cast %add3A_618 : vector<16xf32> to vector<1x1x16xf32>
        tpu.vector_store %arg13[%swap3A_620, %swap3A_621, %swap3A_622], %swap3A_625 {strides = array<i32>} : memref<2x400x64xf32, #tpu.memory_space<vmem>>, vector<1x1x16xf32>,
        %mul3A_626 = arith.constant 64 : i32
        %mul3A_627 = arith.muli %add3A_602, %mul3A_626 : i32
        %add3A_628 = arith.constant 16 : i32
        %add3A_629 = arith.addi %mul3A_627, %add3A_628 : i32
        %get3A_630 = arith.constant 1 : i32
        %get3A_631 = arith.index_cast %get3A_630 : i32 to index
        %get3A_632 = arith.index_cast %add3A_602 : i32 to index
        %get3A_633 = arith.constant 16 : index
        %get3A_634 = tpu.vector_load %arg13[%get3A_631, %get3A_632, %get3A_633] {strides = array<i32>} : memref<2x400x64xf32, #tpu.memory_space<vmem>>, vector<1x1x16xf32>,
        %get3A_635 = vector.shape_cast %get3A_634 : vector<1x1x16xf32> to vector<16xf32>
        %get3A_636 = arith.index_cast %add3A_629 : i32 to index
        %get3A_637 = tpu.vector_load %arg10[%get3A_636] {strides = array<i32>} : memref<25600xf32, #tpu.memory_space<vmem>>, vector<16xf32>,
        %get3A_638 = vector.shape_cast %get3A_637 : vector<16xf32> to vector<16xf32>
        %add3A_639 = arith.addf %get3A_635, %get3A_638 : vector<16xf32>
        %mul3A_640 = arith.mulf %gather3A_598, %get3A_60 : vector<16xf32>
        %add3A_641 = arith.addf %add3A_639, %mul3A_640 : vector<16xf32>
        %swap3A_642 = arith.constant 1 : i32
        %swap3A_643 = arith.index_cast %swap3A_642 : i32 to index
        %swap3A_644 = arith.index_cast %add3A_602 : i32 to index
        %swap3A_645 = arith.constant 16 : index
        %swap3A_646 = tpu.vector_load %arg13[%swap3A_643, %swap3A_644, %swap3A_645] {strides = array<i32>} : memref<2x400x64xf32, #tpu.memory_space<vmem>>, vector<1x1x16xf32>,
        %swap3A_647 = vector.shape_cast %swap3A_646 : vector<1x1x16xf32> to vector<16xf32>
        %swap3A_648 = vector.shape_cast %add3A_641 : vector<16xf32> to vector<1x1x16xf32>
        tpu.vector_store %arg13[%swap3A_643, %swap3A_644, %swap3A_645], %swap3A_648 {strides = array<i32>} : memref<2x400x64xf32, #tpu.memory_space<vmem>>, vector<1x1x16xf32>,
        %mul3A_649 = arith.constant 64 : i32
        %mul3A_650 = arith.muli %add3A_602, %mul3A_649 : i32
        %add3A_651 = arith.constant 32 : i32
        %add3A_652 = arith.addi %mul3A_650, %add3A_651 : i32
        %get3A_653 = arith.constant 1 : i32
        %get3A_654 = arith.index_cast %get3A_653 : i32 to index
        %get3A_655 = arith.index_cast %add3A_602 : i32 to index
        %get3A_656 = arith.constant 32 : index
        %get3A_657 = tpu.vector_load %arg13[%get3A_654, %get3A_655, %get3A_656] {strides = array<i32>} : memref<2x400x64xf32, #tpu.memory_space<vmem>>, vector<1x1x16xf32>,
        %get3A_658 = vector.shape_cast %get3A_657 : vector<1x1x16xf32> to vector<16xf32>
        %get3A_659 = arith.index_cast %add3A_652 : i32 to index
        %get3A_660 = tpu.vector_load %arg10[%get3A_659] {strides = array<i32>} : memref<25600xf32, #tpu.memory_space<vmem>>, vector<16xf32>,
        %get3A_661 = vector.shape_cast %get3A_660 : vector<16xf32> to vector<16xf32>
        %add3A_662 = arith.addf %get3A_658, %get3A_661 : vector<16xf32>
        %mul3A_663 = arith.mulf %gather3A_598, %get3A_63 : vector<16xf32>
        %add3A_664 = arith.addf %add3A_662, %mul3A_663 : vector<16xf32>
        %swap3A_665 = arith.constant 1 : i32
        %swap3A_666 = arith.index_cast %swap3A_665 : i32 to index
        %swap3A_667 = arith.index_cast %add3A_602 : i32 to index
        %swap3A_668 = arith.constant 32 : index
        %swap3A_669 = tpu.vector_load %arg13[%swap3A_666, %swap3A_667, %swap3A_668] {strides = array<i32>} : memref<2x400x64xf32, #tpu.memory_space<vmem>>, vector<1x1x16xf32>,
        %swap3A_670 = vector.shape_cast %swap3A_669 : vector<1x1x16xf32> to vector<16xf32>
        %swap3A_671 = vector.shape_cast %add3A_664 : vector<16xf32> to vector<1x1x16xf32>
        tpu.vector_store %arg13[%swap3A_666, %swap3A_667, %swap3A_668], %swap3A_671 {strides = array<i32>} : memref<2x400x64xf32, #tpu.memory_space<vmem>>, vector<1x1x16xf32>,
        %mul3A_672 = arith.constant 64 : i32
        %mul3A_673 = arith.muli %add3A_602, %mul3A_672 : i32
        %add3A_674 = arith.constant 48 : i32
        %add3A_675 = arith.addi %mul3A_673, %add3A_674 : i32
        %get3A_676 = arith.constant 1 : i32
        %get3A_677 = arith.index_cast %get3A_676 : i32 to index
        %get3A_678 = arith.index_cast %add3A_602 : i32 to index
        %get3A_679 = arith.constant 48 : index
        %get3A_680 = tpu.vector_load %arg13[%get3A_677, %get3A_678, %get3A_679] {strides = array<i32>} : memref<2x400x64xf32, #tpu.memory_space<vmem>>, vector<1x1x16xf32>,
        %get3A_681 = vector.shape_cast %get3A_680 : vector<1x1x16xf32> to vector<16xf32>
        %get3A_682 = arith.index_cast %add3A_675 : i32 to index
        %get3A_683 = tpu.vector_load %arg10[%get3A_682] {strides = array<i32>} : memref<25600xf32, #tpu.memory_space<vmem>>, vector<16xf32>,
        %get3A_684 = vector.shape_cast %get3A_683 : vector<16xf32> to vector<16xf32>
        %add3A_685 = arith.addf %get3A_681, %get3A_684 : vector<16xf32>
        %mul3A_686 = arith.mulf %gather3A_598, %get3A_66 : vector<16xf32>
        %add3A_687 = arith.addf %add3A_685, %mul3A_686 : vector<16xf32>
        %swap3A_688 = arith.constant 1 : i32
        %swap3A_689 = arith.index_cast %swap3A_688 : i32 to index
        %swap3A_690 = arith.index_cast %add3A_602 : i32 to index
        %swap3A_691 = arith.constant 48 : index
        %swap3A_692 = tpu.vector_load %arg13[%swap3A_689, %swap3A_690, %swap3A_691] {strides = array<i32>} : memref<2x400x64xf32, #tpu.memory_space<vmem>>, vector<1x1x16xf32>,
        %swap3A_693 = vector.shape_cast %swap3A_692 : vector<1x1x16xf32> to vector<16xf32>
        %swap3A_694 = vector.shape_cast %add3A_687 : vector<16xf32> to vector<1x1x16xf32>
        tpu.vector_store %arg13[%swap3A_689, %swap3A_690, %swap3A_691], %swap3A_694 {strides = array<i32>} : memref<2x400x64xf32, #tpu.memory_space<vmem>>, vector<1x1x16xf32>,
        %broadcast_in_dim3A_695 = arith.constant 5 : i32
        %broadcast_in_dim3A_696 = vector.broadcast %broadcast_in_dim3A_695 : i32 to vector<16x1xi32>
        %gather3A_697 = vector.shape_cast %broadcast_in_dim3A_696 : vector<16x1xi32> to vector<16xi32>
        %gather3A_698 = tpu.dynamic_gather %convert_element_type3A_196[%gather3A_697] in [0] : vector<16xf32>, vector<16xi32> -> vector<16xf32>
        %mul3A_699 = arith.constant 16 : i32
        %mul3A_700 = arith.muli %scan3A_187, %mul3A_699 : i32
        %add3A_701 = arith.constant 5 : i32
        %add3A_702 = arith.addi %mul3A_700, %add3A_701 : i32
        %mul3A_703 = arith.constant 64 : i32
        %mul3A_704 = arith.muli %add3A_702, %mul3A_703 : i32
        %add3A_705 = arith.constant 0 : i32
        %add3A_706 = arith.addi %mul3A_704, %add3A_705 : i32
        %get3A_707 = arith.constant 1 : i32
        %get3A_708 = arith.index_cast %get3A_707 : i32 to index
        %get3A_709 = arith.index_cast %add3A_702 : i32 to index
        %get3A_710 = arith.constant 0 : index
        %get3A_711 = tpu.vector_load %arg13[%get3A_708, %get3A_709, %get3A_710] {strides = array<i32>} : memref<2x400x64xf32, #tpu.memory_space<vmem>>, vector<1x1x16xf32>,
        %get3A_712 = vector.shape_cast %get3A_711 : vector<1x1x16xf32> to vector<16xf32>
        %get3A_713 = arith.index_cast %add3A_706 : i32 to index
        %get3A_714 = tpu.vector_load %arg10[%get3A_713] {strides = array<i32>} : memref<25600xf32, #tpu.memory_space<vmem>>, vector<16xf32>,
        %get3A_715 = vector.shape_cast %get3A_714 : vector<16xf32> to vector<16xf32>
        %add3A_716 = arith.addf %get3A_712, %get3A_715 : vector<16xf32>
        %mul3A_717 = arith.mulf %gather3A_698, %get3A_57 : vector<16xf32>
        %add3A_718 = arith.addf %add3A_716, %mul3A_717 : vector<16xf32>
        %swap3A_719 = arith.constant 1 : i32
        %swap3A_720 = arith.index_cast %swap3A_719 : i32 to index
        %swap3A_721 = arith.index_cast %add3A_702 : i32 to index
        %swap3A_722 = arith.constant 0 : index
        %swap3A_723 = tpu.vector_load %arg13[%swap3A_720, %swap3A_721, %swap3A_722] {strides = array<i32>} : memref<2x400x64xf32, #tpu.memory_space<vmem>>, vector<1x1x16xf32>,
        %swap3A_724 = vector.shape_cast %swap3A_723 : vector<1x1x16xf32> to vector<16xf32>
        %swap3A_725 = vector.shape_cast %add3A_718 : vector<16xf32> to vector<1x1x16xf32>
        tpu.vector_store %arg13[%swap3A_720, %swap3A_721, %swap3A_722], %swap3A_725 {strides = array<i32>} : memref<2x400x64xf32, #tpu.memory_space<vmem>>, vector<1x1x16xf32>,
        %mul3A_726 = arith.constant 64 : i32
        %mul3A_727 = arith.muli %add3A_702, %mul3A_726 : i32
        %add3A_728 = arith.constant 16 : i32
        %add3A_729 = arith.addi %mul3A_727, %add3A_728 : i32
        %get3A_730 = arith.constant 1 : i32
        %get3A_731 = arith.index_cast %get3A_730 : i32 to index
        %get3A_732 = arith.index_cast %add3A_702 : i32 to index
        %get3A_733 = arith.constant 16 : index
        %get3A_734 = tpu.vector_load %arg13[%get3A_731, %get3A_732, %get3A_733] {strides = array<i32>} : memref<2x400x64xf32, #tpu.memory_space<vmem>>, vector<1x1x16xf32>,
        %get3A_735 = vector.shape_cast %get3A_734 : vector<1x1x16xf32> to vector<16xf32>
        %get3A_736 = arith.index_cast %add3A_729 : i32 to index
        %get3A_737 = tpu.vector_load %arg10[%get3A_736] {strides = array<i32>} : memref<25600xf32, #tpu.memory_space<vmem>>, vector<16xf32>,
        %get3A_738 = vector.shape_cast %get3A_737 : vector<16xf32> to vector<16xf32>
        %add3A_739 = arith.addf %get3A_735, %get3A_738 : vector<16xf32>
        %mul3A_740 = arith.mulf %gather3A_698, %get3A_60 : vector<16xf32>
        %add3A_741 = arith.addf %add3A_739, %mul3A_740 : vector<16xf32>
        %swap3A_742 = arith.constant 1 : i32
        %swap3A_743 = arith.index_cast %swap3A_742 : i32 to index
        %swap3A_744 = arith.index_cast %add3A_702 : i32 to index
        %swap3A_745 = arith.constant 16 : index
        %swap3A_746 = tpu.vector_load %arg13[%swap3A_743, %swap3A_744, %swap3A_745] {strides = array<i32>} : memref<2x400x64xf32, #tpu.memory_space<vmem>>, vector<1x1x16xf32>,
        %swap3A_747 = vector.shape_cast %swap3A_746 : vector<1x1x16xf32> to vector<16xf32>
        %swap3A_748 = vector.shape_cast %add3A_741 : vector<16xf32> to vector<1x1x16xf32>
        tpu.vector_store %arg13[%swap3A_743, %swap3A_744, %swap3A_745], %swap3A_748 {strides = array<i32>} : memref<2x400x64xf32, #tpu.memory_space<vmem>>, vector<1x1x16xf32>,
        %mul3A_749 = arith.constant 64 : i32
        %mul3A_750 = arith.muli %add3A_702, %mul3A_749 : i32
        %add3A_751 = arith.constant 32 : i32
        %add3A_752 = arith.addi %mul3A_750, %add3A_751 : i32
        %get3A_753 = arith.constant 1 : i32
        %get3A_754 = arith.index_cast %get3A_753 : i32 to index
        %get3A_755 = arith.index_cast %add3A_702 : i32 to index
        %get3A_756 = arith.constant 32 : index
        %get3A_757 = tpu.vector_load %arg13[%get3A_754, %get3A_755, %get3A_756] {strides = array<i32>} : memref<2x400x64xf32, #tpu.memory_space<vmem>>, vector<1x1x16xf32>,
        %get3A_758 = vector.shape_cast %get3A_757 : vector<1x1x16xf32> to vector<16xf32>
        %get3A_759 = arith.index_cast %add3A_752 : i32 to index
        %get3A_760 = tpu.vector_load %arg10[%get3A_759] {strides = array<i32>} : memref<25600xf32, #tpu.memory_space<vmem>>, vector<16xf32>,
        %get3A_761 = vector.shape_cast %get3A_760 : vector<16xf32> to vector<16xf32>
        %add3A_762 = arith.addf %get3A_758, %get3A_761 : vector<16xf32>
        %mul3A_763 = arith.mulf %gather3A_698, %get3A_63 : vector<16xf32>
        %add3A_764 = arith.addf %add3A_762, %mul3A_763 : vector<16xf32>
        %swap3A_765 = arith.constant 1 : i32
        %swap3A_766 = arith.index_cast %swap3A_765 : i32 to index
        %swap3A_767 = arith.index_cast %add3A_702 : i32 to index
        %swap3A_768 = arith.constant 32 : index
        %swap3A_769 = tpu.vector_load %arg13[%swap3A_766, %swap3A_767, %swap3A_768] {strides = array<i32>} : memref<2x400x64xf32, #tpu.memory_space<vmem>>, vector<1x1x16xf32>,
        %swap3A_770 = vector.shape_cast %swap3A_769 : vector<1x1x16xf32> to vector<16xf32>
        %swap3A_771 = vector.shape_cast %add3A_764 : vector<16xf32> to vector<1x1x16xf32>
        tpu.vector_store %arg13[%swap3A_766, %swap3A_767, %swap3A_768], %swap3A_771 {strides = array<i32>} : memref<2x400x64xf32, #tpu.memory_space<vmem>>, vector<1x1x16xf32>,
        %mul3A_772 = arith.constant 64 : i32
        %mul3A_773 = arith.muli %add3A_702, %mul3A_772 : i32
        %add3A_774 = arith.constant 48 : i32
        %add3A_775 = arith.addi %mul3A_773, %add3A_774 : i32
        %get3A_776 = arith.constant 1 : i32
        %get3A_777 = arith.index_cast %get3A_776 : i32 to index
        %get3A_778 = arith.index_cast %add3A_702 : i32 to index
        %get3A_779 = arith.constant 48 : index
        %get3A_780 = tpu.vector_load %arg13[%get3A_777, %get3A_778, %get3A_779] {strides = array<i32>} : memref<2x400x64xf32, #tpu.memory_space<vmem>>, vector<1x1x16xf32>,
        %get3A_781 = vector.shape_cast %get3A_780 : vector<1x1x16xf32> to vector<16xf32>
        %get3A_782 = arith.index_cast %add3A_775 : i32 to index
        %get3A_783 = tpu.vector_load %arg10[%get3A_782] {strides = array<i32>} : memref<25600xf32, #tpu.memory_space<vmem>>, vector<16xf32>,
        %get3A_784 = vector.shape_cast %get3A_783 : vector<16xf32> to vector<16xf32>
        %add3A_785 = arith.addf %get3A_781, %get3A_784 : vector<16xf32>
        %mul3A_786 = arith.mulf %gather3A_698, %get3A_66 : vector<16xf32>
        %add3A_787 = arith.addf %add3A_785, %mul3A_786 : vector<16xf32>
        %swap3A_788 = arith.constant 1 : i32
        %swap3A_789 = arith.index_cast %swap3A_788 : i32 to index
        %swap3A_790 = arith.index_cast %add3A_702 : i32 to index
        %swap3A_791 = arith.constant 48 : index
        %swap3A_792 = tpu.vector_load %arg13[%swap3A_789, %swap3A_790, %swap3A_791] {strides = array<i32>} : memref<2x400x64xf32, #tpu.memory_space<vmem>>, vector<1x1x16xf32>,
        %swap3A_793 = vector.shape_cast %swap3A_792 : vector<1x1x16xf32> to vector<16xf32>
        %swap3A_794 = vector.shape_cast %add3A_787 : vector<16xf32> to vector<1x1x16xf32>
        tpu.vector_store %arg13[%swap3A_789, %swap3A_790, %swap3A_791], %swap3A_794 {strides = array<i32>} : memref<2x400x64xf32, #tpu.memory_space<vmem>>, vector<1x1x16xf32>,
        %broadcast_in_dim3A_795 = arith.constant 6 : i32
        %broadcast_in_dim3A_796 = vector.broadcast %broadcast_in_dim3A_795 : i32 to vector<16x1xi32>
        %gather3A_797 = vector.shape_cast %broadcast_in_dim3A_796 : vector<16x1xi32> to vector<16xi32>
        %gather3A_798 = tpu.dynamic_gather %convert_element_type3A_196[%gather3A_797] in [0] : vector<16xf32>, vector<16xi32> -> vector<16xf32>
        %mul3A_799 = arith.constant 16 : i32
        %mul3A_800 = arith.muli %scan3A_187, %mul3A_799 : i32
        %add3A_801 = arith.constant 6 : i32
        %add3A_802 = arith.addi %mul3A_800, %add3A_801 : i32
        %mul3A_803 = arith.constant 64 : i32
        %mul3A_804 = arith.muli %add3A_802, %mul3A_803 : i32
        %add3A_805 = arith.constant 0 : i32
        %add3A_806 = arith.addi %mul3A_804, %add3A_805 : i32
        %get3A_807 = arith.constant 1 : i32
        %get3A_808 = arith.index_cast %get3A_807 : i32 to index
        %get3A_809 = arith.index_cast %add3A_802 : i32 to index
        %get3A_810 = arith.constant 0 : index
        %get3A_811 = tpu.vector_load %arg13[%get3A_808, %get3A_809, %get3A_810] {strides = array<i32>} : memref<2x400x64xf32, #tpu.memory_space<vmem>>, vector<1x1x16xf32>,
        %get3A_812 = vector.shape_cast %get3A_811 : vector<1x1x16xf32> to vector<16xf32>
        %get3A_813 = arith.index_cast %add3A_806 : i32 to index
        %get3A_814 = tpu.vector_load %arg10[%get3A_813] {strides = array<i32>} : memref<25600xf32, #tpu.memory_space<vmem>>, vector<16xf32>,
        %get3A_815 = vector.shape_cast %get3A_814 : vector<16xf32> to vector<16xf32>
        %add3A_816 = arith.addf %get3A_812, %get3A_815 : vector<16xf32>
        %mul3A_817 = arith.mulf %gather3A_798, %get3A_57 : vector<16xf32>
        %add3A_818 = arith.addf %add3A_816, %mul3A_817 : vector<16xf32>
        %swap3A_819 = arith.constant 1 : i32
        %swap3A_820 = arith.index_cast %swap3A_819 : i32 to index
        %swap3A_821 = arith.index_cast %add3A_802 : i32 to index
        %swap3A_822 = arith.constant 0 : index
        %swap3A_823 = tpu.vector_load %arg13[%swap3A_820, %swap3A_821, %swap3A_822] {strides = array<i32>} : memref<2x400x64xf32, #tpu.memory_space<vmem>>, vector<1x1x16xf32>,
        %swap3A_824 = vector.shape_cast %swap3A_823 : vector<1x1x16xf32> to vector<16xf32>
        %swap3A_825 = vector.shape_cast %add3A_818 : vector<16xf32> to vector<1x1x16xf32>
        tpu.vector_store %arg13[%swap3A_820, %swap3A_821, %swap3A_822], %swap3A_825 {strides = array<i32>} : memref<2x400x64xf32, #tpu.memory_space<vmem>>, vector<1x1x16xf32>,
        %mul3A_826 = arith.constant 64 : i32
        %mul3A_827 = arith.muli %add3A_802, %mul3A_826 : i32
        %add3A_828 = arith.constant 16 : i32
        %add3A_829 = arith.addi %mul3A_827, %add3A_828 : i32
        %get3A_830 = arith.constant 1 : i32
        %get3A_831 = arith.index_cast %get3A_830 : i32 to index
        %get3A_832 = arith.index_cast %add3A_802 : i32 to index
        %get3A_833 = arith.constant 16 : index
        %get3A_834 = tpu.vector_load %arg13[%get3A_831, %get3A_832, %get3A_833] {strides = array<i32>} : memref<2x400x64xf32, #tpu.memory_space<vmem>>, vector<1x1x16xf32>,
        %get3A_835 = vector.shape_cast %get3A_834 : vector<1x1x16xf32> to vector<16xf32>
        %get3A_836 = arith.index_cast %add3A_829 : i32 to index
        %get3A_837 = tpu.vector_load %arg10[%get3A_836] {strides = array<i32>} : memref<25600xf32, #tpu.memory_space<vmem>>, vector<16xf32>,
        %get3A_838 = vector.shape_cast %get3A_837 : vector<16xf32> to vector<16xf32>
        %add3A_839 = arith.addf %get3A_835, %get3A_838 : vector<16xf32>
        %mul3A_840 = arith.mulf %gather3A_798, %get3A_60 : vector<16xf32>
        %add3A_841 = arith.addf %add3A_839, %mul3A_840 : vector<16xf32>
        %swap3A_842 = arith.constant 1 : i32
        %swap3A_843 = arith.index_cast %swap3A_842 : i32 to index
        %swap3A_844 = arith.index_cast %add3A_802 : i32 to index
        %swap3A_845 = arith.constant 16 : index
        %swap3A_846 = tpu.vector_load %arg13[%swap3A_843, %swap3A_844, %swap3A_845] {strides = array<i32>} : memref<2x400x64xf32, #tpu.memory_space<vmem>>, vector<1x1x16xf32>,
        %swap3A_847 = vector.shape_cast %swap3A_846 : vector<1x1x16xf32> to vector<16xf32>
        %swap3A_848 = vector.shape_cast %add3A_841 : vector<16xf32> to vector<1x1x16xf32>
        tpu.vector_store %arg13[%swap3A_843, %swap3A_844, %swap3A_845], %swap3A_848 {strides = array<i32>} : memref<2x400x64xf32, #tpu.memory_space<vmem>>, vector<1x1x16xf32>,
        %mul3A_849 = arith.constant 64 : i32
        %mul3A_850 = arith.muli %add3A_802, %mul3A_849 : i32
        %add3A_851 = arith.constant 32 : i32
        %add3A_852 = arith.addi %mul3A_850, %add3A_851 : i32
        %get3A_853 = arith.constant 1 : i32
        %get3A_854 = arith.index_cast %get3A_853 : i32 to index
        %get3A_855 = arith.index_cast %add3A_802 : i32 to index
        %get3A_856 = arith.constant 32 : index
        %get3A_857 = tpu.vector_load %arg13[%get3A_854, %get3A_855, %get3A_856] {strides = array<i32>} : memref<2x400x64xf32, #tpu.memory_space<vmem>>, vector<1x1x16xf32>,
        %get3A_858 = vector.shape_cast %get3A_857 : vector<1x1x16xf32> to vector<16xf32>
        %get3A_859 = arith.index_cast %add3A_852 : i32 to index
        %get3A_860 = tpu.vector_load %arg10[%get3A_859] {strides = array<i32>} : memref<25600xf32, #tpu.memory_space<vmem>>, vector<16xf32>,
        %get3A_861 = vector.shape_cast %get3A_860 : vector<16xf32> to vector<16xf32>
        %add3A_862 = arith.addf %get3A_858, %get3A_861 : vector<16xf32>
        %mul3A_863 = arith.mulf %gather3A_798, %get3A_63 : vector<16xf32>
        %add3A_864 = arith.addf %add3A_862, %mul3A_863 : vector<16xf32>
        %swap3A_865 = arith.constant 1 : i32
        %swap3A_866 = arith.index_cast %swap3A_865 : i32 to index
        %swap3A_867 = arith.index_cast %add3A_802 : i32 to index
        %swap3A_868 = arith.constant 32 : index
        %swap3A_869 = tpu.vector_load %arg13[%swap3A_866, %swap3A_867, %swap3A_868] {strides = array<i32>} : memref<2x400x64xf32, #tpu.memory_space<vmem>>, vector<1x1x16xf32>,
        %swap3A_870 = vector.shape_cast %swap3A_869 : vector<1x1x16xf32> to vector<16xf32>
        %swap3A_871 = vector.shape_cast %add3A_864 : vector<16xf32> to vector<1x1x16xf32>
        tpu.vector_store %arg13[%swap3A_866, %swap3A_867, %swap3A_868], %swap3A_871 {strides = array<i32>} : memref<2x400x64xf32, #tpu.memory_space<vmem>>, vector<1x1x16xf32>,
        %mul3A_872 = arith.constant 64 : i32
        %mul3A_873 = arith.muli %add3A_802, %mul3A_872 : i32
        %add3A_874 = arith.constant 48 : i32
        %add3A_875 = arith.addi %mul3A_873, %add3A_874 : i32
        %get3A_876 = arith.constant 1 : i32
        %get3A_877 = arith.index_cast %get3A_876 : i32 to index
        %get3A_878 = arith.index_cast %add3A_802 : i32 to index
        %get3A_879 = arith.constant 48 : index
        %get3A_880 = tpu.vector_load %arg13[%get3A_877, %get3A_878, %get3A_879] {strides = array<i32>} : memref<2x400x64xf32, #tpu.memory_space<vmem>>, vector<1x1x16xf32>,
        %get3A_881 = vector.shape_cast %get3A_880 : vector<1x1x16xf32> to vector<16xf32>
        %get3A_882 = arith.index_cast %add3A_875 : i32 to index
        %get3A_883 = tpu.vector_load %arg10[%get3A_882] {strides = array<i32>} : memref<25600xf32, #tpu.memory_space<vmem>>, vector<16xf32>,
        %get3A_884 = vector.shape_cast %get3A_883 : vector<16xf32> to vector<16xf32>
        %add3A_885 = arith.addf %get3A_881, %get3A_884 : vector<16xf32>
        %mul3A_886 = arith.mulf %gather3A_798, %get3A_66 : vector<16xf32>
        %add3A_887 = arith.addf %add3A_885, %mul3A_886 : vector<16xf32>
        %swap3A_888 = arith.constant 1 : i32
        %swap3A_889 = arith.index_cast %swap3A_888 : i32 to index
        %swap3A_890 = arith.index_cast %add3A_802 : i32 to index
        %swap3A_891 = arith.constant 48 : index
        %swap3A_892 = tpu.vector_load %arg13[%swap3A_889, %swap3A_890, %swap3A_891] {strides = array<i32>} : memref<2x400x64xf32, #tpu.memory_space<vmem>>, vector<1x1x16xf32>,
        %swap3A_893 = vector.shape_cast %swap3A_892 : vector<1x1x16xf32> to vector<16xf32>
        %swap3A_894 = vector.shape_cast %add3A_887 : vector<16xf32> to vector<1x1x16xf32>
        tpu.vector_store %arg13[%swap3A_889, %swap3A_890, %swap3A_891], %swap3A_894 {strides = array<i32>} : memref<2x400x64xf32, #tpu.memory_space<vmem>>, vector<1x1x16xf32>,
        %broadcast_in_dim3A_895 = arith.constant 7 : i32
        %broadcast_in_dim3A_896 = vector.broadcast %broadcast_in_dim3A_895 : i32 to vector<16x1xi32>
        %gather3A_897 = vector.shape_cast %broadcast_in_dim3A_896 : vector<16x1xi32> to vector<16xi32>
        %gather3A_898 = tpu.dynamic_gather %convert_element_type3A_196[%gather3A_897] in [0] : vector<16xf32>, vector<16xi32> -> vector<16xf32>
        %mul3A_899 = arith.constant 16 : i32
        %mul3A_900 = arith.muli %scan3A_187, %mul3A_899 : i32
        %add3A_901 = arith.constant 7 : i32
        %add3A_902 = arith.addi %mul3A_900, %add3A_901 : i32
        %mul3A_903 = arith.constant 64 : i32
        %mul3A_904 = arith.muli %add3A_902, %mul3A_903 : i32
        %add3A_905 = arith.constant 0 : i32
        %add3A_906 = arith.addi %mul3A_904, %add3A_905 : i32
        %get3A_907 = arith.constant 1 : i32
        %get3A_908 = arith.index_cast %get3A_907 : i32 to index
        %get3A_909 = arith.index_cast %add3A_902 : i32 to index
        %get3A_910 = arith.constant 0 : index
        %get3A_911 = tpu.vector_load %arg13[%get3A_908, %get3A_909, %get3A_910] {strides = array<i32>} : memref<2x400x64xf32, #tpu.memory_space<vmem>>, vector<1x1x16xf32>,
        %get3A_912 = vector.shape_cast %get3A_911 : vector<1x1x16xf32> to vector<16xf32>
        %get3A_913 = arith.index_cast %add3A_906 : i32 to index
        %get3A_914 = tpu.vector_load %arg10[%get3A_913] {strides = array<i32>} : memref<25600xf32, #tpu.memory_space<vmem>>, vector<16xf32>,
        %get3A_915 = vector.shape_cast %get3A_914 : vector<16xf32> to vector<16xf32>
        %add3A_916 = arith.addf %get3A_912, %get3A_915 : vector<16xf32>
        %mul3A_917 = arith.mulf %gather3A_898, %get3A_57 : vector<16xf32>
        %add3A_918 = arith.addf %add3A_916, %mul3A_917 : vector<16xf32>
        %swap3A_919 = arith.constant 1 : i32
        %swap3A_920 = arith.index_cast %swap3A_919 : i32 to index
        %swap3A_921 = arith.index_cast %add3A_902 : i32 to index
        %swap3A_922 = arith.constant 0 : index
        %swap3A_923 = tpu.vector_load %arg13[%swap3A_920, %swap3A_921, %swap3A_922] {strides = array<i32>} : memref<2x400x64xf32, #tpu.memory_space<vmem>>, vector<1x1x16xf32>,
        %swap3A_924 = vector.shape_cast %swap3A_923 : vector<1x1x16xf32> to vector<16xf32>
        %swap3A_925 = vector.shape_cast %add3A_918 : vector<16xf32> to vector<1x1x16xf32>
        tpu.vector_store %arg13[%swap3A_920, %swap3A_921, %swap3A_922], %swap3A_925 {strides = array<i32>} : memref<2x400x64xf32, #tpu.memory_space<vmem>>, vector<1x1x16xf32>,
        %mul3A_926 = arith.constant 64 : i32
        %mul3A_927 = arith.muli %add3A_902, %mul3A_926 : i32
        %add3A_928 = arith.constant 16 : i32
        %add3A_929 = arith.addi %mul3A_927, %add3A_928 : i32
        %get3A_930 = arith.constant 1 : i32
        %get3A_931 = arith.index_cast %get3A_930 : i32 to index
        %get3A_932 = arith.index_cast %add3A_902 : i32 to index
        %get3A_933 = arith.constant 16 : index
        %get3A_934 = tpu.vector_load %arg13[%get3A_931, %get3A_932, %get3A_933] {strides = array<i32>} : memref<2x400x64xf32, #tpu.memory_space<vmem>>, vector<1x1x16xf32>,
        %get3A_935 = vector.shape_cast %get3A_934 : vector<1x1x16xf32> to vector<16xf32>
        %get3A_936 = arith.index_cast %add3A_929 : i32 to index
        %get3A_937 = tpu.vector_load %arg10[%get3A_936] {strides = array<i32>} : memref<25600xf32, #tpu.memory_space<vmem>>, vector<16xf32>,
        %get3A_938 = vector.shape_cast %get3A_937 : vector<16xf32> to vector<16xf32>
        %add3A_939 = arith.addf %get3A_935, %get3A_938 : vector<16xf32>
        %mul3A_940 = arith.mulf %gather3A_898, %get3A_60 : vector<16xf32>
        %add3A_941 = arith.addf %add3A_939, %mul3A_940 : vector<16xf32>
        %swap3A_942 = arith.constant 1 : i32
        %swap3A_943 = arith.index_cast %swap3A_942 : i32 to index
        %swap3A_944 = arith.index_cast %add3A_902 : i32 to index
        %swap3A_945 = arith.constant 16 : index
        %swap3A_946 = tpu.vector_load %arg13[%swap3A_943, %swap3A_944, %swap3A_945] {strides = array<i32>} : memref<2x400x64xf32, #tpu.memory_space<vmem>>, vector<1x1x16xf32>,
        %swap3A_947 = vector.shape_cast %swap3A_946 : vector<1x1x16xf32> to vector<16xf32>
        %swap3A_948 = vector.shape_cast %add3A_941 : vector<16xf32> to vector<1x1x16xf32>
        tpu.vector_store %arg13[%swap3A_943, %swap3A_944, %swap3A_945], %swap3A_948 {strides = array<i32>} : memref<2x400x64xf32, #tpu.memory_space<vmem>>, vector<1x1x16xf32>,
        %mul3A_949 = arith.constant 64 : i32
        %mul3A_950 = arith.muli %add3A_902, %mul3A_949 : i32
        %add3A_951 = arith.constant 32 : i32
        %add3A_952 = arith.addi %mul3A_950, %add3A_951 : i32
        %get3A_953 = arith.constant 1 : i32
        %get3A_954 = arith.index_cast %get3A_953 : i32 to index
        %get3A_955 = arith.index_cast %add3A_902 : i32 to index
        %get3A_956 = arith.constant 32 : index
        %get3A_957 = tpu.vector_load %arg13[%get3A_954, %get3A_955, %get3A_956] {strides = array<i32>} : memref<2x400x64xf32, #tpu.memory_space<vmem>>, vector<1x1x16xf32>,
        %get3A_958 = vector.shape_cast %get3A_957 : vector<1x1x16xf32> to vector<16xf32>
        %get3A_959 = arith.index_cast %add3A_952 : i32 to index
        %get3A_960 = tpu.vector_load %arg10[%get3A_959] {strides = array<i32>} : memref<25600xf32, #tpu.memory_space<vmem>>, vector<16xf32>,
        %get3A_961 = vector.shape_cast %get3A_960 : vector<16xf32> to vector<16xf32>
        %add3A_962 = arith.addf %get3A_958, %get3A_961 : vector<16xf32>
        %mul3A_963 = arith.mulf %gather3A_898, %get3A_63 : vector<16xf32>
        %add3A_964 = arith.addf %add3A_962, %mul3A_963 : vector<16xf32>
        %swap3A_965 = arith.constant 1 : i32
        %swap3A_966 = arith.index_cast %swap3A_965 : i32 to index
        %swap3A_967 = arith.index_cast %add3A_902 : i32 to index
        %swap3A_968 = arith.constant 32 : index
        %swap3A_969 = tpu.vector_load %arg13[%swap3A_966, %swap3A_967, %swap3A_968] {strides = array<i32>} : memref<2x400x64xf32, #tpu.memory_space<vmem>>, vector<1x1x16xf32>,
        %swap3A_970 = vector.shape_cast %swap3A_969 : vector<1x1x16xf32> to vector<16xf32>
        %swap3A_971 = vector.shape_cast %add3A_964 : vector<16xf32> to vector<1x1x16xf32>
        tpu.vector_store %arg13[%swap3A_966, %swap3A_967, %swap3A_968], %swap3A_971 {strides = array<i32>} : memref<2x400x64xf32, #tpu.memory_space<vmem>>, vector<1x1x16xf32>,
        %mul3A_972 = arith.constant 64 : i32
        %mul3A_973 = arith.muli %add3A_902, %mul3A_972 : i32
        %add3A_974 = arith.constant 48 : i32
        %add3A_975 = arith.addi %mul3A_973, %add3A_974 : i32
        %get3A_976 = arith.constant 1 : i32
        %get3A_977 = arith.index_cast %get3A_976 : i32 to index
        %get3A_978 = arith.index_cast %add3A_902 : i32 to index
        %get3A_979 = arith.constant 48 : index
        %get3A_980 = tpu.vector_load %arg13[%get3A_977, %get3A_978, %get3A_979] {strides = array<i32>} : memref<2x400x64xf32, #tpu.memory_space<vmem>>, vector<1x1x16xf32>,
        %get3A_981 = vector.shape_cast %get3A_980 : vector<1x1x16xf32> to vector<16xf32>
        %get3A_982 = arith.index_cast %add3A_975 : i32 to index
        %get3A_983 = tpu.vector_load %arg10[%get3A_982] {strides = array<i32>} : memref<25600xf32, #tpu.memory_space<vmem>>, vector<16xf32>,
        %get3A_984 = vector.shape_cast %get3A_983 : vector<16xf32> to vector<16xf32>
        %add3A_985 = arith.addf %get3A_981, %get3A_984 : vector<16xf32>
        %mul3A_986 = arith.mulf %gather3A_898, %get3A_66 : vector<16xf32>
        %add3A_987 = arith.addf %add3A_985, %mul3A_986 : vector<16xf32>
        %swap3A_988 = arith.constant 1 : i32
        %swap3A_989 = arith.index_cast %swap3A_988 : i32 to index
        %swap3A_990 = arith.index_cast %add3A_902 : i32 to index
        %swap3A_991 = arith.constant 48 : index
        %swap3A_992 = tpu.vector_load %arg13[%swap3A_989, %swap3A_990, %swap3A_991] {strides = array<i32>} : memref<2x400x64xf32, #tpu.memory_space<vmem>>, vector<1x1x16xf32>,
        %swap3A_993 = vector.shape_cast %swap3A_992 : vector<1x1x16xf32> to vector<16xf32>
        %swap3A_994 = vector.shape_cast %add3A_987 : vector<16xf32> to vector<1x1x16xf32>
        tpu.vector_store %arg13[%swap3A_989, %swap3A_990, %swap3A_991], %swap3A_994 {strides = array<i32>} : memref<2x400x64xf32, #tpu.memory_space<vmem>>, vector<1x1x16xf32>,
        %broadcast_in_dim3A_995 = arith.constant 8 : i32
        %broadcast_in_dim3A_996 = vector.broadcast %broadcast_in_dim3A_995 : i32 to vector<16x1xi32>
        %gather3A_997 = vector.shape_cast %broadcast_in_dim3A_996 : vector<16x1xi32> to vector<16xi32>
        %gather3A_998 = tpu.dynamic_gather %convert_element_type3A_196[%gather3A_997] in [0] : vector<16xf32>, vector<16xi32> -> vector<16xf32>
        %mul3A_999 = arith.constant 16 : i32
        %mul3A_1000 = arith.muli %scan3A_187, %mul3A_999 : i32
        %add3A_1001 = arith.constant 8 : i32
        %add3A_1002 = arith.addi %mul3A_1000, %add3A_1001 : i32
        %mul3A_1003 = arith.constant 64 : i32
        %mul3A_1004 = arith.muli %add3A_1002, %mul3A_1003 : i32
        %add3A_1005 = arith.constant 0 : i32
        %add3A_1006 = arith.addi %mul3A_1004, %add3A_1005 : i32
        %get3A_1007 = arith.constant 1 : i32
        %get3A_1008 = arith.index_cast %get3A_1007 : i32 to index
        %get3A_1009 = arith.index_cast %add3A_1002 : i32 to index
        %get3A_1010 = arith.constant 0 : index
        %get3A_1011 = tpu.vector_load %arg13[%get3A_1008, %get3A_1009, %get3A_1010] {strides = array<i32>} : memref<2x400x64xf32, #tpu.memory_space<vmem>>, vector<1x1x16xf32>,
        %get3A_1012 = vector.shape_cast %get3A_1011 : vector<1x1x16xf32> to vector<16xf32>
        %get3A_1013 = arith.index_cast %add3A_1006 : i32 to index
        %get3A_1014 = tpu.vector_load %arg10[%get3A_1013] {strides = array<i32>} : memref<25600xf32, #tpu.memory_space<vmem>>, vector<16xf32>,
        %get3A_1015 = vector.shape_cast %get3A_1014 : vector<16xf32> to vector<16xf32>
        %add3A_1016 = arith.addf %get3A_1012, %get3A_1015 : vector<16xf32>
        %mul3A_1017 = arith.mulf %gather3A_998, %get3A_57 : vector<16xf32>
        %add3A_1018 = arith.addf %add3A_1016, %mul3A_1017 : vector<16xf32>
        %swap3A_1019 = arith.constant 1 : i32
        %swap3A_1020 = arith.index_cast %swap3A_1019 : i32 to index
        %swap3A_1021 = arith.index_cast %add3A_1002 : i32 to index
        %swap3A_1022 = arith.constant 0 : index
        %swap3A_1023 = tpu.vector_load %arg13[%swap3A_1020, %swap3A_1021, %swap3A_1022] {strides = array<i32>} : memref<2x400x64xf32, #tpu.memory_space<vmem>>, vector<1x1x16xf32>,
        %swap3A_1024 = vector.shape_cast %swap3A_1023 : vector<1x1x16xf32> to vector<16xf32>
        %swap3A_1025 = vector.shape_cast %add3A_1018 : vector<16xf32> to vector<1x1x16xf32>
        tpu.vector_store %arg13[%swap3A_1020, %swap3A_1021, %swap3A_1022], %swap3A_1025 {strides = array<i32>} : memref<2x400x64xf32, #tpu.memory_space<vmem>>, vector<1x1x16xf32>,
        %mul3A_1026 = arith.constant 64 : i32
        %mul3A_1027 = arith.muli %add3A_1002, %mul3A_1026 : i32
        %add3A_1028 = arith.constant 16 : i32
        %add3A_1029 = arith.addi %mul3A_1027, %add3A_1028 : i32
        %get3A_1030 = arith.constant 1 : i32
        %get3A_1031 = arith.index_cast %get3A_1030 : i32 to index
        %get3A_1032 = arith.index_cast %add3A_1002 : i32 to index
        %get3A_1033 = arith.constant 16 : index
        %get3A_1034 = tpu.vector_load %arg13[%get3A_1031, %get3A_1032, %get3A_1033] {strides = array<i32>} : memref<2x400x64xf32, #tpu.memory_space<vmem>>, vector<1x1x16xf32>,
        %get3A_1035 = vector.shape_cast %get3A_1034 : vector<1x1x16xf32> to vector<16xf32>
        %get3A_1036 = arith.index_cast %add3A_1029 : i32 to index
        %get3A_1037 = tpu.vector_load %arg10[%get3A_1036] {strides = array<i32>} : memref<25600xf32, #tpu.memory_space<vmem>>, vector<16xf32>,
        %get3A_1038 = vector.shape_cast %get3A_1037 : vector<16xf32> to vector<16xf32>
        %add3A_1039 = arith.addf %get3A_1035, %get3A_1038 : vector<16xf32>
        %mul3A_1040 = arith.mulf %gather3A_998, %get3A_60 : vector<16xf32>
        %add3A_1041 = arith.addf %add3A_1039, %mul3A_1040 : vector<16xf32>
        %swap3A_1042 = arith.constant 1 : i32
        %swap3A_1043 = arith.index_cast %swap3A_1042 : i32 to index
        %swap3A_1044 = arith.index_cast %add3A_1002 : i32 to index
        %swap3A_1045 = arith.constant 16 : index
        %swap3A_1046 = tpu.vector_load %arg13[%swap3A_1043, %swap3A_1044, %swap3A_1045] {strides = array<i32>} : memref<2x400x64xf32, #tpu.memory_space<vmem>>, vector<1x1x16xf32>,
        %swap3A_1047 = vector.shape_cast %swap3A_1046 : vector<1x1x16xf32> to vector<16xf32>
        %swap3A_1048 = vector.shape_cast %add3A_1041 : vector<16xf32> to vector<1x1x16xf32>
        tpu.vector_store %arg13[%swap3A_1043, %swap3A_1044, %swap3A_1045], %swap3A_1048 {strides = array<i32>} : memref<2x400x64xf32, #tpu.memory_space<vmem>>, vector<1x1x16xf32>,
        %mul3A_1049 = arith.constant 64 : i32
        %mul3A_1050 = arith.muli %add3A_1002, %mul3A_1049 : i32
        %add3A_1051 = arith.constant 32 : i32
        %add3A_1052 = arith.addi %mul3A_1050, %add3A_1051 : i32
        %get3A_1053 = arith.constant 1 : i32
        %get3A_1054 = arith.index_cast %get3A_1053 : i32 to index
        %get3A_1055 = arith.index_cast %add3A_1002 : i32 to index
        %get3A_1056 = arith.constant 32 : index
        %get3A_1057 = tpu.vector_load %arg13[%get3A_1054, %get3A_1055, %get3A_1056] {strides = array<i32>} : memref<2x400x64xf32, #tpu.memory_space<vmem>>, vector<1x1x16xf32>,
        %get3A_1058 = vector.shape_cast %get3A_1057 : vector<1x1x16xf32> to vector<16xf32>
        %get3A_1059 = arith.index_cast %add3A_1052 : i32 to index
        %get3A_1060 = tpu.vector_load %arg10[%get3A_1059] {strides = array<i32>} : memref<25600xf32, #tpu.memory_space<vmem>>, vector<16xf32>,
        %get3A_1061 = vector.shape_cast %get3A_1060 : vector<16xf32> to vector<16xf32>
        %add3A_1062 = arith.addf %get3A_1058, %get3A_1061 : vector<16xf32>
        %mul3A_1063 = arith.mulf %gather3A_998, %get3A_63 : vector<16xf32>
        %add3A_1064 = arith.addf %add3A_1062, %mul3A_1063 : vector<16xf32>
        %swap3A_1065 = arith.constant 1 : i32
        %swap3A_1066 = arith.index_cast %swap3A_1065 : i32 to index
        %swap3A_1067 = arith.index_cast %add3A_1002 : i32 to index
        %swap3A_1068 = arith.constant 32 : index
        %swap3A_1069 = tpu.vector_load %arg13[%swap3A_1066, %swap3A_1067, %swap3A_1068] {strides = array<i32>} : memref<2x400x64xf32, #tpu.memory_space<vmem>>, vector<1x1x16xf32>,
        %swap3A_1070 = vector.shape_cast %swap3A_1069 : vector<1x1x16xf32> to vector<16xf32>
        %swap3A_1071 = vector.shape_cast %add3A_1064 : vector<16xf32> to vector<1x1x16xf32>
        tpu.vector_store %arg13[%swap3A_1066, %swap3A_1067, %swap3A_1068], %swap3A_1071 {strides = array<i32>} : memref<2x400x64xf32, #tpu.memory_space<vmem>>, vector<1x1x16xf32>,
        %mul3A_1072 = arith.constant 64 : i32
        %mul3A_1073 = arith.muli %add3A_1002, %mul3A_1072 : i32
        %add3A_1074 = arith.constant 48 : i32
        %add3A_1075 = arith.addi %mul3A_1073, %add3A_1074 : i32
        %get3A_1076 = arith.constant 1 : i32
        %get3A_1077 = arith.index_cast %get3A_1076 : i32 to index
        %get3A_1078 = arith.index_cast %add3A_1002 : i32 to index
        %get3A_1079 = arith.constant 48 : index
        %get3A_1080 = tpu.vector_load %arg13[%get3A_1077, %get3A_1078, %get3A_1079] {strides = array<i32>} : memref<2x400x64xf32, #tpu.memory_space<vmem>>, vector<1x1x16xf32>,
        %get3A_1081 = vector.shape_cast %get3A_1080 : vector<1x1x16xf32> to vector<16xf32>
        %get3A_1082 = arith.index_cast %add3A_1075 : i32 to index
        %get3A_1083 = tpu.vector_load %arg10[%get3A_1082] {strides = array<i32>} : memref<25600xf32, #tpu.memory_space<vmem>>, vector<16xf32>,
        %get3A_1084 = vector.shape_cast %get3A_1083 : vector<16xf32> to vector<16xf32>
        %add3A_1085 = arith.addf %get3A_1081, %get3A_1084 : vector<16xf32>
        %mul3A_1086 = arith.mulf %gather3A_998, %get3A_66 : vector<16xf32>
        %add3A_1087 = arith.addf %add3A_1085, %mul3A_1086 : vector<16xf32>
        %swap3A_1088 = arith.constant 1 : i32
        %swap3A_1089 = arith.index_cast %swap3A_1088 : i32 to index
        %swap3A_1090 = arith.index_cast %add3A_1002 : i32 to index
        %swap3A_1091 = arith.constant 48 : index
        %swap3A_1092 = tpu.vector_load %arg13[%swap3A_1089, %swap3A_1090, %swap3A_1091] {strides = array<i32>} : memref<2x400x64xf32, #tpu.memory_space<vmem>>, vector<1x1x16xf32>,
        %swap3A_1093 = vector.shape_cast %swap3A_1092 : vector<1x1x16xf32> to vector<16xf32>
        %swap3A_1094 = vector.shape_cast %add3A_1087 : vector<16xf32> to vector<1x1x16xf32>
        tpu.vector_store %arg13[%swap3A_1089, %swap3A_1090, %swap3A_1091], %swap3A_1094 {strides = array<i32>} : memref<2x400x64xf32, #tpu.memory_space<vmem>>, vector<1x1x16xf32>,
        %broadcast_in_dim3A_1095 = arith.constant 9 : i32
        %broadcast_in_dim3A_1096 = vector.broadcast %broadcast_in_dim3A_1095 : i32 to vector<16x1xi32>
        %gather3A_1097 = vector.shape_cast %broadcast_in_dim3A_1096 : vector<16x1xi32> to vector<16xi32>
        %gather3A_1098 = tpu.dynamic_gather %convert_element_type3A_196[%gather3A_1097] in [0] : vector<16xf32>, vector<16xi32> -> vector<16xf32>
        %mul3A_1099 = arith.constant 16 : i32
        %mul3A_1100 = arith.muli %scan3A_187, %mul3A_1099 : i32
        %add3A_1101 = arith.constant 9 : i32
        %add3A_1102 = arith.addi %mul3A_1100, %add3A_1101 : i32
        %mul3A_1103 = arith.constant 64 : i32
        %mul3A_1104 = arith.muli %add3A_1102, %mul3A_1103 : i32
        %add3A_1105 = arith.constant 0 : i32
        %add3A_1106 = arith.addi %mul3A_1104, %add3A_1105 : i32
        %get3A_1107 = arith.constant 1 : i32
        %get3A_1108 = arith.index_cast %get3A_1107 : i32 to index
        %get3A_1109 = arith.index_cast %add3A_1102 : i32 to index
        %get3A_1110 = arith.constant 0 : index
        %get3A_1111 = tpu.vector_load %arg13[%get3A_1108, %get3A_1109, %get3A_1110] {strides = array<i32>} : memref<2x400x64xf32, #tpu.memory_space<vmem>>, vector<1x1x16xf32>,
        %get3A_1112 = vector.shape_cast %get3A_1111 : vector<1x1x16xf32> to vector<16xf32>
        %get3A_1113 = arith.index_cast %add3A_1106 : i32 to index
        %get3A_1114 = tpu.vector_load %arg10[%get3A_1113] {strides = array<i32>} : memref<25600xf32, #tpu.memory_space<vmem>>, vector<16xf32>,
        %get3A_1115 = vector.shape_cast %get3A_1114 : vector<16xf32> to vector<16xf32>
        %add3A_1116 = arith.addf %get3A_1112, %get3A_1115 : vector<16xf32>
        %mul3A_1117 = arith.mulf %gather3A_1098, %get3A_57 : vector<16xf32>
        %add3A_1118 = arith.addf %add3A_1116, %mul3A_1117 : vector<16xf32>
        %swap3A_1119 = arith.constant 1 : i32
        %swap3A_1120 = arith.index_cast %swap3A_1119 : i32 to index
        %swap3A_1121 = arith.index_cast %add3A_1102 : i32 to index
        %swap3A_1122 = arith.constant 0 : index
        %swap3A_1123 = tpu.vector_load %arg13[%swap3A_1120, %swap3A_1121, %swap3A_1122] {strides = array<i32>} : memref<2x400x64xf32, #tpu.memory_space<vmem>>, vector<1x1x16xf32>,
        %swap3A_1124 = vector.shape_cast %swap3A_1123 : vector<1x1x16xf32> to vector<16xf32>
        %swap3A_1125 = vector.shape_cast %add3A_1118 : vector<16xf32> to vector<1x1x16xf32>
        tpu.vector_store %arg13[%swap3A_1120, %swap3A_1121, %swap3A_1122], %swap3A_1125 {strides = array<i32>} : memref<2x400x64xf32, #tpu.memory_space<vmem>>, vector<1x1x16xf32>,
        %mul3A_1126 = arith.constant 64 : i32
        %mul3A_1127 = arith.muli %add3A_1102, %mul3A_1126 : i32
        %add3A_1128 = arith.constant 16 : i32
        %add3A_1129 = arith.addi %mul3A_1127, %add3A_1128 : i32
        %get3A_1130 = arith.constant 1 : i32
        %get3A_1131 = arith.index_cast %get3A_1130 : i32 to index
        %get3A_1132 = arith.index_cast %add3A_1102 : i32 to index
        %get3A_1133 = arith.constant 16 : index
        %get3A_1134 = tpu.vector_load %arg13[%get3A_1131, %get3A_1132, %get3A_1133] {strides = array<i32>} : memref<2x400x64xf32, #tpu.memory_space<vmem>>, vector<1x1x16xf32>,
        %get3A_1135 = vector.shape_cast %get3A_1134 : vector<1x1x16xf32> to vector<16xf32>
        %get3A_1136 = arith.index_cast %add3A_1129 : i32 to index
        %get3A_1137 = tpu.vector_load %arg10[%get3A_1136] {strides = array<i32>} : memref<25600xf32, #tpu.memory_space<vmem>>, vector<16xf32>,
        %get3A_1138 = vector.shape_cast %get3A_1137 : vector<16xf32> to vector<16xf32>
        %add3A_1139 = arith.addf %get3A_1135, %get3A_1138 : vector<16xf32>
        %mul3A_1140 = arith.mulf %gather3A_1098, %get3A_60 : vector<16xf32>
        %add3A_1141 = arith.addf %add3A_1139, %mul3A_1140 : vector<16xf32>
        %swap3A_1142 = arith.constant 1 : i32
        %swap3A_1143 = arith.index_cast %swap3A_1142 : i32 to index
        %swap3A_1144 = arith.index_cast %add3A_1102 : i32 to index
        %swap3A_1145 = arith.constant 16 : index
        %swap3A_1146 = tpu.vector_load %arg13[%swap3A_1143, %swap3A_1144, %swap3A_1145] {strides = array<i32>} : memref<2x400x64xf32, #tpu.memory_space<vmem>>, vector<1x1x16xf32>,
        %swap3A_1147 = vector.shape_cast %swap3A_1146 : vector<1x1x16xf32> to vector<16xf32>
        %swap3A_1148 = vector.shape_cast %add3A_1141 : vector<16xf32> to vector<1x1x16xf32>
        tpu.vector_store %arg13[%swap3A_1143, %swap3A_1144, %swap3A_1145], %swap3A_1148 {strides = array<i32>} : memref<2x400x64xf32, #tpu.memory_space<vmem>>, vector<1x1x16xf32>,
        %mul3A_1149 = arith.constant 64 : i32
        %mul3A_1150 = arith.muli %add3A_1102, %mul3A_1149 : i32
        %add3A_1151 = arith.constant 32 : i32
        %add3A_1152 = arith.addi %mul3A_1150, %add3A_1151 : i32
        %get3A_1153 = arith.constant 1 : i32
        %get3A_1154 = arith.index_cast %get3A_1153 : i32 to index
        %get3A_1155 = arith.index_cast %add3A_1102 : i32 to index
        %get3A_1156 = arith.constant 32 : index
        %get3A_1157 = tpu.vector_load %arg13[%get3A_1154, %get3A_1155, %get3A_1156] {strides = array<i32>} : memref<2x400x64xf32, #tpu.memory_space<vmem>>, vector<1x1x16xf32>,
        %get3A_1158 = vector.shape_cast %get3A_1157 : vector<1x1x16xf32> to vector<16xf32>
        %get3A_1159 = arith.index_cast %add3A_1152 : i32 to index
        %get3A_1160 = tpu.vector_load %arg10[%get3A_1159] {strides = array<i32>} : memref<25600xf32, #tpu.memory_space<vmem>>, vector<16xf32>,
        %get3A_1161 = vector.shape_cast %get3A_1160 : vector<16xf32> to vector<16xf32>
        %add3A_1162 = arith.addf %get3A_1158, %get3A_1161 : vector<16xf32>
        %mul3A_1163 = arith.mulf %gather3A_1098, %get3A_63 : vector<16xf32>
        %add3A_1164 = arith.addf %add3A_1162, %mul3A_1163 : vector<16xf32>
        %swap3A_1165 = arith.constant 1 : i32
        %swap3A_1166 = arith.index_cast %swap3A_1165 : i32 to index
        %swap3A_1167 = arith.index_cast %add3A_1102 : i32 to index
        %swap3A_1168 = arith.constant 32 : index
        %swap3A_1169 = tpu.vector_load %arg13[%swap3A_1166, %swap3A_1167, %swap3A_1168] {strides = array<i32>} : memref<2x400x64xf32, #tpu.memory_space<vmem>>, vector<1x1x16xf32>,
        %swap3A_1170 = vector.shape_cast %swap3A_1169 : vector<1x1x16xf32> to vector<16xf32>
        %swap3A_1171 = vector.shape_cast %add3A_1164 : vector<16xf32> to vector<1x1x16xf32>
        tpu.vector_store %arg13[%swap3A_1166, %swap3A_1167, %swap3A_1168], %swap3A_1171 {strides = array<i32>} : memref<2x400x64xf32, #tpu.memory_space<vmem>>, vector<1x1x16xf32>,
        %mul3A_1172 = arith.constant 64 : i32
        %mul3A_1173 = arith.muli %add3A_1102, %mul3A_1172 : i32
        %add3A_1174 = arith.constant 48 : i32
        %add3A_1175 = arith.addi %mul3A_1173, %add3A_1174 : i32
        %get3A_1176 = arith.constant 1 : i32
        %get3A_1177 = arith.index_cast %get3A_1176 : i32 to index
        %get3A_1178 = arith.index_cast %add3A_1102 : i32 to index
        %get3A_1179 = arith.constant 48 : index
        %get3A_1180 = tpu.vector_load %arg13[%get3A_1177, %get3A_1178, %get3A_1179] {strides = array<i32>} : memref<2x400x64xf32, #tpu.memory_space<vmem>>, vector<1x1x16xf32>,
        %get3A_1181 = vector.shape_cast %get3A_1180 : vector<1x1x16xf32> to vector<16xf32>
        %get3A_1182 = arith.index_cast %add3A_1175 : i32 to index
        %get3A_1183 = tpu.vector_load %arg10[%get3A_1182] {strides = array<i32>} : memref<25600xf32, #tpu.memory_space<vmem>>, vector<16xf32>,
        %get3A_1184 = vector.shape_cast %get3A_1183 : vector<16xf32> to vector<16xf32>
        %add3A_1185 = arith.addf %get3A_1181, %get3A_1184 : vector<16xf32>
        %mul3A_1186 = arith.mulf %gather3A_1098, %get3A_66 : vector<16xf32>
        %add3A_1187 = arith.addf %add3A_1185, %mul3A_1186 : vector<16xf32>
        %swap3A_1188 = arith.constant 1 : i32
        %swap3A_1189 = arith.index_cast %swap3A_1188 : i32 to index
        %swap3A_1190 = arith.index_cast %add3A_1102 : i32 to index
        %swap3A_1191 = arith.constant 48 : index
        %swap3A_1192 = tpu.vector_load %arg13[%swap3A_1189, %swap3A_1190, %swap3A_1191] {strides = array<i32>} : memref<2x400x64xf32, #tpu.memory_space<vmem>>, vector<1x1x16xf32>,
        %swap3A_1193 = vector.shape_cast %swap3A_1192 : vector<1x1x16xf32> to vector<16xf32>
        %swap3A_1194 = vector.shape_cast %add3A_1187 : vector<16xf32> to vector<1x1x16xf32>
        tpu.vector_store %arg13[%swap3A_1189, %swap3A_1190, %swap3A_1191], %swap3A_1194 {strides = array<i32>} : memref<2x400x64xf32, #tpu.memory_space<vmem>>, vector<1x1x16xf32>,
        %broadcast_in_dim3A_1195 = arith.constant 10 : i32
        %broadcast_in_dim3A_1196 = vector.broadcast %broadcast_in_dim3A_1195 : i32 to vector<16x1xi32>
        %gather3A_1197 = vector.shape_cast %broadcast_in_dim3A_1196 : vector<16x1xi32> to vector<16xi32>
        %gather3A_1198 = tpu.dynamic_gather %convert_element_type3A_196[%gather3A_1197] in [0] : vector<16xf32>, vector<16xi32> -> vector<16xf32>
        %mul3A_1199 = arith.constant 16 : i32
        %mul3A_1200 = arith.muli %scan3A_187, %mul3A_1199 : i32
        %add3A_1201 = arith.constant 10 : i32
        %add3A_1202 = arith.addi %mul3A_1200, %add3A_1201 : i32
        %mul3A_1203 = arith.constant 64 : i32
        %mul3A_1204 = arith.muli %add3A_1202, %mul3A_1203 : i32
        %add3A_1205 = arith.constant 0 : i32
        %add3A_1206 = arith.addi %mul3A_1204, %add3A_1205 : i32
        %get3A_1207 = arith.constant 1 : i32
        %get3A_1208 = arith.index_cast %get3A_1207 : i32 to index
        %get3A_1209 = arith.index_cast %add3A_1202 : i32 to index
        %get3A_1210 = arith.constant 0 : index
        %get3A_1211 = tpu.vector_load %arg13[%get3A_1208, %get3A_1209, %get3A_1210] {strides = array<i32>} : memref<2x400x64xf32, #tpu.memory_space<vmem>>, vector<1x1x16xf32>,
        %get3A_1212 = vector.shape_cast %get3A_1211 : vector<1x1x16xf32> to vector<16xf32>
        %get3A_1213 = arith.index_cast %add3A_1206 : i32 to index
        %get3A_1214 = tpu.vector_load %arg10[%get3A_1213] {strides = array<i32>} : memref<25600xf32, #tpu.memory_space<vmem>>, vector<16xf32>,
        %get3A_1215 = vector.shape_cast %get3A_1214 : vector<16xf32> to vector<16xf32>
        %add3A_1216 = arith.addf %get3A_1212, %get3A_1215 : vector<16xf32>
        %mul3A_1217 = arith.mulf %gather3A_1198, %get3A_57 : vector<16xf32>
        %add3A_1218 = arith.addf %add3A_1216, %mul3A_1217 : vector<16xf32>
        %swap3A_1219 = arith.constant 1 : i32
        %swap3A_1220 = arith.index_cast %swap3A_1219 : i32 to index
        %swap3A_1221 = arith.index_cast %add3A_1202 : i32 to index
        %swap3A_1222 = arith.constant 0 : index
        %swap3A_1223 = tpu.vector_load %arg13[%swap3A_1220, %swap3A_1221, %swap3A_1222] {strides = array<i32>} : memref<2x400x64xf32, #tpu.memory_space<vmem>>, vector<1x1x16xf32>,
        %swap3A_1224 = vector.shape_cast %swap3A_1223 : vector<1x1x16xf32> to vector<16xf32>
        %swap3A_1225 = vector.shape_cast %add3A_1218 : vector<16xf32> to vector<1x1x16xf32>
        tpu.vector_store %arg13[%swap3A_1220, %swap3A_1221, %swap3A_1222], %swap3A_1225 {strides = array<i32>} : memref<2x400x64xf32, #tpu.memory_space<vmem>>, vector<1x1x16xf32>,
        %mul3A_1226 = arith.constant 64 : i32
        %mul3A_1227 = arith.muli %add3A_1202, %mul3A_1226 : i32
        %add3A_1228 = arith.constant 16 : i32
        %add3A_1229 = arith.addi %mul3A_1227, %add3A_1228 : i32
        %get3A_1230 = arith.constant 1 : i32
        %get3A_1231 = arith.index_cast %get3A_1230 : i32 to index
        %get3A_1232 = arith.index_cast %add3A_1202 : i32 to index
        %get3A_1233 = arith.constant 16 : index
        %get3A_1234 = tpu.vector_load %arg13[%get3A_1231, %get3A_1232, %get3A_1233] {strides = array<i32>} : memref<2x400x64xf32, #tpu.memory_space<vmem>>, vector<1x1x16xf32>,
        %get3A_1235 = vector.shape_cast %get3A_1234 : vector<1x1x16xf32> to vector<16xf32>
        %get3A_1236 = arith.index_cast %add3A_1229 : i32 to index
        %get3A_1237 = tpu.vector_load %arg10[%get3A_1236] {strides = array<i32>} : memref<25600xf32, #tpu.memory_space<vmem>>, vector<16xf32>,
        %get3A_1238 = vector.shape_cast %get3A_1237 : vector<16xf32> to vector<16xf32>
        %add3A_1239 = arith.addf %get3A_1235, %get3A_1238 : vector<16xf32>
        %mul3A_1240 = arith.mulf %gather3A_1198, %get3A_60 : vector<16xf32>
        %add3A_1241 = arith.addf %add3A_1239, %mul3A_1240 : vector<16xf32>
        %swap3A_1242 = arith.constant 1 : i32
        %swap3A_1243 = arith.index_cast %swap3A_1242 : i32 to index
        %swap3A_1244 = arith.index_cast %add3A_1202 : i32 to index
        %swap3A_1245 = arith.constant 16 : index
        %swap3A_1246 = tpu.vector_load %arg13[%swap3A_1243, %swap3A_1244, %swap3A_1245] {strides = array<i32>} : memref<2x400x64xf32, #tpu.memory_space<vmem>>, vector<1x1x16xf32>,
        %swap3A_1247 = vector.shape_cast %swap3A_1246 : vector<1x1x16xf32> to vector<16xf32>
        %swap3A_1248 = vector.shape_cast %add3A_1241 : vector<16xf32> to vector<1x1x16xf32>
        tpu.vector_store %arg13[%swap3A_1243, %swap3A_1244, %swap3A_1245], %swap3A_1248 {strides = array<i32>} : memref<2x400x64xf32, #tpu.memory_space<vmem>>, vector<1x1x16xf32>,
        %mul3A_1249 = arith.constant 64 : i32
        %mul3A_1250 = arith.muli %add3A_1202, %mul3A_1249 : i32
        %add3A_1251 = arith.constant 32 : i32
        %add3A_1252 = arith.addi %mul3A_1250, %add3A_1251 : i32
        %get3A_1253 = arith.constant 1 : i32
        %get3A_1254 = arith.index_cast %get3A_1253 : i32 to index
        %get3A_1255 = arith.index_cast %add3A_1202 : i32 to index
        %get3A_1256 = arith.constant 32 : index
        %get3A_1257 = tpu.vector_load %arg13[%get3A_1254, %get3A_1255, %get3A_1256] {strides = array<i32>} : memref<2x400x64xf32, #tpu.memory_space<vmem>>, vector<1x1x16xf32>,
        %get3A_1258 = vector.shape_cast %get3A_1257 : vector<1x1x16xf32> to vector<16xf32>
        %get3A_1259 = arith.index_cast %add3A_1252 : i32 to index
        %get3A_1260 = tpu.vector_load %arg10[%get3A_1259] {strides = array<i32>} : memref<25600xf32, #tpu.memory_space<vmem>>, vector<16xf32>,
        %get3A_1261 = vector.shape_cast %get3A_1260 : vector<16xf32> to vector<16xf32>
        %add3A_1262 = arith.addf %get3A_1258, %get3A_1261 : vector<16xf32>
        %mul3A_1263 = arith.mulf %gather3A_1198, %get3A_63 : vector<16xf32>
        %add3A_1264 = arith.addf %add3A_1262, %mul3A_1263 : vector<16xf32>
        %swap3A_1265 = arith.constant 1 : i32
        %swap3A_1266 = arith.index_cast %swap3A_1265 : i32 to index
        %swap3A_1267 = arith.index_cast %add3A_1202 : i32 to index
        %swap3A_1268 = arith.constant 32 : index
        %swap3A_1269 = tpu.vector_load %arg13[%swap3A_1266, %swap3A_1267, %swap3A_1268] {strides = array<i32>} : memref<2x400x64xf32, #tpu.memory_space<vmem>>, vector<1x1x16xf32>,
        %swap3A_1270 = vector.shape_cast %swap3A_1269 : vector<1x1x16xf32> to vector<16xf32>
        %swap3A_1271 = vector.shape_cast %add3A_1264 : vector<16xf32> to vector<1x1x16xf32>
        tpu.vector_store %arg13[%swap3A_1266, %swap3A_1267, %swap3A_1268], %swap3A_1271 {strides = array<i32>} : memref<2x400x64xf32, #tpu.memory_space<vmem>>, vector<1x1x16xf32>,
        %mul3A_1272 = arith.constant 64 : i32
        %mul3A_1273 = arith.muli %add3A_1202, %mul3A_1272 : i32
        %add3A_1274 = arith.constant 48 : i32
        %add3A_1275 = arith.addi %mul3A_1273, %add3A_1274 : i32
        %get3A_1276 = arith.constant 1 : i32
        %get3A_1277 = arith.index_cast %get3A_1276 : i32 to index
        %get3A_1278 = arith.index_cast %add3A_1202 : i32 to index
        %get3A_1279 = arith.constant 48 : index
        %get3A_1280 = tpu.vector_load %arg13[%get3A_1277, %get3A_1278, %get3A_1279] {strides = array<i32>} : memref<2x400x64xf32, #tpu.memory_space<vmem>>, vector<1x1x16xf32>,
        %get3A_1281 = vector.shape_cast %get3A_1280 : vector<1x1x16xf32> to vector<16xf32>
        %get3A_1282 = arith.index_cast %add3A_1275 : i32 to index
        %get3A_1283 = tpu.vector_load %arg10[%get3A_1282] {strides = array<i32>} : memref<25600xf32, #tpu.memory_space<vmem>>, vector<16xf32>,
        %get3A_1284 = vector.shape_cast %get3A_1283 : vector<16xf32> to vector<16xf32>
        %add3A_1285 = arith.addf %get3A_1281, %get3A_1284 : vector<16xf32>
        %mul3A_1286 = arith.mulf %gather3A_1198, %get3A_66 : vector<16xf32>
        %add3A_1287 = arith.addf %add3A_1285, %mul3A_1286 : vector<16xf32>
        %swap3A_1288 = arith.constant 1 : i32
        %swap3A_1289 = arith.index_cast %swap3A_1288 : i32 to index
        %swap3A_1290 = arith.index_cast %add3A_1202 : i32 to index
        %swap3A_1291 = arith.constant 48 : index
        %swap3A_1292 = tpu.vector_load %arg13[%swap3A_1289, %swap3A_1290, %swap3A_1291] {strides = array<i32>} : memref<2x400x64xf32, #tpu.memory_space<vmem>>, vector<1x1x16xf32>,
        %swap3A_1293 = vector.shape_cast %swap3A_1292 : vector<1x1x16xf32> to vector<16xf32>
        %swap3A_1294 = vector.shape_cast %add3A_1287 : vector<16xf32> to vector<1x1x16xf32>
        tpu.vector_store %arg13[%swap3A_1289, %swap3A_1290, %swap3A_1291], %swap3A_1294 {strides = array<i32>} : memref<2x400x64xf32, #tpu.memory_space<vmem>>, vector<1x1x16xf32>,
        %broadcast_in_dim3A_1295 = arith.constant 11 : i32
        %broadcast_in_dim3A_1296 = vector.broadcast %broadcast_in_dim3A_1295 : i32 to vector<16x1xi32>
        %gather3A_1297 = vector.shape_cast %broadcast_in_dim3A_1296 : vector<16x1xi32> to vector<16xi32>
        %gather3A_1298 = tpu.dynamic_gather %convert_element_type3A_196[%gather3A_1297] in [0] : vector<16xf32>, vector<16xi32> -> vector<16xf32>
        %mul3A_1299 = arith.constant 16 : i32
        %mul3A_1300 = arith.muli %scan3A_187, %mul3A_1299 : i32
        %add3A_1301 = arith.constant 11 : i32
        %add3A_1302 = arith.addi %mul3A_1300, %add3A_1301 : i32
        %mul3A_1303 = arith.constant 64 : i32
        %mul3A_1304 = arith.muli %add3A_1302, %mul3A_1303 : i32
        %add3A_1305 = arith.constant 0 : i32
        %add3A_1306 = arith.addi %mul3A_1304, %add3A_1305 : i32
        %get3A_1307 = arith.constant 1 : i32
        %get3A_1308 = arith.index_cast %get3A_1307 : i32 to index
        %get3A_1309 = arith.index_cast %add3A_1302 : i32 to index
        %get3A_1310 = arith.constant 0 : index
        %get3A_1311 = tpu.vector_load %arg13[%get3A_1308, %get3A_1309, %get3A_1310] {strides = array<i32>} : memref<2x400x64xf32, #tpu.memory_space<vmem>>, vector<1x1x16xf32>,
        %get3A_1312 = vector.shape_cast %get3A_1311 : vector<1x1x16xf32> to vector<16xf32>
        %get3A_1313 = arith.index_cast %add3A_1306 : i32 to index
        %get3A_1314 = tpu.vector_load %arg10[%get3A_1313] {strides = array<i32>} : memref<25600xf32, #tpu.memory_space<vmem>>, vector<16xf32>,
        %get3A_1315 = vector.shape_cast %get3A_1314 : vector<16xf32> to vector<16xf32>
        %add3A_1316 = arith.addf %get3A_1312, %get3A_1315 : vector<16xf32>
        %mul3A_1317 = arith.mulf %gather3A_1298, %get3A_57 : vector<16xf32>
        %add3A_1318 = arith.addf %add3A_1316, %mul3A_1317 : vector<16xf32>
        %swap3A_1319 = arith.constant 1 : i32
        %swap3A_1320 = arith.index_cast %swap3A_1319 : i32 to index
        %swap3A_1321 = arith.index_cast %add3A_1302 : i32 to index
        %swap3A_1322 = arith.constant 0 : index
        %swap3A_1323 = tpu.vector_load %arg13[%swap3A_1320, %swap3A_1321, %swap3A_1322] {strides = array<i32>} : memref<2x400x64xf32, #tpu.memory_space<vmem>>, vector<1x1x16xf32>,
        %swap3A_1324 = vector.shape_cast %swap3A_1323 : vector<1x1x16xf32> to vector<16xf32>
        %swap3A_1325 = vector.shape_cast %add3A_1318 : vector<16xf32> to vector<1x1x16xf32>
        tpu.vector_store %arg13[%swap3A_1320, %swap3A_1321, %swap3A_1322], %swap3A_1325 {strides = array<i32>} : memref<2x400x64xf32, #tpu.memory_space<vmem>>, vector<1x1x16xf32>,
        %mul3A_1326 = arith.constant 64 : i32
        %mul3A_1327 = arith.muli %add3A_1302, %mul3A_1326 : i32
        %add3A_1328 = arith.constant 16 : i32
        %add3A_1329 = arith.addi %mul3A_1327, %add3A_1328 : i32
        %get3A_1330 = arith.constant 1 : i32
        %get3A_1331 = arith.index_cast %get3A_1330 : i32 to index
        %get3A_1332 = arith.index_cast %add3A_1302 : i32 to index
        %get3A_1333 = arith.constant 16 : index
        %get3A_1334 = tpu.vector_load %arg13[%get3A_1331, %get3A_1332, %get3A_1333] {strides = array<i32>} : memref<2x400x64xf32, #tpu.memory_space<vmem>>, vector<1x1x16xf32>,
        %get3A_1335 = vector.shape_cast %get3A_1334 : vector<1x1x16xf32> to vector<16xf32>
        %get3A_1336 = arith.index_cast %add3A_1329 : i32 to index
        %get3A_1337 = tpu.vector_load %arg10[%get3A_1336] {strides = array<i32>} : memref<25600xf32, #tpu.memory_space<vmem>>, vector<16xf32>,
        %get3A_1338 = vector.shape_cast %get3A_1337 : vector<16xf32> to vector<16xf32>
        %add3A_1339 = arith.addf %get3A_1335, %get3A_1338 : vector<16xf32>
        %mul3A_1340 = arith.mulf %gather3A_1298, %get3A_60 : vector<16xf32>
        %add3A_1341 = arith.addf %add3A_1339, %mul3A_1340 : vector<16xf32>
        %swap3A_1342 = arith.constant 1 : i32
        %swap3A_1343 = arith.index_cast %swap3A_1342 : i32 to index
        %swap3A_1344 = arith.index_cast %add3A_1302 : i32 to index
        %swap3A_1345 = arith.constant 16 : index
        %swap3A_1346 = tpu.vector_load %arg13[%swap3A_1343, %swap3A_1344, %swap3A_1345] {strides = array<i32>} : memref<2x400x64xf32, #tpu.memory_space<vmem>>, vector<1x1x16xf32>,
        %swap3A_1347 = vector.shape_cast %swap3A_1346 : vector<1x1x16xf32> to vector<16xf32>
        %swap3A_1348 = vector.shape_cast %add3A_1341 : vector<16xf32> to vector<1x1x16xf32>
        tpu.vector_store %arg13[%swap3A_1343, %swap3A_1344, %swap3A_1345], %swap3A_1348 {strides = array<i32>} : memref<2x400x64xf32, #tpu.memory_space<vmem>>, vector<1x1x16xf32>,
        %mul3A_1349 = arith.constant 64 : i32
        %mul3A_1350 = arith.muli %add3A_1302, %mul3A_1349 : i32
        %add3A_1351 = arith.constant 32 : i32
        %add3A_1352 = arith.addi %mul3A_1350, %add3A_1351 : i32
        %get3A_1353 = arith.constant 1 : i32
        %get3A_1354 = arith.index_cast %get3A_1353 : i32 to index
        %get3A_1355 = arith.index_cast %add3A_1302 : i32 to index
        %get3A_1356 = arith.constant 32 : index
        %get3A_1357 = tpu.vector_load %arg13[%get3A_1354, %get3A_1355, %get3A_1356] {strides = array<i32>} : memref<2x400x64xf32, #tpu.memory_space<vmem>>, vector<1x1x16xf32>,
        %get3A_1358 = vector.shape_cast %get3A_1357 : vector<1x1x16xf32> to vector<16xf32>
        %get3A_1359 = arith.index_cast %add3A_1352 : i32 to index
        %get3A_1360 = tpu.vector_load %arg10[%get3A_1359] {strides = array<i32>} : memref<25600xf32, #tpu.memory_space<vmem>>, vector<16xf32>,
        %get3A_1361 = vector.shape_cast %get3A_1360 : vector<16xf32> to vector<16xf32>
        %add3A_1362 = arith.addf %get3A_1358, %get3A_1361 : vector<16xf32>
        %mul3A_1363 = arith.mulf %gather3A_1298, %get3A_63 : vector<16xf32>
        %add3A_1364 = arith.addf %add3A_1362, %mul3A_1363 : vector<16xf32>
        %swap3A_1365 = arith.constant 1 : i32
        %swap3A_1366 = arith.index_cast %swap3A_1365 : i32 to index
        %swap3A_1367 = arith.index_cast %add3A_1302 : i32 to index
        %swap3A_1368 = arith.constant 32 : index
        %swap3A_1369 = tpu.vector_load %arg13[%swap3A_1366, %swap3A_1367, %swap3A_1368] {strides = array<i32>} : memref<2x400x64xf32, #tpu.memory_space<vmem>>, vector<1x1x16xf32>,
        %swap3A_1370 = vector.shape_cast %swap3A_1369 : vector<1x1x16xf32> to vector<16xf32>
        %swap3A_1371 = vector.shape_cast %add3A_1364 : vector<16xf32> to vector<1x1x16xf32>
        tpu.vector_store %arg13[%swap3A_1366, %swap3A_1367, %swap3A_1368], %swap3A_1371 {strides = array<i32>} : memref<2x400x64xf32, #tpu.memory_space<vmem>>, vector<1x1x16xf32>,
        %mul3A_1372 = arith.constant 64 : i32
        %mul3A_1373 = arith.muli %add3A_1302, %mul3A_1372 : i32
        %add3A_1374 = arith.constant 48 : i32
        %add3A_1375 = arith.addi %mul3A_1373, %add3A_1374 : i32
        %get3A_1376 = arith.constant 1 : i32
        %get3A_1377 = arith.index_cast %get3A_1376 : i32 to index
        %get3A_1378 = arith.index_cast %add3A_1302 : i32 to index
        %get3A_1379 = arith.constant 48 : index
        %get3A_1380 = tpu.vector_load %arg13[%get3A_1377, %get3A_1378, %get3A_1379] {strides = array<i32>} : memref<2x400x64xf32, #tpu.memory_space<vmem>>, vector<1x1x16xf32>,
        %get3A_1381 = vector.shape_cast %get3A_1380 : vector<1x1x16xf32> to vector<16xf32>
        %get3A_1382 = arith.index_cast %add3A_1375 : i32 to index
        %get3A_1383 = tpu.vector_load %arg10[%get3A_1382] {strides = array<i32>} : memref<25600xf32, #tpu.memory_space<vmem>>, vector<16xf32>,
        %get3A_1384 = vector.shape_cast %get3A_1383 : vector<16xf32> to vector<16xf32>
        %add3A_1385 = arith.addf %get3A_1381, %get3A_1384 : vector<16xf32>
        %mul3A_1386 = arith.mulf %gather3A_1298, %get3A_66 : vector<16xf32>
        %add3A_1387 = arith.addf %add3A_1385, %mul3A_1386 : vector<16xf32>
        %swap3A_1388 = arith.constant 1 : i32
        %swap3A_1389 = arith.index_cast %swap3A_1388 : i32 to index
        %swap3A_1390 = arith.index_cast %add3A_1302 : i32 to index
        %swap3A_1391 = arith.constant 48 : index
        %swap3A_1392 = tpu.vector_load %arg13[%swap3A_1389, %swap3A_1390, %swap3A_1391] {strides = array<i32>} : memref<2x400x64xf32, #tpu.memory_space<vmem>>, vector<1x1x16xf32>,
        %swap3A_1393 = vector.shape_cast %swap3A_1392 : vector<1x1x16xf32> to vector<16xf32>
        %swap3A_1394 = vector.shape_cast %add3A_1387 : vector<16xf32> to vector<1x1x16xf32>
        tpu.vector_store %arg13[%swap3A_1389, %swap3A_1390, %swap3A_1391], %swap3A_1394 {strides = array<i32>} : memref<2x400x64xf32, #tpu.memory_space<vmem>>, vector<1x1x16xf32>,
        %broadcast_in_dim3A_1395 = arith.constant 12 : i32
        %broadcast_in_dim3A_1396 = vector.broadcast %broadcast_in_dim3A_1395 : i32 to vector<16x1xi32>
        %gather3A_1397 = vector.shape_cast %broadcast_in_dim3A_1396 : vector<16x1xi32> to vector<16xi32>
        %gather3A_1398 = tpu.dynamic_gather %convert_element_type3A_196[%gather3A_1397] in [0] : vector<16xf32>, vector<16xi32> -> vector<16xf32>
        %mul3A_1399 = arith.constant 16 : i32
        %mul3A_1400 = arith.muli %scan3A_187, %mul3A_1399 : i32
        %add3A_1401 = arith.constant 12 : i32
        %add3A_1402 = arith.addi %mul3A_1400, %add3A_1401 : i32
        %mul3A_1403 = arith.constant 64 : i32
        %mul3A_1404 = arith.muli %add3A_1402, %mul3A_1403 : i32
        %add3A_1405 = arith.constant 0 : i32
        %add3A_1406 = arith.addi %mul3A_1404, %add3A_1405 : i32
        %get3A_1407 = arith.constant 1 : i32
        %get3A_1408 = arith.index_cast %get3A_1407 : i32 to index
        %get3A_1409 = arith.index_cast %add3A_1402 : i32 to index
        %get3A_1410 = arith.constant 0 : index
        %get3A_1411 = tpu.vector_load %arg13[%get3A_1408, %get3A_1409, %get3A_1410] {strides = array<i32>} : memref<2x400x64xf32, #tpu.memory_space<vmem>>, vector<1x1x16xf32>,
        %get3A_1412 = vector.shape_cast %get3A_1411 : vector<1x1x16xf32> to vector<16xf32>
        %get3A_1413 = arith.index_cast %add3A_1406 : i32 to index
        %get3A_1414 = tpu.vector_load %arg10[%get3A_1413] {strides = array<i32>} : memref<25600xf32, #tpu.memory_space<vmem>>, vector<16xf32>,
        %get3A_1415 = vector.shape_cast %get3A_1414 : vector<16xf32> to vector<16xf32>
        %add3A_1416 = arith.addf %get3A_1412, %get3A_1415 : vector<16xf32>
        %mul3A_1417 = arith.mulf %gather3A_1398, %get3A_57 : vector<16xf32>
        %add3A_1418 = arith.addf %add3A_1416, %mul3A_1417 : vector<16xf32>
        %swap3A_1419 = arith.constant 1 : i32
        %swap3A_1420 = arith.index_cast %swap3A_1419 : i32 to index
        %swap3A_1421 = arith.index_cast %add3A_1402 : i32 to index
        %swap3A_1422 = arith.constant 0 : index
        %swap3A_1423 = tpu.vector_load %arg13[%swap3A_1420, %swap3A_1421, %swap3A_1422] {strides = array<i32>} : memref<2x400x64xf32, #tpu.memory_space<vmem>>, vector<1x1x16xf32>,
        %swap3A_1424 = vector.shape_cast %swap3A_1423 : vector<1x1x16xf32> to vector<16xf32>
        %swap3A_1425 = vector.shape_cast %add3A_1418 : vector<16xf32> to vector<1x1x16xf32>
        tpu.vector_store %arg13[%swap3A_1420, %swap3A_1421, %swap3A_1422], %swap3A_1425 {strides = array<i32>} : memref<2x400x64xf32, #tpu.memory_space<vmem>>, vector<1x1x16xf32>,
        %mul3A_1426 = arith.constant 64 : i32
        %mul3A_1427 = arith.muli %add3A_1402, %mul3A_1426 : i32
        %add3A_1428 = arith.constant 16 : i32
        %add3A_1429 = arith.addi %mul3A_1427, %add3A_1428 : i32
        %get3A_1430 = arith.constant 1 : i32
        %get3A_1431 = arith.index_cast %get3A_1430 : i32 to index
        %get3A_1432 = arith.index_cast %add3A_1402 : i32 to index
        %get3A_1433 = arith.constant 16 : index
        %get3A_1434 = tpu.vector_load %arg13[%get3A_1431, %get3A_1432, %get3A_1433] {strides = array<i32>} : memref<2x400x64xf32, #tpu.memory_space<vmem>>, vector<1x1x16xf32>,
        %get3A_1435 = vector.shape_cast %get3A_1434 : vector<1x1x16xf32> to vector<16xf32>
        %get3A_1436 = arith.index_cast %add3A_1429 : i32 to index
        %get3A_1437 = tpu.vector_load %arg10[%get3A_1436] {strides = array<i32>} : memref<25600xf32, #tpu.memory_space<vmem>>, vector<16xf32>,
        %get3A_1438 = vector.shape_cast %get3A_1437 : vector<16xf32> to vector<16xf32>
        %add3A_1439 = arith.addf %get3A_1435, %get3A_1438 : vector<16xf32>
        %mul3A_1440 = arith.mulf %gather3A_1398, %get3A_60 : vector<16xf32>
        %add3A_1441 = arith.addf %add3A_1439, %mul3A_1440 : vector<16xf32>
        %swap3A_1442 = arith.constant 1 : i32
        %swap3A_1443 = arith.index_cast %swap3A_1442 : i32 to index
        %swap3A_1444 = arith.index_cast %add3A_1402 : i32 to index
        %swap3A_1445 = arith.constant 16 : index
        %swap3A_1446 = tpu.vector_load %arg13[%swap3A_1443, %swap3A_1444, %swap3A_1445] {strides = array<i32>} : memref<2x400x64xf32, #tpu.memory_space<vmem>>, vector<1x1x16xf32>,
        %swap3A_1447 = vector.shape_cast %swap3A_1446 : vector<1x1x16xf32> to vector<16xf32>
        %swap3A_1448 = vector.shape_cast %add3A_1441 : vector<16xf32> to vector<1x1x16xf32>
        tpu.vector_store %arg13[%swap3A_1443, %swap3A_1444, %swap3A_1445], %swap3A_1448 {strides = array<i32>} : memref<2x400x64xf32, #tpu.memory_space<vmem>>, vector<1x1x16xf32>,
        %mul3A_1449 = arith.constant 64 : i32
        %mul3A_1450 = arith.muli %add3A_1402, %mul3A_1449 : i32
        %add3A_1451 = arith.constant 32 : i32
        %add3A_1452 = arith.addi %mul3A_1450, %add3A_1451 : i32
        %get3A_1453 = arith.constant 1 : i32
        %get3A_1454 = arith.index_cast %get3A_1453 : i32 to index
        %get3A_1455 = arith.index_cast %add3A_1402 : i32 to index
        %get3A_1456 = arith.constant 32 : index
        %get3A_1457 = tpu.vector_load %arg13[%get3A_1454, %get3A_1455, %get3A_1456] {strides = array<i32>} : memref<2x400x64xf32, #tpu.memory_space<vmem>>, vector<1x1x16xf32>,
        %get3A_1458 = vector.shape_cast %get3A_1457 : vector<1x1x16xf32> to vector<16xf32>
        %get3A_1459 = arith.index_cast %add3A_1452 : i32 to index
        %get3A_1460 = tpu.vector_load %arg10[%get3A_1459] {strides = array<i32>} : memref<25600xf32, #tpu.memory_space<vmem>>, vector<16xf32>,
        %get3A_1461 = vector.shape_cast %get3A_1460 : vector<16xf32> to vector<16xf32>
        %add3A_1462 = arith.addf %get3A_1458, %get3A_1461 : vector<16xf32>
        %mul3A_1463 = arith.mulf %gather3A_1398, %get3A_63 : vector<16xf32>
        %add3A_1464 = arith.addf %add3A_1462, %mul3A_1463 : vector<16xf32>
        %swap3A_1465 = arith.constant 1 : i32
        %swap3A_1466 = arith.index_cast %swap3A_1465 : i32 to index
        %swap3A_1467 = arith.index_cast %add3A_1402 : i32 to index
        %swap3A_1468 = arith.constant 32 : index
        %swap3A_1469 = tpu.vector_load %arg13[%swap3A_1466, %swap3A_1467, %swap3A_1468] {strides = array<i32>} : memref<2x400x64xf32, #tpu.memory_space<vmem>>, vector<1x1x16xf32>,
        %swap3A_1470 = vector.shape_cast %swap3A_1469 : vector<1x1x16xf32> to vector<16xf32>
        %swap3A_1471 = vector.shape_cast %add3A_1464 : vector<16xf32> to vector<1x1x16xf32>
        tpu.vector_store %arg13[%swap3A_1466, %swap3A_1467, %swap3A_1468], %swap3A_1471 {strides = array<i32>} : memref<2x400x64xf32, #tpu.memory_space<vmem>>, vector<1x1x16xf32>,
        %mul3A_1472 = arith.constant 64 : i32
        %mul3A_1473 = arith.muli %add3A_1402, %mul3A_1472 : i32
        %add3A_1474 = arith.constant 48 : i32
        %add3A_1475 = arith.addi %mul3A_1473, %add3A_1474 : i32
        %get3A_1476 = arith.constant 1 : i32
        %get3A_1477 = arith.index_cast %get3A_1476 : i32 to index
        %get3A_1478 = arith.index_cast %add3A_1402 : i32 to index
        %get3A_1479 = arith.constant 48 : index
        %get3A_1480 = tpu.vector_load %arg13[%get3A_1477, %get3A_1478, %get3A_1479] {strides = array<i32>} : memref<2x400x64xf32, #tpu.memory_space<vmem>>, vector<1x1x16xf32>,
        %get3A_1481 = vector.shape_cast %get3A_1480 : vector<1x1x16xf32> to vector<16xf32>
        %get3A_1482 = arith.index_cast %add3A_1475 : i32 to index
        %get3A_1483 = tpu.vector_load %arg10[%get3A_1482] {strides = array<i32>} : memref<25600xf32, #tpu.memory_space<vmem>>, vector<16xf32>,
        %get3A_1484 = vector.shape_cast %get3A_1483 : vector<16xf32> to vector<16xf32>
        %add3A_1485 = arith.addf %get3A_1481, %get3A_1484 : vector<16xf32>
        %mul3A_1486 = arith.mulf %gather3A_1398, %get3A_66 : vector<16xf32>
        %add3A_1487 = arith.addf %add3A_1485, %mul3A_1486 : vector<16xf32>
        %swap3A_1488 = arith.constant 1 : i32
        %swap3A_1489 = arith.index_cast %swap3A_1488 : i32 to index
        %swap3A_1490 = arith.index_cast %add3A_1402 : i32 to index
        %swap3A_1491 = arith.constant 48 : index
        %swap3A_1492 = tpu.vector_load %arg13[%swap3A_1489, %swap3A_1490, %swap3A_1491] {strides = array<i32>} : memref<2x400x64xf32, #tpu.memory_space<vmem>>, vector<1x1x16xf32>,
        %swap3A_1493 = vector.shape_cast %swap3A_1492 : vector<1x1x16xf32> to vector<16xf32>
        %swap3A_1494 = vector.shape_cast %add3A_1487 : vector<16xf32> to vector<1x1x16xf32>
        tpu.vector_store %arg13[%swap3A_1489, %swap3A_1490, %swap3A_1491], %swap3A_1494 {strides = array<i32>} : memref<2x400x64xf32, #tpu.memory_space<vmem>>, vector<1x1x16xf32>,
        %broadcast_in_dim3A_1495 = arith.constant 13 : i32
        %broadcast_in_dim3A_1496 = vector.broadcast %broadcast_in_dim3A_1495 : i32 to vector<16x1xi32>
        %gather3A_1497 = vector.shape_cast %broadcast_in_dim3A_1496 : vector<16x1xi32> to vector<16xi32>
        %gather3A_1498 = tpu.dynamic_gather %convert_element_type3A_196[%gather3A_1497] in [0] : vector<16xf32>, vector<16xi32> -> vector<16xf32>
        %mul3A_1499 = arith.constant 16 : i32
        %mul3A_1500 = arith.muli %scan3A_187, %mul3A_1499 : i32
        %add3A_1501 = arith.constant 13 : i32
        %add3A_1502 = arith.addi %mul3A_1500, %add3A_1501 : i32
        %mul3A_1503 = arith.constant 64 : i32
        %mul3A_1504 = arith.muli %add3A_1502, %mul3A_1503 : i32
        %add3A_1505 = arith.constant 0 : i32
        %add3A_1506 = arith.addi %mul3A_1504, %add3A_1505 : i32
        %get3A_1507 = arith.constant 1 : i32
        %get3A_1508 = arith.index_cast %get3A_1507 : i32 to index
        %get3A_1509 = arith.index_cast %add3A_1502 : i32 to index
        %get3A_1510 = arith.constant 0 : index
        %get3A_1511 = tpu.vector_load %arg13[%get3A_1508, %get3A_1509, %get3A_1510] {strides = array<i32>} : memref<2x400x64xf32, #tpu.memory_space<vmem>>, vector<1x1x16xf32>,
        %get3A_1512 = vector.shape_cast %get3A_1511 : vector<1x1x16xf32> to vector<16xf32>
        %get3A_1513 = arith.index_cast %add3A_1506 : i32 to index
        %get3A_1514 = tpu.vector_load %arg10[%get3A_1513] {strides = array<i32>} : memref<25600xf32, #tpu.memory_space<vmem>>, vector<16xf32>,
        %get3A_1515 = vector.shape_cast %get3A_1514 : vector<16xf32> to vector<16xf32>
        %add3A_1516 = arith.addf %get3A_1512, %get3A_1515 : vector<16xf32>
        %mul3A_1517 = arith.mulf %gather3A_1498, %get3A_57 : vector<16xf32>
        %add3A_1518 = arith.addf %add3A_1516, %mul3A_1517 : vector<16xf32>
        %swap3A_1519 = arith.constant 1 : i32
        %swap3A_1520 = arith.index_cast %swap3A_1519 : i32 to index
        %swap3A_1521 = arith.index_cast %add3A_1502 : i32 to index
        %swap3A_1522 = arith.constant 0 : index
        %swap3A_1523 = tpu.vector_load %arg13[%swap3A_1520, %swap3A_1521, %swap3A_1522] {strides = array<i32>} : memref<2x400x64xf32, #tpu.memory_space<vmem>>, vector<1x1x16xf32>,
        %swap3A_1524 = vector.shape_cast %swap3A_1523 : vector<1x1x16xf32> to vector<16xf32>
        %swap3A_1525 = vector.shape_cast %add3A_1518 : vector<16xf32> to vector<1x1x16xf32>
        tpu.vector_store %arg13[%swap3A_1520, %swap3A_1521, %swap3A_1522], %swap3A_1525 {strides = array<i32>} : memref<2x400x64xf32, #tpu.memory_space<vmem>>, vector<1x1x16xf32>,
        %mul3A_1526 = arith.constant 64 : i32
        %mul3A_1527 = arith.muli %add3A_1502, %mul3A_1526 : i32
        %add3A_1528 = arith.constant 16 : i32
        %add3A_1529 = arith.addi %mul3A_1527, %add3A_1528 : i32
        %get3A_1530 = arith.constant 1 : i32
        %get3A_1531 = arith.index_cast %get3A_1530 : i32 to index
        %get3A_1532 = arith.index_cast %add3A_1502 : i32 to index
        %get3A_1533 = arith.constant 16 : index
        %get3A_1534 = tpu.vector_load %arg13[%get3A_1531, %get3A_1532, %get3A_1533] {strides = array<i32>} : memref<2x400x64xf32, #tpu.memory_space<vmem>>, vector<1x1x16xf32>,
        %get3A_1535 = vector.shape_cast %get3A_1534 : vector<1x1x16xf32> to vector<16xf32>
        %get3A_1536 = arith.index_cast %add3A_1529 : i32 to index
        %get3A_1537 = tpu.vector_load %arg10[%get3A_1536] {strides = array<i32>} : memref<25600xf32, #tpu.memory_space<vmem>>, vector<16xf32>,
        %get3A_1538 = vector.shape_cast %get3A_1537 : vector<16xf32> to vector<16xf32>
        %add3A_1539 = arith.addf %get3A_1535, %get3A_1538 : vector<16xf32>
        %mul3A_1540 = arith.mulf %gather3A_1498, %get3A_60 : vector<16xf32>
        %add3A_1541 = arith.addf %add3A_1539, %mul3A_1540 : vector<16xf32>
        %swap3A_1542 = arith.constant 1 : i32
        %swap3A_1543 = arith.index_cast %swap3A_1542 : i32 to index
        %swap3A_1544 = arith.index_cast %add3A_1502 : i32 to index
        %swap3A_1545 = arith.constant 16 : index
        %swap3A_1546 = tpu.vector_load %arg13[%swap3A_1543, %swap3A_1544, %swap3A_1545] {strides = array<i32>} : memref<2x400x64xf32, #tpu.memory_space<vmem>>, vector<1x1x16xf32>,
        %swap3A_1547 = vector.shape_cast %swap3A_1546 : vector<1x1x16xf32> to vector<16xf32>
        %swap3A_1548 = vector.shape_cast %add3A_1541 : vector<16xf32> to vector<1x1x16xf32>
        tpu.vector_store %arg13[%swap3A_1543, %swap3A_1544, %swap3A_1545], %swap3A_1548 {strides = array<i32>} : memref<2x400x64xf32, #tpu.memory_space<vmem>>, vector<1x1x16xf32>,
        %mul3A_1549 = arith.constant 64 : i32
        %mul3A_1550 = arith.muli %add3A_1502, %mul3A_1549 : i32
        %add3A_1551 = arith.constant 32 : i32
        %add3A_1552 = arith.addi %mul3A_1550, %add3A_1551 : i32
        %get3A_1553 = arith.constant 1 : i32
        %get3A_1554 = arith.index_cast %get3A_1553 : i32 to index
        %get3A_1555 = arith.index_cast %add3A_1502 : i32 to index
        %get3A_1556 = arith.constant 32 : index
        %get3A_1557 = tpu.vector_load %arg13[%get3A_1554, %get3A_1555, %get3A_1556] {strides = array<i32>} : memref<2x400x64xf32, #tpu.memory_space<vmem>>, vector<1x1x16xf32>,
        %get3A_1558 = vector.shape_cast %get3A_1557 : vector<1x1x16xf32> to vector<16xf32>
        %get3A_1559 = arith.index_cast %add3A_1552 : i32 to index
        %get3A_1560 = tpu.vector_load %arg10[%get3A_1559] {strides = array<i32>} : memref<25600xf32, #tpu.memory_space<vmem>>, vector<16xf32>,
        %get3A_1561 = vector.shape_cast %get3A_1560 : vector<16xf32> to vector<16xf32>
        %add3A_1562 = arith.addf %get3A_1558, %get3A_1561 : vector<16xf32>
        %mul3A_1563 = arith.mulf %gather3A_1498, %get3A_63 : vector<16xf32>
        %add3A_1564 = arith.addf %add3A_1562, %mul3A_1563 : vector<16xf32>
        %swap3A_1565 = arith.constant 1 : i32
        %swap3A_1566 = arith.index_cast %swap3A_1565 : i32 to index
        %swap3A_1567 = arith.index_cast %add3A_1502 : i32 to index
        %swap3A_1568 = arith.constant 32 : index
        %swap3A_1569 = tpu.vector_load %arg13[%swap3A_1566, %swap3A_1567, %swap3A_1568] {strides = array<i32>} : memref<2x400x64xf32, #tpu.memory_space<vmem>>, vector<1x1x16xf32>,
        %swap3A_1570 = vector.shape_cast %swap3A_1569 : vector<1x1x16xf32> to vector<16xf32>
        %swap3A_1571 = vector.shape_cast %add3A_1564 : vector<16xf32> to vector<1x1x16xf32>
        tpu.vector_store %arg13[%swap3A_1566, %swap3A_1567, %swap3A_1568], %swap3A_1571 {strides = array<i32>} : memref<2x400x64xf32, #tpu.memory_space<vmem>>, vector<1x1x16xf32>,
        %mul3A_1572 = arith.constant 64 : i32
        %mul3A_1573 = arith.muli %add3A_1502, %mul3A_1572 : i32
        %add3A_1574 = arith.constant 48 : i32
        %add3A_1575 = arith.addi %mul3A_1573, %add3A_1574 : i32
        %get3A_1576 = arith.constant 1 : i32
        %get3A_1577 = arith.index_cast %get3A_1576 : i32 to index
        %get3A_1578 = arith.index_cast %add3A_1502 : i32 to index
        %get3A_1579 = arith.constant 48 : index
        %get3A_1580 = tpu.vector_load %arg13[%get3A_1577, %get3A_1578, %get3A_1579] {strides = array<i32>} : memref<2x400x64xf32, #tpu.memory_space<vmem>>, vector<1x1x16xf32>,
        %get3A_1581 = vector.shape_cast %get3A_1580 : vector<1x1x16xf32> to vector<16xf32>
        %get3A_1582 = arith.index_cast %add3A_1575 : i32 to index
        %get3A_1583 = tpu.vector_load %arg10[%get3A_1582] {strides = array<i32>} : memref<25600xf32, #tpu.memory_space<vmem>>, vector<16xf32>,
        %get3A_1584 = vector.shape_cast %get3A_1583 : vector<16xf32> to vector<16xf32>
        %add3A_1585 = arith.addf %get3A_1581, %get3A_1584 : vector<16xf32>
        %mul3A_1586 = arith.mulf %gather3A_1498, %get3A_66 : vector<16xf32>
        %add3A_1587 = arith.addf %add3A_1585, %mul3A_1586 : vector<16xf32>
        %swap3A_1588 = arith.constant 1 : i32
        %swap3A_1589 = arith.index_cast %swap3A_1588 : i32 to index
        %swap3A_1590 = arith.index_cast %add3A_1502 : i32 to index
        %swap3A_1591 = arith.constant 48 : index
        %swap3A_1592 = tpu.vector_load %arg13[%swap3A_1589, %swap3A_1590, %swap3A_1591] {strides = array<i32>} : memref<2x400x64xf32, #tpu.memory_space<vmem>>, vector<1x1x16xf32>,
        %swap3A_1593 = vector.shape_cast %swap3A_1592 : vector<1x1x16xf32> to vector<16xf32>
        %swap3A_1594 = vector.shape_cast %add3A_1587 : vector<16xf32> to vector<1x1x16xf32>
        tpu.vector_store %arg13[%swap3A_1589, %swap3A_1590, %swap3A_1591], %swap3A_1594 {strides = array<i32>} : memref<2x400x64xf32, #tpu.memory_space<vmem>>, vector<1x1x16xf32>,
        %broadcast_in_dim3A_1595 = arith.constant 14 : i32
        %broadcast_in_dim3A_1596 = vector.broadcast %broadcast_in_dim3A_1595 : i32 to vector<16x1xi32>
        %gather3A_1597 = vector.shape_cast %broadcast_in_dim3A_1596 : vector<16x1xi32> to vector<16xi32>
        %gather3A_1598 = tpu.dynamic_gather %convert_element_type3A_196[%gather3A_1597] in [0] : vector<16xf32>, vector<16xi32> -> vector<16xf32>
        %mul3A_1599 = arith.constant 16 : i32
        %mul3A_1600 = arith.muli %scan3A_187, %mul3A_1599 : i32
        %add3A_1601 = arith.constant 14 : i32
        %add3A_1602 = arith.addi %mul3A_1600, %add3A_1601 : i32
        %mul3A_1603 = arith.constant 64 : i32
        %mul3A_1604 = arith.muli %add3A_1602, %mul3A_1603 : i32
        %add3A_1605 = arith.constant 0 : i32
        %add3A_1606 = arith.addi %mul3A_1604, %add3A_1605 : i32
        %get3A_1607 = arith.constant 1 : i32
        %get3A_1608 = arith.index_cast %get3A_1607 : i32 to index
        %get3A_1609 = arith.index_cast %add3A_1602 : i32 to index
        %get3A_1610 = arith.constant 0 : index
        %get3A_1611 = tpu.vector_load %arg13[%get3A_1608, %get3A_1609, %get3A_1610] {strides = array<i32>} : memref<2x400x64xf32, #tpu.memory_space<vmem>>, vector<1x1x16xf32>,
        %get3A_1612 = vector.shape_cast %get3A_1611 : vector<1x1x16xf32> to vector<16xf32>
        %get3A_1613 = arith.index_cast %add3A_1606 : i32 to index
        %get3A_1614 = tpu.vector_load %arg10[%get3A_1613] {strides = array<i32>} : memref<25600xf32, #tpu.memory_space<vmem>>, vector<16xf32>,
        %get3A_1615 = vector.shape_cast %get3A_1614 : vector<16xf32> to vector<16xf32>
        %add3A_1616 = arith.addf %get3A_1612, %get3A_1615 : vector<16xf32>
        %mul3A_1617 = arith.mulf %gather3A_1598, %get3A_57 : vector<16xf32>
        %add3A_1618 = arith.addf %add3A_1616, %mul3A_1617 : vector<16xf32>
        %swap3A_1619 = arith.constant 1 : i32
        %swap3A_1620 = arith.index_cast %swap3A_1619 : i32 to index
        %swap3A_1621 = arith.index_cast %add3A_1602 : i32 to index
        %swap3A_1622 = arith.constant 0 : index
        %swap3A_1623 = tpu.vector_load %arg13[%swap3A_1620, %swap3A_1621, %swap3A_1622] {strides = array<i32>} : memref<2x400x64xf32, #tpu.memory_space<vmem>>, vector<1x1x16xf32>,
        %swap3A_1624 = vector.shape_cast %swap3A_1623 : vector<1x1x16xf32> to vector<16xf32>
        %swap3A_1625 = vector.shape_cast %add3A_1618 : vector<16xf32> to vector<1x1x16xf32>
        tpu.vector_store %arg13[%swap3A_1620, %swap3A_1621, %swap3A_1622], %swap3A_1625 {strides = array<i32>} : memref<2x400x64xf32, #tpu.memory_space<vmem>>, vector<1x1x16xf32>,
        %mul3A_1626 = arith.constant 64 : i32
        %mul3A_1627 = arith.muli %add3A_1602, %mul3A_1626 : i32
        %add3A_1628 = arith.constant 16 : i32
        %add3A_1629 = arith.addi %mul3A_1627, %add3A_1628 : i32
        %get3A_1630 = arith.constant 1 : i32
        %get3A_1631 = arith.index_cast %get3A_1630 : i32 to index
        %get3A_1632 = arith.index_cast %add3A_1602 : i32 to index
        %get3A_1633 = arith.constant 16 : index
        %get3A_1634 = tpu.vector_load %arg13[%get3A_1631, %get3A_1632, %get3A_1633] {strides = array<i32>} : memref<2x400x64xf32, #tpu.memory_space<vmem>>, vector<1x1x16xf32>,
        %get3A_1635 = vector.shape_cast %get3A_1634 : vector<1x1x16xf32> to vector<16xf32>
        %get3A_1636 = arith.index_cast %add3A_1629 : i32 to index
        %get3A_1637 = tpu.vector_load %arg10[%get3A_1636] {strides = array<i32>} : memref<25600xf32, #tpu.memory_space<vmem>>, vector<16xf32>,
        %get3A_1638 = vector.shape_cast %get3A_1637 : vector<16xf32> to vector<16xf32>
        %add3A_1639 = arith.addf %get3A_1635, %get3A_1638 : vector<16xf32>
        %mul3A_1640 = arith.mulf %gather3A_1598, %get3A_60 : vector<16xf32>
        %add3A_1641 = arith.addf %add3A_1639, %mul3A_1640 : vector<16xf32>
        %swap3A_1642 = arith.constant 1 : i32
        %swap3A_1643 = arith.index_cast %swap3A_1642 : i32 to index
        %swap3A_1644 = arith.index_cast %add3A_1602 : i32 to index
        %swap3A_1645 = arith.constant 16 : index
        %swap3A_1646 = tpu.vector_load %arg13[%swap3A_1643, %swap3A_1644, %swap3A_1645] {strides = array<i32>} : memref<2x400x64xf32, #tpu.memory_space<vmem>>, vector<1x1x16xf32>,
        %swap3A_1647 = vector.shape_cast %swap3A_1646 : vector<1x1x16xf32> to vector<16xf32>
        %swap3A_1648 = vector.shape_cast %add3A_1641 : vector<16xf32> to vector<1x1x16xf32>
        tpu.vector_store %arg13[%swap3A_1643, %swap3A_1644, %swap3A_1645], %swap3A_1648 {strides = array<i32>} : memref<2x400x64xf32, #tpu.memory_space<vmem>>, vector<1x1x16xf32>,
        %mul3A_1649 = arith.constant 64 : i32
        %mul3A_1650 = arith.muli %add3A_1602, %mul3A_1649 : i32
        %add3A_1651 = arith.constant 32 : i32
        %add3A_1652 = arith.addi %mul3A_1650, %add3A_1651 : i32
        %get3A_1653 = arith.constant 1 : i32
        %get3A_1654 = arith.index_cast %get3A_1653 : i32 to index
        %get3A_1655 = arith.index_cast %add3A_1602 : i32 to index
        %get3A_1656 = arith.constant 32 : index
        %get3A_1657 = tpu.vector_load %arg13[%get3A_1654, %get3A_1655, %get3A_1656] {strides = array<i32>} : memref<2x400x64xf32, #tpu.memory_space<vmem>>, vector<1x1x16xf32>,
        %get3A_1658 = vector.shape_cast %get3A_1657 : vector<1x1x16xf32> to vector<16xf32>
        %get3A_1659 = arith.index_cast %add3A_1652 : i32 to index
        %get3A_1660 = tpu.vector_load %arg10[%get3A_1659] {strides = array<i32>} : memref<25600xf32, #tpu.memory_space<vmem>>, vector<16xf32>,
        %get3A_1661 = vector.shape_cast %get3A_1660 : vector<16xf32> to vector<16xf32>
        %add3A_1662 = arith.addf %get3A_1658, %get3A_1661 : vector<16xf32>
        %mul3A_1663 = arith.mulf %gather3A_1598, %get3A_63 : vector<16xf32>
        %add3A_1664 = arith.addf %add3A_1662, %mul3A_1663 : vector<16xf32>
        %swap3A_1665 = arith.constant 1 : i32
        %swap3A_1666 = arith.index_cast %swap3A_1665 : i32 to index
        %swap3A_1667 = arith.index_cast %add3A_1602 : i32 to index
        %swap3A_1668 = arith.constant 32 : index
        %swap3A_1669 = tpu.vector_load %arg13[%swap3A_1666, %swap3A_1667, %swap3A_1668] {strides = array<i32>} : memref<2x400x64xf32, #tpu.memory_space<vmem>>, vector<1x1x16xf32>,
        %swap3A_1670 = vector.shape_cast %swap3A_1669 : vector<1x1x16xf32> to vector<16xf32>
        %swap3A_1671 = vector.shape_cast %add3A_1664 : vector<16xf32> to vector<1x1x16xf32>
        tpu.vector_store %arg13[%swap3A_1666, %swap3A_1667, %swap3A_1668], %swap3A_1671 {strides = array<i32>} : memref<2x400x64xf32, #tpu.memory_space<vmem>>, vector<1x1x16xf32>,
        %mul3A_1672 = arith.constant 64 : i32
        %mul3A_1673 = arith.muli %add3A_1602, %mul3A_1672 : i32
        %add3A_1674 = arith.constant 48 : i32
        %add3A_1675 = arith.addi %mul3A_1673, %add3A_1674 : i32
        %get3A_1676 = arith.constant 1 : i32
        %get3A_1677 = arith.index_cast %get3A_1676 : i32 to index
        %get3A_1678 = arith.index_cast %add3A_1602 : i32 to index
        %get3A_1679 = arith.constant 48 : index
        %get3A_1680 = tpu.vector_load %arg13[%get3A_1677, %get3A_1678, %get3A_1679] {strides = array<i32>} : memref<2x400x64xf32, #tpu.memory_space<vmem>>, vector<1x1x16xf32>,
        %get3A_1681 = vector.shape_cast %get3A_1680 : vector<1x1x16xf32> to vector<16xf32>
        %get3A_1682 = arith.index_cast %add3A_1675 : i32 to index
        %get3A_1683 = tpu.vector_load %arg10[%get3A_1682] {strides = array<i32>} : memref<25600xf32, #tpu.memory_space<vmem>>, vector<16xf32>,
        %get3A_1684 = vector.shape_cast %get3A_1683 : vector<16xf32> to vector<16xf32>
        %add3A_1685 = arith.addf %get3A_1681, %get3A_1684 : vector<16xf32>
        %mul3A_1686 = arith.mulf %gather3A_1598, %get3A_66 : vector<16xf32>
        %add3A_1687 = arith.addf %add3A_1685, %mul3A_1686 : vector<16xf32>
        %swap3A_1688 = arith.constant 1 : i32
        %swap3A_1689 = arith.index_cast %swap3A_1688 : i32 to index
        %swap3A_1690 = arith.index_cast %add3A_1602 : i32 to index
        %swap3A_1691 = arith.constant 48 : index
        %swap3A_1692 = tpu.vector_load %arg13[%swap3A_1689, %swap3A_1690, %swap3A_1691] {strides = array<i32>} : memref<2x400x64xf32, #tpu.memory_space<vmem>>, vector<1x1x16xf32>,
        %swap3A_1693 = vector.shape_cast %swap3A_1692 : vector<1x1x16xf32> to vector<16xf32>
        %swap3A_1694 = vector.shape_cast %add3A_1687 : vector<16xf32> to vector<1x1x16xf32>
        tpu.vector_store %arg13[%swap3A_1689, %swap3A_1690, %swap3A_1691], %swap3A_1694 {strides = array<i32>} : memref<2x400x64xf32, #tpu.memory_space<vmem>>, vector<1x1x16xf32>,
        %broadcast_in_dim3A_1695 = arith.constant 15 : i32
        %broadcast_in_dim3A_1696 = vector.broadcast %broadcast_in_dim3A_1695 : i32 to vector<16x1xi32>
        %gather3A_1697 = vector.shape_cast %broadcast_in_dim3A_1696 : vector<16x1xi32> to vector<16xi32>
        %gather3A_1698 = tpu.dynamic_gather %convert_element_type3A_196[%gather3A_1697] in [0] : vector<16xf32>, vector<16xi32> -> vector<16xf32>
        %mul3A_1699 = arith.constant 16 : i32
        %mul3A_1700 = arith.muli %scan3A_187, %mul3A_1699 : i32
        %add3A_1701 = arith.constant 15 : i32
        %add3A_1702 = arith.addi %mul3A_1700, %add3A_1701 : i32
        %mul3A_1703 = arith.constant 64 : i32
        %mul3A_1704 = arith.muli %add3A_1702, %mul3A_1703 : i32
        %add3A_1705 = arith.constant 0 : i32
        %add3A_1706 = arith.addi %mul3A_1704, %add3A_1705 : i32
        %get3A_1707 = arith.constant 1 : i32
        %get3A_1708 = arith.index_cast %get3A_1707 : i32 to index
        %get3A_1709 = arith.index_cast %add3A_1702 : i32 to index
        %get3A_1710 = arith.constant 0 : index
        %get3A_1711 = tpu.vector_load %arg13[%get3A_1708, %get3A_1709, %get3A_1710] {strides = array<i32>} : memref<2x400x64xf32, #tpu.memory_space<vmem>>, vector<1x1x16xf32>,
        %get3A_1712 = vector.shape_cast %get3A_1711 : vector<1x1x16xf32> to vector<16xf32>
        %get3A_1713 = arith.index_cast %add3A_1706 : i32 to index
        %get3A_1714 = tpu.vector_load %arg10[%get3A_1713] {strides = array<i32>} : memref<25600xf32, #tpu.memory_space<vmem>>, vector<16xf32>,
        %get3A_1715 = vector.shape_cast %get3A_1714 : vector<16xf32> to vector<16xf32>
        %add3A_1716 = arith.addf %get3A_1712, %get3A_1715 : vector<16xf32>
        %mul3A_1717 = arith.mulf %gather3A_1698, %get3A_57 : vector<16xf32>
        %add3A_1718 = arith.addf %add3A_1716, %mul3A_1717 : vector<16xf32>
        %swap3A_1719 = arith.constant 1 : i32
        %swap3A_1720 = arith.index_cast %swap3A_1719 : i32 to index
        %swap3A_1721 = arith.index_cast %add3A_1702 : i32 to index
        %swap3A_1722 = arith.constant 0 : index
        %swap3A_1723 = tpu.vector_load %arg13[%swap3A_1720, %swap3A_1721, %swap3A_1722] {strides = array<i32>} : memref<2x400x64xf32, #tpu.memory_space<vmem>>, vector<1x1x16xf32>,
        %swap3A_1724 = vector.shape_cast %swap3A_1723 : vector<1x1x16xf32> to vector<16xf32>
        %swap3A_1725 = vector.shape_cast %add3A_1718 : vector<16xf32> to vector<1x1x16xf32>
        tpu.vector_store %arg13[%swap3A_1720, %swap3A_1721, %swap3A_1722], %swap3A_1725 {strides = array<i32>} : memref<2x400x64xf32, #tpu.memory_space<vmem>>, vector<1x1x16xf32>,
        %mul3A_1726 = arith.constant 64 : i32
        %mul3A_1727 = arith.muli %add3A_1702, %mul3A_1726 : i32
        %add3A_1728 = arith.constant 16 : i32
        %add3A_1729 = arith.addi %mul3A_1727, %add3A_1728 : i32
        %get3A_1730 = arith.constant 1 : i32
        %get3A_1731 = arith.index_cast %get3A_1730 : i32 to index
        %get3A_1732 = arith.index_cast %add3A_1702 : i32 to index
        %get3A_1733 = arith.constant 16 : index
        %get3A_1734 = tpu.vector_load %arg13[%get3A_1731, %get3A_1732, %get3A_1733] {strides = array<i32>} : memref<2x400x64xf32, #tpu.memory_space<vmem>>, vector<1x1x16xf32>,
        %get3A_1735 = vector.shape_cast %get3A_1734 : vector<1x1x16xf32> to vector<16xf32>
        %get3A_1736 = arith.index_cast %add3A_1729 : i32 to index
        %get3A_1737 = tpu.vector_load %arg10[%get3A_1736] {strides = array<i32>} : memref<25600xf32, #tpu.memory_space<vmem>>, vector<16xf32>,
        %get3A_1738 = vector.shape_cast %get3A_1737 : vector<16xf32> to vector<16xf32>
        %add3A_1739 = arith.addf %get3A_1735, %get3A_1738 : vector<16xf32>
        %mul3A_1740 = arith.mulf %gather3A_1698, %get3A_60 : vector<16xf32>
        %add3A_1741 = arith.addf %add3A_1739, %mul3A_1740 : vector<16xf32>
        %swap3A_1742 = arith.constant 1 : i32
        %swap3A_1743 = arith.index_cast %swap3A_1742 : i32 to index
        %swap3A_1744 = arith.index_cast %add3A_1702 : i32 to index
        %swap3A_1745 = arith.constant 16 : index
        %swap3A_1746 = tpu.vector_load %arg13[%swap3A_1743, %swap3A_1744, %swap3A_1745] {strides = array<i32>} : memref<2x400x64xf32, #tpu.memory_space<vmem>>, vector<1x1x16xf32>,
        %swap3A_1747 = vector.shape_cast %swap3A_1746 : vector<1x1x16xf32> to vector<16xf32>
        %swap3A_1748 = vector.shape_cast %add3A_1741 : vector<16xf32> to vector<1x1x16xf32>
        tpu.vector_store %arg13[%swap3A_1743, %swap3A_1744, %swap3A_1745], %swap3A_1748 {strides = array<i32>} : memref<2x400x64xf32, #tpu.memory_space<vmem>>, vector<1x1x16xf32>,
        %mul3A_1749 = arith.constant 64 : i32
        %mul3A_1750 = arith.muli %add3A_1702, %mul3A_1749 : i32
        %add3A_1751 = arith.constant 32 : i32
        %add3A_1752 = arith.addi %mul3A_1750, %add3A_1751 : i32
        %get3A_1753 = arith.constant 1 : i32
        %get3A_1754 = arith.index_cast %get3A_1753 : i32 to index
        %get3A_1755 = arith.index_cast %add3A_1702 : i32 to index
        %get3A_1756 = arith.constant 32 : index
        %get3A_1757 = tpu.vector_load %arg13[%get3A_1754, %get3A_1755, %get3A_1756] {strides = array<i32>} : memref<2x400x64xf32, #tpu.memory_space<vmem>>, vector<1x1x16xf32>,
        %get3A_1758 = vector.shape_cast %get3A_1757 : vector<1x1x16xf32> to vector<16xf32>
        %get3A_1759 = arith.index_cast %add3A_1752 : i32 to index
        %get3A_1760 = tpu.vector_load %arg10[%get3A_1759] {strides = array<i32>} : memref<25600xf32, #tpu.memory_space<vmem>>, vector<16xf32>,
        %get3A_1761 = vector.shape_cast %get3A_1760 : vector<16xf32> to vector<16xf32>
        %add3A_1762 = arith.addf %get3A_1758, %get3A_1761 : vector<16xf32>
        %mul3A_1763 = arith.mulf %gather3A_1698, %get3A_63 : vector<16xf32>
        %add3A_1764 = arith.addf %add3A_1762, %mul3A_1763 : vector<16xf32>
        %swap3A_1765 = arith.constant 1 : i32
        %swap3A_1766 = arith.index_cast %swap3A_1765 : i32 to index
        %swap3A_1767 = arith.index_cast %add3A_1702 : i32 to index
        %swap3A_1768 = arith.constant 32 : index
        %swap3A_1769 = tpu.vector_load %arg13[%swap3A_1766, %swap3A_1767, %swap3A_1768] {strides = array<i32>} : memref<2x400x64xf32, #tpu.memory_space<vmem>>, vector<1x1x16xf32>,
        %swap3A_1770 = vector.shape_cast %swap3A_1769 : vector<1x1x16xf32> to vector<16xf32>
        %swap3A_1771 = vector.shape_cast %add3A_1764 : vector<16xf32> to vector<1x1x16xf32>
        tpu.vector_store %arg13[%swap3A_1766, %swap3A_1767, %swap3A_1768], %swap3A_1771 {strides = array<i32>} : memref<2x400x64xf32, #tpu.memory_space<vmem>>, vector<1x1x16xf32>,
        %mul3A_1772 = arith.constant 64 : i32
        %mul3A_1773 = arith.muli %add3A_1702, %mul3A_1772 : i32
        %add3A_1774 = arith.constant 48 : i32
        %add3A_1775 = arith.addi %mul3A_1773, %add3A_1774 : i32
        %get3A_1776 = arith.constant 1 : i32
        %get3A_1777 = arith.index_cast %get3A_1776 : i32 to index
        %get3A_1778 = arith.index_cast %add3A_1702 : i32 to index
        %get3A_1779 = arith.constant 48 : index
        %get3A_1780 = tpu.vector_load %arg13[%get3A_1777, %get3A_1778, %get3A_1779] {strides = array<i32>} : memref<2x400x64xf32, #tpu.memory_space<vmem>>, vector<1x1x16xf32>,
        %get3A_1781 = vector.shape_cast %get3A_1780 : vector<1x1x16xf32> to vector<16xf32>
        %get3A_1782 = arith.index_cast %add3A_1775 : i32 to index
        %get3A_1783 = tpu.vector_load %arg10[%get3A_1782] {strides = array<i32>} : memref<25600xf32, #tpu.memory_space<vmem>>, vector<16xf32>,
        %get3A_1784 = vector.shape_cast %get3A_1783 : vector<16xf32> to vector<16xf32>
        %add3A_1785 = arith.addf %get3A_1781, %get3A_1784 : vector<16xf32>
        %mul3A_1786 = arith.mulf %gather3A_1698, %get3A_66 : vector<16xf32>
        %add3A_1787 = arith.addf %add3A_1785, %mul3A_1786 : vector<16xf32>
        %swap3A_1788 = arith.constant 1 : i32
        %swap3A_1789 = arith.index_cast %swap3A_1788 : i32 to index
        %swap3A_1790 = arith.index_cast %add3A_1702 : i32 to index
        %swap3A_1791 = arith.constant 48 : index
        %swap3A_1792 = tpu.vector_load %arg13[%swap3A_1789, %swap3A_1790, %swap3A_1791] {strides = array<i32>} : memref<2x400x64xf32, #tpu.memory_space<vmem>>, vector<1x1x16xf32>,
        %swap3A_1793 = vector.shape_cast %swap3A_1792 : vector<1x1x16xf32> to vector<16xf32>
        %swap3A_1794 = vector.shape_cast %add3A_1787 : vector<16xf32> to vector<1x1x16xf32>
        tpu.vector_store %arg13[%swap3A_1789, %swap3A_1790, %swap3A_1791], %swap3A_1794 {strides = array<i32>} : memref<2x400x64xf32, #tpu.memory_space<vmem>>, vector<1x1x16xf32>,
      }
      %scan3A_170 = arith.constant 25 : i32
      %mul3A_171 = arith.constant 400 : i32
      %mul3A_172 = arith.muli %add3A_137, %mul3A_171 : i32
      %add3A_173 = arith.addi %mul3A_2, %mul3A_172 : i32
      %dma_start3A_174 = arith.constant 1 : i32
      %dma_start3A_175 = arith.constant 0 : i32
      %dma_start3A_176 = arith.constant 0 : i32
      %dma_start3A_177 = tpu.memref_slice %arg13[%dma_start3A_174, %dma_start3A_175, %dma_start3A_176] : memref<2x400x64xf32, #tpu.memory_space<vmem>> -> memref<1x400x64xf32, #tpu.memory_space<vmem>>
      %dma_start3A_178 = tpu.memref_squeeze %dma_start3A_177 : memref<1x400x64xf32, #tpu.memory_space<vmem>> -> memref<400x64xf32, #tpu.memory_space<vmem>>
      %dma_start3A_179 = arith.constant 0 : i32
      %dma_start3A_180 = tpu.memref_slice %arg7[%add3A_173, %dma_start3A_179] : memref<204800x64xf32, #tpu.memory_space<hbm>> -> memref<400x64xf32, #tpu.memory_space<hbm>>
      %dma_start3A_181 = arith.constant 0 : i32
      %dma_start3A_182 = tpu.memref_slice %arg7[%add3A_173, %dma_start3A_181] : memref<204800x64xf32, #tpu.memory_space<hbm>> -> memref<400x64xf32, #tpu.memory_space<hbm>>
      %dma_start3A_183 = arith.constant 0 : i32
      %dma_start3A_184 = arith.constant 0 : i32
      %dma_start3A_185 = tpu.memref_slice %arg13[%dma_start3A_174, %dma_start3A_183, %dma_start3A_184] : memref<2x400x64xf32, #tpu.memory_space<vmem>> -> memref<1x400x64xf32, #tpu.memory_space<vmem>>
      %dma_start3A_186 = tpu.memref_squeeze %dma_start3A_185 : memref<1x400x64xf32, #tpu.memory_space<vmem>> -> memref<400x64xf32, #tpu.memory_space<vmem>>
      tpu.enqueue_dma source(%dma_start3A_186 : memref<400x64xf32, #tpu.memory_space<vmem>>) target(%dma_start3A_182 : memref<400x64xf32, #tpu.memory_space<hbm>>) target_semaphore(%arg16 : memref<!tpu.dma_semaphore, #tpu.memory_space<semaphore_mem>>)
    }
    %scan3A_72 = arith.constant 8 : i32
    %add3A_73 = arith.constant 6000 : i32
    %add3A_74 = arith.addi %mul3A_2, %add3A_73 : i32
    %dma_wait3A = arith.constant 1 : i32
    %dma_wait3A_75 = arith.constant 0 : i32
    %dma_wait3A_76 = arith.constant 0 : i32
    %dma_wait3A_77 = tpu.memref_slice %arg13[%dma_wait3A, %dma_wait3A_75, %dma_wait3A_76] : memref<2x400x64xf32, #tpu.memory_space<vmem>> -> memref<1x400x64xf32, #tpu.memory_space<vmem>>
    %dma_wait3A_78 = tpu.memref_squeeze %dma_wait3A_77 : memref<1x400x64xf32, #tpu.memory_space<vmem>> -> memref<400x64xf32, #tpu.memory_space<vmem>>
    %dma_wait3A_79 = arith.constant 0 : i32
    %dma_wait3A_80 = tpu.memref_slice %arg7[%add3A_74, %dma_wait3A_79] : memref<204800x64xf32, #tpu.memory_space<hbm>> -> memref<400x64xf32, #tpu.memory_space<hbm>>
    %dma_wait3A_81 = arith.constant 0 : i32
    %dma_wait3A_82 = tpu.memref_slice %arg7[%add3A_74, %dma_wait3A_81] : memref<204800x64xf32, #tpu.memory_space<hbm>> -> memref<400x64xf32, #tpu.memory_space<hbm>>
    %dma_wait3A_83 = arith.constant 0 : i32
    %dma_wait3A_84 = arith.constant 0 : i32
    %dma_wait3A_85 = tpu.memref_slice %arg13[%dma_wait3A, %dma_wait3A_83, %dma_wait3A_84] : memref<2x400x64xf32, #tpu.memory_space<vmem>> -> memref<1x400x64xf32, #tpu.memory_space<vmem>>
    %dma_wait3A_86 = tpu.memref_squeeze %dma_wait3A_85 : memref<1x400x64xf32, #tpu.memory_space<vmem>> -> memref<400x64xf32, #tpu.memory_space<vmem>>
    tpu.wait_dma2 semaphore(%arg16 : memref<!tpu.dma_semaphore, #tpu.memory_space<semaphore_mem>>) src(%dma_wait3A_86 : memref<400x64xf32, #tpu.memory_space<vmem>>) dst(%dma_wait3A_82 : memref<400x64xf32, #tpu.memory_space<hbm>>)
    return
  }
}

</mosaic_0001>

<sc_bundles>
// kernel: kernel.3.cloned.1.call-start
scs
__scs_entry_jumppad:
0x0: {  	(pc) =	sbr.rel $0x88, $3  }
0x1: {  	(tag) =	ssettag $0x0;
	lr =	simm.s32 $0x1  }
0x2: {  	[smem:$0x3F9C] =	sst lr;
	_ =	strace $0xD0000000  }
0x3: {  	_ = 	snop  }
0x4: {  	_ = 	snop  }
0x5: {  	_ = 	snop  }
0x6: {  	_ = 	snop  }
0x7: {  	_ = 	snop  }
__scs_overlays_trampoline_lowered:
0x8: {  	[smem:$0x3FAB] =	sst s0  }
0x9: {  	[smem:$0x3FAC] =	sst s1  }
0xa: {  	[smem:$0x3FAD] =	sst s2  }
0xb: {  	[smem:$0x3FAE] =	sst s3  }
0xc: {  	[smem:$0x3FAF] =	sst s4  }
0xd: {  	[smem:$0x3FB0] =	sst s5  }
0xe: {  	[smem:$0x3FB1] =	sst s6  }
0xf: {  	[smem:$0x3FB2] =	sst s7  }
0x10: {  	[smem:$0x3FB3] =	sst s8  }
0x11: {  	[smem:$0x3FB4] =	sst s9;
	s0 =	simm.s32 @!p0 $0x0  }
0x12: {  	s1 =	sld [smem:$0x3F9A];
	s0 =	simm.s32 @p0 $0x1  }
0x13: {  	[smem:$0x3FB5] =	sst s0;
	s0 =	simm.s32 @!p1 $0x0  }
0x14: {  	s2 =	sld [smem:$0x3F99];
	s0 =	simm.s32 @p1 $0x1  }
0x15: {  	[smem:$0x3FB6] =	sst s0;
	s0 =	simm.s32 @!p2 $0x0  }
0x16: {  	s3 =	sld [smem:$0x3FDB];
	s0 =	simm.s32 @p2 $0x1  }
0x17: {  	s4 =	simm.s32 $0x1BF5;
	[smem:$0x3FB8] =	sst s0  }
0x18: {  	s0 =	sld [smem:$0x3F9B];
	_ =	swait.ge [sflag:s4], $0x0  }
0x19: {  	s7 =	sld [smem:$0x3F9C]  }
0x1a: {  	s8 =	sadd.s32 $0xFFFFE003, lr  }
0x1b: {  	s9 =	sadd.s32 $0xFFFFFEF7, lr;
	s5 =	simm.s32 $0xFFFFFFFF;
	p2 =	slt.u32 s8, $0xFFFFF086  }
0x1c: {  	p1 =	slt.u32 s9, $0xF7A;
	s5 =	simm.s32 @!p2 $0x0  }
0x1d: {  	s5 =	simm.s32 @p1 $0x1;
	p0 =	seq.s32 s7, s2  }
0x1e: {  	s7 =	smul.u32 @!p0 $0xF7A, s2;
	p2 =	seq.s32 @!p0 s5, $0x0  }
0x1f: {  	s9 =	smul.u32 $0xF7A, s1;
	s8 =	simm.s32 @!p0 $0x1BF5;
	p2 =	por !p2, p0  }
0x20: {  	[sflag:s8] =	ssyncset.s32 @!p0 $0xFFFFF086;
	s6 =	sadd.s32 @!p0 s3, s7;
	s7 =	simm.s32 @!p0 $0x108  }
0x21: {  	s3 =	sadd.s32 s3, s9;
	s6 =	sadd.s32 @!p0 $0x88, s6;
	s7 =	simm.s32 @p2 $0x1082  }
0x22: {  	[simem:s7], [sflag:s8] =	dma.local @!p0 [hbm:s6], $0xF7A  }
0x23: {  	s9 =	sor.u32 $0xD0000000, s2;
	s6 =	simm.s32 $0x108;
	_ =	swait.ge @!p0 [sflag:s8], $0x0  }
0x24: {  	s3 =	sadd.s32 $0x88, s3;
	s6 =	simm.s32 @!p1 $0x1082;
	[sflag:s4] =	ssyncset.s32 $0xFFFFF086  }
0x25: {  	[simem:s6], [sflag:s4] =	dma.local [hbm:s3], $0xF7A  }
0x26: {  	[smem:$0x3F9C] =	sst s1;
	(tag) =	ssettag s2;
	_ =	strace s9  }
0x27: {  	s1 =	sld [smem:$0x3FAC]  }
0x28: {  	s2 =	sld [smem:$0x3FAD]  }
0x29: {  	s4 =	sld [smem:$0x3FAF]  }
0x2a: {  	p0 =	seq.s32 s5, $0x0;
	s5 =	sld [smem:$0x3FB0]  }
0x2b: {  	s6 =	sld [smem:$0x3FB1]  }
0x2c: {  	s7 =	sld [smem:$0x3FB2]  }
0x2d: {  	s3 =	simm.s32 $0x108;
	s8 =	sld [smem:$0x3FB3]  }
0x2e: {  	s3 =	simm.s32 @!p0 $0x1082;
	s9 =	sld [smem:$0x3FB4]  }
0x2f: {  	lr =	sadd.s32 s0, s3;
	s0 =	sld [smem:$0x3FAB]  }
0x30: {  	s3 =	sld [smem:$0x3FAE]  }
0x31: {  	[smem:$0x3FB7] =	sst s10  }
0x32: {  	s10 =	sld [smem:$0x3FB5];
	_ =	sdelay $0x3  }
0x33: {  	p0 =	seq.s32 s10, $0x1;
	s10 =	sld [smem:$0x3FB7];
	_ =	sdelay $0x3  }
0x34: {  	[smem:$0x3FB7] =	sst s10  }
0x35: {  	s10 =	sld [smem:$0x3FB6];
	_ =	sdelay $0x3  }
0x36: {  	p1 =	seq.s32 s10, $0x1;
	s10 =	sld [smem:$0x3FB7];
	_ =	sdelay $0x3  }
0x37: {  	[smem:$0x3FB7] =	sst s10  }
0x38: {  	s10 =	sld [smem:$0x3FB8]  }
0x39: {  	_ = 	snop;
	(pc) =	sbr.ind lr, $3  }
0x3a: {  	_ = 	snop  }
0x3b: {  	_ = 	snop  }
0x3c: {  	p2 =	seq.s32 s10, $0x1;
	s10 =	sld [smem:$0x3FB7]  }
0x3d: {  	_ =	shalt  }
0x3e: {  	_ =	shalt  }
0x3f: {  	_ =	shalt  }
0x40: {  	_ =	shalt  }
0x41: {  	_ =	shalt  }
0x42: {  	_ =	shalt  }
0x43: {  	_ =	shalt  }
0x44: {  	_ =	shalt  }
0x45: {  	_ =	shalt  }
0x46: {  	_ =	shalt  }
0x47: {  	_ =	shalt  }
0x48: {  	_ =	shalt  }
0x49: {  	_ =	shalt  }
0x4a: {  	_ =	shalt  }
0x4b: {  	_ =	shalt  }
0x4c: {  	_ =	shalt  }
0x4d: {  	_ =	shalt  }
0x4e: {  	_ =	shalt  }
0x4f: {  	_ =	shalt  }
0x50: {  	_ =	shalt  }
0x51: {  	_ =	shalt  }
0x52: {  	_ =	shalt  }
0x53: {  	_ =	shalt  }
0x54: {  	_ =	shalt  }
0x55: {  	_ =	shalt  }
0x56: {  	_ =	shalt  }
0x57: {  	_ =	shalt  }
0x58: {  	_ =	shalt  }
0x59: {  	_ =	shalt  }
0x5a: {  	_ =	shalt  }
0x5b: {  	_ =	shalt  }
0x5c: {  	_ =	shalt  }
0x5d: {  	_ =	shalt  }
0x5e: {  	_ =	shalt  }
0x5f: {  	_ =	shalt  }
0x60: {  	_ =	shalt  }
0x61: {  	_ =	shalt  }
0x62: {  	_ =	shalt  }
0x63: {  	_ =	shalt  }
0x64: {  	_ =	shalt  }
0x65: {  	_ =	shalt  }
0x66: {  	_ =	shalt  }
0x67: {  	_ =	shalt  }
0x68: {  	_ =	shalt  }
0x69: {  	_ =	shalt  }
0x6a: {  	_ =	shalt  }
0x6b: {  	_ =	shalt  }
0x6c: {  	_ =	shalt  }
0x6d: {  	_ =	shalt  }
0x6e: {  	_ =	shalt  }
0x6f: {  	_ =	shalt  }
0x70: {  	_ =	shalt  }
0x71: {  	_ =	shalt  }
0x72: {  	_ =	shalt  }
0x73: {  	_ =	shalt  }
0x74: {  	_ =	shalt  }
0x75: {  	_ =	shalt  }
0x76: {  	_ =	shalt  }
0x77: {  	_ =	shalt  }
0x78: {  	_ =	shalt  }
0x79: {  	_ =	shalt  }
0x7a: {  	_ =	shalt  }
0x7b: {  	_ =	shalt  }
0x7c: {  	_ =	shalt  }
0x7d: {  	_ =	shalt  }
0x7e: {  	_ =	shalt  }
0x7f: {  	_ =	shalt  }
0x80: {  	_ =	shalt  }
0x81: {  	_ =	shalt  }
0x82: {  	_ =	shalt  }
0x83: {  	_ =	shalt  }
0x84: {  	_ =	shalt  }
0x85: {  	_ =	shalt  }
0x86: {  	_ =	shalt  }
0x87: {  	_ =	shalt  }
.Lfunc_end0:
.L_simem_size_0:
called_computation.1_lowered:
.L_overlay_start_0:
0x88: {  	s2 =	sld [smem:$0x3FD9]  }
0x89: {  	s3 =	sld [smem:$0x3FFE];
	_ =	sdelay $0x1  }
0x8a: {  	s1 =	srdreg.scid  }
0x8b: {  	s0 =	sand.u32 $0x1, s1  }
0x8c: {  	s17 =	sshll.u32 s0, $0xA;
	s2 =	sadd.s32 s3, s2  }
0x8d: {  	s2 =	sadd.s32 s2, s17  }
0x8e: {  	[smem:$0x3FC3] =	sst s2  }
0x8f: {  	_ = 	snop  }
0x90: {  	s2 =	sld [smem:$0x3FD0];
	(tm) =	ssettm $0x1  }
0x91: {  	s18 =	sld [smem:$0x3FFB];
	_ =	sdelay $0x3  }
0x92: {  	_ =	strace s18  }
0x93: {  	s3 =	sld [smem:$0x3FFC];
	_ =	sdelay $0x3  }
0x94: {  	_ =	strace s3  }
0x95: {  	s3 =	sld [smem:$0x3FFD];
	_ =	sdelay $0x3  }
0x96: {  	_ =	strace s3  }
0x97: {  	_ =	strace $0x8FFFFFFF  }
0x98: {  	s19 =	sld [smem:$0x3FDB];
	_ =	sdelay $0x1  }
0x99: {  	s4 =	simm.s32 $_scs_section_size  }
0x9a: {  	s5 =	simm.s32 $_size__tile_overlayer_lowered;
	s6 =	simm.s32 $_tile_overlayer_lowered  }
0x9b: {  	s22 =	simm.s32 $0x1BFF;
	s21 =	sshll.u32 s6, $0x1;
	s3 =	sadd.s32 s4, s19  }
0x9c: {  	s7 =	simm.s32 $0x0;
	s20 =	sshll.u32 s5, $0x1;
	s5 =	sadd.s32 s21, s3  }
0x9d: {  	[timem:s7], [sflag:s22] =	dma.local [hbm:s5], s20  }
0x9e: {  	_ =	swait.ge [sflag:s22], s20  }
0x9f: {  	s4 =	ssub.s32 $0x0, s20;
	[sflag:s22] =	ssyncset.done $0x0  }
0xa0: {  	[sflag:s22] =	ssyncadd.s32 s4;
	_ =	sdelay $0x1  }
0xa1: {  	s23 =	simm.s32 $0x1B8B  }
0xa2: {  	_ =	swait.ge [sflag:s23], $0x1  }
0xa3: {  	[sflag:s23] =	ssyncset.done $0x0  }
0xa4: {  	s25 =	simm.s32 $0x1B8E;
	s24 =	sld [smem:$0x3FFE];
	[sflag:s23] =	ssyncadd.s32 $0xFFFFFFFF  }
0xa5: {  	s26 =	simm.s32 $execute0_lowered;
	[smem:$0x3FD2] =	sst s25  }
0xa6: {  	s5 =	sshll.u32 s26, $0x1;
	_ =	strace $0x80000046;
	[dreg:$0x1] =	wrdreg $0xFFFFFFFF  }
0xa7: {  	s28 =	simm.s32 $_size_execute0_lowered;
	s3 =	sadd.s32 s3, s5;
	[dreg:$0x0] =	wrdreg $0x0  }
0xa8: {  	s5 =	sshll.u32 s28, $0x1;
	[dreg:$0x2] =	wrdreg s3  }
0xa9: {  	[dreg:$0x3] =	wrdreg s5  }
0xaa: {  	[dreg:$0x4] =	wrdreg $0xC0  }
0xab: {  	_ =	task [dreg:s7], $0x5FFFF  }
0xac: {  	[dreg:$0x1] =	wrdreg $0xFFFFFFFF  }
0xad: {  	[dreg:$0x0] =	wrdreg $0x60  }
0xae: {  	[dreg:$0x2] =	wrdreg s24  }
0xaf: {  	[dreg:$0x3] =	wrdreg s2  }
0xb0: {  	[dreg:$0x4] =	wrdreg $0x9  }
0xb1: {  	_ =	task.clear_ibuf [dreg:s7], $0x5FFFF;
	_ =	strace $0x90000046  }
0xb2: {  	s29 =	simm.s32 $0x9;
	_ =	strace $0x80000048  }
0xb3: {  	_ =	swait.ge [sflag:s29], $0x1  }
0xb4: {  	[sflag:s29] =	ssyncadd.s32 $0xFFFFFFFF  }
0xb5: {  	_ =	strace $0x90000048  }
0xb6: {  	_ =	sfence  }
0xb7: {  	s30 =	sld [smem:$0x0];
	_ =	sdelay $0x2  }
0xb8: {  	s31 =	sshll.u32 s1, $0xD;
	s1 =	sshrl.u32 s1, $0x2  }
0xb9: {  	s3 =	sand.u32 $0x4000, s31;
	s1 =	sadd.s32 s1, s30  }
0xba: {  	s0 =	sor.u32 s3, s0;
	s1 =	sshll.u32 s1, $0x11  }
0xbb: {  	s0 =	sor.u32 s1, s0  }
0xbc: {  	s0 =	sadd.s32 $0x8F2B, s0  }
0xbd: {  	[sflag:s0] =	ssyncadd.remote.s32 $0x1  }
0xbe: {  	_ =	sfence.sel $0xFFFF  }
0xbf: {  	[dreg:$0x0] =	wrdreg $0xFFFFFFFF;
	(pc) =	sbr.abs _section_cstart, $3  }
0xc0: {  	[dreg:$0x1] =	wrdreg $0xFFFFFFFF  }
0xc1: {  	_ =	task.clear_ibuf [dreg:s7], $0x2FFFF;
	_ =	strace $0x9FFFFFFF  }
0xc2: {  	(tm) =	ssettm $0x7FFFFFFF  }
0xc3: {  	_ =	shalt  }
tec
execute0_lowered:
.L_overlay_start_1:
0x0: {  	(tag) =	ssettag $0x1  }
0x1: {  	s0 =	srdreg.scid  }
0x2: {  	s2 =	stileid.u32;
	s1 =	rddreg [dreg:$0x0]  }
0x3: {  	s12 =	simm.s32 $0x96C0;
	s28 =	simm.s32 $0xD2C0;
	s29 =	simm.s32 $0xD6C0  }
0x4: {  	s30 =	simm.s32 $0xDAC0;
	s31 =	simm.s32 $0xDEC0;
	s8 =	simm.s32 $0xEEC0  }
0x5: {  	s9 =	simm.s32 $0xF2C0;
	s10 =	simm.s32 $0xF6C0;
	s11 =	simm.s32 $0x3  }
0x6: {  	s13 =	simm.s32 $0x2;
	s14 =	simm.s32 $0xFAC0;
	s16 =	simm.s32 $0x0  }
0x7: {  	s0 =	sand.u32 $0x1, s0;
	s3 =	sshll.u32 s2, $0x1;
	s2 =	rddreg [dreg:$0x1]  }
0x8: {  	s7 =	sadd.s32 $0xD800, s1;
	s4 =	sor.u32 s0, s3;
	s3 =	simm.s32 $0x0  }
0x9: {  	s0 =	ssub.s32 $0x2, s0;
	s4 =	smul.u32 $0x1900, s4;
	[smem:$0x7FF] =	sst s3  }
0xa: {  	s24 =	sshrl.u32 s0, $0x1;
	_ =	strace $0x80000047;
	[dreg:$0x3] =	wrdreg s7  }
0xb: {  	s0 =	ssub.s32 s0, s24;
	s7 =	simm.s32 $0xEAC0;
	s5 =	sshrl.u32 s4, $0x3  }
0xc: {  	s0 =	smax.u32 s0, $0x1;
	s6 =	sadd.s32 s5, s1;
	s5 =	sadd.s32 $0xF43400, s1  }
0xd: {  	s1 =	sadd.s32 $0xE800, s1;
	[dreg:$0x7] =	wrdreg s0;
	s0 =	simm.s32 $0xE6C0  }
0xe: {  	[dreg:$0x4] =	wrdreg s1;
	s25 =	sadd.s32 $0x7400, s6;
	s26 =	sadd.s32 $0x1000, s6  }
0xf: {  	vm0 =	vmmov $0xffff;
	v43 =	vimm.s32 $0x2;
	s1 =	simm.s32 $0xE2C0;
	s6 =	simm.s32 $0x1;
	[dreg:$0x5] =	wrdreg s25  }
0x10: {  	v57 =	vimm.s32 $0x3;
	v61 =	vimm.s32 $0x9;
	v59 =	vimm.s32 $0xB;
	[dreg:$0x6] =	wrdreg s26;
	s25 =	simm.s32 $0xCAC0;
	s26 =	simm.s32 $0xCEC0  }
.LBB2_1:
0x11: {  	[dreg:$0x8] =	wrdreg s16  }
0x12: {  	s15 =	rddreg [dreg:$0x5];
	s16 =	simm.s32 $0x4  }
0x13: {  	[tilespmem:s3], [sflag:$0x4] =	stream.linear.gather [hbm4b:s15+s3], $0x1900, $0x38;
	[tilespmem:$0x15EC0] =	vst v63  }
0x14: {  	_ =	swait.ge [sflag:s16], $0x1900  }
0x15: {  	[sflag:s16] =	ssyncset.done $0x0  }
0x16: {  	[sflag:s16] =	ssyncadd.s32 $0xFFFFE700  }
0x17: {  	v0 =	vld [tilespmem:$0x0];
	_ =	sdelay $0x7  }
0x18: {  	[tilespmem:s12], [sflag:$0x1] =	stream.indirect_vreg.gather [hbm4b:s5+s3], $0x40, v0, vm0, $0xb8;
	[tilespmem:$0x15EC0] =	vst v63  }
0x19: {  	v0 =	vld [tilespmem:$0x10];
	_ =	sdelay $0x6  }
0x1a: {  	s23 =	simm.s32 $0x9AC0  }
0x1b: {  	[tilespmem:s23], [sflag:$0x1] =	stream.indirect_vreg.gather [hbm4b:s5+s3], $0x40, v0, vm0, $0xb8;
	[tilespmem:$0x15EC0] =	vst v63  }
0x1c: {  	v0 =	vld [tilespmem:$0x20];
	_ =	sdelay $0x6  }
0x1d: {  	s24 =	simm.s32 $0x9EC0  }
0x1e: {  	[tilespmem:s24], [sflag:$0x1] =	stream.indirect_vreg.gather [hbm4b:s5+s3], $0x40, v0, vm0, $0xb8;
	[tilespmem:$0x15EC0] =	vst v63  }
0x1f: {  	v0 =	vld [tilespmem:$0x30];
	_ =	sdelay $0x6  }
0x20: {  	s17 =	simm.s32 $0xA2C0  }
0x21: {  	[tilespmem:s17], [sflag:$0x1] =	stream.indirect_vreg.gather [hbm4b:s5+s3], $0x40, v0, vm0, $0xb8;
	[tilespmem:$0x15EC0] =	vst v63  }
0x22: {  	v0 =	vld [tilespmem:$0x40];
	_ =	sdelay $0x6  }
0x23: {  	s18 =	simm.s32 $0xA6C0  }
0x24: {  	[tilespmem:s18], [sflag:$0x1] =	stream.indirect_vreg.gather [hbm4b:s5+s3], $0x40, v0, vm0, $0xb8;
	[tilespmem:$0x15EC0] =	vst v63  }
0x25: {  	v0 =	vld [tilespmem:$0x50];
	_ =	sdelay $0x6  }
0x26: {  	s19 =	simm.s32 $0xAAC0  }
0x27: {  	[tilespmem:s19], [sflag:$0x1] =	stream.indirect_vreg.gather [hbm4b:s5+s3], $0x40, v0, vm0, $0xb8;
	[tilespmem:$0x15EC0] =	vst v63  }
0x28: {  	v0 =	vld [tilespmem:$0x60];
	_ =	sdelay $0x6  }
0x29: {  	s20 =	simm.s32 $0xAEC0  }
0x2a: {  	[tilespmem:s20], [sflag:$0x1] =	stream.indirect_vreg.gather [hbm4b:s5+s3], $0x40, v0, vm0, $0xb8;
	[tilespmem:$0x15EC0] =	vst v63  }
0x2b: {  	v0 =	vld [tilespmem:$0x70];
	_ =	sdelay $0x6  }
0x2c: {  	s21 =	simm.s32 $0xB2C0  }
0x2d: {  	[tilespmem:s21], [sflag:$0x1] =	stream.indirect_vreg.gather [hbm4b:s5+s3], $0x40, v0, vm0, $0xb8;
	[tilespmem:$0x15EC0] =	vst v63  }
0x2e: {  	v0 =	vld [tilespmem:$0x80];
	_ =	sdelay $0x6  }
0x2f: {  	s22 =	simm.s32 $0xB6C0  }
0x30: {  	[tilespmem:s22], [sflag:$0x1] =	stream.indirect_vreg.gather [hbm4b:s5+s3], $0x40, v0, vm0, $0xb8;
	[tilespmem:$0x15EC0] =	vst v63  }
0x31: {  	v0 =	vld [tilespmem:$0x90];
	_ =	sdelay $0x6  }
0x32: {  	s23 =	simm.s32 $0xBAC0  }
0x33: {  	[tilespmem:s23], [sflag:$0x1] =	stream.indirect_vreg.gather [hbm4b:s5+s3], $0x40, v0, vm0, $0xb8;
	[tilespmem:$0x15EC0] =	vst v63  }
0x34: {  	v0 =	vld [tilespmem:$0xA0];
	_ =	sdelay $0x6  }
0x35: {  	s24 =	simm.s32 $0xBEC0  }
0x36: {  	[tilespmem:s24], [sflag:$0x1] =	stream.indirect_vreg.gather [hbm4b:s5+s3], $0x40, v0, vm0, $0xb8;
	[tilespmem:$0x15EC0] =	vst v63  }
0x37: {  	v0 =	vld [tilespmem:$0xB0];
	_ =	sdelay $0x6  }
0x38: {  	s17 =	simm.s32 $0xC2C0  }
0x39: {  	[tilespmem:s17], [sflag:$0x1] =	stream.indirect_vreg.gather [hbm4b:s5+s3], $0x40, v0, vm0, $0xb8;
	[tilespmem:$0x15EC0] =	vst v63  }
0x3a: {  	v0 =	vld [tilespmem:$0xC0];
	_ =	sdelay $0x6  }
0x3b: {  	s18 =	simm.s32 $0xC6C0  }
0x3c: {  	[tilespmem:s18], [sflag:$0x1] =	stream.indirect_vreg.gather [hbm4b:s5+s3], $0x40, v0, vm0, $0xb8;
	[tilespmem:$0x15EC0] =	vst v63  }
0x3d: {  	v0 =	vld [tilespmem:$0xD0];
	_ =	sdelay $0x7  }
0x3e: {  	[tilespmem:s25], [sflag:$0x1] =	stream.indirect_vreg.gather [hbm4b:s5+s3], $0x40, v0, vm0, $0xb8;
	[tilespmem:$0x15EC0] =	vst v63  }
0x3f: {  	v0 =	vld [tilespmem:$0xE0];
	_ =	sdelay $0x7  }
0x40: {  	[tilespmem:s26], [sflag:$0x1] =	stream.indirect_vreg.gather [hbm4b:s5+s3], $0x40, v0, vm0, $0xb8;
	[tilespmem:$0x15EC0] =	vst v63  }
0x41: {  	v0 =	vld [tilespmem:$0xF0];
	_ =	sdelay $0x7  }
0x42: {  	[tilespmem:s28], [sflag:$0x1] =	stream.indirect_vreg.gather [hbm4b:s5+s3], $0x40, v0, vm0, $0xb8;
	[tilespmem:$0x15EC0] =	vst v63  }
0x43: {  	v0 =	vld [tilespmem:$0x100];
	_ =	sdelay $0x7  }
0x44: {  	[tilespmem:s29], [sflag:$0x1] =	stream.indirect_vreg.gather [hbm4b:s5+s3], $0x40, v0, vm0, $0xb8;
	[tilespmem:$0x15EC0] =	vst v63  }
0x45: {  	v0 =	vld [tilespmem:$0x110];
	_ =	sdelay $0x7  }
0x46: {  	[tilespmem:s30], [sflag:$0x1] =	stream.indirect_vreg.gather [hbm4b:s5+s3], $0x40, v0, vm0, $0xb8;
	[tilespmem:$0x15EC0] =	vst v63  }
0x47: {  	v0 =	vld [tilespmem:$0x120];
	_ =	sdelay $0x7  }
0x48: {  	[tilespmem:s31], [sflag:$0x1] =	stream.indirect_vreg.gather [hbm4b:s5+s3], $0x40, v0, vm0, $0xb8;
	[tilespmem:$0x15EC0] =	vst v63  }
0x49: {  	v0 =	vld [tilespmem:$0x130];
	_ =	sdelay $0x7  }
0x4a: {  	[tilespmem:s1], [sflag:$0x1] =	stream.indirect_vreg.gather [hbm4b:s5+s3], $0x40, v0, vm0, $0xb8;
	[tilespmem:$0x15EC0] =	vst v63  }
0x4b: {  	v0 =	vld [tilespmem:$0x140];
	_ =	sdelay $0x7  }
0x4c: {  	[tilespmem:s0], [sflag:$0x1] =	stream.indirect_vreg.gather [hbm4b:s5+s3], $0x40, v0, vm0, $0xb8;
	[tilespmem:$0x15EC0] =	vst v63  }
0x4d: {  	v0 =	vld [tilespmem:$0x150];
	_ =	sdelay $0x7  }
0x4e: {  	[tilespmem:s7], [sflag:$0x1] =	stream.indirect_vreg.gather [hbm4b:s5+s3], $0x40, v0, vm0, $0xb8;
	[tilespmem:$0x15EC0] =	vst v63  }
0x4f: {  	v0 =	vld [tilespmem:$0x160];
	_ =	sdelay $0x7  }
0x50: {  	[tilespmem:s8], [sflag:$0x1] =	stream.indirect_vreg.gather [hbm4b:s5+s3], $0x40, v0, vm0, $0xb8;
	[tilespmem:$0x15EC0] =	vst v63  }
0x51: {  	v0 =	vld [tilespmem:$0x170];
	_ =	sdelay $0x7  }
0x52: {  	[tilespmem:s9], [sflag:$0x1] =	stream.indirect_vreg.gather [hbm4b:s5+s3], $0x40, v0, vm0, $0xb8;
	[tilespmem:$0x15EC0] =	vst v63  }
0x53: {  	v0 =	vld [tilespmem:$0x180];
	_ =	sdelay $0x7  }
0x54: {  	[tilespmem:s10], [sflag:$0x1] =	stream.indirect_vreg.gather [hbm4b:s5+s3], $0x40, v0, vm0, $0xb8;
	[tilespmem:$0x15EC0] =	vst v63  }
0x55: {  	s19 =	rddreg [dreg:$0x6];
	s17 =	simm.s32 $0x1900  }
0x56: {  	[tilespmem:s17], [sflag:$0x4] =	stream.linear.gather [hbm4b:s19+s3], $0x1900, $0x38;
	[tilespmem:$0x15EC0] =	vst v63  }
0x57: {  	_ =	swait.ge [sflag:s16], $0x1900  }
0x58: {  	[sflag:s16] =	ssyncset.done $0x0  }
0x59: {  	s21 =	simm.s32 $0x3200;
	s20 =	rddreg [dreg:$0x3];
	[sflag:s16] =	ssyncadd.s32 $0xFFFFE700  }
0x5a: {  	[tilespmem:s21], [sflag:$0x4] =	stream.linear.gather [hbm4b:s20+s3], $0x3200, $0x38;
	[tilespmem:$0x15EC0] =	vst v63  }
0x5b: {  	_ =	swait.ge [sflag:s16], $0x3200  }
0x5c: {  	[sflag:s16] =	ssyncset.done $0x0  }
0x5d: {  	s22 =	simm.s32 $0x6400;
	[sflag:s16] =	ssyncadd.s32 $0xFFFFCE00  }
0x5e: {  	[tilespmem:s22], [sflag:$0x4] =	stream.linear.gather [hbm4b:s20+s3], $0x3200, $0x38;
	[tilespmem:$0x15EC0] =	vst v63  }
0x5f: {  	_ =	swait.ge [sflag:s16], $0x3200  }
0x60: {  	[sflag:s16] =	ssyncset.done $0x0  }
0x61: {  	s24 =	simm.s32 $0x9600;
	s23 =	rddreg [dreg:$0x4];
	[sflag:s16] =	ssyncadd.s32 $0xFFFFCE00  }
0x62: {  	[tilespmem:s24], [sflag:$0x4] =	stream.linear.gather [hbm4b:s23+s3], $0x80, $0x38;
	[tilespmem:$0x15EC0] =	vst v63  }
0x63: {  	_ =	swait.ge [sflag:s16], $0x80  }
0x64: {  	[sflag:s16] =	ssyncset.done $0x0  }
0x65: {  	[sflag:s16] =	ssyncadd.s32 $0xFFFFFF80  }
0x66: {  	v0 =	vld [tilespmem:$0x9600]  }
0x67: {  	v1 =	vld [tilespmem:$0x9640]  }
0x68: {  	v2 =	vld [tilespmem:$0x9610]  }
0x69: {  	v3 =	vld [tilespmem:$0x9650]  }
0x6a: {  	v4 =	vld [tilespmem:$0x9620]  }
0x6b: {  	v5 =	vld [tilespmem:$0x9660]  }
0x6c: {  	v6 =	vld [tilespmem:$0x9630]  }
0x6d: {  	v7 =	vld [tilespmem:$0x9670];
	_ =	sdelay $0x1  }
0x6e: {  	v0 =	vsub.f32 v1, v0  }
0x6f: {  	v1 =	vsub.f32 v3, v2  }
0x70: {  	[tilespmem:$0x9680] =	vst v0;
	v0 =	vsub.f32 v5, v4  }
0x71: {  	[tilespmem:$0x9690] =	vst v1;
	v1 =	vsub.f32 v7, v6  }
0x72: {  	[tilespmem:$0x96A0] =	vst v0  }
0x73: {  	s15 =	simm.s32 $0x0;
	[tilespmem:$0x96B0] =	vst v1  }
0x74: {  	s16 =	simm.s32 $0x100;
	v0 =	vld [tilespmem:s15+$0x3200]  }
.LBB2_2:
0x75: {  	p0 =	sne.s32 s16, $0x18F00;
	v1 =	vld [tilespmem:$0x9600];
	_ =	sdelay $0x4  }
0x76: {  	v0 =	vadd.f32 v1, v0;
	_ =	sdelay $0x1  }
0x77: {  	[tilespmem:s15+$0x3200] =	vst v0;
	v0 =	vld [tilespmem:s15+$0x3210]  }
0x78: {  	v1 =	vld [tilespmem:$0x9610];
	_ =	sdelay $0x4  }
0x79: {  	v0 =	vadd.f32 v1, v0;
	_ =	sdelay $0x1  }
0x7a: {  	[tilespmem:s15+$0x3210] =	vst v0;
	v0 =	vld [tilespmem:s15+$0x3220]  }
0x7b: {  	v1 =	vld [tilespmem:$0x9620];
	_ =	sdelay $0x4  }
0x7c: {  	v0 =	vadd.f32 v1, v0;
	_ =	sdelay $0x1  }
0x7d: {  	[tilespmem:s15+$0x3220] =	vst v0;
	v0 =	vld [tilespmem:s15+$0x3230]  }
0x7e: {  	v1 =	vld [tilespmem:$0x9630];
	_ =	sdelay $0x2  }
.Ltmp0:
0x7f: {  	(pc) =	sbr.rel @p0 .LBB2_2-.Ltmp0, $4  }
0x80: {  	_ = 	snop  }
0x81: {  	v1 =	vadd.f32 v1, v0  }
0x82: {  	s17 =	sshra.s32 s16, $0x2  }
0x83: {  	s16 =	sadd.s32 $0x100, s16;
	v0 =	vld [tilespmem:s17+$0x3200];
	[tilespmem:s15+$0x3230] =	vst v1;
	s15 =	smov.u32 s17  }
0x84: {  	v1 =	vld [tilespmem:$0x9600];
	_ =	sdelay $0x4  }
0x85: {  	v0 =	vadd.f32 v1, v0;
	_ =	sdelay $0x1  }
0x86: {  	v55 =	vld [tilespmem:s15+$0x3210];
	[tilespmem:s15+$0x3200] =	vst v0  }
0x87: {  	v56 =	vld [tilespmem:$0x9610];
	_ =	sdelay $0x4  }
0x88: {  	v0 =	vadd.f32 v56, v55;
	_ =	sdelay $0x1  }
0x89: {  	v58 =	vld [tilespmem:s15+$0x3220];
	[tilespmem:s15+$0x3210] =	vst v0  }
0x8a: {  	v60 =	vld [tilespmem:$0x9620];
	_ =	sdelay $0x4  }
0x8b: {  	v0 =	vadd.f32 v60, v58;
	_ =	sdelay $0x1  }
0x8c: {  	v62 =	vld [tilespmem:s15+$0x3230];
	[tilespmem:s15+$0x3220] =	vst v0  }
0x8d: {  	v63 =	vld [tilespmem:$0x9630];
	_ =	sdelay $0x4  }
0x8e: {  	v0 =	vadd.f32 v63, v62;
	_ =	sdelay $0x1  }
0x8f: {  	[tilespmem:s15+$0x3230] =	vst v0  }
0x90: {  	v18 =	vld [tilespmem:$0x9680]  }
0x91: {  	v19 =	vld [tilespmem:$0x96A0]  }
0x92: {  	v62 =	vld [tilespmem:$0x9690]  }
0x93: {  	v0 =	vld [tilespmem:$0x96B0];
	_ =	sdelay $0x1  }
0x94: {  	[tilespmem:$0x1FFC0] =	vst v18  }
0x95: {  	[tilespmem:$0x1FFD0] =	vst v19  }
0x96: {  	s16 =	simm.s32 $0x190;
	[tilespmem:$0x1FFE0] =	vst v62  }
0x97: {  	s23 =	simm.s32 $0x1900;
	s18 =	simm.s32 $0x1A90;
	s15 =	simm.s32 $0x0;
	[tilespmem:$0x1FFF0] =	vst v0  }
.LBB2_4:
0x98: {  	p0 =	seq.s32 s15, $0x0;
	v0 =	vmov s16  }
0x99: {  	s17 =	simm.s32 @!p0 $0x3  }
0x9a: {  	_ =	swait.ge @!p0 [sflag:s17], $0x6400  }
0x9b: {  	[sflag:s17] =	ssyncset.done @!p0 $0x0  }
0x9c: {  	s24 =	simm.s32 $0x0;
	[sflag:s17] =	ssyncadd.s32 @!p0 $0xFFFF9C00  }
0x9d: {  	v1 =	vld.idx.msk [tilespmem:v0+s24+$0x0 ss:$0x1], $0xffff;
	_ =	sdelay $0x6  }
0x9e: {  	s19 =	sshll.u32 s15, $0x1;
	s20 =	simm.s32 $0x10;
	s17 =	simm.s32 $0xFAC0  }
0x9f: {  	[tilespmem:s17], [sflag:$0x2] =	stream.indirect_vreg.gather [hbm4b:s5+s3], $0x40, v1, vm0, $0xb8;
	[tilespmem:$0x15EC0] =	vst v63  }
0xa0: {  	s19 =	sor.u32 $0x1, s19;
	v1 =	vld.idx.msk [tilespmem:v0+s20+$0x0 ss:$0x1], $0xffff;
	s20 =	simm.s32 $0x80  }
.LBB2_5:
0xa1: {  	p0 =	sne.s32 s20, $0x600;
	_ =	sdelay $0x3  }
.Ltmp1:
0xa2: {  	(pc) =	sbr.rel @p0 .LBB2_5-.Ltmp1, $4  }
0xa3: {  	_ = 	snop  }
0xa4: {  	s21 =	sshra.s32 s20, $0x2;
	s17 =	sadd.s32 $0x400, s17  }
0xa5: {  	[tilespmem:s17], [sflag:$0x2] =	stream.indirect_vreg.gather [hbm4b:s5+s3], $0x40, v1, vm0, $0xb8;
	[tilespmem:$0x15EC0] =	vst v63  }
0xa6: {  	s20 =	sadd.s32 $0x40, s20;
	v1 =	vld.idx.msk [tilespmem:v0+s21+$0x0 ss:$0x1], $0xffff  }
0xa7: {  	_ =	sdelay $0x6  }
0xa8: {  	s17 =	sadd.s32 $0x400, s17  }
0xa9: {  	[tilespmem:s17], [sflag:$0x2] =	stream.indirect_vreg.gather [hbm4b:s5+s3], $0x40, v1, vm0, $0xb8;
	[tilespmem:$0x15EC0] =	vst v63  }
0xaa: {  	_ =	swait.ge [sflag:s6], $0x6400  }
0xab: {  	[sflag:s6] =	ssyncset.done $0x0  }
0xac: {  	s20 =	simm.s32 $0x3F0;
	[sflag:s6] =	ssyncadd.s32 $0xFFFF9C00  }
0xad: {  	v0 =	vld [tilespmem:s20+$0x2E10];
	_ =	sdelay $0x4  }
0xae: {  	[tilespmem:$0x1FDB0] =	vst v0;
	v0 =	vld [tilespmem:s20+$0x2E30];
	_ =	sdelay $0x4  }
0xaf: {  	[tilespmem:$0x1FDC0] =	vst v0;
	v0 =	vld [tilespmem:s20+$0x2E60];
	_ =	sdelay $0x4  }
0xb0: {  	[tilespmem:$0x1FDD0] =	vst v0;
	v0 =	vld [tilespmem:s20+$0x2E70];
	_ =	sdelay $0x4  }
0xb1: {  	[tilespmem:$0x1FDE0] =	vst v0;
	v0 =	vld [tilespmem:s20+$0x2E80];
	_ =	sdelay $0x4  }
0xb2: {  	[tilespmem:$0x1FDF0] =	vst v0;
	v0 =	vld [tilespmem:s20+$0x2E90];
	_ =	sdelay $0x4  }
0xb3: {  	[tilespmem:$0x1FE00] =	vst v0;
	v0 =	vld [tilespmem:s20+$0x2EA0];
	_ =	sdelay $0x4  }
0xb4: {  	[tilespmem:$0x1FE10] =	vst v0;
	v0 =	vld [tilespmem:s20+$0x2EC0];
	_ =	sdelay $0x4  }
0xb5: {  	[tilespmem:$0x1FE20] =	vst v0;
	v0 =	vld [tilespmem:s20+$0x2EE0];
	_ =	sdelay $0x4  }
0xb6: {  	[tilespmem:$0x1FE30] =	vst v0;
	v0 =	vld [tilespmem:s20+$0x2EF0];
	_ =	sdelay $0x4  }
0xb7: {  	[tilespmem:$0x1FE40] =	vst v0;
	v0 =	vld [tilespmem:s20+$0x2FE0];
	_ =	sdelay $0x1  }
0xb8: {  	v31 =	vld [tilespmem:s20+$0x2E20]  }
0xb9: {  	v41 =	vld [tilespmem:s20+$0x2E40]  }
0xba: {  	v37 =	vld [tilespmem:s20+$0x2E50]  }
0xbb: {  	[tilespmem:$0x1FF80] =	vst v0;
	v0 =	vld [tilespmem:s20+$0x2FF0]  }
0xbc: {  	v36 =	vld [tilespmem:s20+$0x2EB0]  }
0xbd: {  	v39 =	vld [tilespmem:s20+$0x2ED0]  }
0xbe: {  	v42 =	vld [tilespmem:s20+$0x2F00]  }
0xbf: {  	v18 =	vld [tilespmem:s20+$0x2F20]  }
0xc0: {  	[tilespmem:$0x1FF30] =	vst v0;
	v0 =	vld [tilespmem:s20+$0x3000]  }
0xc1: {  	v19 =	vld [tilespmem:s20+$0x2F40]  }
0xc2: {  	v25 =	vld [tilespmem:s20+$0x2F50]  }
0xc3: {  	v26 =	vld [tilespmem:s20+$0x2F60]  }
0xc4: {  	v27 =	vld [tilespmem:s20+$0x2F70]  }
0xc5: {  	[tilespmem:$0x1FF50] =	vst v0;
	v0 =	vld [tilespmem:s20+$0x3010]  }
0xc6: {  	v29 =	vld [tilespmem:s20+$0x2F80]  }
0xc7: {  	v33 =	vld [tilespmem:s20+$0x2FA0]  }
0xc8: {  	v34 =	vld [tilespmem:s20+$0x2FC0]  }
0xc9: {  	v58 =	vld [tilespmem:s20+$0x2FD0]  }
0xca: {  	[tilespmem:$0x1FF00] =	vst v0;
	v0 =	vld [tilespmem:s20+$0x3020]  }
0xcb: {  	v17 =	vld [tilespmem:s20+$0x94E0]  }
0xcc: {  	v54 =	vld [tilespmem:s20+$0x3030]  }
0xcd: {  	v52 =	vld [tilespmem:s20+$0x30A0]  }
0xce: {  	v13 =	vld [tilespmem:s20+$0x30B0]  }
0xcf: {  	[tilespmem:$0x1FF10] =	vst v0;
	v0 =	vld [tilespmem:s20+$0x3040]  }
0xd0: {  	[tilespmem:$0x1FF20] =	vst v17;
	v17 =	vld [tilespmem:s20+$0x94C0]  }
0xd1: {  	v50 =	vld [tilespmem:s20+$0x30C0]  }
0xd2: {  	v44 =	vld [tilespmem:s20+$0x3110]  }
0xd3: {  	v38 =	vld [tilespmem:s20+$0x3130]  }
0xd4: {  	[tilespmem:$0x1FEF0] =	vst v0;
	v0 =	vld [tilespmem:s20+$0x3060]  }
0xd5: {  	[tilespmem:$0x1FF60] =	vst v17;
	v17 =	vld [tilespmem:s20+$0x94B0]  }
0xd6: {  	v45 =	vld [tilespmem:s20+$0x3140]  }
0xd7: {  	v32 =	vld [tilespmem:s20+$0x3160]  }
0xd8: {  	v40 =	vld [tilespmem:s20+$0x3180]  }
0xd9: {  	[tilespmem:$0x1FED0] =	vst v0;
	v0 =	vld [tilespmem:s20+$0x3080]  }
0xda: {  	[tilespmem:$0x1FF40] =	vst v17;
	v17 =	vld [tilespmem:s20+$0x94A0]  }
0xdb: {  	v53 =	vld [tilespmem:s20+$0x3200]  }
0xdc: {  	v22 =	vld [tilespmem:s20+$0x96C0]  }
0xdd: {  	v60 =	vld [tilespmem:s20+$0x9640]  }
0xde: {  	[tilespmem:$0x1FEE0] =	vst v0;
	v0 =	vld [tilespmem:s20+$0x3090]  }
0xdf: {  	[tilespmem:$0x1FF90] =	vst v17;
	v17 =	vld [tilespmem:s20+$0x9490]  }
0xe0: {  	v5 =	vld [tilespmem:s20+$0x9620]  }
0xe1: {  	v62 =	vld [tilespmem:s20+$0x9600]  }
0xe2: {  	v63 =	vld [tilespmem:s20+$0x95F0]  }
0xe3: {  	[tilespmem:$0x1FEC0] =	vst v0;
	v0 =	vld [tilespmem:s20+$0x95D0]  }
0xe4: {  	[tilespmem:$0x1FF70] =	vst v17;
	v17 =	vld [tilespmem:s20+$0x9480]  }
0xe5: {  	v30 =	vld [tilespmem:s20+$0x31B0];
	v5 =	vadd.f32 v32, v5  }
0xe6: {  	v51 =	vld [tilespmem:s20+$0x31C0]  }
0xe7: {  	v7 =	vld [tilespmem:s20+$0x9550];
	[tilespmem:$0x1FEA0] =	vst v5;
	v5 =	vadd.f32 v40, v60;
	v40 =	vadd.f32 v38, v63  }
0xe8: {  	v38 =	vadd.f32 v45, v62;
	v45 =	vadd.f32 v44, v0;
	v0 =	vld [tilespmem:$0x1FEC0]  }
0xe9: {  	v55 =	vld [tilespmem:s20+$0x9680];
	[tilespmem:$0x1FFB0] =	vst v17;
	v17 =	vadd.f32 v53, v22  }
0xea: {  	v56 =	vld [tilespmem:s20+$0x9670]  }
0xeb: {  	[tilespmem:$0x1FE50] =	vst v17;
	v17 =	vld [tilespmem:s20+$0x9460]  }
0xec: {  	v9 =	vld [tilespmem:s20+$0x9520]  }
0xed: {  	v53 =	vadd.f32 v0, v7;
	v0 =	vld [tilespmem:$0x1FED0]  }
0xee: {  	v12 =	vld [tilespmem:s20+$0x30D0]  }
0xef: {  	v48 =	vld [tilespmem:s20+$0x30E0]  }
0xf0: {  	v46 =	vld [tilespmem:s20+$0x30F0];
	[tilespmem:$0x1FFA0] =	vst v17;
	v17 =	vadd.f32 v30, v56  }
0xf1: {  	v15 =	vld [tilespmem:s20+$0x9540]  }
0xf2: {  	[tilespmem:$0x1FE60] =	vst v17;
	v17 =	vadd.f32 v51, v55;
	v55 =	vadd.f32 v0, v9;
	v0 =	vld [tilespmem:$0x1FEE0]  }
0xf3: {  	v49 =	vld [tilespmem:s20+$0x3100]  }
0xf4: {  	v47 =	vld [tilespmem:s20+$0x3120]  }
0xf5: {  	v28 =	vld [tilespmem:s20+$0x3190]  }
0xf6: {  	v20 =	vld [tilespmem:s20+$0x9500]  }
0xf7: {  	v32 =	vadd.f32 v0, v15;
	v0 =	vld [tilespmem:$0x1FEF0]  }
0xf8: {  	v35 =	vld [tilespmem:s20+$0x31A0]  }
0xf9: {  	v2 =	vld [tilespmem:s20+$0x95E0]  }
0xfa: {  	v1 =	vld [tilespmem:s20+$0x95B0]  }
0xfb: {  	v21 =	vld [tilespmem:s20+$0x94D0]  }
0xfc: {  	v56 =	vadd.f32 v0, v20;
	v0 =	vld [tilespmem:$0x1FF00]  }
0xfd: {  	v23 =	vld [tilespmem:s20+$0x9660]  }
0xfe: {  	v16 =	vld [tilespmem:s20+$0x9650]  }
0xff: {  	v4 =	vld [tilespmem:s20+$0x95C0]  }
0x100: {  	v44 =	vadd.f32 v47, v2;
	v47 =	vadd.f32 v46, v1;
	v1 =	vld [tilespmem:$0x1FF20]  }
0x101: {  	v60 =	vadd.f32 v0, v21;
	v0 =	vld [tilespmem:$0x1FF10]  }
0x102: {  	v8 =	vld [tilespmem:s20+$0x95A0]  }
0x103: {  	v3 =	vld [tilespmem:s20+$0x9590]  }
0x104: {  	v10 =	vld [tilespmem:s20+$0x9580]  }
0x105: {  	v6 =	vld [tilespmem:s20+$0x9570]  }
0x106: {  	v30 =	vadd.f32 v0, v1;
	v0 =	vld [tilespmem:$0x1FF30]  }
0x107: {  	v1 =	vld [tilespmem:$0x1FF40]  }
0x108: {  	v14 =	vld [tilespmem:s20+$0x9560]  }
0x109: {  	v11 =	vld [tilespmem:s20+$0x94F0]  }
0x10a: {  	v24 =	vld [tilespmem:s20+$0x9400]  }
0x10b: {  	v62 =	vld [tilespmem:s20+$0x9410]  }
0x10c: {  	v63 =	vadd.f32 v0, v1;
	v0 =	vld [tilespmem:$0x1FF50]  }
0x10d: {  	v1 =	vld [tilespmem:$0x1FF60]  }
0x10e: {  	v16 =	vadd.f32 v28, v16;
	[tilespmem:$0x1FEB0] =	vst v5;
	v5 =	vld [tilespmem:s20+$0x93E0]  }
0x10f: {  	v52 =	vadd.f32 v52, v14;
	v14 =	vld [tilespmem:s20+$0x93A0]  }
0x110: {  	v54 =	vadd.f32 v54, v11;
	v11 =	vld [tilespmem:s20+$0x9360];
	[tilespmem:$0x1FE80] =	vst v16;
	v16 =	vadd.f32 v35, v23  }
0x111: {  	v48 =	vadd.f32 v48, v8;
	v23 =	vld [tilespmem:s20+$0x9420]  }
0x112: {  	[tilespmem:$0x1FE90] =	vst v16;
	v8 =	vadd.f32 v25, v62;
	v16 =	vadd.f32 v0, v1;
	v0 =	vld [tilespmem:$0x1FF70]  }
0x113: {  	v62 =	vadd.f32 v18, v5;
	v5 =	vadd.f32 v19, v24;
	v24 =	vld [tilespmem:s23+$0x0]  }
0x114: {  	v22 =	vld [tilespmem:s20+$0x9430]  }
0x115: {  	v18 =	vld [tilespmem:$0x1FFC0]  }
0x116: {  	v46 =	vadd.f32 v49, v4;
	v49 =	vadd.f32 v12, v3;
	v3 =	vld [tilespmem:$0x1FF90]  }
0x117: {  	v1 =	vadd.f32 v58, v0;
	v0 =	vld [tilespmem:$0x1FF80]  }
0x118: {  	v19 =	vld [tilespmem:$0x1FFD0]  }
0x119: {  	v50 =	vadd.f32 v50, v10;
	v10 =	vadd.f32 v27, v22;
	v22 =	vld [tilespmem:s20+$0x9330]  }
0x11a: {  	[tilespmem:$0x1FE70] =	vst v17;
	v17 =	vld [tilespmem:s20+$0x9440]  }
0x11b: {  	v51 =	vadd.f32 v13, v6;
	v13 =	vld [tilespmem:s20+$0x93B0]  }
0x11c: {  	v0 =	vadd.f32 v0, v3;
	v3 =	vld [tilespmem:$0x1FFA0]  }
0x11d: {  	v12 =	vld [tilespmem:s20+$0x93C0]  }
0x11e: {  	v2 =	vld [tilespmem:s20+$0x9370]  }
0x11f: {  	v7 =	vadd.f32 v29, v17;
	v17 =	vld [tilespmem:$0x1FFE0]  }
0x120: {  	v9 =	vld [tilespmem:s20+$0x9350]  }
0x121: {  	v6 =	vadd.f32 v33, v3;
	v3 =	vld [tilespmem:$0x1FFB0]  }
0x122: {  	v15 =	vld [tilespmem:s20+$0x9390]  }
0x123: {  	v20 =	vld [tilespmem:s20+$0x9380]  }
0x124: {  	v21 =	vld [tilespmem:s20+$0x9340]  }
0x125: {  	v58 =	vld [tilespmem:$0x1FFF0]  }
0x126: {  	s21 =	smul.u32 $0xC80, s15;
	s22 =	simm.s32 $0x1FC0;
	s17 =	smov.u32 s23;
	v4 =	vadd.f32 v34, v3;
	v3 =	vadd.f32 v26, v23;
	v23 =	vld [tilespmem:s20+$0x9320]  }
.LBB2_7:
0x127: {  	v26 =	vld [tilespmem:$0x1FE40];
	_ =	sdelay $0x4  }
0x128: {  	v13 =	vadd.f32 v26, v13;
	v26 =	vld [tilespmem:$0x1FE30];
	_ =	sdelay $0x4  }
0x129: {  	v14 =	vadd.f32 v26, v14;
	v26 =	vld [tilespmem:$0x1FE20];
	_ =	sdelay $0x4  }
0x12a: {  	v20 =	vadd.f32 v26, v20;
	v26 =	vld [tilespmem:$0x1FE00];
	_ =	sdelay $0x4  }
0x12b: {  	v33 =	vadd.f32 v26, v9;
	v9 =	vld [tilespmem:$0x1FE10];
	_ =	sdelay $0x4  }
0x12c: {  	v34 =	vadd.f32 v9, v11;
	v11 =	vld [tilespmem:$0x1FDE0];
	_ =	sdelay $0x4  }
0x12d: {  	v22 =	vadd.f32 v11, v22;
	v11 =	vld [tilespmem:$0x1FDF0];
	_ =	sdelay $0x1  }
0x12e: {  	v25 =	vld [tilespmem:s20+$0x9310];
	s24 =	sshra.s32 s22, $0x2  }
0x12f: {  	v27 =	vld [tilespmem:s24+$0x2E10]  }
0x130: {  	v35 =	vld [tilespmem:s24+$0x2E50]  }
0x131: {  	v21 =	vadd.f32 v11, v21;
	v11 =	vld [tilespmem:$0x1FDD0]  }
0x132: {  	v15 =	vadd.f32 v39, v15;
	v39 =	vld [tilespmem:s20+$0x92E0]  }
0x133: {  	v29 =	vld [tilespmem:s24+$0x2E20]  }
0x134: {  	v26 =	vld [tilespmem:s24+$0x2E40]  }
0x135: {  	v12 =	vadd.f32 v42, v12;
	v42 =	vld [tilespmem:s20+$0x9300];
	v9 =	vcvt.s32.f32 v24  }
0x136: {  	v2 =	vadd.f32 v36, v2;
	v36 =	vld [tilespmem:s20+$0x92D0];
	v23 =	vadd.f32 v11, v23;
	v11 =	vimm.s32 $0x0  }
0x137: {  	v25 =	vadd.f32 v37, v25;
	[tilespmem:$0x1FCE0] =	vst v35;
	v35 =	vld [tilespmem:s24+$0x2E60];
	v31 =	vadd.f32 v31, v39;
	v37 =	vperm.xlane v9, v11  }
0x138: {  	v24 =	vld [tilespmem:s20+$0x92F0]  }
0x139: {  	[tilespmem:$0x1FD00] =	vst v26;
	v26 =	vld [tilespmem:$0x1FDB0];
	v28 =	vmul.f32 v37, v17  }
0x13a: {  	v39 =	vperm.xlane v9, v43;
	v43 =	vperm.xlane v9, v57;
	v57 =	vld [tilespmem:$0x1FDC0]  }
0x13b: {  	v28 =	vadd.f32 v31, v28;
	v31 =	vmov v27;
	v27 =	vld [tilespmem:s24+$0x2E70];
	_ =	sdelay $0x2  }
0x13c: {  	v26 =	vadd.f32 v26, v36;
	v11 =	vimm.s32 $0x1;
	v36 =	vmul.f32 v37, v18  }
0x13d: {  	v41 =	vadd.f32 v41, v42;
	v24 =	vadd.f32 v57, v24;
	[tilespmem:$0x1FDD0] =	vst v35;
	v42 =	vperm.xlane v9, v11  }
0x13e: {  	v57 =	vmul.f32 v37, v19;
	v36 =	vadd.f32 v26, v36;
	[tilespmem:$0x1FDE0] =	vst v27;
	v27 =	vmov v29  }
0x13f: {  	v11 =	vld [tilespmem:s24+$0x2E30];
	v37 =	vmul.f32 v37, v58;
	[tilespmem:$0x1FCD0] =	vst v27  }
0x140: {  	v26 =	vmul.f32 v42, v18;
	v24 =	vadd.f32 v24, v57;
	v27 =	vld [tilespmem:s24+$0x2E80];
	[tilespmem:s20+$0x92D0] =	vst v36  }
0x141: {  	v37 =	vadd.f32 v41, v37;
	[tilespmem:s20+$0x92E0] =	vst v28  }
0x142: {  	v25 =	vadd.f32 v25, v26;
	[tilespmem:s20+$0x92F0] =	vst v24  }
0x143: {  	[tilespmem:s20+$0x9300] =	vst v37  }
0x144: {  	[tilespmem:s20+$0x9310] =	vst v25  }
0x145: {  	v35 =	vmul.f32 v42, v17;
	[tilespmem:$0x1FDF0] =	vst v27;
	v27 =	vld [tilespmem:s24+$0x2E90];
	_ =	sdelay $0x1  }
0x146: {  	v57 =	vmul.f32 v42, v58;
	v23 =	vadd.f32 v23, v35;
	v26 =	vmul.f32 v42, v19  }
0x147: {  	v24 =	vmul.f32 v39, v19  }
0x148: {  	v42 =	vld [tilespmem:s20+$0x2F10];
	v21 =	vadd.f32 v21, v57;
	v22 =	vadd.f32 v22, v26;
	[tilespmem:s20+$0x9320] =	vst v23  }
0x149: {  	v57 =	vld [tilespmem:s20+$0x93D0];
	v28 =	vmul.f32 v39, v18;
	v2 =	vadd.f32 v2, v24;
	v24 =	vmul.f32 v43, v18;
	[tilespmem:$0x1FE00] =	vst v27  }
0x14a: {  	v35 =	vmul.f32 v39, v17;
	v27 =	vld [tilespmem:s24+$0x2EA0];
	[tilespmem:s20+$0x9330] =	vst v22  }
0x14b: {  	v28 =	vadd.f32 v33, v28;
	v15 =	vadd.f32 v15, v24;
	v24 =	vld [tilespmem:s24+$0x2EB0]  }
0x14c: {  	v37 =	vadd.f32 v34, v35;
	[tilespmem:s20+$0x9340] =	vst v21  }
0x14d: {  	v34 =	vmul.f32 v39, v58;
	v23 =	vmul.f32 v43, v19;
	v22 =	vimm.s32 $0x4;
	[tilespmem:s20+$0x9350] =	vst v28  }
0x14e: {  	v22 =	vperm.xlane v9, v22;
	[tilespmem:s20+$0x9360] =	vst v37  }
0x14f: {  	v20 =	vadd.f32 v20, v34;
	v13 =	vadd.f32 v13, v23;
	v21 =	vimm.s32 $0x5;
	[tilespmem:s20+$0x9370] =	vst v2  }
0x150: {  	v23 =	vadd.f32 v42, v57;
	v21 =	vperm.xlane v9, v21;
	[tilespmem:$0x1FCF0] =	vst v24;
	v24 =	vmul.f32 v22, v18  }
0x151: {  	[tilespmem:s20+$0x9380] =	vst v20  }
0x152: {  	[tilespmem:$0x1FE10] =	vst v27;
	v2 =	vadd.f32 v23, v24;
	v24 =	vmul.f32 v21, v18  }
0x153: {  	v27 =	vld [tilespmem:s24+$0x2EC0];
	[tilespmem:s20+$0x9390] =	vst v15  }
0x154: {  	v25 =	vmul.f32 v43, v17;
	v8 =	vadd.f32 v8, v24;
	v24 =	vld [tilespmem:s24+$0x2ED0];
	_ =	sdelay $0x1  }
0x155: {  	v14 =	vadd.f32 v14, v25  }
0x156: {  	v26 =	vld [tilespmem:s20+$0x2F30]  }
0x157: {  	v33 =	vld [tilespmem:s20+$0x93F0];
	[tilespmem:s20+$0x93A0] =	vst v14  }
0x158: {  	v43 =	vmul.f32 v43, v58;
	v25 =	vmul.f32 v22, v17;
	[tilespmem:$0x1FD10] =	vst v24;
	v24 =	vld [tilespmem:s24+$0x2EE0]  }
0x159: {  	v28 =	vld [tilespmem:s20+$0x2F90]  }
0x15a: {  	v12 =	vadd.f32 v12, v43;
	v15 =	vmul.f32 v21, v19;
	v23 =	vadd.f32 v62, v25;
	v25 =	vld [tilespmem:s20+$0x9450]  }
0x15b: {  	[tilespmem:s20+$0x93B0] =	vst v13  }
0x15c: {  	v26 =	vadd.f32 v26, v33;
	v35 =	vmul.f32 v22, v19;
	v10 =	vadd.f32 v10, v15;
	v15 =	vld [tilespmem:s24+$0x2EF0];
	[tilespmem:s20+$0x93C0] =	vst v12  }
0x15d: {  	v22 =	vmul.f32 v22, v58;
	[tilespmem:$0x1FE30] =	vst v24  }
0x15e: {  	v20 =	vadd.f32 v26, v35;
	v24 =	vld [tilespmem:s24+$0x2F00];
	[tilespmem:s20+$0x93D0] =	vst v2  }
0x15f: {  	v5 =	vadd.f32 v5, v22;
	v22 =	vmul.f32 v21, v17;
	v12 =	vadd.f32 v28, v25;
	v25 =	vld [tilespmem:s24+$0x2F20];
	[tilespmem:s20+$0x93E0] =	vst v23  }
0x160: {  	[tilespmem:s20+$0x93F0] =	vst v20  }
0x161: {  	v3 =	vadd.f32 v3, v22;
	[tilespmem:s20+$0x9400] =	vst v5  }
0x162: {  	[tilespmem:s20+$0x9410] =	vst v8  }
0x163: {  	[tilespmem:s20+$0x9420] =	vst v3  }
0x164: {  	v3 =	vld [tilespmem:s24+$0x2F40];
	_ =	sdelay $0x1  }
0x165: {  	v14 =	vimm.s32 $0x6  }
0x166: {  	v21 =	vmul.f32 v21, v58;
	v22 =	vimm.s32 $0x7;
	v14 =	vperm.xlane v9, v14;
	[tilespmem:$0x1FE40] =	vst v15  }
0x167: {  	v22 =	vperm.xlane v9, v22;
	[tilespmem:s20+$0x9430] =	vst v10  }
0x168: {  	v7 =	vadd.f32 v7, v21;
	v21 =	vmul.f32 v14, v17;
	v15 =	vmul.f32 v14, v18;
	[tilespmem:$0x1FDA0] =	vst v3;
	v3 =	vld [tilespmem:s24+$0x2F50]  }
0x169: {  	[tilespmem:$0x1FD20] =	vst v24;
	v24 =	vmul.f32 v14, v19;
	v14 =	vmul.f32 v14, v58  }
0x16a: {  	v13 =	vimm.s32 $0x8;
	v12 =	vadd.f32 v12, v15;
	v15 =	vmul.f32 v22, v18  }
0x16b: {  	v13 =	vperm.xlane v9, v13;
	v14 =	vadd.f32 v4, v14;
	v4 =	vmul.f32 v22, v17  }
0x16c: {  	v41 =	vld [tilespmem:s20+$0x2FB0];
	v5 =	vmul.f32 v22, v19;
	v1 =	vadd.f32 v1, v15;
	v15 =	vmul.f32 v22, v58;
	[tilespmem:s20+$0x9440] =	vst v7  }
0x16d: {  	v26 =	vld [tilespmem:s20+$0x9470];
	v22 =	vadd.f32 v0, v4;
	v0 =	vmul.f32 v13, v18;
	[tilespmem:$0x1FD70] =	vst v3;
	v3 =	vimm.s32 $0xA  }
0x16e: {  	v28 =	vperm.xlane v9, v3;
	v3 =	vld [tilespmem:s24+$0x2F60]  }
0x16f: {  	v6 =	vadd.f32 v6, v21;
	v21 =	vld [tilespmem:s20+$0x3070];
	[tilespmem:$0x1FD90] =	vst v25;
	v25 =	vadd.f32 v60, v0;
	v0 =	vmul.f32 v13, v58  }
0x170: {  	v20 =	vld [tilespmem:s20+$0x3050]  }
0x171: {  	v8 =	vld [tilespmem:s20+$0x9510];
	[tilespmem:s20+$0x9450] =	vst v12;
	v12 =	vadd.f32 v56, v0;
	v0 =	vimm.s32 $0xC  }
0x172: {  	v2 =	vadd.f32 v41, v26;
	v43 =	vperm.xlane v9, v0;
	v0 =	vld [tilespmem:s24+$0x2F70];
	[tilespmem:s20+$0x9460] =	vst v6  }
0x173: {  	[tilespmem:$0x1FD80] =	vst v3;
	v3 =	vld [tilespmem:s24+$0x2F80]  }
0x174: {  	v2 =	vadd.f32 v2, v24;
	v24 =	vld [tilespmem:s20+$0x9530];
	v4 =	vmul.f32 v13, v17;
	_ =	sdelay $0x1  }
0x175: {  	v26 =	vadd.f32 v30, v4;
	v4 =	vperm.xlane v9, v61;
	[tilespmem:s20+$0x9470] =	vst v2  }
0x176: {  	v42 =	vperm.xlane v9, v59;
	[tilespmem:$0x1FD50] =	vst v0  }
0x177: {  	v23 =	vadd.f32 v63, v5;
	v6 =	vmul.f32 v4, v18;
	v0 =	vadd.f32 v20, v8;
	[tilespmem:$0x1FD60] =	vst v3  }
0x178: {  	v2 =	vadd.f32 v21, v24;
	v21 =	vmul.f32 v4, v58;
	v20 =	vmul.f32 v4, v19;
	v3 =	vld [tilespmem:s24+$0x2FA0];
	[tilespmem:s20+$0x9480] =	vst v14  }
0x179: {  	v15 =	vadd.f32 v16, v15;
	v14 =	vadd.f32 v0, v6;
	v6 =	vmul.f32 v28, v18;
	v0 =	vld [tilespmem:s24+$0x2FC0];
	[tilespmem:s20+$0x9490] =	vst v1  }
0x17a: {  	v5 =	vmul.f32 v13, v19;
	v1 =	vadd.f32 v2, v20;
	v2 =	vadd.f32 v32, v21;
	v62 =	vld [tilespmem:s24+$0x2FD0];
	[tilespmem:s20+$0x94A0] =	vst v22  }
0x17b: {  	v20 =	vmul.f32 v28, v17;
	v21 =	vadd.f32 v53, v6;
	v6 =	vmul.f32 v28, v19;
	[tilespmem:s20+$0x94B0] =	vst v23  }
0x17c: {  	v22 =	vmul.f32 v28, v58;
	v28 =	vmul.f32 v42, v17;
	[tilespmem:s20+$0x94C0] =	vst v15  }
0x17d: {  	v13 =	vadd.f32 v54, v5;
	v10 =	vmul.f32 v4, v17;
	[tilespmem:s20+$0x94D0] =	vst v25  }
0x17e: {  	v61 =	vld [tilespmem:s20+$0x3150];
	[tilespmem:s20+$0x94E0] =	vst v26;
	v25 =	vadd.f32 v48, v28;
	v28 =	vmul.f32 v42, v58  }
0x17f: {  	v41 =	vmul.f32 v43, v58;
	v24 =	vadd.f32 v55, v10;
	v10 =	vld [tilespmem:s24+$0x2FE0];
	[tilespmem:s20+$0x94F0] =	vst v13  }
0x180: {  	v32 =	vld [tilespmem:s20+$0x9610];
	[tilespmem:$0x1FD40] =	vst v0;
	v13 =	vadd.f32 v46, v28;
	v28 =	vmul.f32 v43, v19;
	v0 =	vimm.s32 $0xD  }
0x181: {  	v53 =	vperm.xlane v9, v0;
	v0 =	vimm.s32 $0xE  }
0x182: {  	[tilespmem:s20+$0x9510] =	vst v14;
	v14 =	vadd.f32 v40, v28;
	v28 =	vadd.f32 v38, v41;
	v38 =	vperm.xlane v9, v0;
	v0 =	vld [tilespmem:$0x1FEA0];
	_ =	sdelay $0x2  }
0x183: {  	[tilespmem:s20+$0x9520] =	vst v24;
	v24 =	vadd.f32 v61, v32;
	v54 =	vmul.f32 v53, v18;
	v55 =	vmul.f32 v53, v17;
	_ =	sdelay $0x1  }
0x184: {  	[tilespmem:s20+$0x9540] =	vst v2;
	v2 =	vadd.f32 v24, v54;
	v24 =	vadd.f32 v0, v55;
	v0 =	vld [tilespmem:$0x1FEB0]  }
0x185: {  	v33 =	vmul.f32 v43, v18;
	_ =	sdelay $0x1  }
0x186: {  	[tilespmem:s20+$0x9500] =	vst v12;
	v12 =	vadd.f32 v45, v33;
	v45 =	vmul.f32 v53, v58;
	_ =	sdelay $0x1  }
0x187: {  	v32 =	vadd.f32 v0, v45;
	v0 =	vld [tilespmem:$0x1FE80];
	_ =	sdelay $0x1  }
0x188: {  	[tilespmem:s20+$0x9530] =	vst v1  }
0x189: {  	v20 =	vadd.f32 v52, v20;
	[tilespmem:s20+$0x9550] =	vst v21;
	v59 =	vmul.f32 v38, v18  }
0x18a: {  	v8 =	vld [tilespmem:s24+$0x2FF0]  }
0x18b: {  	[tilespmem:s20+$0x9560] =	vst v20;
	v20 =	vadd.f32 v0, v59;
	v0 =	vld [tilespmem:$0x1FE90];
	_ =	sdelay $0x2  }
0x18c: {  	v61 =	vmul.f32 v38, v17  }
0x18d: {  	v35 =	vld [tilespmem:s20+$0x9630];
	v15 =	vadd.f32 v51, v6;
	v30 =	vmul.f32 v38, v19  }
0x18e: {  	v7 =	vld [tilespmem:s24+$0x3000];
	v52 =	vmul.f32 v38, v58;
	v38 =	vadd.f32 v0, v61;
	v0 =	vimm.s32 $0xF  }
0x18f: {  	[tilespmem:s20+$0x9570] =	vst v15;
	v15 =	vperm.xlane v9, v0;
	v0 =	vld [tilespmem:$0x1FE60]  }
0x190: {  	v63 =	vld [tilespmem:s20+$0x3170]  }
0x191: {  	v60 =	vld [tilespmem:s20+$0x9690]  }
0x192: {  	v56 =	vld [tilespmem:s20+$0x96A0];
	v22 =	vadd.f32 v50, v22  }
0x193: {  	v9 =	vld [tilespmem:s24+$0x3010]  }
0x194: {  	[tilespmem:s20+$0x9580] =	vst v22;
	v22 =	vadd.f32 v0, v30;
	v0 =	vld [tilespmem:$0x1FE70]  }
0x195: {  	v23 =	vmul.f32 v42, v18;
	v40 =	vld [tilespmem:s20+$0x31E0]  }
0x196: {  	v1 =	vadd.f32 v63, v35;
	v63 =	vld [tilespmem:s20+$0x96B0];
	v6 =	vmul.f32 v42, v19  }
0x197: {  	v23 =	vadd.f32 v49, v23;
	v51 =	vld [tilespmem:s20+$0x31F0]  }
0x198: {  	v26 =	vadd.f32 v47, v6;
	v47 =	vld [tilespmem:s20+$0x31D0]  }
0x199: {  	v30 =	vadd.f32 v0, v52;
	v0 =	vmov v11;
	v11 =	vld [tilespmem:s24+$0x3020];
	[tilespmem:s20+$0x9590] =	vst v23  }
0x19a: {  	v40 =	vadd.f32 v40, v56;
	[tilespmem:$0x1FDC0] =	vst v0;
	v56 =	vld [tilespmem:s24+$0x3030]  }
0x19b: {  	v34 =	vmul.f32 v43, v17;
	[tilespmem:s20+$0x95A0] =	vst v25;
	v0 =	vld [tilespmem:$0x1FE50]  }
0x19c: {  	v57 =	vmul.f32 v53, v19;
	v6 =	vld [tilespmem:s24+$0x3040];
	[tilespmem:s20+$0x95B0] =	vst v26  }
0x19d: {  	v44 =	vadd.f32 v44, v34;
	v53 =	vmul.f32 v15, v18;
	v61 =	vmul.f32 v15, v19;
	v5 =	vld [tilespmem:s24+$0x3060];
	[tilespmem:s20+$0x95C0] =	vst v13  }
0x19e: {  	v23 =	vadd.f32 v47, v60;
	v60 =	vmul.f32 v15, v17;
	v15 =	vmul.f32 v15, v58;
	v54 =	vld [tilespmem:s24+$0x3080];
	[tilespmem:s20+$0x95D0] =	vst v12  }
0x19f: {  	v52 =	vld [tilespmem:s24+$0x3090];
	[tilespmem:s20+$0x95E0] =	vst v44  }
0x1a0: {  	v25 =	vadd.f32 v51, v63;
	v63 =	vadd.f32 v0, v15;
	v15 =	vld [tilespmem:s24+$0x30A0];
	[tilespmem:s20+$0x95F0] =	vst v14  }
0x1a1: {  	v14 =	vld [tilespmem:s24+$0x30B0];
	[tilespmem:s20+$0x9600] =	vst v28  }
0x1a2: {  	v21 =	vadd.f32 v1, v57;
	v50 =	vld [tilespmem:s24+$0x30C0];
	[tilespmem:s20+$0x9610] =	vst v2  }
0x1a3: {  	v13 =	vld [tilespmem:s24+$0x30D0];
	[tilespmem:s20+$0x9620] =	vst v24  }
0x1a4: {  	v2 =	vld [tilespmem:s24+$0x30E0];
	[tilespmem:s20+$0x9630] =	vst v21  }
0x1a5: {  	v12 =	vld [tilespmem:s24+$0x30F0];
	[tilespmem:s20+$0x9640] =	vst v32  }
0x1a6: {  	v21 =	vld [tilespmem:s24+$0x3100];
	[tilespmem:s20+$0x9650] =	vst v20  }
0x1a7: {  	v20 =	vld [tilespmem:s24+$0x3110];
	[tilespmem:s20+$0x9660] =	vst v38  }
0x1a8: {  	v23 =	vadd.f32 v23, v53;
	v24 =	vld [tilespmem:s24+$0x3120];
	[tilespmem:s20+$0x9670] =	vst v22  }
0x1a9: {  	v26 =	vadd.f32 v40, v60;
	v22 =	vld [tilespmem:s24+$0x3130];
	[tilespmem:s20+$0x9680] =	vst v30  }
0x1aa: {  	v25 =	vadd.f32 v25, v61;
	v28 =	vld [tilespmem:s24+$0x3140];
	[tilespmem:s20+$0x9690] =	vst v23  }
0x1ab: {  	v23 =	vld [tilespmem:s24+$0x3160];
	[tilespmem:s20+$0x96A0] =	vst v26  }
0x1ac: {  	v26 =	vld [tilespmem:s24+$0x3180];
	[tilespmem:s20+$0x96B0] =	vst v25  }
0x1ad: {  	v25 =	vld [tilespmem:s24+$0x3190];
	[tilespmem:s20+$0x96C0] =	vst v63;
	s20 =	smov.u32 s24  }
0x1ae: {  	v32 =	vld [tilespmem:s20+$0x31A0]  }
0x1af: {  	v30 =	vld [tilespmem:s20+$0x31B0]  }
0x1b0: {  	v35 =	vld [tilespmem:s20+$0x31C0]  }
0x1b1: {  	v38 =	vld [tilespmem:s20+$0x3200]  }
0x1b2: {  	v40 =	vld [tilespmem:s20+$0x96C0]  }
0x1b3: {  	v44 =	vld [tilespmem:s20+$0x9680]  }
0x1b4: {  	v45 =	vld [tilespmem:s20+$0x9670]  }
0x1b5: {  	v46 =	vld [tilespmem:s20+$0x9660]  }
0x1b6: {  	v47 =	vld [tilespmem:s20+$0x9650]  }
0x1b7: {  	v48 =	vld [tilespmem:s20+$0x9640]  }
0x1b8: {  	v49 =	vld [tilespmem:s20+$0x9620]  }
0x1b9: {  	v51 =	vld [tilespmem:s20+$0x9600]  }
0x1ba: {  	v53 =	vld [tilespmem:s20+$0x95F0]  }
0x1bb: {  	v55 =	vld [tilespmem:s20+$0x95E0]  }
0x1bc: {  	v60 =	vld [tilespmem:s20+$0x95D0]  }
0x1bd: {  	v63 =	vld [tilespmem:s20+$0x95C0]  }
0x1be: {  	[tilespmem:$0x1FE20] =	vst v27;
	v27 =	vld [tilespmem:s20+$0x95B0]  }
0x1bf: {  	v29 =	vld [tilespmem:s20+$0x95A0]  }
0x1c0: {  	[tilespmem:$0x1FDB0] =	vst v31;
	v31 =	vld [tilespmem:s20+$0x9590]  }
0x1c1: {  	v33 =	vld [tilespmem:s20+$0x9580]  }
0x1c2: {  	v34 =	vld [tilespmem:s20+$0x9570]  }
0x1c3: {  	v36 =	vld [tilespmem:s20+$0x9560]  }
0x1c4: {  	v37 =	vld [tilespmem:s20+$0x9550]  }
0x1c5: {  	v39 =	vld [tilespmem:s20+$0x9540]  }
0x1c6: {  	v41 =	vld [tilespmem:s20+$0x9520]  }
0x1c7: {  	v0 =	vld [tilespmem:s20+$0x9500]  }
0x1c8: {  	v42 =	vld [tilespmem:s20+$0x94F0]  }
0x1c9: {  	v43 =	vld [tilespmem:s20+$0x94E0]  }
0x1ca: {  	v57 =	vld [tilespmem:s20+$0x94D0]  }
0x1cb: {  	v1 =	vld [tilespmem:s20+$0x94C0]  }
0x1cc: {  	v16 =	vld [tilespmem:s20+$0x94B0]  }
0x1cd: {  	[tilespmem:$0x1FD30] =	vst v3;
	v3 =	vld [tilespmem:s20+$0x94A0]  }
0x1ce: {  	v61 =	vld [tilespmem:s20+$0x9490];
	v25 =	vadd.f32 v25, v47  }
0x1cf: {  	v4 =	vld [tilespmem:s20+$0x9480]  }
0x1d0: {  	v59 =	vld [tilespmem:s20+$0x9460];
	v38 =	vadd.f32 v38, v40;
	[tilespmem:$0x1FE80] =	vst v25;
	v25 =	vadd.f32 v32, v46  }
0x1d1: {  	v40 =	vld [tilespmem:s20+$0x93E0];
	v32 =	vadd.f32 v54, v39;
	v54 =	vadd.f32 v56, v42  }
0x1d2: {  	v56 =	vadd.f32 v6, v0;
	v0 =	vadd.f32 v10, v3;
	v3 =	vld [tilespmem:$0x1FD30]  }
0x1d3: {  	v47 =	vadd.f32 v12, v27;
	v12 =	vld [tilespmem:s20+$0x93C0]  }
0x1d4: {  	v23 =	vadd.f32 v23, v49;
	v49 =	vadd.f32 v13, v31;
	v31 =	vld [tilespmem:$0x1FCD0]  }
0x1d5: {  	v13 =	vld [tilespmem:s20+$0x93B0]  }
0x1d6: {  	v30 =	vadd.f32 v30, v45;
	v45 =	vadd.f32 v20, v60;
	v20 =	vld [tilespmem:s20+$0x9380]  }
0x1d7: {  	v6 =	vadd.f32 v3, v59;
	v3 =	vld [tilespmem:$0x1FD40]  }
0x1d8: {  	v60 =	vadd.f32 v9, v57;
	v9 =	vld [tilespmem:s20+$0x9350]  }
0x1d9: {  	v27 =	vadd.f32 v21, v63;
	v21 =	vld [tilespmem:s20+$0x9340]  }
0x1da: {  	[tilespmem:$0x1FE50] =	vst v38;
	v38 =	vld [tilespmem:s20+$0x9440]  }
0x1db: {  	[tilespmem:$0x1FE60] =	vst v30;
	v30 =	vadd.f32 v35, v44;
	v35 =	vld [tilespmem:s20+$0x9430]  }
0x1dc: {  	v4 =	vadd.f32 v3, v4;
	v3 =	vld [tilespmem:$0x1FD50]  }
0x1dd: {  	[tilespmem:$0x1FEA0] =	vst v23;
	v23 =	vadd.f32 v26, v48;
	v26 =	vld [tilespmem:s20+$0x9410]  }
0x1de: {  	v46 =	vadd.f32 v22, v53;
	v53 =	vadd.f32 v52, v37;
	v37 =	vld [tilespmem:$0x1FCE0]  }
0x1df: {  	v52 =	vadd.f32 v15, v36;
	v36 =	vld [tilespmem:$0x1FCF0]  }
0x1e0: {  	v15 =	vld [tilespmem:s20+$0x9390]  }
0x1e1: {  	v10 =	vadd.f32 v3, v35;
	v3 =	vld [tilespmem:$0x1FD60]  }
0x1e2: {  	v44 =	vadd.f32 v24, v55;
	v55 =	vadd.f32 v5, v41;
	v41 =	vld [tilespmem:$0x1FD00]  }
0x1e3: {  	v39 =	vld [tilespmem:$0x1FD10]  }
0x1e4: {  	v42 =	vld [tilespmem:$0x1FD20]  }
0x1e5: {  	v63 =	vadd.f32 v8, v16;
	v5 =	vld [tilespmem:$0x1FD90]  }
0x1e6: {  	v16 =	vadd.f32 v7, v1;
	v7 =	vadd.f32 v3, v38;
	v3 =	vld [tilespmem:$0x1FD70]  }
0x1e7: {  	v48 =	vadd.f32 v2, v29;
	v2 =	vld [tilespmem:s20+$0x9370]  }
0x1e8: {  	[tilespmem:$0x1FE90] =	vst v25;
	v25 =	vld [tilespmem:s20+$0x9420]  }
0x1e9: {  	[tilespmem:$0x1FEB0] =	vst v23;
	v23 =	vadd.f32 v28, v51;
	v28 =	vld [tilespmem:s20+$0x9400]  }
0x1ea: {  	v1 =	vadd.f32 v62, v61;
	v62 =	vadd.f32 v5, v40;
	v5 =	vld [tilespmem:$0x1FDA0]  }
0x1eb: {  	p0 =	sne.s32 s22, $0x18FC0;
	v8 =	vadd.f32 v3, v26;
	v3 =	vld [tilespmem:$0x1FD80]  }
.Ltmp2:
0x1ec: {  	s17 =	sadd.s32 $0x10, s17;
	v22 =	vld [tilespmem:s20+$0x9330];
	(pc) =	sbr.rel @p0 .LBB2_7-.Ltmp2, $4  }
0x1ed: {  	v50 =	vadd.f32 v50, v33;
	v24 =	vld [tilespmem:s17+$0x0]  }
0x1ee: {  	v57 =	vimm.s32 $0x3;
	v61 =	vimm.s32 $0x9;
	v51 =	vadd.f32 v14, v34;
	v14 =	vld [tilespmem:s20+$0x93A0]  }
0x1ef: {  	[tilespmem:$0x1FE70] =	vst v30;
	v30 =	vadd.f32 v11, v43;
	v43 =	vimm.s32 $0x2;
	v11 =	vld [tilespmem:s20+$0x9360];
	v59 =	vimm.s32 $0xB  }
0x1f0: {  	s22 =	sadd.s32 $0x1000, s22;
	v40 =	vmovc v46;
	v46 =	vmovc v27;
	v5 =	vadd.f32 v5, v28;
	v38 =	vmov v23;
	v23 =	vld [tilespmem:s20+$0x9320];
	v3 =	vadd.f32 v3, v25  }
0x1f1: {  	v25 =	vld [tilespmem:s20+$0x92D0]  }
0x1f2: {  	v33 =	vld [tilespmem:s20+$0x92E0]  }
0x1f3: {  	v29 =	vld [tilespmem:$0x1FDB0];
	_ =	sdelay $0x1  }
0x1f4: {  	v26 =	vld [tilespmem:s20+$0x92F0]  }
0x1f5: {  	v28 =	vld [tilespmem:s20+$0x9300];
	v35 =	vcvt.s32.f32 v24  }
0x1f6: {  	v27 =	vimm.s32 $0x0;
	v24 =	vadd.f32 v31, v33;
	v33 =	vld [tilespmem:$0x1FDC0]  }
0x1f7: {  	v27 =	vperm.xlane v35, v27;
	v25 =	vadd.f32 v29, v25;
	v29 =	vld [tilespmem:s20+$0x9310];
	_ =	sdelay $0x1  }
0x1f8: {  	v31 =	vmul.f32 v27, v17  }
0x1f9: {  	v34 =	vmul.f32 v27, v18;
	v28 =	vadd.f32 v41, v28;
	v41 =	vmul.f32 v27, v58  }
0x1fa: {  	v24 =	vadd.f32 v24, v31;
	v26 =	vadd.f32 v33, v26;
	v33 =	vmul.f32 v27, v19  }
0x1fb: {  	v25 =	vadd.f32 v25, v34;
	v29 =	vadd.f32 v37, v29;
	v37 =	vld [tilespmem:$0x1FDD0]  }
0x1fc: {  	[tilespmem:s20+$0x92E0] =	vst v24;
	v24 =	vadd.f32 v28, v41;
	v34 =	vadd.f32 v26, v33;
	v33 =	vimm.s32 $0x1  }
0x1fd: {  	v26 =	vperm.xlane v35, v33  }
0x1fe: {  	[tilespmem:s20+$0x9300] =	vst v24;
	v24 =	vld [tilespmem:$0x1FE20]  }
0x1ff: {  	v33 =	vld [tilespmem:$0x1FDE0];
	[tilespmem:s20+$0x92F0] =	vst v34;
	v34 =	vmul.f32 v26, v18  }
0x200: {  	v23 =	vadd.f32 v37, v23;
	v37 =	vld [tilespmem:$0x1FE00]  }
0x201: {  	[tilespmem:s20+$0x92D0] =	vst v25;
	v25 =	vadd.f32 v29, v34;
	v34 =	vld [tilespmem:$0x1FDF0]  }
0x202: {  	v41 =	vmul.f32 v26, v17  }
0x203: {  	v2 =	vadd.f32 v36, v2;
	v29 =	vperm.xlane v35, v43  }
0x204: {  	v31 =	vmul.f32 v26, v19;
	v20 =	vadd.f32 v24, v20;
	v23 =	vadd.f32 v23, v41  }
0x205: {  	v28 =	vld [tilespmem:s20+$0x2F30];
	v22 =	vadd.f32 v33, v22;
	v41 =	vmul.f32 v29, v18;
	v9 =	vadd.f32 v37, v9  }
0x206: {  	v27 =	vld [tilespmem:s20+$0x2F10];
	v37 =	vmul.f32 v29, v17;
	v21 =	vadd.f32 v34, v21;
	v34 =	vmul.f32 v26, v58  }
0x207: {  	v33 =	vld [tilespmem:s20+$0x93D0];
	v9 =	vadd.f32 v9, v41;
	v41 =	vmul.f32 v29, v19;
	v29 =	vmul.f32 v29, v58  }
0x208: {  	v15 =	vadd.f32 v39, v15;
	[tilespmem:s20+$0x9310] =	vst v25;
	v25 =	vperm.xlane v35, v57;
	v22 =	vadd.f32 v22, v31;
	v26 =	vld [tilespmem:s20+$0x93F0]  }
0x209: {  	[tilespmem:s20+$0x9320] =	vst v23;
	v21 =	vadd.f32 v21, v34;
	v34 =	vld [tilespmem:$0x1FE10];
	v20 =	vadd.f32 v20, v29  }
0x20a: {  	v36 =	vld [tilespmem:$0x1FE30];
	v31 =	vmul.f32 v25, v18;
	[tilespmem:s20+$0x9350] =	vst v9;
	v2 =	vadd.f32 v2, v41;
	v41 =	vimm.s32 $0x4  }
0x20b: {  	v12 =	vadd.f32 v42, v12;
	v9 =	vmul.f32 v25, v58;
	[tilespmem:s20+$0x9380] =	vst v20;
	v20 =	vperm.xlane v35, v41  }
0x20c: {  	[tilespmem:s20+$0x9330] =	vst v22;
	v42 =	vadd.f32 v27, v33  }
0x20d: {  	[tilespmem:s20+$0x9370] =	vst v2;
	v2 =	vadd.f32 v15, v31;
	v9 =	vadd.f32 v12, v9;
	v24 =	vmul.f32 v20, v18  }
0x20e: {  	[tilespmem:s20+$0x9340] =	vst v21;
	v26 =	vadd.f32 v28, v26;
	v27 =	vmul.f32 v20, v19;
	v11 =	vadd.f32 v34, v11;
	v34 =	vld [tilespmem:$0x1FE40]  }
0x20f: {  	v14 =	vadd.f32 v36, v14;
	[tilespmem:s20+$0x9390] =	vst v2;
	v31 =	vmul.f32 v20, v58;
	v2 =	vadd.f32 v42, v24  }
0x210: {  	v39 =	vmul.f32 v25, v19;
	v29 =	vimm.s32 $0x5;
	[tilespmem:s20+$0x93C0] =	vst v9;
	v28 =	vadd.f32 v26, v27  }
0x211: {  	v23 =	vld [tilespmem:s20+$0x9450];
	v5 =	vadd.f32 v5, v31;
	v11 =	vadd.f32 v11, v37;
	v37 =	vmul.f32 v25, v17;
	[tilespmem:s20+$0x93D0] =	vst v2  }
0x212: {  	v22 =	vld [tilespmem:s20+$0x9470];
	v25 =	vmul.f32 v20, v17;
	v2 =	vperm.xlane v35, v29;
	[tilespmem:s20+$0x93F0] =	vst v28  }
0x213: {  	v21 =	vld [tilespmem:s20+$0x2F90];
	[tilespmem:s20+$0x9400] =	vst v5;
	v14 =	vadd.f32 v14, v37;
	v13 =	vadd.f32 v34, v13  }
0x214: {  	v5 =	vld [tilespmem:s20+$0x3070];
	[tilespmem:s20+$0x9360] =	vst v11;
	v12 =	vadd.f32 v62, v25;
	v33 =	vmul.f32 v2, v18  }
0x215: {  	v20 =	vimm.s32 $0x7;
	v11 =	vld [tilespmem:s20+$0x2FB0];
	v34 =	vmul.f32 v2, v17;
	[tilespmem:s20+$0x93A0] =	vst v14;
	v13 =	vadd.f32 v13, v39  }
0x216: {  	v62 =	vld [tilespmem:s20+$0x9530];
	v36 =	vmul.f32 v2, v19;
	[tilespmem:s20+$0x93E0] =	vst v12;
	v12 =	vperm.xlane v35, v20;
	v8 =	vadd.f32 v8, v33  }
0x217: {  	v37 =	vimm.s32 $0x6;
	v2 =	vmul.f32 v2, v58;
	v3 =	vadd.f32 v3, v34;
	[tilespmem:s20+$0x93B0] =	vst v13  }
0x218: {  	v10 =	vadd.f32 v10, v36;
	v39 =	vadd.f32 v21, v23;
	v24 =	vmul.f32 v12, v18;
	[tilespmem:s20+$0x9410] =	vst v8  }
0x219: {  	v2 =	vadd.f32 v7, v2;
	v25 =	vmul.f32 v12, v17;
	v13 =	vperm.xlane v35, v37;
	[tilespmem:s20+$0x9420] =	vst v3  }
0x21a: {  	v26 =	vmul.f32 v12, v19;
	v11 =	vadd.f32 v11, v22;
	[tilespmem:s20+$0x9430] =	vst v10;
	v1 =	vadd.f32 v1, v24  }
0x21b: {  	v9 =	vld [tilespmem:s20+$0x3050];
	[tilespmem:s20+$0x9440] =	vst v2;
	v5 =	vadd.f32 v5, v62;
	v0 =	vadd.f32 v0, v25;
	v41 =	vmul.f32 v13, v18  }
0x21c: {  	v8 =	vld [tilespmem:s20+$0x9510];
	v62 =	vimm.s32 $0xA;
	v27 =	vadd.f32 v63, v26;
	v42 =	vmul.f32 v13, v17;
	[tilespmem:s20+$0x9490] =	vst v1  }
0x21d: {  	v10 =	vperm.xlane v35, v62;
	v21 =	vmul.f32 v13, v19;
	[tilespmem:s20+$0x94A0] =	vst v0;
	v3 =	vadd.f32 v39, v41  }
0x21e: {  	v22 =	vmul.f32 v13, v58;
	[tilespmem:s20+$0x94B0] =	vst v27;
	v6 =	vadd.f32 v6, v42  }
0x21f: {  	v20 =	vmul.f32 v10, v18;
	v23 =	vadd.f32 v11, v21;
	[tilespmem:s20+$0x9450] =	vst v3  }
0x220: {  	v28 =	vimm.s32 $0x8;
	v24 =	vmul.f32 v10, v19;
	v2 =	vadd.f32 v4, v22;
	[tilespmem:s20+$0x9460] =	vst v6  }
0x221: {  	v29 =	vmul.f32 v12, v58;
	v39 =	vadd.f32 v9, v8;
	v8 =	vadd.f32 v53, v20;
	[tilespmem:s20+$0x9470] =	vst v23  }
0x222: {  	v1 =	vperm.xlane v35, v28;
	v22 =	vmul.f32 v10, v17;
	v12 =	vadd.f32 v51, v24;
	[tilespmem:s20+$0x9480] =	vst v2  }
0x223: {  	v10 =	vmul.f32 v10, v58;
	v3 =	vadd.f32 v16, v29;
	[tilespmem:s20+$0x9550] =	vst v8  }
0x224: {  	v31 =	vmul.f32 v1, v18;
	v11 =	vadd.f32 v52, v22;
	[tilespmem:s20+$0x9570] =	vst v12  }
0x225: {  	v37 =	vperm.xlane v35, v61;
	v33 =	vmul.f32 v1, v17;
	v10 =	vadd.f32 v50, v10;
	[tilespmem:s20+$0x94C0] =	vst v3  }
0x226: {  	v34 =	vmul.f32 v1, v19;
	v0 =	vadd.f32 v60, v31;
	[tilespmem:s20+$0x9560] =	vst v11  }
0x227: {  	v36 =	vmul.f32 v1, v58;
	v1 =	vmul.f32 v37, v58;
	v4 =	vadd.f32 v30, v33;
	[tilespmem:s20+$0x9580] =	vst v10  }
0x228: {  	v6 =	vadd.f32 v54, v34;
	[tilespmem:s20+$0x94D0] =	vst v0  }
0x229: {  	v41 =	vmul.f32 v37, v18;
	v1 =	vadd.f32 v32, v1;
	[tilespmem:s20+$0x94E0] =	vst v4  }
0x22a: {  	v23 =	vperm.xlane v35, v59;
	v54 =	vmul.f32 v37, v17;
	v0 =	vadd.f32 v56, v36;
	[tilespmem:s20+$0x94F0] =	vst v6  }
0x22b: {  	v7 =	vld [tilespmem:s20+$0x9610];
	v51 =	vimm.s32 $0xF;
	v60 =	vmul.f32 v37, v19;
	v4 =	vadd.f32 v39, v41;
	[tilespmem:s20+$0x9540] =	vst v1  }
0x22c: {  	v61 =	vld [tilespmem:s20+$0x31E0];
	v29 =	vimm.s32 $0xC;
	v26 =	vmul.f32 v23, v18;
	v6 =	vadd.f32 v55, v54;
	[tilespmem:s20+$0x9500] =	vst v0  }
0x22d: {  	v63 =	vld [tilespmem:s20+$0x96A0];
	v9 =	vperm.xlane v35, v51;
	v28 =	vmul.f32 v23, v17;
	v5 =	vadd.f32 v5, v60;
	[tilespmem:s20+$0x9510] =	vst v4  }
0x22e: {  	v2 =	vld [tilespmem:s20+$0x3150];
	v15 =	vperm.xlane v35, v29;
	v30 =	vmul.f32 v23, v19;
	v8 =	vadd.f32 v49, v26;
	[tilespmem:s20+$0x9520] =	vst v6  }
0x22f: {  	v25 =	vld [tilespmem:s20+$0x9690];
	v1 =	vmul.f32 v23, v58;
	v11 =	vadd.f32 v48, v28;
	[tilespmem:s20+$0x9530] =	vst v5  }
0x230: {  	v42 =	vld [tilespmem:s20+$0x9630];
	v59 =	vmul.f32 v9, v17;
	v34 =	vmul.f32 v15, v19;
	v31 =	vadd.f32 v47, v30;
	[tilespmem:s20+$0x9590] =	vst v8  }
0x231: {  	v3 =	vld [tilespmem:s20+$0x3170];
	v32 =	vmul.f32 v15, v18;
	v33 =	vmul.f32 v15, v17;
	v1 =	vadd.f32 v46, v1;
	[tilespmem:s20+$0x95A0] =	vst v11  }
0x232: {  	v27 =	vld [tilespmem:s20+$0x96B0];
	v36 =	vimm.s32 $0xD;
	v37 =	vmul.f32 v15, v58;
	v12 =	vadd.f32 v40, v34;
	[tilespmem:s20+$0x95B0] =	vst v31  }
0x233: {  	v56 =	vld [tilespmem:s20+$0x31D0];
	v10 =	vperm.xlane v35, v36;
	v2 =	vadd.f32 v2, v7;
	v8 =	vadd.f32 v45, v32;
	[tilespmem:s20+$0x95C0] =	vst v1  }
0x234: {  	v41 =	vimm.s32 $0xE;
	v47 =	vld [tilespmem:$0x1FEB0];
	v4 =	vadd.f32 v61, v63;
	v11 =	vadd.f32 v44, v33;
	[tilespmem:s20+$0x95F0] =	vst v12  }
0x235: {  	v49 =	vld [tilespmem:$0x1FE80];
	v7 =	vperm.xlane v35, v41;
	v39 =	vmul.f32 v10, v18;
	v1 =	vadd.f32 v38, v37;
	[tilespmem:s20+$0x95D0] =	vst v8  }
0x236: {  	v21 =	vld [tilespmem:s20+$0x31F0];
	v3 =	vadd.f32 v3, v42;
	v42 =	vmul.f32 v10, v19;
	v61 =	vadd.f32 v4, v59;
	[tilespmem:s20+$0x95E0] =	vst v11  }
0x237: {  	v44 =	vld [tilespmem:$0x1FEA0];
	v45 =	vmul.f32 v10, v58;
	v2 =	vadd.f32 v2, v39;
	[tilespmem:s20+$0x9600] =	vst v1  }
0x238: {  	v54 =	vld [tilespmem:$0x1FE60];
	v46 =	vmul.f32 v7, v18;
	v3 =	vadd.f32 v3, v42;
	[tilespmem:s20+$0x96A0] =	vst v61  }
0x239: {  	v55 =	vmul.f32 v9, v18;
	v0 =	vadd.f32 v56, v25;
	v1 =	vadd.f32 v47, v45;
	[tilespmem:s20+$0x9610] =	vst v2  }
0x23a: {  	v63 =	vld [tilespmem:$0x1FE50];
	v40 =	vmul.f32 v10, v17;
	v2 =	vadd.f32 v49, v46;
	[tilespmem:s20+$0x9630] =	vst v3  }
0x23b: {  	v52 =	vld [tilespmem:$0x1FE90];
	v50 =	vmul.f32 v7, v19;
	v0 =	vadd.f32 v0, v55;
	[tilespmem:s20+$0x9640] =	vst v1  }
0x23c: {  	v60 =	vmul.f32 v9, v19;
	v5 =	vadd.f32 v21, v27;
	v56 =	vld [tilespmem:$0x1FE70];
	v8 =	vadd.f32 v44, v40;
	[tilespmem:s20+$0x9650] =	vst v2  }
0x23d: {  	v62 =	vmul.f32 v9, v58;
	v3 =	vadd.f32 v54, v50;
	[tilespmem:s20+$0x9690] =	vst v0  }
0x23e: {  	v48 =	vmul.f32 v7, v17;
	v2 =	vadd.f32 v5, v60;
	[tilespmem:s20+$0x9620] =	vst v8  }
0x23f: {  	s17 =	smul.u32 $0x320, s15;
	v53 =	vmul.f32 v7, v58;
	v0 =	vadd.f32 v63, v62;
	[tilespmem:s20+$0x9670] =	vst v3  }
0x240: {  	v8 =	vadd.f32 v52, v48;
	[tilespmem:s20+$0x96B0] =	vst v2  }
0x241: {  	s17 =	sadd.s32 s4, s17;
	v1 =	vadd.f32 v56, v53;
	[tilespmem:s20+$0x96C0] =	vst v0  }
0x242: {  	p0 =	seq.s32 s15, $0x7;
	s17 =	sshll.u32 s17, $0x3;
	[tilespmem:s20+$0x9660] =	vst v8  }
.Ltmp3:
0x243: {  	s17 =	sadd.s32 s2, s17;
	[tilespmem:s20+$0x9680] =	vst v1;
	(pc) =	sbr.rel @p0 .LBB2_10-.Ltmp3, $4  }
0x244: {  	[hbm4b:s17+s3] =	stream.linear.scatter [tilespmem:s12], [sflag:$0x3], $0x6400, $0x38;
	[tilespmem:$0x15EC0] =	vst v63  }
0x245: {  	_ =	swait.ge [sflag:s11], $0x6400  }
0x246: {  	[sflag:s11] =	ssyncset.done $0x0  }
0x247: {  	v54 =	vimm.s32 $0xA;
	[sflag:s11] =	ssyncadd.s32 $0xFFFF9C00  }
0x248: {  	s17 =	sshra.s32 s21, $0x2  }
0x249: {  	v0 =	vld [tilespmem:s17+$0x320];
	_ =	sdelay $0x7  }
0x24a: {  	[tilespmem:s12], [sflag:$0x1] =	stream.indirect_vreg.gather [hbm4b:s5+s3], $0x40, v0, vm0, $0xb8;
	[tilespmem:$0x15EC0] =	vst v63  }
0x24b: {  	v0 =	vld [tilespmem:s17+$0x330];
	_ =	sdelay $0x6  }
0x24c: {  	s20 =	simm.s32 $0x9AC0  }
0x24d: {  	[tilespmem:s20], [sflag:$0x1] =	stream.indirect_vreg.gather [hbm4b:s5+s3], $0x40, v0, vm0, $0xb8;
	[tilespmem:$0x15EC0] =	vst v63  }
0x24e: {  	v0 =	vld [tilespmem:s17+$0x340];
	_ =	sdelay $0x6  }
0x24f: {  	s22 =	simm.s32 $0x9EC0  }
0x250: {  	[tilespmem:s22], [sflag:$0x1] =	stream.indirect_vreg.gather [hbm4b:s5+s3], $0x40, v0, vm0, $0xb8;
	[tilespmem:$0x15EC0] =	vst v63  }
0x251: {  	v0 =	vld [tilespmem:s17+$0x350];
	_ =	sdelay $0x6  }
0x252: {  	s24 =	simm.s32 $0xA2C0  }
0x253: {  	[tilespmem:s24], [sflag:$0x1] =	stream.indirect_vreg.gather [hbm4b:s5+s3], $0x40, v0, vm0, $0xb8;
	[tilespmem:$0x15EC0] =	vst v63  }
0x254: {  	v0 =	vld [tilespmem:s17+$0x360];
	_ =	sdelay $0x6  }
0x255: {  	s21 =	simm.s32 $0xA6C0  }
0x256: {  	[tilespmem:s21], [sflag:$0x1] =	stream.indirect_vreg.gather [hbm4b:s5+s3], $0x40, v0, vm0, $0xb8;
	[tilespmem:$0x15EC0] =	vst v63  }
0x257: {  	v0 =	vld [tilespmem:s17+$0x370];
	_ =	sdelay $0x6  }
0x258: {  	s22 =	simm.s32 $0xAAC0  }
0x259: {  	[tilespmem:s22], [sflag:$0x1] =	stream.indirect_vreg.gather [hbm4b:s5+s3], $0x40, v0, vm0, $0xb8;
	[tilespmem:$0x15EC0] =	vst v63  }
0x25a: {  	v0 =	vld [tilespmem:s17+$0x380];
	_ =	sdelay $0x6  }
0x25b: {  	s24 =	simm.s32 $0xAEC0  }
0x25c: {  	[tilespmem:s24], [sflag:$0x1] =	stream.indirect_vreg.gather [hbm4b:s5+s3], $0x40, v0, vm0, $0xb8;
	[tilespmem:$0x15EC0] =	vst v63  }
0x25d: {  	v0 =	vld [tilespmem:s17+$0x390];
	_ =	sdelay $0x6  }
0x25e: {  	s21 =	simm.s32 $0xB2C0  }
0x25f: {  	[tilespmem:s21], [sflag:$0x1] =	stream.indirect_vreg.gather [hbm4b:s5+s3], $0x40, v0, vm0, $0xb8;
	[tilespmem:$0x15EC0] =	vst v63  }
0x260: {  	v0 =	vld [tilespmem:s17+$0x3A0];
	_ =	sdelay $0x6  }
0x261: {  	s22 =	simm.s32 $0xB6C0  }
0x262: {  	[tilespmem:s22], [sflag:$0x1] =	stream.indirect_vreg.gather [hbm4b:s5+s3], $0x40, v0, vm0, $0xb8;
	[tilespmem:$0x15EC0] =	vst v63  }
0x263: {  	v0 =	vld [tilespmem:s17+$0x3B0];
	_ =	sdelay $0x6  }
0x264: {  	s24 =	simm.s32 $0xBAC0  }
0x265: {  	[tilespmem:s24], [sflag:$0x1] =	stream.indirect_vreg.gather [hbm4b:s5+s3], $0x40, v0, vm0, $0xb8;
	[tilespmem:$0x15EC0] =	vst v63  }
0x266: {  	v0 =	vld [tilespmem:s17+$0x3C0];
	_ =	sdelay $0x6  }
0x267: {  	s21 =	simm.s32 $0xBEC0  }
0x268: {  	[tilespmem:s21], [sflag:$0x1] =	stream.indirect_vreg.gather [hbm4b:s5+s3], $0x40, v0, vm0, $0xb8;
	[tilespmem:$0x15EC0] =	vst v63  }
0x269: {  	v0 =	vld [tilespmem:s17+$0x3D0];
	_ =	sdelay $0x6  }
0x26a: {  	s22 =	simm.s32 $0xC2C0  }
0x26b: {  	[tilespmem:s22], [sflag:$0x1] =	stream.indirect_vreg.gather [hbm4b:s5+s3], $0x40, v0, vm0, $0xb8;
	[tilespmem:$0x15EC0] =	vst v63  }
0x26c: {  	v0 =	vld [tilespmem:s17+$0x3E0];
	_ =	sdelay $0x6  }
0x26d: {  	s24 =	simm.s32 $0xC6C0  }
0x26e: {  	[tilespmem:s24], [sflag:$0x1] =	stream.indirect_vreg.gather [hbm4b:s5+s3], $0x40, v0, vm0, $0xb8;
	[tilespmem:$0x15EC0] =	vst v63  }
0x26f: {  	v0 =	vld [tilespmem:s17+$0x3F0];
	_ =	sdelay $0x7  }
0x270: {  	[tilespmem:s25], [sflag:$0x1] =	stream.indirect_vreg.gather [hbm4b:s5+s3], $0x40, v0, vm0, $0xb8;
	[tilespmem:$0x15EC0] =	vst v63  }
0x271: {  	v0 =	vld [tilespmem:s17+$0x400];
	_ =	sdelay $0x7  }
0x272: {  	[tilespmem:s26], [sflag:$0x1] =	stream.indirect_vreg.gather [hbm4b:s5+s3], $0x40, v0, vm0, $0xb8;
	[tilespmem:$0x15EC0] =	vst v63  }
0x273: {  	v0 =	vld [tilespmem:s17+$0x410];
	_ =	sdelay $0x7  }
0x274: {  	[tilespmem:s28], [sflag:$0x1] =	stream.indirect_vreg.gather [hbm4b:s5+s3], $0x40, v0, vm0, $0xb8;
	[tilespmem:$0x15EC0] =	vst v63  }
0x275: {  	v0 =	vld [tilespmem:s17+$0x420];
	_ =	sdelay $0x7  }
0x276: {  	[tilespmem:s29], [sflag:$0x1] =	stream.indirect_vreg.gather [hbm4b:s5+s3], $0x40, v0, vm0, $0xb8;
	[tilespmem:$0x15EC0] =	vst v63  }
0x277: {  	v0 =	vld [tilespmem:s17+$0x430];
	_ =	sdelay $0x7  }
0x278: {  	[tilespmem:s30], [sflag:$0x1] =	stream.indirect_vreg.gather [hbm4b:s5+s3], $0x40, v0, vm0, $0xb8;
	[tilespmem:$0x15EC0] =	vst v63  }
0x279: {  	v0 =	vld [tilespmem:s17+$0x440];
	_ =	sdelay $0x7  }
0x27a: {  	[tilespmem:s31], [sflag:$0x1] =	stream.indirect_vreg.gather [hbm4b:s5+s3], $0x40, v0, vm0, $0xb8;
	[tilespmem:$0x15EC0] =	vst v63  }
0x27b: {  	v0 =	vld [tilespmem:s17+$0x450];
	_ =	sdelay $0x7  }
0x27c: {  	[tilespmem:s1], [sflag:$0x1] =	stream.indirect_vreg.gather [hbm4b:s5+s3], $0x40, v0, vm0, $0xb8;
	[tilespmem:$0x15EC0] =	vst v63  }
0x27d: {  	v0 =	vld [tilespmem:s17+$0x460];
	_ =	sdelay $0x7  }
0x27e: {  	[tilespmem:s0], [sflag:$0x1] =	stream.indirect_vreg.gather [hbm4b:s5+s3], $0x40, v0, vm0, $0xb8;
	[tilespmem:$0x15EC0] =	vst v63  }
0x27f: {  	v0 =	vld [tilespmem:s17+$0x470];
	_ =	sdelay $0x7  }
0x280: {  	[tilespmem:s7], [sflag:$0x1] =	stream.indirect_vreg.gather [hbm4b:s5+s3], $0x40, v0, vm0, $0xb8;
	[tilespmem:$0x15EC0] =	vst v63  }
0x281: {  	v0 =	vld [tilespmem:s17+$0x480];
	_ =	sdelay $0x7  }
0x282: {  	[tilespmem:s8], [sflag:$0x1] =	stream.indirect_vreg.gather [hbm4b:s5+s3], $0x40, v0, vm0, $0xb8;
	[tilespmem:$0x15EC0] =	vst v63  }
0x283: {  	v0 =	vld [tilespmem:s17+$0x490];
	_ =	sdelay $0x7  }
0x284: {  	[tilespmem:s9], [sflag:$0x1] =	stream.indirect_vreg.gather [hbm4b:s5+s3], $0x40, v0, vm0, $0xb8;
	[tilespmem:$0x15EC0] =	vst v63  }
0x285: {  	v0 =	vld [tilespmem:s17+$0x4A0];
	_ =	sdelay $0x7  }
0x286: {  	[tilespmem:s10], [sflag:$0x1] =	stream.indirect_vreg.gather [hbm4b:s5+s3], $0x40, v0, vm0, $0xb8;
	[tilespmem:$0x15EC0] =	vst v63  }
.LBB2_10:
0x287: {  	_ =	swait.ge [sflag:s13], $0x6400  }
0x288: {  	[sflag:s13] =	ssyncset.done $0x0  }
0x289: {  	s20 =	simm.s32 $0x0;
	[sflag:s13] =	ssyncadd.s32 $0xFFFF9C00  }
0x28a: {  	v0 =	vld [tilespmem:s20+$0x3210];
	_ =	sdelay $0x4  }
0x28b: {  	[tilespmem:$0x1FAA0] =	vst v0;
	v0 =	vld [tilespmem:s20+$0x3220];
	_ =	sdelay $0x4  }
0x28c: {  	[tilespmem:$0x1FAB0] =	vst v0;
	v0 =	vld [tilespmem:s20+$0x3260];
	_ =	sdelay $0x4  }
0x28d: {  	[tilespmem:$0x1FAC0] =	vst v0;
	v0 =	vld [tilespmem:s20+$0x3270];
	_ =	sdelay $0x4  }
0x28e: {  	[tilespmem:$0x1FAD0] =	vst v0;
	v0 =	vld [tilespmem:s20+$0x3280];
	_ =	sdelay $0x4  }
0x28f: {  	[tilespmem:$0x1FAE0] =	vst v0;
	v0 =	vld [tilespmem:s20+$0x3290];
	_ =	sdelay $0x4  }
0x290: {  	[tilespmem:$0x1FAF0] =	vst v0;
	v0 =	vld [tilespmem:s20+$0x32B0];
	_ =	sdelay $0x4  }
0x291: {  	[tilespmem:$0x1FB00] =	vst v0;
	v0 =	vld [tilespmem:s20+$0x32D0];
	_ =	sdelay $0x4  }
0x292: {  	[tilespmem:$0x1FB10] =	vst v0;
	v0 =	vld [tilespmem:s20+$0x32E0];
	_ =	sdelay $0x4  }
0x293: {  	[tilespmem:$0x1FB20] =	vst v0;
	v0 =	vld [tilespmem:s20+$0x33B0];
	_ =	sdelay $0x4  }
0x294: {  	[tilespmem:$0x1FCA0] =	vst v0;
	v0 =	vld [tilespmem:s20+$0x33C0];
	_ =	sdelay $0x4  }
0x295: {  	[tilespmem:$0x1FC50] =	vst v0;
	v0 =	vld [tilespmem:s20+$0x33D0];
	_ =	sdelay $0x4  }
0x296: {  	[tilespmem:$0x1FC70] =	vst v0;
	v0 =	vld [tilespmem:s20+$0x33E0];
	_ =	sdelay $0x4  }
0x297: {  	[tilespmem:$0x1FC20] =	vst v0;
	v0 =	vld [tilespmem:s20+$0x33F0];
	_ =	sdelay $0x4  }
0x298: {  	[tilespmem:$0x1FC30] =	vst v0;
	v0 =	vld [tilespmem:s20+$0x3400];
	_ =	sdelay $0x2  }
0x299: {  	v19 =	vld [tilespmem:s20+$0x3200]  }
0x29a: {  	v31 =	vld [tilespmem:s20+$0x3230]  }
0x29b: {  	[tilespmem:$0x1FBF0] =	vst v0;
	v0 =	vld [tilespmem:s20+$0x3410]  }
0x29c: {  	v37 =	vld [tilespmem:s20+$0x3240]  }
0x29d: {  	v41 =	vld [tilespmem:s20+$0x3250]  }
0x29e: {  	v36 =	vld [tilespmem:s20+$0x32A0]  }
0x29f: {  	v39 =	vld [tilespmem:s20+$0x32C0]  }
0x2a0: {  	[tilespmem:$0x1FC00] =	vst v0;
	v0 =	vld [tilespmem:s20+$0x3420]  }
0x2a1: {  	v42 =	vld [tilespmem:s20+$0x32F0]  }
0x2a2: {  	v18 =	vld [tilespmem:s20+$0x3310]  }
0x2a3: {  	v25 =	vld [tilespmem:s20+$0x3330]  }
0x2a4: {  	v26 =	vld [tilespmem:s20+$0x3340]  }
0x2a5: {  	[tilespmem:$0x1FBC0] =	vst v0;
	v0 =	vld [tilespmem:s20+$0x3430]  }
0x2a6: {  	v27 =	vld [tilespmem:s20+$0x3350]  }
0x2a7: {  	v29 =	vld [tilespmem:s20+$0x3360]  }
0x2a8: {  	v46 =	vld [tilespmem:s20+$0x34E0]  }
0x2a9: {  	v17 =	vld [tilespmem:s20+$0xFCB0]  }
0x2aa: {  	[tilespmem:$0x1FBD0] =	vst v0;
	v0 =	vld [tilespmem:s20+$0x3450]  }
0x2ab: {  	v44 =	vld [tilespmem:s20+$0x3500]  }
0x2ac: {  	v32 =	vld [tilespmem:s20+$0x3550]  }
0x2ad: {  	v40 =	vld [tilespmem:s20+$0x3570]  }
0x2ae: {  	[tilespmem:$0x1FC40] =	vst v17;
	v17 =	vld [tilespmem:s20+$0xFC90]  }
0x2af: {  	[tilespmem:$0x1FBA0] =	vst v0;
	v0 =	vld [tilespmem:s20+$0x3470]  }
0x2b0: {  	v35 =	vld [tilespmem:s20+$0x3590]  }
0x2b1: {  	v30 =	vld [tilespmem:s20+$0x35A0]  }
0x2b2: {  	v52 =	vld [tilespmem:s20+$0x35F0]  }
0x2b3: {  	[tilespmem:$0x1FC80] =	vst v17;
	v17 =	vld [tilespmem:s20+$0xFC80]  }
0x2b4: {  	[tilespmem:$0x1FBB0] =	vst v0;
	v0 =	vld [tilespmem:s20+$0x3490]  }
0x2b5: {  	v5 =	vld [tilespmem:s20+$0xFE50]  }
0x2b6: {  	v60 =	vld [tilespmem:s20+$0xFE30]  }
0x2b7: {  	v61 =	vld [tilespmem:s20+$0xFE10]  }
0x2b8: {  	[tilespmem:$0x1FC60] =	vst v17;
	v17 =	vld [tilespmem:s20+$0xFC70]  }
0x2b9: {  	[tilespmem:$0x1FB90] =	vst v0;
	v0 =	vld [tilespmem:s20+$0xFDC0]  }
0x2ba: {  	v53 =	vld [tilespmem:s20+$0xFEB0];
	v5 =	vadd.f32 v35, v5  }
0x2bb: {  	v56 =	vld [tilespmem:s20+$0xFE60]  }
0x2bc: {  	v13 =	vld [tilespmem:s20+$0xFD50];
	[tilespmem:$0x1FB60] =	vst v5;
	v5 =	vadd.f32 v32, v61  }
0x2bd: {  	[tilespmem:$0x1FCB0] =	vst v17;
	v17 =	vld [tilespmem:s20+$0xFC50]  }
0x2be: {  	[tilespmem:$0x1FB70] =	vst v5;
	v5 =	vadd.f32 v40, v60;
	v40 =	vadd.f32 v44, v0;
	v0 =	vld [tilespmem:$0x1FB90]  }
0x2bf: {  	v51 =	vld [tilespmem:s20+$0x35B0]  }
0x2c0: {  	v55 =	vld [tilespmem:s20+$0xFE70]  }
0x2c1: {  	v28 =	vld [tilespmem:s20+$0x3580]  }
0x2c2: {  	v9 =	vld [tilespmem:s20+$0xFD10];
	v58 =	vadd.f32 v52, v53  }
0x2c3: {  	[tilespmem:$0x1FC90] =	vst v17;
	v17 =	vadd.f32 v30, v56;
	v52 =	vadd.f32 v0, v13;
	v0 =	vld [tilespmem:$0x1FBA0]  }
0x2c4: {  	v59 =	vld [tilespmem:s20+$0xFE40]  }
0x2c5: {  	v20 =	vld [tilespmem:s20+$0xFD30];
	[tilespmem:$0x1FB30] =	vst v17;
	v17 =	vadd.f32 v51, v55  }
0x2c6: {  	v11 =	vld [tilespmem:s20+$0xFCF0]  }
0x2c7: {  	[tilespmem:$0x1FB40] =	vst v17;
	v17 =	vld [tilespmem:s20+$0xFC30]  }
0x2c8: {  	v55 =	vadd.f32 v0, v9;
	v0 =	vld [tilespmem:$0x1FBB0]  }
0x2c9: {  	v47 =	vld [tilespmem:s20+$0x3510]  }
0x2ca: {  	v2 =	vld [tilespmem:s20+$0xFDD0]  }
0x2cb: {  	v1 =	vld [tilespmem:s20+$0xFDA0]  }
0x2cc: {  	[tilespmem:$0x1FBE0] =	vst v11;
	v11 =	vld [tilespmem:s20+$0xFCE0]  }
0x2cd: {  	[tilespmem:$0x1FCC0] =	vst v17;
	v17 =	vadd.f32 v28, v59;
	v59 =	vadd.f32 v0, v20;
	v0 =	vld [tilespmem:$0x1FBC0]  }
0x2ce: {  	v33 =	vld [tilespmem:s20+$0x3370]  }
0x2cf: {  	v34 =	vld [tilespmem:s20+$0x3390]  }
0x2d0: {  	v16 =	vld [tilespmem:s20+$0xFCD0]  }
0x2d1: {  	v44 =	vadd.f32 v47, v2;
	v47 =	vadd.f32 v46, v1;
	v1 =	vld [tilespmem:$0x1FBE0]  }
0x2d2: {  	v30 =	vadd.f32 v0, v11;
	v0 =	vld [tilespmem:$0x1FBD0]  }
0x2d3: {  	v15 =	vld [tilespmem:s20+$0x3480]  }
0x2d4: {  	v14 =	vld [tilespmem:s20+$0x34A0]  }
0x2d5: {  	v50 =	vld [tilespmem:s20+$0x34B0]  }
0x2d6: {  	[tilespmem:$0x1FC10] =	vst v16;
	v16 =	vld [tilespmem:s20+$0xFCC0]  }
0x2d7: {  	v56 =	vadd.f32 v0, v1;
	v0 =	vld [tilespmem:$0x1FBF0]  }
0x2d8: {  	v12 =	vld [tilespmem:s20+$0x34C0]  }
0x2d9: {  	v48 =	vld [tilespmem:s20+$0x34D0]  }
0x2da: {  	v49 =	vld [tilespmem:s20+$0x34F0]  }
0x2db: {  	v1 =	vld [tilespmem:$0x1FC10]  }
0x2dc: {  	v60 =	vadd.f32 v0, v16;
	v0 =	vld [tilespmem:$0x1FC00]  }
0x2dd: {  	v38 =	vld [tilespmem:s20+$0x3520]  }
0x2de: {  	v45 =	vld [tilespmem:s20+$0x3530]  }
0x2df: {  	v63 =	vld [tilespmem:s20+$0xFDE0]  }
0x2e0: {  	v21 =	vld [tilespmem:s20+$0xFCA0]  }
0x2e1: {  	v61 =	vadd.f32 v0, v1;
	v0 =	vld [tilespmem:$0x1FC20]  }
0x2e2: {  	v62 =	vld [tilespmem:s20+$0xFDF0]  }
0x2e3: {  	v4 =	vld [tilespmem:s20+$0xFDB0]  }
0x2e4: {  	v8 =	vld [tilespmem:s20+$0xFD90]  }
0x2e5: {  	v1 =	vld [tilespmem:$0x1FC40]  }
0x2e6: {  	v32 =	vadd.f32 v38, v63;
	v63 =	vadd.f32 v0, v21;
	v0 =	vld [tilespmem:$0x1FC30]  }
0x2e7: {  	v3 =	vld [tilespmem:s20+$0xFD80]  }
0x2e8: {  	v10 =	vld [tilespmem:s20+$0xFD70]  }
0x2e9: {  	v6 =	vld [tilespmem:s20+$0xFD60]  }
0x2ea: {  	v7 =	vld [tilespmem:s20+$0xFD40]  }
0x2eb: {  	v16 =	vadd.f32 v0, v1;
	v0 =	vld [tilespmem:$0x1FC50]  }
0x2ec: {  	v1 =	vld [tilespmem:$0x1FC60]  }
0x2ed: {  	v22 =	vld [tilespmem:s20+$0xFC20]  }
0x2ee: {  	v23 =	vld [tilespmem:s20+$0xFC10]  }
0x2ef: {  	v24 =	vld [tilespmem:s20+$0xFBF0]  }
0x2f0: {  	v46 =	vadd.f32 v49, v4;
	v49 =	vadd.f32 v12, v3;
	v3 =	vld [tilespmem:$0x1FC80]  }
0x2f1: {  	v1 =	vadd.f32 v0, v1;
	v0 =	vld [tilespmem:$0x1FC70]  }
0x2f2: {  	v35 =	vld [tilespmem:s20+$0xFC00]  }
0x2f3: {  	[tilespmem:$0x1FB80] =	vst v5;
	v5 =	vld [tilespmem:s20+$0xFBD0]  }
0x2f4: {  	v53 =	vadd.f32 v15, v7;
	v15 =	vld [tilespmem:s20+$0xFB90]  }
0x2f5: {  	v50 =	vadd.f32 v50, v10;
	v10 =	vadd.f32 v29, v22;
	v22 =	vld [tilespmem:s20+$0xFB20]  }
0x2f6: {  	v48 =	vadd.f32 v48, v8;
	v0 =	vadd.f32 v0, v3;
	v3 =	vld [tilespmem:$0x1FC90]  }
0x2f7: {  	v38 =	vadd.f32 v45, v62;
	v62 =	vld [tilespmem:$0x1FFE0];
	v8 =	vadd.f32 v26, v35  }
0x2f8: {  	v35 =	vadd.f32 v18, v5;
	v5 =	vadd.f32 v25, v24;
	v24 =	vld [tilespmem:s18+$0x0]  }
0x2f9: {  	v18 =	vld [tilespmem:$0x1FFC0]  }
0x2fa: {  	v4 =	vld [tilespmem:$0x1FCB0]  }
0x2fb: {  	v51 =	vadd.f32 v14, v6;
	v6 =	vadd.f32 v34, v3;
	v3 =	vld [tilespmem:$0x1FCA0]  }
0x2fc: {  	v14 =	vld [tilespmem:s20+$0xFBA0]  }
0x2fd: {  	v12 =	vld [tilespmem:s20+$0xFBB0]  }
0x2fe: {  	v2 =	vld [tilespmem:s20+$0xFB60]  }
0x2ff: {  	v13 =	vld [tilespmem:s20+$0xFB80]  }
0x300: {  	v4 =	vadd.f32 v3, v4;
	v3 =	vld [tilespmem:$0x1FCC0]  }
0x301: {  	v9 =	vld [tilespmem:s20+$0xFB40]  }
0x302: {  	v20 =	vld [tilespmem:s20+$0xFB70]  }
0x303: {  	v11 =	vld [tilespmem:s20+$0xFB50]  }
0x304: {  	v21 =	vld [tilespmem:s20+$0xFB30]  }
0x305: {  	s21 =	simm.s32 $0x1000;
	s17 =	smov.u32 s18;
	[tilespmem:$0x1FB50] =	vst v17;
	v7 =	vadd.f32 v33, v3;
	v3 =	vadd.f32 v27, v23;
	v23 =	vld [tilespmem:s20+$0xFB10]  }
.LBB2_11:
0x306: {  	v17 =	vld [tilespmem:$0x1FB20];
	_ =	sdelay $0x4  }
0x307: {  	v14 =	vadd.f32 v17, v14;
	v17 =	vld [tilespmem:$0x1FB10];
	_ =	sdelay $0x4  }
0x308: {  	v15 =	vadd.f32 v17, v15;
	v17 =	vld [tilespmem:$0x1FB00];
	_ =	sdelay $0x4  }
0x309: {  	v20 =	vadd.f32 v17, v20;
	v17 =	vld [tilespmem:$0x1FAE0];
	_ =	sdelay $0x2  }
0x30a: {  	v12 =	vadd.f32 v42, v12;
	v42 =	vld [tilespmem:s20+$0xFAF0]  }
0x30b: {  	v13 =	vadd.f32 v39, v13;
	v39 =	vld [tilespmem:s20+$0xFAD0]  }
0x30c: {  	v33 =	vadd.f32 v17, v9;
	v9 =	vld [tilespmem:$0x1FAF0]  }
0x30d: {  	v17 =	vld [tilespmem:$0x1FAA0];
	_ =	sdelay $0x3  }
0x30e: {  	s22 =	sshra.s32 s21, $0x2;
	v23 =	vadd.f32 v41, v23;
	v34 =	vadd.f32 v9, v11;
	v11 =	vld [tilespmem:$0x1FAC0]  }
0x30f: {  	v41 =	vadd.f32 v31, v42;
	v31 =	vadd.f32 v17, v39;
	v17 =	vld [tilespmem:s22+$0x3230];
	_ =	sdelay $0x3  }
0x310: {  	v22 =	vadd.f32 v11, v22;
	v11 =	vld [tilespmem:$0x1FAD0]  }
0x311: {  	[tilespmem:$0x1F9C0] =	vst v17;
	v17 =	vld [tilespmem:s22+$0x3240];
	_ =	sdelay $0x1  }
0x312: {  	v27 =	vld [tilespmem:s22+$0x3200]  }
0x313: {  	v2 =	vadd.f32 v36, v2;
	v36 =	vld [tilespmem:s20+$0xFAC0];
	v9 =	vcvt.s32.f32 v24  }
0x314: {  	v24 =	vld [tilespmem:s20+$0xFAE0];
	v21 =	vadd.f32 v11, v21;
	v11 =	vimm.s32 $0x0  }
0x315: {  	[tilespmem:$0x1F9D0] =	vst v17;
	v17 =	vld [tilespmem:$0x1FAB0];
	v45 =	vperm.xlane v9, v11  }
0x316: {  	v25 =	vld [tilespmem:s20+$0xFB00]  }
0x317: {  	v29 =	vld [tilespmem:s22+$0x3210];
	v28 =	vmul.f32 v45, v62  }
0x318: {  	v26 =	vadd.f32 v19, v36;
	v19 =	vld [tilespmem:$0x1FFD0]  }
0x319: {  	v28 =	vadd.f32 v31, v28;
	v31 =	vmov v27;
	v27 =	vld [tilespmem:s22+$0x3260]  }
0x31a: {  	v24 =	vadd.f32 v17, v24;
	v17 =	vld [tilespmem:$0x1FFF0];
	_ =	sdelay $0x1  }
0x31b: {  	v39 =	vperm.xlane v9, v43;
	v11 =	vimm.s32 $0x1;
	v36 =	vmul.f32 v45, v18  }
0x31c: {  	v43 =	vperm.xlane v9, v57;
	v42 =	vperm.xlane v9, v11  }
0x31d: {  	v11 =	vld [tilespmem:s22+$0x3220];
	v57 =	vmul.f32 v45, v19;
	v36 =	vadd.f32 v26, v36;
	[tilespmem:$0x1FAC0] =	vst v27;
	v27 =	vmov v29  }
0x31e: {  	v25 =	vadd.f32 v37, v25;
	v26 =	vmul.f32 v42, v18;
	v37 =	vmul.f32 v45, v17;
	v45 =	vld [tilespmem:s22+$0x3250];
	[tilespmem:$0x1FAA0] =	vst v27  }
0x31f: {  	v24 =	vadd.f32 v24, v57;
	v27 =	vld [tilespmem:s22+$0x3270];
	[tilespmem:s20+$0xFAC0] =	vst v36  }
0x320: {  	v25 =	vadd.f32 v25, v26;
	[tilespmem:s20+$0xFAD0] =	vst v28  }
0x321: {  	[tilespmem:s20+$0xFAE0] =	vst v24;
	v37 =	vadd.f32 v41, v37  }
0x322: {  	[tilespmem:s20+$0xFB00] =	vst v25  }
0x323: {  	[tilespmem:s20+$0xFAF0] =	vst v37  }
0x324: {  	v57 =	vmul.f32 v42, v62;
	[tilespmem:$0x1FAD0] =	vst v27;
	v27 =	vld [tilespmem:s22+$0x3280];
	_ =	sdelay $0x1  }
0x325: {  	v26 =	vmul.f32 v42, v19;
	v23 =	vadd.f32 v23, v57;
	v28 =	vmul.f32 v39, v18  }
0x326: {  	v24 =	vmul.f32 v39, v19;
	[tilespmem:$0x1F9F0] =	vst v45  }
0x327: {  	v22 =	vadd.f32 v22, v26;
	v28 =	vadd.f32 v33, v28;
	v33 =	vld [tilespmem:s20+$0xFBC0];
	v45 =	vmul.f32 v42, v17;
	[tilespmem:s20+$0xFB10] =	vst v23  }
0x328: {  	v2 =	vadd.f32 v2, v24;
	v24 =	vmul.f32 v43, v18;
	v42 =	vld [tilespmem:s20+$0x3300];
	[tilespmem:$0x1FAE0] =	vst v27  }
0x329: {  	v57 =	vmul.f32 v39, v62;
	v21 =	vadd.f32 v21, v45;
	v27 =	vld [tilespmem:s22+$0x3290];
	[tilespmem:s20+$0xFB20] =	vst v22  }
0x32a: {  	v13 =	vadd.f32 v13, v24;
	v24 =	vld [tilespmem:s22+$0x32A0]  }
0x32b: {  	v45 =	vadd.f32 v34, v57;
	[tilespmem:s20+$0xFB30] =	vst v21  }
0x32c: {  	v23 =	vmul.f32 v43, v19;
	v57 =	vmul.f32 v39, v17;
	v22 =	vimm.s32 $0x4;
	[tilespmem:s20+$0xFB40] =	vst v28  }
0x32d: {  	v22 =	vperm.xlane v9, v22;
	[tilespmem:s20+$0xFB50] =	vst v45  }
0x32e: {  	v14 =	vadd.f32 v14, v23;
	v20 =	vadd.f32 v20, v57;
	v21 =	vimm.s32 $0x5;
	[tilespmem:s20+$0xFB60] =	vst v2  }
0x32f: {  	v23 =	vadd.f32 v42, v33;
	v21 =	vperm.xlane v9, v21;
	[tilespmem:$0x1F9E0] =	vst v24;
	v24 =	vmul.f32 v22, v18  }
0x330: {  	[tilespmem:s20+$0xFB70] =	vst v20  }
0x331: {  	[tilespmem:$0x1FAF0] =	vst v27;
	v2 =	vadd.f32 v23, v24;
	v24 =	vmul.f32 v21, v18  }
0x332: {  	v27 =	vld [tilespmem:s22+$0x32B0];
	[tilespmem:s20+$0xFB80] =	vst v13  }
0x333: {  	v25 =	vmul.f32 v43, v62;
	v8 =	vadd.f32 v8, v24;
	v24 =	vld [tilespmem:s22+$0x32C0];
	_ =	sdelay $0x1  }
0x334: {  	v15 =	vadd.f32 v15, v25  }
0x335: {  	v26 =	vld [tilespmem:s20+$0x3320]  }
0x336: {  	v36 =	vld [tilespmem:s20+$0xFBE0];
	[tilespmem:s20+$0xFB90] =	vst v15  }
0x337: {  	v43 =	vmul.f32 v43, v17;
	v25 =	vmul.f32 v22, v62;
	[tilespmem:$0x1FA00] =	vst v24;
	v24 =	vld [tilespmem:s22+$0x32D0]  }
0x338: {  	v28 =	vld [tilespmem:s20+$0x3380]  }
0x339: {  	v12 =	vadd.f32 v12, v43;
	v23 =	vadd.f32 v35, v25;
	v25 =	vld [tilespmem:s20+$0xFC40]  }
0x33a: {  	[tilespmem:s20+$0xFBA0] =	vst v14  }
0x33b: {  	v26 =	vadd.f32 v26, v36;
	v43 =	vmul.f32 v22, v19;
	v14 =	vld [tilespmem:s22+$0x32E0];
	[tilespmem:s20+$0xFBB0] =	vst v12  }
0x33c: {  	v22 =	vmul.f32 v22, v17;
	[tilespmem:$0x1FB10] =	vst v24  }
0x33d: {  	v20 =	vadd.f32 v26, v43;
	v24 =	vld [tilespmem:s22+$0x32F0];
	[tilespmem:s20+$0xFBC0] =	vst v2  }
0x33e: {  	v5 =	vadd.f32 v5, v22;
	v22 =	vmul.f32 v21, v62;
	v12 =	vadd.f32 v28, v25;
	v25 =	vld [tilespmem:s22+$0x3310];
	[tilespmem:s20+$0xFBD0] =	vst v23  }
0x33f: {  	[tilespmem:s20+$0xFBE0] =	vst v20  }
0x340: {  	v3 =	vadd.f32 v3, v22;
	[tilespmem:s20+$0xFBF0] =	vst v5  }
0x341: {  	v13 =	vmul.f32 v21, v19;
	[tilespmem:s20+$0xFC00] =	vst v8  }
0x342: {  	[tilespmem:s20+$0xFC10] =	vst v3  }
0x343: {  	v10 =	vadd.f32 v10, v13;
	v15 =	vimm.s32 $0x6;
	v3 =	vld [tilespmem:s22+$0x3330]  }
0x344: {  	v45 =	vld [tilespmem:s20+$0x33A0];
	v21 =	vmul.f32 v21, v17;
	v22 =	vimm.s32 $0x7;
	v15 =	vperm.xlane v9, v15  }
0x345: {  	v26 =	vld [tilespmem:s20+$0xFC60];
	v22 =	vperm.xlane v9, v22;
	[tilespmem:$0x1FB20] =	vst v14  }
0x346: {  	v7 =	vadd.f32 v7, v21;
	v21 =	vmul.f32 v15, v62;
	v14 =	vmul.f32 v15, v18;
	[tilespmem:s20+$0xFC20] =	vst v10  }
0x347: {  	[tilespmem:$0x1FA10] =	vst v24;
	v24 =	vmul.f32 v15, v19;
	v15 =	vmul.f32 v15, v17  }
0x348: {  	v13 =	vimm.s32 $0x8;
	v12 =	vadd.f32 v12, v14;
	v14 =	vmul.f32 v22, v18;
	[tilespmem:$0x1FA90] =	vst v3;
	v3 =	vld [tilespmem:s22+$0x3340]  }
0x349: {  	v13 =	vperm.xlane v9, v13;
	v15 =	vadd.f32 v4, v15;
	v4 =	vmul.f32 v22, v62  }
0x34a: {  	v2 =	vadd.f32 v45, v26;
	v5 =	vmul.f32 v22, v19;
	v1 =	vadd.f32 v1, v14  }
0x34b: {  	v14 =	vmul.f32 v22, v17;
	v22 =	vadd.f32 v0, v4;
	v0 =	vmul.f32 v13, v18  }
0x34c: {  	v6 =	vadd.f32 v6, v21;
	[tilespmem:s20+$0xFC30] =	vst v7;
	v4 =	vmul.f32 v13, v62  }
0x34d: {  	v21 =	vld [tilespmem:s20+$0x3460];
	v2 =	vadd.f32 v2, v24;
	v24 =	vadd.f32 v60, v0;
	[tilespmem:$0x1FA60] =	vst v3;
	v3 =	vimm.s32 $0x9  }
0x34e: {  	[tilespmem:$0x1FA80] =	vst v25;
	v25 =	vadd.f32 v61, v4;
	v0 =	vmul.f32 v13, v17;
	v4 =	vperm.xlane v9, v3;
	v3 =	vld [tilespmem:s22+$0x3350]  }
0x34f: {  	v20 =	vld [tilespmem:s20+$0x3440]  }
0x350: {  	v8 =	vld [tilespmem:s20+$0xFD00];
	[tilespmem:s20+$0xFC40] =	vst v12;
	v12 =	vadd.f32 v56, v0;
	v0 =	vimm.s32 $0xB  }
0x351: {  	v14 =	vadd.f32 v16, v14;
	v16 =	vld [tilespmem:s20+$0xFD20];
	v28 =	vperm.xlane v9, v0;
	v0 =	vimm.s32 $0xC  }
0x352: {  	v60 =	vperm.xlane v9, v0;
	v0 =	vld [tilespmem:s22+$0x3360];
	[tilespmem:s20+$0xFC50] =	vst v6  }
0x353: {  	[tilespmem:$0x1FA70] =	vst v3;
	v3 =	vld [tilespmem:s22+$0x3370];
	_ =	sdelay $0x2  }
0x354: {  	v26 =	vperm.xlane v9, v54;
	v23 =	vadd.f32 v63, v5;
	[tilespmem:s20+$0xFC60] =	vst v2  }
0x355: {  	v6 =	vmul.f32 v4, v18;
	v10 =	vmul.f32 v4, v62;
	[tilespmem:$0x1FA40] =	vst v0;
	v0 =	vadd.f32 v20, v8  }
0x356: {  	v2 =	vadd.f32 v21, v16;
	v16 =	vmul.f32 v4, v19;
	v20 =	vmul.f32 v4, v17;
	[tilespmem:$0x1FA50] =	vst v3  }
0x357: {  	v21 =	vadd.f32 v55, v10;
	v3 =	vld [tilespmem:s22+$0x3390];
	[tilespmem:s20+$0xFC70] =	vst v15;
	v15 =	vadd.f32 v0, v6;
	v6 =	vmul.f32 v26, v18  }
0x358: {  	v10 =	vld [tilespmem:s22+$0x33B0];
	[tilespmem:s20+$0xFC80] =	vst v1;
	v1 =	vadd.f32 v2, v16;
	v2 =	vadd.f32 v59, v20  }
0x359: {  	v16 =	vmul.f32 v26, v62;
	v8 =	vld [tilespmem:s22+$0x33C0];
	[tilespmem:s20+$0xFC90] =	vst v22;
	v20 =	vadd.f32 v53, v6;
	v6 =	vmul.f32 v26, v19  }
0x35a: {  	v22 =	vmul.f32 v26, v17;
	[tilespmem:s20+$0xFCA0] =	vst v23;
	v26 =	vmul.f32 v28, v62  }
0x35b: {  	v61 =	vld [tilespmem:s20+$0x3540];
	v0 =	vimm.s32 $0xD;
	v23 =	vmul.f32 v28, v18;
	[tilespmem:s20+$0xFCB0] =	vst v14;
	v14 =	vadd.f32 v51, v6  }
0x35c: {  	[tilespmem:s20+$0xFCC0] =	vst v24;
	v6 =	vmul.f32 v28, v19;
	v24 =	vadd.f32 v48, v26;
	v26 =	vmul.f32 v28, v17;
	v28 =	vld [tilespmem:s20+$0xFE00]  }
0x35d: {  	v54 =	vperm.xlane v9, v0;
	v0 =	vimm.s32 $0xE  }
0x35e: {  	v56 =	vperm.xlane v9, v0;
	v0 =	vld [tilespmem:$0x1FB70];
	_ =	sdelay $0x1  }
0x35f: {  	[tilespmem:s20+$0xFCD0] =	vst v25  }
0x360: {  	v7 =	vld [tilespmem:s22+$0x33D0];
	[tilespmem:s20+$0xFD10] =	vst v21;
	v59 =	vmul.f32 v54, v62;
	v21 =	vadd.f32 v61, v28;
	v28 =	vmul.f32 v54, v18  }
0x361: {  	v5 =	vmul.f32 v13, v19  }
0x362: {  	v21 =	vadd.f32 v21, v28;
	v28 =	vadd.f32 v0, v59;
	v0 =	vld [tilespmem:$0x1FB80]  }
0x363: {  	v13 =	vadd.f32 v30, v5;
	_ =	sdelay $0x1  }
0x364: {  	[tilespmem:s20+$0xFCE0] =	vst v13;
	v45 =	vmul.f32 v54, v17;
	v13 =	vadd.f32 v46, v26;
	v26 =	vmul.f32 v60, v19;
	_ =	sdelay $0x1  }
0x365: {  	[tilespmem:s20+$0xFD00] =	vst v15;
	v15 =	vadd.f32 v32, v26;
	v32 =	vadd.f32 v0, v45;
	v0 =	vld [tilespmem:$0x1FB50];
	_ =	sdelay $0x2  }
0x366: {  	[tilespmem:s20+$0xFD30] =	vst v2;
	v2 =	vmul.f32 v56, v18;
	_ =	sdelay $0x1  }
0x367: {  	v30 =	vadd.f32 v0, v2;
	v0 =	vld [tilespmem:$0x1FB60]  }
0x368: {  	[tilespmem:s20+$0xFCF0] =	vst v12  }
0x369: {  	v16 =	vadd.f32 v52, v16;
	[tilespmem:s20+$0xFD20] =	vst v1  }
0x36a: {  	v57 =	vld [tilespmem:s20+$0x35D0];
	[tilespmem:s20+$0xFD40] =	vst v20;
	v20 =	vmul.f32 v56, v62  }
0x36b: {  	v25 =	vadd.f32 v47, v6;
	v6 =	vld [tilespmem:s22+$0x33E0];
	[tilespmem:s20+$0xFD50] =	vst v16  }
0x36c: {  	v23 =	vadd.f32 v49, v23;
	v16 =	vld [tilespmem:s22+$0x33F0];
	v49 =	vadd.f32 v0, v20;
	v0 =	vimm.s32 $0xF  }
0x36d: {  	[tilespmem:s20+$0xFD60] =	vst v14;
	v14 =	vperm.xlane v9, v0;
	v0 =	vld [tilespmem:$0x1FB30]  }
0x36e: {  	v43 =	vld [tilespmem:s20+$0xFE80]  }
0x36f: {  	v35 =	vld [tilespmem:s20+$0xFE20]  }
0x370: {  	v63 =	vld [tilespmem:s20+$0x3560];
	v22 =	vadd.f32 v50, v22;
	v2 =	vmul.f32 v56, v19  }
0x371: {  	v9 =	vld [tilespmem:s22+$0x3400]  }
0x372: {  	v33 =	vmul.f32 v60, v18;
	[tilespmem:s20+$0xFD70] =	vst v22;
	v22 =	vadd.f32 v0, v2;
	v0 =	vld [tilespmem:$0x1FB40]  }
0x373: {  	v34 =	vmul.f32 v60, v62;
	v53 =	vmul.f32 v60, v17;
	v60 =	vld [tilespmem:s20+$0xFE90]  }
0x374: {  	v55 =	vld [tilespmem:s20+$0x35C0]  }
0x375: {  	v1 =	vadd.f32 v63, v35;
	v63 =	vld [tilespmem:s20+$0x35E0];
	v26 =	vadd.f32 v38, v53;
	v38 =	vmul.f32 v56, v17  }
0x376: {  	v52 =	vld [tilespmem:s20+$0xFEA0]  }
0x377: {  	v38 =	vadd.f32 v0, v38;
	v0 =	vmov v11;
	v11 =	vld [tilespmem:s22+$0x3410];
	[tilespmem:s20+$0xFD80] =	vst v23  }
0x378: {  	v20 =	vadd.f32 v57, v60;
	v60 =	vmul.f32 v14, v62;
	v56 =	vld [tilespmem:s22+$0x3420];
	[tilespmem:s20+$0xFD90] =	vst v24  }
0x379: {  	v12 =	vadd.f32 v40, v33;
	v5 =	vld [tilespmem:s22+$0x3430];
	[tilespmem:s20+$0xFDA0] =	vst v25  }
0x37a: {  	v44 =	vadd.f32 v44, v34;
	v25 =	vadd.f32 v20, v60;
	v20 =	vld [tilespmem:s22+$0x3450];
	[tilespmem:s20+$0xFDB0] =	vst v13  }
0x37b: {  	v2 =	vld [tilespmem:s22+$0x3470];
	[tilespmem:s20+$0xFDC0] =	vst v12  }
0x37c: {  	v61 =	vmul.f32 v54, v19;
	v13 =	vld [tilespmem:s22+$0x3480];
	[tilespmem:s20+$0xFDD0] =	vst v44  }
0x37d: {  	v53 =	vmul.f32 v14, v18;
	v24 =	vadd.f32 v63, v52;
	v52 =	vld [tilespmem:s22+$0x3490];
	[tilespmem:s20+$0xFDE0] =	vst v15  }
0x37e: {  	v46 =	vadd.f32 v1, v61;
	v61 =	vmul.f32 v14, v19;
	v14 =	vmul.f32 v14, v17;
	v15 =	vld [tilespmem:s22+$0x34A0];
	[tilespmem:s20+$0xFDF0] =	vst v26  }
0x37f: {  	v50 =	vld [tilespmem:s22+$0x34B0];
	[tilespmem:s20+$0xFE00] =	vst v21  }
0x380: {  	v63 =	vadd.f32 v58, v14;
	v14 =	vld [tilespmem:s22+$0x34C0];
	[tilespmem:s20+$0xFE10] =	vst v28  }
0x381: {  	v21 =	vld [tilespmem:s22+$0x34D0];
	[tilespmem:s20+$0xFE20] =	vst v46  }
0x382: {  	v12 =	vld [tilespmem:s22+$0x34E0];
	[tilespmem:s20+$0xFE30] =	vst v32  }
0x383: {  	v23 =	vadd.f32 v55, v43;
	v26 =	vld [tilespmem:s22+$0x34F0];
	[tilespmem:s20+$0xFE40] =	vst v30  }
0x384: {  	v28 =	vld [tilespmem:s22+$0x3500];
	[tilespmem:s20+$0xFE50] =	vst v49  }
0x385: {  	v23 =	vadd.f32 v23, v53;
	v44 =	vld [tilespmem:s22+$0x3510];
	[tilespmem:s20+$0xFE60] =	vst v22  }
0x386: {  	v22 =	vld [tilespmem:s22+$0x3520];
	[tilespmem:s20+$0xFE70] =	vst v38  }
0x387: {  	v24 =	vadd.f32 v24, v61;
	v38 =	vld [tilespmem:s22+$0x3530];
	[tilespmem:s20+$0xFE80] =	vst v23  }
0x388: {  	v23 =	vld [tilespmem:s22+$0x3550];
	[tilespmem:s20+$0xFE90] =	vst v25  }
0x389: {  	v25 =	vld [tilespmem:s22+$0x3570];
	[tilespmem:s20+$0xFEA0] =	vst v24  }
0x38a: {  	v24 =	vld [tilespmem:s22+$0x3580];
	[tilespmem:s20+$0xFEB0] =	vst v63;
	s20 =	smov.u32 s22  }
0x38b: {  	v32 =	vld [tilespmem:s20+$0x3590]  }
0x38c: {  	v30 =	vld [tilespmem:s20+$0x35A0]  }
0x38d: {  	v35 =	vld [tilespmem:s20+$0x35B0]  }
0x38e: {  	v40 =	vld [tilespmem:s20+$0x35F0]  }
0x38f: {  	v45 =	vld [tilespmem:s20+$0xFEB0]  }
0x390: {  	v46 =	vld [tilespmem:s20+$0xFE70]  }
0x391: {  	v47 =	vld [tilespmem:s20+$0xFE60]  }
0x392: {  	v48 =	vld [tilespmem:s20+$0xFE50]  }
0x393: {  	v49 =	vld [tilespmem:s20+$0xFE40]  }
0x394: {  	v51 =	vld [tilespmem:s20+$0xFE30]  }
0x395: {  	v53 =	vld [tilespmem:s20+$0xFE10]  }
0x396: {  	v55 =	vld [tilespmem:s20+$0xFDF0]  }
0x397: {  	v59 =	vld [tilespmem:s20+$0xFDE0]  }
0x398: {  	v60 =	vld [tilespmem:s20+$0xFDD0]  }
0x399: {  	v61 =	vld [tilespmem:s20+$0xFDC0]  }
0x39a: {  	v63 =	vld [tilespmem:s20+$0xFDB0]  }
0x39b: {  	[tilespmem:$0x1FB00] =	vst v27;
	v27 =	vld [tilespmem:s20+$0xFDA0]  }
0x39c: {  	v29 =	vld [tilespmem:s20+$0xFD90]  }
0x39d: {  	[tilespmem:$0x1FA20] =	vst v31;
	v31 =	vld [tilespmem:s20+$0xFD80]  }
0x39e: {  	v33 =	vld [tilespmem:s20+$0xFD70]  }
0x39f: {  	v34 =	vld [tilespmem:s20+$0xFD60]  }
0x3a0: {  	v36 =	vld [tilespmem:s20+$0xFD50]  }
0x3a1: {  	v37 =	vld [tilespmem:s20+$0xFD40]  }
0x3a2: {  	v39 =	vld [tilespmem:s20+$0xFD30]  }
0x3a3: {  	v41 =	vld [tilespmem:s20+$0xFD10]  }
0x3a4: {  	[tilespmem:$0x1FAB0] =	vst v0;
	v0 =	vld [tilespmem:s20+$0xFCF0]  }
0x3a5: {  	v42 =	vld [tilespmem:s20+$0xFCE0]  }
0x3a6: {  	v43 =	vld [tilespmem:s20+$0xFCD0]  }
0x3a7: {  	v57 =	vld [tilespmem:s20+$0xFCC0]  }
0x3a8: {  	v1 =	vld [tilespmem:s20+$0xFCB0]  }
0x3a9: {  	v54 =	vld [tilespmem:s20+$0xFCA0]  }
0x3aa: {  	[tilespmem:$0x1FA30] =	vst v3;
	v3 =	vld [tilespmem:s20+$0xFC90]  }
0x3ab: {  	v19 =	vld [tilespmem:s20+$0xFC80]  }
0x3ac: {  	v4 =	vld [tilespmem:s20+$0xFC70]  }
0x3ad: {  	v17 =	vld [tilespmem:s20+$0xFC50]  }
0x3ae: {  	v58 =	vadd.f32 v40, v45;
	v40 =	vld [tilespmem:s20+$0xFC30]  }
0x3af: {  	v30 =	vadd.f32 v30, v47;
	v47 =	vadd.f32 v12, v27;
	v12 =	vld [tilespmem:s20+$0xFBB0]  }
0x3b0: {  	v24 =	vadd.f32 v24, v49;
	v49 =	vadd.f32 v14, v31;
	v31 =	vld [tilespmem:$0x1F9C0]  }
0x3b1: {  	v14 =	vld [tilespmem:s20+$0xFBA0];
	[tilespmem:$0x1FB30] =	vst v30;
	v30 =	vadd.f32 v35, v46  }
0x3b2: {  	v23 =	vadd.f32 v23, v53;
	v53 =	vadd.f32 v13, v37;
	v37 =	vld [tilespmem:$0x1F9D0]  }
0x3b3: {  	v52 =	vadd.f32 v52, v36;
	v36 =	vld [tilespmem:$0x1F9E0];
	[tilespmem:$0x1FB40] =	vst v30;
	v30 =	vadd.f32 v56, v42  }
0x3b4: {  	v56 =	vadd.f32 v5, v0;
	v0 =	vadd.f32 v7, v3;
	v3 =	vld [tilespmem:$0x1FA30]  }
0x3b5: {  	v13 =	vld [tilespmem:s20+$0xFB80]  }
0x3b6: {  	v45 =	vadd.f32 v22, v59;
	v59 =	vadd.f32 v2, v39;
	v39 =	vld [tilespmem:$0x1FA00]  }
0x3b7: {  	v2 =	vld [tilespmem:s20+$0xFB60]  }
0x3b8: {  	v35 =	vld [tilespmem:s20+$0xFC20];
	v46 =	vadd.f32 v26, v63  }
0x3b9: {  	v63 =	vadd.f32 v6, v54;
	v6 =	vadd.f32 v3, v17;
	v3 =	vld [tilespmem:$0x1FA40]  }
0x3ba: {  	v44 =	vadd.f32 v44, v60;
	v60 =	vadd.f32 v9, v57;
	v9 =	vld [tilespmem:s20+$0xFB40]  }
0x3bb: {  	v16 =	vadd.f32 v16, v1;
	v1 =	vadd.f32 v8, v19;
	v19 =	vld [tilespmem:$0x1FA20]  }
0x3bc: {  	v22 =	vld [tilespmem:s20+$0xFB20]  }
0x3bd: {  	[tilespmem:$0x1FB70] =	vst v23;
	v23 =	vadd.f32 v25, v51;
	v25 =	vld [tilespmem:s20+$0xFC00]  }
0x3be: {  	v4 =	vadd.f32 v10, v4;
	v10 =	vadd.f32 v3, v35;
	v3 =	vld [tilespmem:$0x1FA50]  }
0x3bf: {  	[tilespmem:$0x1FB50] =	vst v24;
	v24 =	vadd.f32 v32, v48;
	v32 =	vadd.f32 v38, v55;
	v38 =	vld [tilespmem:s20+$0xFBF0]  }
0x3c0: {  	v51 =	vadd.f32 v15, v34;
	v15 =	vld [tilespmem:s20+$0xFB90]  }
0x3c1: {  	[tilespmem:$0x1FB80] =	vst v23;
	v23 =	vadd.f32 v28, v61;
	v28 =	vld [tilespmem:s20+$0xFBD0]  }
0x3c2: {  	v5 =	vld [tilespmem:$0x1FA80]  }
0x3c3: {  	v7 =	vadd.f32 v3, v40;
	v3 =	vld [tilespmem:$0x1FA60]  }
0x3c4: {  	v55 =	vadd.f32 v20, v41;
	v41 =	vld [tilespmem:$0x1F9F0]  }
0x3c5: {  	v20 =	vld [tilespmem:s20+$0xFB70]  }
0x3c6: {  	[tilespmem:$0x1FB60] =	vst v24;
	v24 =	vld [tilespmem:s20+$0xFC10]  }
0x3c7: {  	v35 =	vadd.f32 v5, v28;
	v5 =	vld [tilespmem:$0x1FA90]  }
0x3c8: {  	p0 =	sne.s32 s21, $0x18000;
	v8 =	vadd.f32 v3, v25;
	v3 =	vld [tilespmem:$0x1FA70]  }
.Ltmp4:
0x3c9: {  	v48 =	vadd.f32 v21, v29;
	v21 =	vld [tilespmem:s20+$0xFB30];
	(pc) =	sbr.rel @p0 .LBB2_11-.Ltmp4, $4  }
0x3ca: {  	v42 =	vld [tilespmem:$0x1FA10]  }
0x3cb: {  	v61 =	vadd.f32 v11, v43;
	v11 =	vld [tilespmem:s20+$0xFB50]  }
0x3cc: {  	s17 =	sadd.s32 $0x10, s17;
	v50 =	vadd.f32 v50, v33;
	v57 =	vimm.s32 $0x3;
	v54 =	vimm.s32 $0xA;
	v40 =	vmovc v23;
	v23 =	vld [tilespmem:s20+$0xFB10]  }
0x3cd: {  	s21 =	sadd.s32 $0x1000, s21;
	v43 =	vimm.s32 $0x2;
	v5 =	vadd.f32 v5, v38;
	v38 =	vmovc v32;
	v32 =	vmovc v45;
	v3 =	vadd.f32 v3, v24;
	v24 =	vld [tilespmem:s17+$0x0]  }
0x3ce: {  	v34 =	vld [tilespmem:s20+$0xFAD0]  }
0x3cf: {  	v33 =	vld [tilespmem:$0x1FAA0]  }
0x3d0: {  	v17 =	vld [tilespmem:s20+$0xFAC0];
	_ =	sdelay $0x2  }
0x3d1: {  	v25 =	vld [tilespmem:s20+$0xFAE0]  }
0x3d2: {  	v45 =	vcvt.s32.f32 v24;
	v24 =	vadd.f32 v33, v34;
	v34 =	vld [tilespmem:$0x1FAB0]  }
0x3d3: {  	v26 =	vimm.s32 $0x0;
	v17 =	vadd.f32 v19, v17;
	v19 =	vld [tilespmem:$0x1FFD0]  }
0x3d4: {  	v26 =	vperm.xlane v45, v26;
	_ =	sdelay $0x1  }
0x3d5: {  	v28 =	vmul.f32 v26, v18;
	_ =	sdelay $0x1  }
0x3d6: {  	v27 =	vld [tilespmem:s20+$0xFAF0];
	v17 =	vadd.f32 v17, v28;
	v25 =	vadd.f32 v34, v25;
	v33 =	vmul.f32 v26, v19;
	_ =	sdelay $0x1  }
0x3d7: {  	[tilespmem:s20+$0xFAC0] =	vst v17;
	v17 =	vadd.f32 v25, v33;
	v33 =	vld [tilespmem:$0x1FFF0]  }
0x3d8: {  	v28 =	vld [tilespmem:s20+$0xFB00];
	_ =	sdelay $0x1  }
0x3d9: {  	v27 =	vadd.f32 v31, v27;
	v31 =	vimm.s32 $0x1;
	v29 =	vmul.f32 v26, v62  }
0x3da: {  	v25 =	vperm.xlane v45, v31  }
0x3db: {  	v23 =	vadd.f32 v41, v23;
	v41 =	vld [tilespmem:$0x1FAC0];
	v24 =	vadd.f32 v24, v29;
	v34 =	vmul.f32 v26, v33  }
0x3dc: {  	v28 =	vadd.f32 v37, v28;
	v37 =	vmul.f32 v25, v62  }
0x3dd: {  	[tilespmem:s20+$0xFAD0] =	vst v24;
	v24 =	vadd.f32 v27, v34;
	v34 =	vmul.f32 v25, v18  }
0x3de: {  	v23 =	vadd.f32 v23, v37;
	v37 =	vld [tilespmem:$0x1FAE0]  }
0x3df: {  	[tilespmem:s20+$0xFAE0] =	vst v17;
	v17 =	vadd.f32 v28, v34;
	v34 =	vld [tilespmem:$0x1FAD0]  }
0x3e0: {  	v22 =	vadd.f32 v41, v22;
	v29 =	vmul.f32 v25, v19;
	_ =	sdelay $0x1  }
0x3e1: {  	v22 =	vadd.f32 v22, v29;
	v29 =	vld [tilespmem:$0x1FAF0]  }
0x3e2: {  	v9 =	vadd.f32 v37, v9;
	v37 =	vld [tilespmem:$0x1FB00]  }
0x3e3: {  	v28 =	vperm.xlane v45, v43;
	v21 =	vadd.f32 v34, v21;
	v34 =	vmul.f32 v25, v33  }
0x3e4: {  	v31 =	vld [tilespmem:s20+$0xFBC0]  }
0x3e5: {  	v2 =	vadd.f32 v36, v2;
	v26 =	vld [tilespmem:s20+$0x3300];
	[tilespmem:s20+$0xFB00] =	vst v17;
	v41 =	vmul.f32 v28, v18;
	v17 =	vadd.f32 v21, v34  }
0x3e6: {  	[tilespmem:s20+$0xFAF0] =	vst v24;
	v11 =	vadd.f32 v29, v11;
	v29 =	vld [tilespmem:$0x1FB20];
	v24 =	vmul.f32 v28, v33;
	v34 =	vmul.f32 v28, v62  }
0x3e7: {  	v27 =	vld [tilespmem:s20+$0x3320];
	v9 =	vadd.f32 v9, v41;
	v41 =	vperm.xlane v45, v57;
	[tilespmem:s20+$0xFB30] =	vst v17;
	v17 =	vadd.f32 v37, v20  }
0x3e8: {  	v13 =	vadd.f32 v39, v13;
	[tilespmem:s20+$0xFB20] =	vst v22;
	v36 =	vmul.f32 v28, v19;
	v11 =	vadd.f32 v11, v34;
	v34 =	vld [tilespmem:$0x1FB10]  }
0x3e9: {  	v12 =	vadd.f32 v42, v12;
	v25 =	vld [tilespmem:s20+$0xFBE0];
	[tilespmem:s20+$0xFB40] =	vst v9;
	v9 =	vmul.f32 v41, v33;
	v17 =	vadd.f32 v17, v24  }
0x3ea: {  	v39 =	vimm.s32 $0x4;
	[tilespmem:s20+$0xFB10] =	vst v23;
	v2 =	vadd.f32 v2, v36;
	v28 =	vmul.f32 v41, v18  }
0x3eb: {  	v14 =	vadd.f32 v29, v14;
	v9 =	vadd.f32 v12, v9;
	[tilespmem:s20+$0xFB70] =	vst v17;
	v17 =	vperm.xlane v45, v39  }
0x3ec: {  	[tilespmem:s20+$0xFB60] =	vst v2;
	v36 =	vmul.f32 v41, v62;
	v2 =	vadd.f32 v13, v28;
	v37 =	vmul.f32 v41, v19  }
0x3ed: {  	v21 =	vld [tilespmem:s20+$0xFC60];
	v41 =	vadd.f32 v26, v31;
	[tilespmem:s20+$0xFBB0] =	vst v9;
	v15 =	vadd.f32 v34, v15;
	v23 =	vmul.f32 v17, v62  }
0x3ee: {  	[tilespmem:s20+$0xFB50] =	vst v11;
	v11 =	vld [tilespmem:s20+$0x33A0];
	v13 =	vadd.f32 v14, v37;
	v24 =	vadd.f32 v27, v25;
	v42 =	vmul.f32 v17, v18  }
0x3ef: {  	[tilespmem:s20+$0xFB80] =	vst v2;
	v15 =	vadd.f32 v15, v36;
	v12 =	vadd.f32 v35, v23;
	v35 =	vimm.s32 $0x6  }
0x3f0: {  	[tilespmem:s20+$0xFBA0] =	vst v13;
	v25 =	vmul.f32 v17, v19;
	v2 =	vadd.f32 v41, v42;
	v13 =	vperm.xlane v45, v35  }
0x3f1: {  	v27 =	vimm.s32 $0x5;
	v28 =	vmul.f32 v17, v33;
	[tilespmem:s20+$0xFB90] =	vst v15  }
0x3f2: {  	v22 =	vld [tilespmem:s20+$0xFC40];
	v26 =	vadd.f32 v24, v25;
	[tilespmem:s20+$0xFBC0] =	vst v2;
	v2 =	vperm.xlane v45, v27;
	v41 =	vmul.f32 v13, v62  }
0x3f3: {  	v20 =	vld [tilespmem:s20+$0x3380];
	v11 =	vadd.f32 v11, v21;
	v5 =	vadd.f32 v5, v28;
	[tilespmem:s20+$0xFBD0] =	vst v12;
	v17 =	vmul.f32 v13, v19  }
0x3f4: {  	[tilespmem:s20+$0xFBE0] =	vst v26;
	v29 =	vmul.f32 v2, v18;
	v6 =	vadd.f32 v6, v41  }
0x3f5: {  	v42 =	vimm.s32 $0x7;
	[tilespmem:s20+$0xFBF0] =	vst v5;
	v31 =	vmul.f32 v2, v62;
	v21 =	vadd.f32 v11, v17  }
0x3f6: {  	v12 =	vperm.xlane v45, v42;
	v34 =	vmul.f32 v2, v19;
	v8 =	vadd.f32 v8, v29;
	[tilespmem:s20+$0xFC50] =	vst v6  }
0x3f7: {  	v2 =	vmul.f32 v2, v33;
	v3 =	vadd.f32 v3, v31;
	[tilespmem:s20+$0xFC60] =	vst v21  }
0x3f8: {  	v37 =	vadd.f32 v20, v22;
	v22 =	vmul.f32 v12, v18;
	v10 =	vadd.f32 v10, v34;
	[tilespmem:s20+$0xFC00] =	vst v8  }
0x3f9: {  	v23 =	vmul.f32 v12, v62;
	v2 =	vadd.f32 v7, v2;
	[tilespmem:s20+$0xFC10] =	vst v3  }
0x3fa: {  	v24 =	vmul.f32 v12, v19;
	v1 =	vadd.f32 v1, v22;
	[tilespmem:s20+$0xFC20] =	vst v10  }
0x3fb: {  	v26 =	vimm.s32 $0x8;
	v39 =	vmul.f32 v13, v18;
	v0 =	vadd.f32 v0, v23;
	[tilespmem:s20+$0xFC30] =	vst v2  }
0x3fc: {  	v9 =	vld [tilespmem:s20+$0x3440];
	v20 =	vmul.f32 v13, v33;
	v25 =	vadd.f32 v63, v24;
	[tilespmem:s20+$0xFC80] =	vst v1;
	v1 =	vperm.xlane v45, v26  }
0x3fd: {  	v36 =	vld [tilespmem:s20+$0xFD00];
	v27 =	vmul.f32 v12, v33;
	v3 =	vadd.f32 v37, v39;
	[tilespmem:s20+$0xFC90] =	vst v0  }
0x3fe: {  	v35 =	vimm.s32 $0x9;
	v2 =	vadd.f32 v4, v20;
	[tilespmem:s20+$0xFCA0] =	vst v25;
	v28 =	vmul.f32 v1, v18  }
0x3ff: {  	v14 =	vld [tilespmem:s20+$0xFD20];
	[tilespmem:s20+$0xFC40] =	vst v3;
	v3 =	vadd.f32 v16, v27;
	v29 =	vmul.f32 v1, v62;
	v31 =	vmul.f32 v1, v19  }
0x400: {  	v5 =	vld [tilespmem:s20+$0x3460];
	[tilespmem:s20+$0xFC70] =	vst v2;
	v34 =	vmul.f32 v1, v33;
	v1 =	vperm.xlane v45, v35;
	v0 =	vadd.f32 v60, v28  }
0x401: {  	[tilespmem:s20+$0xFCB0] =	vst v3;
	v4 =	vadd.f32 v61, v29  }
0x402: {  	v36 =	vadd.f32 v9, v36;
	v6 =	vadd.f32 v30, v31;
	v37 =	vmul.f32 v1, v18;
	[tilespmem:s20+$0xFCC0] =	vst v0  }
0x403: {  	v41 =	vmul.f32 v1, v62;
	v42 =	vmul.f32 v1, v19;
	[tilespmem:s20+$0xFCD0] =	vst v4;
	v0 =	vadd.f32 v56, v34  }
0x404: {  	v1 =	vmul.f32 v1, v33;
	[tilespmem:s20+$0xFCE0] =	vst v6;
	v4 =	vadd.f32 v36, v37;
	v56 =	vperm.xlane v45, v54  }
0x405: {  	v5 =	vadd.f32 v5, v14;
	v6 =	vadd.f32 v55, v41;
	[tilespmem:s20+$0xFCF0] =	vst v0  }
0x406: {  	v1 =	vadd.f32 v59, v1;
	[tilespmem:s20+$0xFD00] =	vst v4;
	v61 =	vmul.f32 v56, v18  }
0x407: {  	v21 =	vimm.s32 $0xB;
	v5 =	vadd.f32 v5, v42;
	[tilespmem:s20+$0xFD10] =	vst v6;
	v20 =	vmul.f32 v56, v62  }
0x408: {  	v7 =	vld [tilespmem:s20+$0xFE00];
	[tilespmem:s20+$0xFD30] =	vst v1;
	v1 =	vperm.xlane v45, v21;
	v22 =	vmul.f32 v56, v19;
	v8 =	vadd.f32 v53, v61  }
0x409: {  	v23 =	vld [tilespmem:s20+$0xFE80];
	[tilespmem:s20+$0xFD20] =	vst v5;
	v10 =	vmul.f32 v56, v33;
	v11 =	vadd.f32 v52, v20  }
0x40a: {  	v39 =	vld [tilespmem:s20+$0xFE20];
	v24 =	vmul.f32 v1, v18;
	v12 =	vadd.f32 v51, v22;
	[tilespmem:s20+$0xFD40] =	vst v8  }
0x40b: {  	v2 =	vld [tilespmem:s20+$0x3540];
	v27 =	vimm.s32 $0xC;
	v10 =	vadd.f32 v50, v10;
	v26 =	vmul.f32 v1, v62;
	[tilespmem:s20+$0xFD50] =	vst v11  }
0x40c: {  	v15 =	vperm.xlane v45, v27;
	v60 =	vld [tilespmem:s20+$0xFE90];
	v28 =	vmul.f32 v1, v19;
	v8 =	vadd.f32 v49, v24;
	[tilespmem:s20+$0xFD60] =	vst v12  }
0x40d: {  	v35 =	vimm.s32 $0xD;
	v0 =	vld [tilespmem:s20+$0x35C0];
	v1 =	vmul.f32 v1, v33;
	v11 =	vadd.f32 v48, v26;
	[tilespmem:s20+$0xFD70] =	vst v10  }
0x40e: {  	v30 =	vmul.f32 v15, v18;
	v34 =	vmul.f32 v15, v19;
	v4 =	vld [tilespmem:s20+$0x35D0];
	v29 =	vadd.f32 v47, v28;
	[tilespmem:s20+$0xFD80] =	vst v8  }
0x40f: {  	v3 =	vld [tilespmem:s20+$0x3560];
	v31 =	vmul.f32 v15, v62;
	v51 =	vimm.s32 $0xF;
	v1 =	vadd.f32 v46, v1;
	[tilespmem:s20+$0xFD90] =	vst v11  }
0x410: {  	v36 =	vmul.f32 v15, v33;
	v9 =	vperm.xlane v45, v51;
	v12 =	vadd.f32 v32, v34;
	[tilespmem:s20+$0xFDA0] =	vst v29  }
0x411: {  	v63 =	vld [tilespmem:s20+$0x35E0];
	v2 =	vadd.f32 v2, v7;
	v10 =	vperm.xlane v45, v35;
	v8 =	vadd.f32 v40, v30;
	[tilespmem:s20+$0xFDB0] =	vst v1  }
0x412: {  	v42 =	vld [tilespmem:$0x1FB70];
	v0 =	vadd.f32 v0, v23;
	v55 =	vmul.f32 v9, v18;
	v11 =	vadd.f32 v44, v31;
	[tilespmem:s20+$0xFDE0] =	vst v12  }
0x413: {  	v25 =	vld [tilespmem:s20+$0xFEA0];
	v4 =	vadd.f32 v4, v60;
	v59 =	vmul.f32 v9, v62;
	v1 =	vadd.f32 v38, v36;
	[tilespmem:s20+$0xFDC0] =	vst v8  }
0x414: {  	v3 =	vadd.f32 v3, v39;
	v47 =	vld [tilespmem:$0x1FB80];
	v37 =	vmul.f32 v10, v18;
	v0 =	vadd.f32 v0, v55;
	[tilespmem:s20+$0xFDD0] =	vst v11  }
0x415: {  	v49 =	vld [tilespmem:$0x1FB50];
	v39 =	vmul.f32 v10, v62;
	v40 =	vimm.s32 $0xE;
	v61 =	vadd.f32 v4, v59;
	[tilespmem:s20+$0xFDF0] =	vst v1  }
0x416: {  	v52 =	vld [tilespmem:$0x1FB60];
	v41 =	vmul.f32 v10, v19;
	v7 =	vperm.xlane v45, v40;
	v2 =	vadd.f32 v2, v37;
	[tilespmem:s20+$0xFE80] =	vst v0  }
0x417: {  	v54 =	vld [tilespmem:$0x1FB30];
	v44 =	vmul.f32 v10, v33;
	v8 =	vadd.f32 v42, v39;
	[tilespmem:s20+$0xFE90] =	vst v61  }
0x418: {  	v56 =	vld [tilespmem:$0x1FB40];
	v3 =	vadd.f32 v3, v41;
	v46 =	vmul.f32 v7, v18;
	[tilespmem:s20+$0xFE00] =	vst v2  }
0x419: {  	v1 =	vadd.f32 v47, v44;
	v48 =	vmul.f32 v7, v62;
	[tilespmem:s20+$0xFE10] =	vst v8  }
0x41a: {  	v50 =	vmul.f32 v7, v19;
	[tilespmem:s20+$0xFE20] =	vst v3;
	v2 =	vadd.f32 v49, v46  }
0x41b: {  	v53 =	vmul.f32 v7, v33;
	v8 =	vadd.f32 v52, v48;
	[tilespmem:s20+$0xFE30] =	vst v1  }
0x41c: {  	s17 =	smul.u32 $0x190, s19;
	s15 =	sadd.s32 $0x1, s15;
	v62 =	vmul.f32 v9, v33;
	v3 =	vadd.f32 v54, v50;
	[tilespmem:s20+$0xFE40] =	vst v2  }
0x41d: {  	p0 =	sne.s32 s15, $0x8;
	v5 =	vadd.f32 v63, v25;
	v60 =	vmul.f32 v9, v19;
	v1 =	vadd.f32 v56, v53;
	[tilespmem:s20+$0xFE50] =	vst v8  }
.Ltmp5:
0x41e: {  	s17 =	sadd.s32 s4, s17;
	v63 =	vadd.f32 v58, v62;
	[tilespmem:s20+$0xFE60] =	vst v3;
	(pc) =	sbr.rel @p0 .LBB2_4-.Ltmp5, $4  }
0x41f: {  	s17 =	sshll.u32 s17, $0x3;
	[tilespmem:s20+$0xFE70] =	vst v1;
	v2 =	vadd.f32 v5, v60  }
0x420: {  	s16 =	sadd.s32 $0x320, s16;
	s17 =	sand.u32 $0x1FFFFF80, s17;
	[tilespmem:s20+$0xFEB0] =	vst v63  }
0x421: {  	s23 =	sadd.s32 $0x320, s23;
	s18 =	sadd.s32 $0x320, s18;
	s17 =	sadd.s32 s2, s17;
	[tilespmem:s20+$0xFEA0] =	vst v2  }
0x422: {  	v59 =	vimm.s32 $0xB;
	v61 =	vimm.s32 $0x9;
	[hbm4b:s17+s3] =	stream.linear.scatter [tilespmem:s14], [sflag:$0x3], $0x6400, $0x38;
	[tilespmem:$0x15EC0] =	vst v63  }
0x423: {  	_ =	swait.ge [sflag:s11], $0x6400  }
0x424: {  	s16 =	rddreg [dreg:$0x8]  }
0x425: {  	s15 =	rddreg [dreg:$0x7];
	s16 =	sadd.s32 $0x1, s16  }
0x426: {  	p0 =	sne.s32 s16, s15  }
.Ltmp6:
0x427: {  	_ = 	snop;
	(pc) =	sbr.rel @p0 .LBB2_1-.Ltmp6, $3  }
0x428: {  	_ =	sdelay $0x1  }
0x429: {  	[sflag:s11] =	ssyncset.done $0x0  }
0x42a: {  	[sflag:s11] =	ssyncadd.s32 $0xFFFF9C00  }
0x42b: {  	_ =	sfence.sel $0x180000  }
0x42c: {  	[bflag:$0x0] =	sbarrier.arrive $0xFFFF  }
0x42d: {  	_ =	strace $0x90000047  }
0x42e: {  	s0 =	stileid.u32;
	[bflag:$0x2] =	sbarrier.arrive $0xFFFF  }
0x42f: {  	p0 =	sne.s32 s0, $0x0;
	s0 =	rddreg [dreg:$0x2]  }
0x430: {  	s0 =	sadd.s32 @!p0 $0x100000, s0  }
0x431: {  	[sflag:s0] =	ssyncadd.tile.s32 @!p0 $0x1;
	_ =	shalt  }
.Lfunc_end2:
_tile_overlayer_lowered:
.L_overlay_start_2:
0x432: {  	(tag) =	ssettag $0x2  }
0x433: {  	s0 =	rddreg [dreg:$0x0];
	s2 =	stileid.u32  }
0x434: {  	s1 =	rddreg [dreg:$0x1];
	p0 =	sne.s32 s2, $0x0  }
0x435: {  	s3 =	rddreg [dreg:$0x2];
	[bflag:$0x3] =	sbarrier.arrive $0xFFFF;
	s2 =	simm.s32 @!p0 $0x1C04  }
0x436: {  	[timem:s3], [sflag:s2] =	dma.local @!p0 [hbm:s0], s1  }
0x437: {  	s0 =	simm.s32 @!p0 $0x4  }
0x438: {  	_ =	swait.ge @!p0 [sflag:s0], s1  }
0x439: {  	s1 =	ssub.s32 @!p0 $0x0, s1;
	[sflag:s0] =	ssyncset.done @!p0 $0x0  }
0x43a: {  	[sflag:s0] =	ssyncadd.s32 @!p0 s1  }
0x43b: {  	[bflag:$0x3] =	sbarrier.arrive $0xFFFF  }
0x43c: {  	_ =	shalt  }

// kernel: sparse-core-data-format-call.cloned.1.call-start
scs
called_computation_lowered:
.L_overlay_start_0:
0x0: {  	s2 =	sld [smem:$0x3FD9]  }
0x1: {  	s3 =	sld [smem:$0x3FFE];
	_ =	sdelay $0x1  }
0x2: {  	s1 =	srdreg.scid  }
0x3: {  	s0 =	sand.u32 $0x1, s1  }
0x4: {  	s18 =	sshll.u32 s0, $0xA;
	s2 =	sadd.s32 s3, s2  }
0x5: {  	s2 =	sadd.s32 s2, s18  }
0x6: {  	[smem:$0x3FC3] =	sst s2  }
0x7: {  	_ = 	snop  }
0x8: {  	s2 =	sld [smem:$0x3FD0];
	(tm) =	ssettm $0x1  }
0x9: {  	s19 =	sld [smem:$0x3FFB];
	_ =	sdelay $0x3  }
0xa: {  	_ =	strace s19  }
0xb: {  	s3 =	sld [smem:$0x3FFC];
	_ =	sdelay $0x3  }
0xc: {  	_ =	strace s3  }
0xd: {  	s3 =	sld [smem:$0x3FFD];
	_ =	sdelay $0x3  }
0xe: {  	_ =	strace s3  }
0xf: {  	_ =	strace $0x8FFFFFFF  }
0x10: {  	s20 =	sld [smem:$0x3FDB];
	_ =	sdelay $0x1  }
0x11: {  	s4 =	simm.s32 $_scs_section_size  }
0x12: {  	s5 =	simm.s32 $_size__tile_overlayer_lowered;
	s6 =	simm.s32 $_tile_overlayer_lowered  }
0x13: {  	s23 =	simm.s32 $0x1BFF;
	s22 =	sshll.u32 s6, $0x1;
	s3 =	sadd.s32 s4, s20  }
0x14: {  	s7 =	simm.s32 $0x0;
	s21 =	sshll.u32 s5, $0x1;
	s5 =	sadd.s32 s22, s3  }
0x15: {  	[timem:s7], [sflag:s23] =	dma.local [hbm:s5], s21  }
0x16: {  	_ =	swait.ge [sflag:s23], s21  }
0x17: {  	s4 =	ssub.s32 $0x0, s21;
	[sflag:s23] =	ssyncset.done $0x0  }
0x18: {  	[sflag:s23] =	ssyncadd.s32 s4;
	_ =	sdelay $0x1  }
0x19: {  	s24 =	simm.s32 $0x1B8B  }
0x1a: {  	_ =	swait.ge [sflag:s24], $0x1  }
0x1b: {  	[sflag:s24] =	ssyncset.done $0x0  }
0x1c: {  	s26 =	simm.s32 $0x1B8E;
	s25 =	sld [smem:$0x3FFE];
	[sflag:s24] =	ssyncadd.s32 $0xFFFFFFFF  }
0x1d: {  	s27 =	simm.s32 $execute0_lowered;
	[smem:$0x3FD2] =	sst s26  }
0x1e: {  	s5 =	sshll.u32 s27, $0x1;
	_ =	strace $0x80000049;
	[dreg:$0x1] =	wrdreg $0xFFFFFFFF  }
0x1f: {  	s28 =	simm.s32 $_size_execute0_lowered;
	s3 =	sadd.s32 s3, s5;
	[dreg:$0x0] =	wrdreg $0x0  }
0x20: {  	s5 =	sshll.u32 s28, $0x1;
	[dreg:$0x2] =	wrdreg s3  }
0x21: {  	[dreg:$0x3] =	wrdreg s5  }
0x22: {  	[dreg:$0x4] =	wrdreg $0xC0  }
0x23: {  	_ =	task [dreg:s7], $0x5FFFF  }
0x24: {  	[dreg:$0x1] =	wrdreg $0xFFFFFFFF  }
0x25: {  	[dreg:$0x0] =	wrdreg $0x60  }
0x26: {  	[dreg:$0x2] =	wrdreg s25  }
0x27: {  	[dreg:$0x3] =	wrdreg s2  }
0x28: {  	[dreg:$0x4] =	wrdreg $0x9  }
0x29: {  	_ =	task.clear_ibuf [dreg:s7], $0x5FFFF;
	_ =	strace $0x90000049  }
0x2a: {  	s29 =	simm.s32 $0x9;
	_ =	strace $0x8000004B  }
0x2b: {  	_ =	swait.ge [sflag:s29], $0x1  }
0x2c: {  	[sflag:s29] =	ssyncadd.s32 $0xFFFFFFFF  }
0x2d: {  	_ =	strace $0x9000004B  }
0x2e: {  	_ =	sfence  }
0x2f: {  	s30 =	sld [smem:$0x0];
	_ =	sdelay $0x2  }
0x30: {  	s31 =	sshll.u32 s1, $0xD;
	s1 =	sshrl.u32 s1, $0x2  }
0x31: {  	s3 =	sand.u32 $0x4000, s31;
	s1 =	sadd.s32 s1, s30  }
0x32: {  	s0 =	sor.u32 s3, s0;
	s1 =	sshll.u32 s1, $0x11  }
0x33: {  	s0 =	sor.u32 s1, s0  }
0x34: {  	s0 =	sadd.s32 $0x8F2B, s0  }
0x35: {  	[sflag:s0] =	ssyncadd.remote.s32 $0x1  }
0x36: {  	_ =	sfence.sel $0xFFFF  }
0x37: {  	[dreg:$0x0] =	wrdreg $0xFFFFFFFF;
	(pc) =	sbr.abs _section_cstart, $3  }
0x38: {  	[dreg:$0x1] =	wrdreg $0xFFFFFFFF  }
0x39: {  	_ =	task.clear_ibuf [dreg:s7], $0x2FFFF;
	_ =	strace $0x9FFFFFFF  }
0x3a: {  	(tm) =	ssettm $0x7FFFFFFF  }
0x3b: {  	_ =	shalt  }
tec
execute0_lowered:
.L_overlay_start_1:
0x0: {  	(tag) =	ssettag $0x1  }
0x1: {  	s0 =	stileid.u32;
	s6 =	rddreg [dreg:$0x0]  }
0x2: {  	s2 =	rddreg [dreg:$0x1];
	s5 =	srdreg.scid  }
0x3: {  	s31 =	simm.s32 $0x2;
	s13 =	simm.s32 $0x0;
	s1 =	sshll.u32 s0, $0x7  }
0x4: {  	s14 =	simm.s32 $0x0;
	s12 =	simm.s32 $0x0;
	s3 =	sand.u32 $0x380, s1  }
0x5: {  	s5 =	sshll.u32 s5, $0x4;
	s6 =	sadd.s32 $0x1000, s6;
	s4 =	ssub.s32 $0x400, s3  }
0x6: {  	s1 =	rddreg [dreg:$0x2];
	_ =	strace $0x8000004A;
	s7 =	sand.u32 $0x380, s4  }
0x7: {  	s5 =	sand.u32 $0x10, s5;
	p0 =	sne.s32 s7, $0x0;
	s7 =	simm.s32 $0x1  }
.Ltmp0:
0x8: {  	s8 =	sshrl.u32 s4, $0xA;
	s7 =	simm.s32 @!p0 $0x0;
	(pc) =	sbr.rel .LBB1_1-.Ltmp0, $4  }
0x9: {  	s9 =	sor.u32 s0, s5;
	s4 =	simm.s32 $0x1;
	s30 =	sadd.s32 s7, s8  }
0xa: {  	s11 =	smov.u32 s3;
	[sflag:s4] =	ssyncpa.u1 $0x0;
	s5 =	smul.u32 $0x32, s30  }
0xb: {  	[sflag:s31] =	ssyncpa.u1 $0x0;
	p0 =	por $0x0, $0x0;
	s7 =	sshrl.u32 s9, $0x3  }
0xc: {  	s9 =	simm.s32 $0x2000;
	s10 =	smov.u32 s7;
	s8 =	sor.u32 $0x1, s5  }
.LBB1_4:
0xd: {  	s17 =	sand.u32 $0x1F80, s14;
	s13 =	sshll.u32 s13, $0xD  }
0xe: {  	[tilespmem:s16+$0x810 ss:$0x81] =	vst.msk $0xffff, v2;
	s18 =	sshrl.u32 s14, $0x3;
	s31 =	sand.u32 $0x7, s14;
	s17 =	sadd.s32 s2, s17  }
0xf: {  	[tilespmem:s16+$0x1020 ss:$0x81] =	vst.msk $0xffff, v0;
	s18 =	sand.u32 $0xF, s18;
	s14 =	sshll.u32 s31, $0x12;
	s13 =	sadd.s32 s13, s17  }
0x10: {  	[tilespmem:s16+$0x0 ss:$0x81] =	vst.msk $0xffff, v1;
	s14 =	sor.u32 $0x400, s14;
	s13 =	sadd.s32 s18, s13  }
0x11: {  	[hbm4b:s13+s14] =	stream.strided.scatter [tilespmem:s15], [sflag:$0x2], $0x2000, s9, s14, $0x20;
	[tilespmem:$0x8080] =	vst v63  }
.LBB1_5:
0x12: {  	s15 =	sadd.s32 $0x4, s10  }
0x13: {  	s13 =	sadd.s32 $0x400, s11;
	s17 =	smov.u32 s11;
	p2 =	sgt.s32 s15, $0xC7  }
0x14: {  	s17 =	smov.u32 @p2 s13  }
0x15: {  	s15 =	smov.u32 @p2 s7;
	p2 =	sgt.s32 s17, $0x3FF  }
0x16: {  	s17 =	smov.u32 @p2 s3;
	p2 =	sne.s32 s12, s8  }
.Ltmp1:
0x17: {  	p1 =	slt.u32 s12, $0x2;
	(pc) =	sbr.rel @!p2 .LBB1_6-.Ltmp1, $4  }
0x18: {  	s16 =	simm.s32 @!p1 $0x2  }
0x19: {  	s14 =	smov.u32 s11;
	p0 =	por !p0, !p0;
	_ =	swait.ge @!p1 [sflag:s16], $0x2000  }
0x1a: {  	s13 =	smov.u32 s10;
	[sflag:s16] =	ssyncset.done @!p1 $0x0;
	s10 =	smov.u32 s15  }
0x1b: {  	s12 =	sadd.s32 $0x1, s12;
	[sflag:s16] =	ssyncadd.s32 @!p1 $0xFFFFE000;
	s11 =	smov.u32 s17  }
.LBB1_1:
0x1c: {  	p1 =	sge.u32 s12, s5  }
0x1d: {  	s15 =	sand.u32 @!p1 $0x1FFFFFF, s10  }
0x1e: {  	s16 =	smulhi.u32 @!p1 $0x147AE15, s15;
	_ =	sdelay $0x1  }
0x1f: {  	s16 =	smul.u32 @!p1 $0xC8, s16  }
0x20: {  	s17 =	sxor.u32 @!p1 $0xFFFFFFFF, s12;
	s18 =	smul.u32 @!p1 $0xC80, s11  }
0x21: {  	s31 =	sadd.s32 $0xFFFFFFFF, s12;
	s17 =	sshll.u32 @!p1 s17, $0xD;
	s15 =	ssub.s32 @!p1 s15, s16  }
0x22: {  	s16 =	sand.u32 @!p1 $0x2000, s17;
	s17 =	sadd.s32 @!p1 s6, s18;
	s15 =	sshll.u32 @!p1 s15, $0x4  }
0x23: {  	s18 =	simm.s32 @!p1 $0x6400;
	s15 =	sadd.s32 @!p1 s15, s17;
	s17 =	simm.s32 @!p1 $0x40  }
0x24: {  	[tilespmem:s16], [sflag:$0x1] =	stream.strided.gather @!p1 [hbm4b:s15+s17], $0x2000, s18, s17, $0x38;
	[tilespmem:$0x8080] =	vst v63  }
0x25: {  	p1 =	sge.u32 s31, s5  }
.Ltmp2:
0x26: {  	_ = 	snop;
	(pc) =	sbr.rel @p1 .LBB1_5-.Ltmp2, $1  }
0x27: {  	_ =	sdelay $0x3  }
0x28: {  	s15 =	simm.s32 $0x1  }
0x29: {  	_ =	swait.ge [sflag:s4], $0x2000;
	s15 =	simm.s32 @!p0 $0x0  }
0x2a: {  	[sflag:s4] =	ssyncset.done $0x0;
	s16 =	sshll.u32 s15, $0xD  }
0x2b: {  	[sflag:s4] =	ssyncadd.s32 $0xFFFFE000;
	s19 =	sor.u32 $0x20, s16  }
0x2c: {  	s15 =	smul.u32 $0x8100, s15;
	v3 =	vld [tilespmem:s19+$0x10]  }
0x2d: {  	s30 =	sand.u32 $0x1, s12;
	v2 =	vld [tilespmem:s19+$0xFFFFFFF0]  }
0x2e: {  	s16 =	smul.u32 $0x8100, s30;
	s15 =	sshrl.u32 s15, $0x2;
	v0 =	vld [tilespmem:s19+$0x0]  }
0x2f: {  	v1 =	vld [tilespmem:s19+$0xFFFFFFE0];
	s17 =	sor.u32 $0x4000, s15  }
0x30: {  	s31 =	sshrl.u32 s16, $0x2;
	s16 =	sadd.s32 $0x0, s17  }
0x31: {  	s18 =	simm.s32 $0x4;
	s19 =	sadd.s32 $0x40, s19;
	s15 =	sor.u32 $0x4000, s31;
	[tilespmem:s16+$0x1830 ss:$0x81] =	vst.msk $0xffff, v3  }
.LBB1_3:
0x32: {  	v3 =	vld [tilespmem:s19+$0x10];
	p1 =	sne.s32 s18, $0x1FC;
	[tilespmem:s16+$0x810 ss:$0x81] =	vst.msk $0xffff, v2;
	s20 =	smov.u32 s18;
	s18 =	sadd.s32 $0x4, s18  }
.Ltmp3:
0x33: {  	v2 =	vld [tilespmem:s19+$0xFFFFFFF0];
	[tilespmem:s16+$0x1020 ss:$0x81] =	vst.msk $0xffff, v0;
	(pc) =	sbr.rel @p1 .LBB1_3-.Ltmp3, $4  }
0x34: {  	v0 =	vld [tilespmem:s19+$0x0];
	[tilespmem:s16+$0x0 ss:$0x81] =	vst.msk $0xffff, v1  }
0x35: {  	s16 =	sshra.s32 s20, $0x2;
	v1 =	vld [tilespmem:s19+$0xFFFFFFE0]  }
0x36: {  	s16 =	sadd.s32 s16, s17  }
0x37: {  	s19 =	sadd.s32 $0x40, s19;
	[tilespmem:s16+$0x1830 ss:$0x81] =	vst.msk $0xffff, v3  }
.Ltmp4:
0x38: {  	_ = 	snop;
	(pc) =	sbr.rel .LBB1_4-.Ltmp4, $1  }
0x39: {  	_ =	sdelay $0x3  }
.LBB1_6:
0x3a: {  	_ =	sfence.sel $0x180000  }
0x3b: {  	s2 =	simm.s32 $0x1;
	[bflag:$0x0] =	sbarrier.arrive $0xFFFF  }
0x3c: {  	s31 =	simm.s32 $0x2;
	[sflag:s2] =	ssyncpa.u1 $0x1  }
0x3d: {  	[sflag:s31] =	ssyncpa.u1 $0x1  }
0x3e: {  	p0 =	sne.s32 s0, $0x0;
	_ =	strace $0x9000004A  }
0x3f: {  	s0 =	sadd.s32 @!p0 $0x100000, s1;
	[bflag:$0x2] =	sbarrier.arrive $0xFFFF  }
0x40: {  	[sflag:s0] =	ssyncadd.tile.s32 @!p0 $0x1;
	_ =	shalt  }
.Lfunc_end1:
_tile_overlayer_lowered:
.L_overlay_start_2:
0x41: {  	(tag) =	ssettag $0x2  }
0x42: {  	s0 =	rddreg [dreg:$0x0];
	s2 =	stileid.u32  }
0x43: {  	s1 =	rddreg [dreg:$0x1];
	p0 =	sne.s32 s2, $0x0  }
0x44: {  	s3 =	rddreg [dreg:$0x2];
	[bflag:$0x3] =	sbarrier.arrive $0xFFFF;
	s2 =	simm.s32 @!p0 $0x1C01  }
0x45: {  	[timem:s3], [sflag:s2] =	dma.local @!p0 [hbm:s0], s1  }
0x46: {  	s0 =	simm.s32 @!p0 $0x1  }
0x47: {  	_ =	swait.ge @!p0 [sflag:s0], s1  }
0x48: {  	s1 =	ssub.s32 @!p0 $0x0, s1;
	[sflag:s0] =	ssyncset.done @!p0 $0x0  }
0x49: {  	[sflag:s0] =	ssyncadd.s32 @!p0 s1  }
0x4a: {  	[bflag:$0x3] =	sbarrier.arrive $0xFFFF  }
0x4b: {  	_ =	shalt  }

</sc_bundles>
